<compile_context>
chip_gen: v7x
topology: tpu7x:2x2x1
jax: 0.10.2.dev20260603
libtpu: 0.0.44.dev20260713+nightly
codegen_flags: <defaults>
</compile_context>

<pallas_src>
import functools
import math

import jax
import jax.numpy as jnp
import numpy as np
from jax import lax
from jax.experimental import pallas as pl
from jax.experimental.pallas import tpu as pltpu
from jax.experimental.pallas import tpu_sc as plsc

N = 25000
D = 128
C = 64
H = 2
DH = 32
E = 400000

NC = 2
NS = 16
B = 256
HB = 128
NCHUNK = (E + B - 1) // B
NP = 25088
ROWS_PER = NP // NS
AW = 40
NLOCP = 2 * ((NCHUNK + 2 * NS - 1) // (2 * NS))
JUNK = NP - 8

R = 1000
GRID = N // R

_VP = np.array(list(range(0, 32, 2)) + list(range(1, 16, 2))
               + list(range(31, 16, -2)))
_VQ = np.empty(DH, np.int64)
_VQ[_VP] = np.arange(DH)



def _pre_body(x_ref, win_ref, lnw_ref, wcat_ref, bcat_ref,
              xs_ref, q_ref, kv_ref):
    h = jnp.dot(x_ref[...], win_ref[...], preferred_element_type=jnp.float32)
    h = h + lnw_ref[0:1, :]
    m = jnp.mean(h, axis=-1, keepdims=True)
    v = jnp.mean((h - m) * (h - m), axis=-1, keepdims=True)
    hn = (h - m) / jnp.sqrt(v + 1e-5) * lnw_ref[1:2, :] + lnw_ref[2:3, :]
    xs = jnp.maximum(hn, 0.0)
    qkv = jnp.dot(xs, wcat_ref[0], preferred_element_type=jnp.float32)
    qkv = qkv + bcat_ref[0]
    xs_ref[...] = xs
    q_ref[...] = qkv[:, 0:DH].astype(jnp.bfloat16)
    kv_ref[...] = qkv[:, DH:3 * DH].astype(jnp.bfloat16)


_pre_call = pl.pallas_call(
    _pre_body,
    grid=(H, GRID),
    in_specs=[
        pl.BlockSpec((R, D), lambda h, i: (i, 0)),
        pl.BlockSpec((D, C), lambda h, i: (0, 0)),
        pl.BlockSpec((3, C), lambda h, i: (0, 0)),
        pl.BlockSpec((1, C, 3 * DH), lambda h, i: (h, 0, 0)),
        pl.BlockSpec((1, 1, 3 * DH), lambda h, i: (h, 0, 0)),
    ],
    out_specs=[pl.BlockSpec((R, C), lambda h, i: (i, 0)),
               pl.BlockSpec((R, DH), lambda h, i: (h * GRID + i, 0)),
               pl.BlockSpec((R, 2 * DH), lambda h, i: (h * GRID + i, 0))],
    out_shape=[jax.ShapeDtypeStruct((N, C), jnp.float32),
               jax.ShapeDtypeStruct((H * N, DH), jnp.bfloat16),
               jax.ShapeDtypeStruct((H * N, 2 * DH), jnp.bfloat16)],
)



def _post_body(acc_ref, xs_ref, wo_ref, misc_ref, y_ref):
    m0 = acc_ref[0, :, 0:DH]
    m1 = acc_ref[1, :, 0:DH]
    d0 = acc_ref[0, :, DH:DH + 1]
    d1 = acc_ref[1, :, DH:DH + 1]
    msg = jnp.concatenate([m0 / (d0 + 1e-16), m1 / (d1 + 1e-16)], axis=1)
    o = jnp.dot(jax.nn.gelu(msg), wo_ref[...],
                preferred_element_type=jnp.float32) + misc_ref[0:1, :]
    xs = xs_ref[...]
    sig = misc_ref[1:2, :]
    out = sig * o + (1.0 - sig) * xs
    t = out + xs
    m = jnp.mean(t, axis=-1, keepdims=True)
    v = jnp.mean((t - m) * (t - m), axis=-1, keepdims=True)
    y_ref[...] = (t - m) / jnp.sqrt(v + 1e-5) * misc_ref[2:3, :] + misc_ref[3:4, :]


_post_call = pl.pallas_call(
    _post_body,
    grid=(GRID,),
    in_specs=[
        pl.BlockSpec((2, R, AW), lambda i: (0, i, 0)),
        pl.BlockSpec((R, C), lambda i: (i, 0)),
        pl.BlockSpec((C, C), lambda i: (0, 0)),
        pl.BlockSpec((4, C), lambda i: (0, 0)),
    ],
    out_specs=pl.BlockSpec((R, C), lambda i: (i, 0)),
    out_shape=jax.ShapeDtypeStruct((N, C), jnp.float32),
)



def _edge_body(qdA, kvA, srcA, dstA, qdB, kvB, srcB, dstB,
               z_hbm, outA, outB,
               isr0, isr1, idr0, idr1, iga0, iga1, igb0, igb1,
               isa0, isa1, isb0, isb1, sca0, sca1, scb0, scb1,
               qr0, qr1, kvr0, kvr1, wr0, wr1, acc,
               si0, si1, sq0, sq1, sk0, sk1, ss0, ss1):
    isr = (isr0, isr1)
    idr = (idr0, idr1)
    iga = (iga0, iga1)
    igb = (igb0, igb1)
    isa = (isa0, isa1)
    isb = (isb0, isb1)
    sca = (sca0, sca1)
    scb = (scb0, scb1)
    qr = (qr0, qr1)
    kvr = (kvr0, kvr1)
    wr = (wr0, wr1)
    si = (si0, si1)
    sq = (sq0, sq1)
    sk = (sk0, sk1)
    ss = (ss0, ss1)

    cid = lax.axis_index("c")
    sid = lax.axis_index("s")
    row0 = sid * ROWS_PER

    offv = jnp.broadcast_to(cid * N, (16,))
    lanes = lax.iota(jnp.int32, 16)
    zvec = jnp.zeros((16,), jnp.float32)
    junkv = jnp.full((16,), JUNK, jnp.int32)

    def run_phase(qd_hbm, kv_hbm, src_hbm, dst_hbm, out_hbm):
        def idx_start(m, b):
            ba = jnp.minimum(sid + m * NS, NCHUNK - 1) * B
            bb = jnp.minimum(ba + HB, E - HB)
            pltpu.async_copy(src_hbm.at[pl.ds(ba, HB)],
                             isr[b].at[pl.ds(0, HB)], si[b])
            pltpu.async_copy(src_hbm.at[pl.ds(bb, HB)],
                             isr[b].at[pl.ds(HB, HB)], si[b])
            pltpu.async_copy(dst_hbm.at[pl.ds(ba, HB)],
                             idr[b].at[pl.ds(0, HB)], si[b])
            pltpu.async_copy(dst_hbm.at[pl.ds(bb, HB)],
                             idr[b].at[pl.ds(HB, HB)], si[b])

        def idx_wait(b):
            for rf in (isr[b], idr[b]):
                for o in (0, HB):
                    pltpu.make_async_copy(src_hbm.at[pl.ds(0, HB)],
                                          rf.at[pl.ds(o, HB)], si[b]).wait()

        def addoff(b):
            for j in range(B // 16):
                sl = pl.ds(j * 16, 16)
                sl2 = pl.ds((j % 8) * 16, 16)
                tg = iga[b] if j < 8 else igb[b]
                ts = isa[b] if j < 8 else isb[b]
                tg[sl2] = idr[b][sl] + offv
                ts[sl2] = isr[b][sl] + offv

        def gather_start(b):
            pltpu.async_copy(qd_hbm.at[iga[b]], qr[b].at[pl.ds(0, HB)], sq[b])
            pltpu.async_copy(qd_hbm.at[igb[b]], qr[b].at[pl.ds(HB, HB)], sq[b])
            pltpu.async_copy(kv_hbm.at[isa[b]], kvr[b].at[pl.ds(0, HB)], sk[b])
            pltpu.async_copy(kv_hbm.at[isb[b]], kvr[b].at[pl.ds(HB, HB)], sk[b])

        def gather_wait(b):
            pltpu.make_async_copy(qd_hbm.at[iga[b]], qr[b].at[pl.ds(0, HB)], sq[b]).wait()
            pltpu.make_async_copy(qd_hbm.at[igb[b]], qr[b].at[pl.ds(HB, HB)], sq[b]).wait()
            pltpu.make_async_copy(kv_hbm.at[isa[b]], kvr[b].at[pl.ds(0, HB)], sk[b]).wait()
            pltpu.make_async_copy(kv_hbm.at[isb[b]], kvr[b].at[pl.ds(HB, HB)], sk[b]).wait()

        def scatter_wait(b):
            pltpu.make_async_copy(wr[b].at[pl.ds(0, HB)],
                                  acc.at[sca[b]], ss[b]).wait()
            pltpu.make_async_copy(wr[b].at[pl.ds(HB, HB)],
                                  acc.at[scb[b]], ss[b]).wait()

        idx_start(0, 0)
        idx_wait(0)
        addoff(0)
        gather_start(0)
        idx_start(1, 1)
        plsc.subcore_barrier()

        def iteration(n, p):
            q = 1 - p
            idx_wait(q)
            addoff(q)
            gather_start(q)

            @pl.when(n >= 2)
            def _():
                scatter_wait(p)

            e0 = (sid + n * NS) * B
            for j in range(B // 16):
                sl = pl.ds(j * 16, 16)
                sl2 = pl.ds((j % 8) * 16, 16)
                tgt = sca[p] if j < 8 else scb[p]
                egv = lanes + (e0 + j * 16)
                tgt[sl2] = jnp.where(egv < E, idr[p][sl], junkv)
            idx_start(n + 2, p)

            gather_wait(p)

            qrp, kvrp, wrp = qr[p], kvr[p], wr[p]

            @plsc.parallel_loop(0, B, unroll=4)
            def _(i):
                qa, qb = plsc.unpack(qrp[i, pl.ds(0, DH)],
                                     format=plsc.PackFormat.INTERLEAVED)
                ka, kb = plsc.unpack(kvrp[i, pl.ds(0, DH)],
                                     format=plsc.PackFormat.INTERLEAVED)
                h = qa * ka + qb * kb
                e = jnp.exp(jnp.broadcast_to(jnp.sum(h), (16,)))
                va, vb = plsc.unpack(kvrp[i, pl.ds(DH, DH)],
                                     format=plsc.PackFormat.INTERLEAVED)
                wb = vb * e
                wrp[i, pl.ds(0, 16)] = va * e
                wrp[i, pl.ds(16, 16)] = wb
                combo = jnp.where(lanes < 8, lax.rev(wb, (0,)),
                                  jnp.where(lanes < 9, e, zvec))
                wrp[i, pl.ds(24, 16)] = combo

            pltpu.async_copy(wr[p].at[pl.ds(0, HB)], acc.at[sca[p]],
                             ss[p], add=True)
            pltpu.async_copy(wr[p].at[pl.ds(HB, HB)], acc.at[scb[p]],
                             ss[p], add=True)

        def pair(m, carry):
            iteration(2 * m, 0)
            iteration(2 * m + 1, 1)
            return carry

        lax.fori_loop(0, NLOCP // 2, pair, 0)

        scatter_wait(0)
        scatter_wait(1)
        gather_wait(0)
        idx_wait(1)
        plsc.subcore_barrier()
        pltpu.sync_copy(acc.at[pl.ds(row0, ROWS_PER)],
                        out_hbm.at[cid, pl.ds(row0, ROWS_PER)])

    pltpu.sync_copy(z_hbm, acc.at[pl.ds(row0, ROWS_PER)])
    run_phase(qdA, kvA, srcA, dstA, outA)
    pltpu.sync_copy(z_hbm, acc.at[pl.ds(row0, ROWS_PER)])
    run_phase(qdB, kvB, srcB, dstB, outB)


@functools.cache
def _edge_call_factory():
    return pl.kernel(
        _edge_body,
        out_type=[jax.ShapeDtypeStruct((NC, NP, AW), jnp.float32)] * 2,
        mesh=plsc.VectorSubcoreMesh(core_axis_name="c", subcore_axis_name="s",
                                    num_cores=NC, num_subcores=NS),
        compiler_params=pltpu.CompilerParams(needs_layout_passes=False,
                                             use_tc_tiling_on_sc=False),
        scratch_types=(
            [pltpu.VMEM((B,), jnp.int32)] * 4
            + [pltpu.VMEM((HB,), jnp.int32)] * 12
            + [pltpu.VMEM((B, DH), jnp.bfloat16)] * 2
            + [pltpu.VMEM((B, 2 * DH), jnp.bfloat16)] * 2
            + [pltpu.VMEM((B, AW), jnp.float32)] * 2
            + [pltpu.VMEM_SHARED((NP, AW), jnp.float32)]
            + [pltpu.SemaphoreType.DMA] * 8
        ),
    )



def _blockdiag(a, scale):
    z = jnp.zeros((C, C), jnp.float32)
    z = z.at[0:DH, 0:DH].set(a[0] * scale[0])
    z = z.at[DH:C, DH:C].set(a[1] * scale[1])
    return z


def _fold(p, rel):
    s = rel["p"] / math.sqrt(DH)
    ablk = _blockdiag(rel["a"], s)
    mblk = _blockdiag(rel["m"], jnp.ones((H,), jnp.float32))
    wq, wk, wv = p["Wq"], p["Wk"] @ ablk, p["Wv"] @ mblk
    bq, bk, bv = p["bq"], p["bk"] @ ablk, p["bv"] @ mblk
    vq = jnp.asarray(_VQ)
    wcat = jnp.stack(
        [jnp.concatenate([wq[:, 0:DH], wk[:, 0:DH], wv[:, 0:DH][:, vq]], axis=1),
         jnp.concatenate([wq[:, DH:C], wk[:, DH:C], wv[:, DH:C][:, vq]], axis=1)])
    bcat = jnp.stack(
        [jnp.concatenate([bq[0:DH], bk[0:DH], bv[0:DH][vq]]),
         jnp.concatenate([bq[DH:C], bk[DH:C], bv[DH:C][vq]])])
    lnw = jnp.stack([p["b_in"], p["g_in"], p["b_ln_in"]])
    return wcat, bcat.reshape(H, 1, 3 * DH), lnw


def _misc(p):
    sig = jax.nn.sigmoid(p["skip"])
    return jnp.stack([p["bo"], jnp.full((C,), sig), p["g_out"], p["b_out"]])


def kernel(x_user, x_item, params, ei_user_rates_item, ei_item_rev_rates_user):
    pu, pi = params["user"], params["item"]
    ru, ri = params["rel"]["u2i"], params["rel"]["i2u"]

    wcat_u, bcat_u, lnw_u = _fold(pu, ru)
    wcat_i, bcat_i, lnw_i = _fold(pi, ri)

    xs_u, q_u, kv_u = _pre_call(x_user, pu["W_in"], lnw_u, wcat_u, bcat_u)
    xs_i, q_i, kv_i = _pre_call(x_item, pi["W_in"], lnw_i, wcat_i, bcat_i)

    z = jnp.zeros((ROWS_PER, AW), jnp.float32)
    src_ui = ei_user_rates_item[0].astype(jnp.int32)
    dst_ui = ei_user_rates_item[1].astype(jnp.int32)
    src_iu = ei_item_rev_rates_user[0].astype(jnp.int32)
    dst_iu = ei_item_rev_rates_user[1].astype(jnp.int32)

    edge = _edge_call_factory()
    acc_item, acc_user = edge(q_i, kv_u, src_ui, dst_ui,
                              q_u, kv_i, src_iu, dst_iu, z)

    y_user = _post_call(acc_user, xs_u, pu["Wo"], _misc(pu))
    y_item = _post_call(acc_item, xs_i, pi["Wo"], _misc(pi))
    return y_user, y_item

# --- scband reference (transcript-rebuilt; emitter-appended) ---
"""Pipeline reference for scband-improved-hgt-21414706938651 (READ-ONLY COPY).

The authoritative reference and input builder live on the scoring server;
editing this copy changes nothing except your own understanding.
"""

import jax, jax.numpy as jnp
import numpy as np

N_USER = 25000
N_ITEM = 25000
E = 400000
D_FEAT = 128
C = 64
H = 2
DH = 32


def _xavier(key, shape):
    fan_in, fan_out = shape[-2], shape[-1]
    s = (2.0 / (fan_in + fan_out)) ** 0.5
    return jax.random.normal(key, shape, dtype=jnp.float32) * s


def _ln(x, g, b):
    m = jnp.mean(x, axis=-1, keepdims=True)
    v = jnp.var(x, axis=-1, keepdims=True)
    return (x - m) / jnp.sqrt(v + 1e-5) * g + b


def _node_params(ks):
    return {
        "W_in": _xavier(next(ks), (D_FEAT, C)), "b_in": jnp.zeros((C,), jnp.float32),
        "g_in": jnp.ones((C,), jnp.float32), "b_ln_in": jnp.zeros((C,), jnp.float32),
        "Wk": _xavier(next(ks), (C, C)), "bk": jnp.zeros((C,), jnp.float32),
        "Wq": _xavier(next(ks), (C, C)), "bq": jnp.zeros((C,), jnp.float32),
        "Wv": _xavier(next(ks), (C, C)), "bv": jnp.zeros((C,), jnp.float32),
        "Wo": _xavier(next(ks), (C, C)), "bo": jnp.zeros((C,), jnp.float32),
        "skip": jnp.ones((), jnp.float32),
        "g_out": jnp.ones((C,), jnp.float32), "b_out": jnp.zeros((C,), jnp.float32),
    }


def _rel_params(ks):
    return {"a": _xavier(next(ks), (H, DH, DH)), "m": _xavier(next(ks), (H, DH, DH)), "p": jnp.ones((H,), jnp.float32)}


def setup_inputs(seed: int = 0):
    key = jax.random.key(seed)
    ks = iter(jax.random.split(key, 64))
    params = {"user": _node_params(ks), "item": _node_params(ks),
              "rel": {"u2i": _rel_params(ks), "i2u": _rel_params(ks)}}
    x_user = jax.random.normal(next(ks), (N_USER, D_FEAT), dtype=jnp.float32)
    x_item = jax.random.normal(next(ks), (N_ITEM, D_FEAT), dtype=jnp.float32)
    ei_user_rates_item = jax.random.randint(next(ks), (2, E), 0, N_USER)
    ei_item_rev_rates_user = jax.random.randint(next(ks), (2, E), 0, N_ITEM)
    return {"x_user": x_user, "x_item": x_item, "params": params,
            "ei_user_rates_item": ei_user_rates_item,
            "ei_item_rev_rates_user": ei_item_rev_rates_user}


def _forward(x_user, x_item, params, ei_ui, ei_iu):
    # input projection: Linear -> LayerNorm -> ReLU (dropout = identity in eval)
    xs = {}
    for t, x in (("user", x_user), ("item", x_item)):
        p = params[t]
        h = x @ p["W_in"] + p["b_in"]
        h = _ln(h, p["g_in"], p["b_ln_in"])
        xs[t] = jax.nn.relu(h)
    # HGTConv: per-type K/Q/V projections
    kqv = {}
    for t in ("user", "item"):
        p = params[t]
        kqv[t] = tuple((xs[t] @ p[w] + p[b]).reshape(-1, H, DH)
                       for w, b in (("Wk", "bk"), ("Wq", "bq"), ("Wv", "bv")))
    edge_specs = [("user", "item", "u2i", ei_ui), ("item", "user", "i2u", ei_iu)]
    out = {}
    for dst_t in ("user", "item"):
        alphas, vals, dsts = [], [], []
        for src_t, dt, rk, ei in edge_specs:
            if dt != dst_t:
                continue
            rel = params["rel"][rk]
            k_s, _, v_s = kqv[src_t]
            q_d = kqv[dst_t][1]
            k_rel = jnp.einsum("nhd,hde->nhe", k_s, rel["a"])
            v_rel = jnp.einsum("nhd,hde->nhe", v_s, rel["m"])
            src, dst = ei[0], ei[1]
            a = jnp.sum(q_d[dst] * k_rel[src], axis=-1) * rel["p"] / jnp.sqrt(DH)
            alphas.append(a)
            vals.append(v_rel[src])
            dsts.append(dst)
        a = jnp.concatenate(alphas, axis=0)
        v = jnp.concatenate(vals, axis=0)
        d = jnp.concatenate(dsts, axis=0)
        n = xs[dst_t].shape[0]
        amax = jax.ops.segment_max(a, d, num_segments=n)
        amax = jnp.where(jnp.isfinite(amax), amax, 0.0)
        ex = jnp.exp(a - amax[d])
        den = jax.ops.segment_sum(ex, d, num_segments=n)
        w = ex / (den[d] + 1e-16)
        msg = jax.ops.segment_sum(v * w[:, :, None], d, num_segments=n).reshape(n, C)
        p = params[dst_t]
        o = jax.nn.gelu(msg) @ p["Wo"] + p["bo"]
        sig = jax.nn.sigmoid(p["skip"])
        out[dst_t] = sig * o + (1.0 - sig) * xs[dst_t]
    # outer residual + LayerNorm (from ImprovedHGT.forward)
    res = {}
    for t in ("user", "item"):
        p = params[t]
        res[t] = _ln(out[t] + xs[t], p["g_out"], p["b_out"])
    return res["user"], res["item"]


def reference(x_user, x_item, params, ei_user_rates_item, ei_item_rev_rates_user):
    return _forward(x_user, x_item, params, ei_user_rates_item, ei_item_rev_rates_user)

if __name__ == "__main__":
    import jax
    _d = setup_inputs()
    print(jax.jit(kernel)(*tuple(_d.values())))

</pallas_src>

<mosaic_0001>
#map = affine_map<(d0, d1) -> (0, 0)>
#map1 = affine_map<(d0, d1) -> (0)>
#map2 = affine_map<(d0, d1) -> (0, 0, 0)>
module attributes {stable_mosaic.version = 14 : i64} {
  func.func @_edge_body(%arg0: i32, %arg1: i32, %arg2: memref<50000x32xbf16, #tpu.memory_space<hbm>>, %arg3: memref<50000x64xbf16, #tpu.memory_space<hbm>>, %arg4: memref<400000xi32, #tpu.memory_space<hbm>>, %arg5: memref<400000xi32, #tpu.memory_space<hbm>>, %arg6: memref<50000x32xbf16, #tpu.memory_space<hbm>>, %arg7: memref<50000x64xbf16, #tpu.memory_space<hbm>>, %arg8: memref<400000xi32, #tpu.memory_space<hbm>>, %arg9: memref<400000xi32, #tpu.memory_space<hbm>>, %arg10: memref<1568x40xf32, #tpu.memory_space<hbm>>, %arg11: memref<2x25088x40xf32, #tpu.memory_space<hbm>>, %arg12: memref<2x25088x40xf32, #tpu.memory_space<hbm>>, %arg13: memref<256xi32, #tpu.memory_space<vmem>>, %arg14: memref<256xi32, #tpu.memory_space<vmem>>, %arg15: memref<256xi32, #tpu.memory_space<vmem>>, %arg16: memref<256xi32, #tpu.memory_space<vmem>>, %arg17: memref<128xi32, #tpu.memory_space<vmem>>, %arg18: memref<128xi32, #tpu.memory_space<vmem>>, %arg19: memref<128xi32, #tpu.memory_space<vmem>>, %arg20: memref<128xi32, #tpu.memory_space<vmem>>, %arg21: memref<128xi32, #tpu.memory_space<vmem>>, %arg22: memref<128xi32, #tpu.memory_space<vmem>>, %arg23: memref<128xi32, #tpu.memory_space<vmem>>, %arg24: memref<128xi32, #tpu.memory_space<vmem>>, %arg25: memref<128xi32, #tpu.memory_space<vmem>>, %arg26: memref<128xi32, #tpu.memory_space<vmem>>, %arg27: memref<128xi32, #tpu.memory_space<vmem>>, %arg28: memref<128xi32, #tpu.memory_space<vmem>>, %arg29: memref<256x32xbf16, #tpu.memory_space<vmem>>, %arg30: memref<256x32xbf16, #tpu.memory_space<vmem>>, %arg31: memref<256x64xbf16, #tpu.memory_space<vmem>>, %arg32: memref<256x64xbf16, #tpu.memory_space<vmem>>, %arg33: memref<256x40xf32, #tpu.memory_space<vmem>>, %arg34: memref<256x40xf32, #tpu.memory_space<vmem>>, %arg35: memref<25088x40xf32, #tpu.memory_space<vmem_shared>>, %arg36: memref<!tpu.dma_semaphore, #tpu.memory_space<semaphore_mem>>, %arg37: memref<!tpu.dma_semaphore, #tpu.memory_space<semaphore_mem>>, %arg38: memref<!tpu.dma_semaphore, #tpu.memory_space<semaphore_mem>>, %arg39: memref<!tpu.dma_semaphore, #tpu.memory_space<semaphore_mem>>, %arg40: memref<!tpu.dma_semaphore, #tpu.memory_space<semaphore_mem>>, %arg41: memref<!tpu.dma_semaphore, #tpu.memory_space<semaphore_mem>>, %arg42: memref<!tpu.dma_semaphore, #tpu.memory_space<semaphore_mem>>, %arg43: memref<!tpu.dma_semaphore, #tpu.memory_space<semaphore_mem>>) attributes {dimension_semantics = [#tpu.dimension_semantics<core_parallel>, #tpu.dimension_semantics<subcore_parallel>], iteration_bounds = array<i64: 2, 16>, scalar_prefetch = 0 : i64, scratch_operands = 31 : i64, tpu.core_type = #tpu.core_type<sc_vector_subcore>, window_params = [{transform_indices = #map}, {transform_indices = #map}, {transform_indices = #map1}, {transform_indices = #map1}, {transform_indices = #map}, {transform_indices = #map}, {transform_indices = #map1}, {transform_indices = #map1}, {transform_indices = #map}, {transform_indices = #map2}, {transform_indices = #map2}]} {
    %mul3A = arith.constant 1568 : i32
    %mul3A_0 = arith.muli %arg1, %mul3A : i32
    %mul3A_1 = arith.constant 25000 : i32
    %mul3A_2 = arith.muli %arg0, %mul3A_1 : i32
    %broadcast_in_dim3A = vector.broadcast %mul3A_2 : i32 to vector<16xi32>
    %iota3A = tpu.iota {dimensions = array<i32: 0>} : vector<16xi32>
    %broadcast_in_dim3A_3 = arith.constant 0.000000e+00 : f32
    %broadcast_in_dim3A_4 = vector.broadcast %broadcast_in_dim3A_3 : f32 to vector<16xf32>
    %broadcast_in_dim3A_5 = arith.constant 25080 : i32
    %broadcast_in_dim3A_6 = vector.broadcast %broadcast_in_dim3A_5 : i32 to vector<16xi32>
    "tpu.region"() ({
      %run_scoped3A = tpu.sem_alloc : memref<!tpu.dma_semaphore, #tpu.memory_space<semaphore_mem>>
      %dma_start3A_743 = arith.constant 0 : i32
      %dma_start3A_744 = tpu.memref_slice %arg35[%mul3A_0, %dma_start3A_743] : memref<25088x40xf32, #tpu.memory_space<vmem_shared>> -> memref<1568x40xf32, #tpu.memory_space<vmem_shared>>
      tpu.enqueue_dma source(%arg10 : memref<1568x40xf32, #tpu.memory_space<hbm>>) target(%dma_start3A_744 : memref<1568x40xf32, #tpu.memory_space<vmem_shared>>) target_semaphore(%run_scoped3A : memref<!tpu.dma_semaphore, #tpu.memory_space<semaphore_mem>>)
      %dma_wait3A_745 = arith.constant 0 : i32
      %dma_wait3A_746 = tpu.memref_slice %arg35[%mul3A_0, %dma_wait3A_745] : memref<25088x40xf32, #tpu.memory_space<vmem_shared>> -> memref<1568x40xf32, #tpu.memory_space<vmem_shared>>
      tpu.wait_dma2 semaphore(%run_scoped3A : memref<!tpu.dma_semaphore, #tpu.memory_space<semaphore_mem>>) src(%arg10 : memref<1568x40xf32, #tpu.memory_space<hbm>>) dst(%dma_wait3A_746 : memref<1568x40xf32, #tpu.memory_space<vmem_shared>>)
      tpu.yield
    }) : () -> ()
    %add3A = arith.constant 0 : i32
    %add3A_7 = arith.addi %arg1, %add3A : i32
    %min3A = arith.constant 1562 : i32
    %min3A_8 = arith.minsi %add3A_7, %min3A : i32
    %mul3A_9 = arith.constant 256 : i32
    %mul3A_10 = arith.muli %min3A_8, %mul3A_9 : i32
    %add3A_11 = arith.constant 128 : i32
    %add3A_12 = arith.addi %mul3A_10, %add3A_11 : i32
    %min3A_13 = arith.constant 399872 : i32
    %min3A_14 = arith.minsi %add3A_12, %min3A_13 : i32
    %dma_start3A = arith.constant 0 : i32
    %dma_start3A_15 = tpu.memref_slice %arg13[%dma_start3A] : memref<256xi32, #tpu.memory_space<vmem>> -> memref<128xi32, #tpu.memory_space<vmem>>
    %dma_start3A_16 = tpu.memref_slice %arg4[%mul3A_10] : memref<400000xi32, #tpu.memory_space<hbm>> -> memref<128xi32, #tpu.memory_space<hbm>>
    %dma_start3A_17 = arith.constant 0 : i32
    %dma_start3A_18 = tpu.memref_slice %arg13[%dma_start3A_17] : memref<256xi32, #tpu.memory_space<vmem>> -> memref<128xi32, #tpu.memory_space<vmem>>
    %dma_start3A_19 = tpu.memref_slice %arg4[%mul3A_10] : memref<400000xi32, #tpu.memory_space<hbm>> -> memref<128xi32, #tpu.memory_space<hbm>>
    tpu.enqueue_dma source(%dma_start3A_19 : memref<128xi32, #tpu.memory_space<hbm>>) target(%dma_start3A_18 : memref<128xi32, #tpu.memory_space<vmem>>) target_semaphore(%arg36 : memref<!tpu.dma_semaphore, #tpu.memory_space<semaphore_mem>>)
    %dma_start3A_20 = arith.constant 128 : i32
    %dma_start3A_21 = tpu.memref_slice %arg13[%dma_start3A_20] : memref<256xi32, #tpu.memory_space<vmem>> -> memref<128xi32, #tpu.memory_space<vmem>>
    %dma_start3A_22 = tpu.memref_slice %arg4[%min3A_14] : memref<400000xi32, #tpu.memory_space<hbm>> -> memref<128xi32, #tpu.memory_space<hbm>>
    %dma_start3A_23 = arith.constant 128 : i32
    %dma_start3A_24 = tpu.memref_slice %arg13[%dma_start3A_23] : memref<256xi32, #tpu.memory_space<vmem>> -> memref<128xi32, #tpu.memory_space<vmem>>
    %dma_start3A_25 = tpu.memref_slice %arg4[%min3A_14] : memref<400000xi32, #tpu.memory_space<hbm>> -> memref<128xi32, #tpu.memory_space<hbm>>
    tpu.enqueue_dma source(%dma_start3A_25 : memref<128xi32, #tpu.memory_space<hbm>>) target(%dma_start3A_24 : memref<128xi32, #tpu.memory_space<vmem>>) target_semaphore(%arg36 : memref<!tpu.dma_semaphore, #tpu.memory_space<semaphore_mem>>)
    %dma_start3A_26 = arith.constant 0 : i32
    %dma_start3A_27 = tpu.memref_slice %arg15[%dma_start3A_26] : memref<256xi32, #tpu.memory_space<vmem>> -> memref<128xi32, #tpu.memory_space<vmem>>
    %dma_start3A_28 = tpu.memref_slice %arg5[%mul3A_10] : memref<400000xi32, #tpu.memory_space<hbm>> -> memref<128xi32, #tpu.memory_space<hbm>>
    %dma_start3A_29 = arith.constant 0 : i32
    %dma_start3A_30 = tpu.memref_slice %arg15[%dma_start3A_29] : memref<256xi32, #tpu.memory_space<vmem>> -> memref<128xi32, #tpu.memory_space<vmem>>
    %dma_start3A_31 = tpu.memref_slice %arg5[%mul3A_10] : memref<400000xi32, #tpu.memory_space<hbm>> -> memref<128xi32, #tpu.memory_space<hbm>>
    tpu.enqueue_dma source(%dma_start3A_31 : memref<128xi32, #tpu.memory_space<hbm>>) target(%dma_start3A_30 : memref<128xi32, #tpu.memory_space<vmem>>) target_semaphore(%arg36 : memref<!tpu.dma_semaphore, #tpu.memory_space<semaphore_mem>>)
    %dma_start3A_32 = arith.constant 128 : i32
    %dma_start3A_33 = tpu.memref_slice %arg15[%dma_start3A_32] : memref<256xi32, #tpu.memory_space<vmem>> -> memref<128xi32, #tpu.memory_space<vmem>>
    %dma_start3A_34 = tpu.memref_slice %arg5[%min3A_14] : memref<400000xi32, #tpu.memory_space<hbm>> -> memref<128xi32, #tpu.memory_space<hbm>>
    %dma_start3A_35 = arith.constant 128 : i32
    %dma_start3A_36 = tpu.memref_slice %arg15[%dma_start3A_35] : memref<256xi32, #tpu.memory_space<vmem>> -> memref<128xi32, #tpu.memory_space<vmem>>
    %dma_start3A_37 = tpu.memref_slice %arg5[%min3A_14] : memref<400000xi32, #tpu.memory_space<hbm>> -> memref<128xi32, #tpu.memory_space<hbm>>
    tpu.enqueue_dma source(%dma_start3A_37 : memref<128xi32, #tpu.memory_space<hbm>>) target(%dma_start3A_36 : memref<128xi32, #tpu.memory_space<vmem>>) target_semaphore(%arg36 : memref<!tpu.dma_semaphore, #tpu.memory_space<semaphore_mem>>)
    %dma_wait3A = arith.constant 0 : i32
    %dma_wait3A_38 = tpu.memref_slice %arg13[%dma_wait3A] : memref<256xi32, #tpu.memory_space<vmem>> -> memref<128xi32, #tpu.memory_space<vmem>>
    %dma_wait3A_39 = arith.constant 0 : i32
    %dma_wait3A_40 = tpu.memref_slice %arg4[%dma_wait3A_39] : memref<400000xi32, #tpu.memory_space<hbm>> -> memref<128xi32, #tpu.memory_space<hbm>>
    %dma_wait3A_41 = arith.constant 0 : i32
    %dma_wait3A_42 = tpu.memref_slice %arg13[%dma_wait3A_41] : memref<256xi32, #tpu.memory_space<vmem>> -> memref<128xi32, #tpu.memory_space<vmem>>
    %dma_wait3A_43 = arith.constant 0 : i32
    %dma_wait3A_44 = tpu.memref_slice %arg4[%dma_wait3A_43] : memref<400000xi32, #tpu.memory_space<hbm>> -> memref<128xi32, #tpu.memory_space<hbm>>
    tpu.wait_dma2 semaphore(%arg36 : memref<!tpu.dma_semaphore, #tpu.memory_space<semaphore_mem>>) src(%dma_wait3A_44 : memref<128xi32, #tpu.memory_space<hbm>>) dst(%dma_wait3A_42 : memref<128xi32, #tpu.memory_space<vmem>>)
    %dma_wait3A_45 = arith.constant 128 : i32
    %dma_wait3A_46 = tpu.memref_slice %arg13[%dma_wait3A_45] : memref<256xi32, #tpu.memory_space<vmem>> -> memref<128xi32, #tpu.memory_space<vmem>>
    %dma_wait3A_47 = arith.constant 0 : i32
    %dma_wait3A_48 = tpu.memref_slice %arg4[%dma_wait3A_47] : memref<400000xi32, #tpu.memory_space<hbm>> -> memref<128xi32, #tpu.memory_space<hbm>>
    %dma_wait3A_49 = arith.constant 128 : i32
    %dma_wait3A_50 = tpu.memref_slice %arg13[%dma_wait3A_49] : memref<256xi32, #tpu.memory_space<vmem>> -> memref<128xi32, #tpu.memory_space<vmem>>
    %dma_wait3A_51 = arith.constant 0 : i32
    %dma_wait3A_52 = tpu.memref_slice %arg4[%dma_wait3A_51] : memref<400000xi32, #tpu.memory_space<hbm>> -> memref<128xi32, #tpu.memory_space<hbm>>
    tpu.wait_dma2 semaphore(%arg36 : memref<!tpu.dma_semaphore, #tpu.memory_space<semaphore_mem>>) src(%dma_wait3A_52 : memref<128xi32, #tpu.memory_space<hbm>>) dst(%dma_wait3A_50 : memref<128xi32, #tpu.memory_space<vmem>>)
    %dma_wait3A_53 = arith.constant 0 : i32
    %dma_wait3A_54 = tpu.memref_slice %arg15[%dma_wait3A_53] : memref<256xi32, #tpu.memory_space<vmem>> -> memref<128xi32, #tpu.memory_space<vmem>>
    %dma_wait3A_55 = arith.constant 0 : i32
    %dma_wait3A_56 = tpu.memref_slice %arg4[%dma_wait3A_55] : memref<400000xi32, #tpu.memory_space<hbm>> -> memref<128xi32, #tpu.memory_space<hbm>>
    %dma_wait3A_57 = arith.constant 0 : i32
    %dma_wait3A_58 = tpu.memref_slice %arg15[%dma_wait3A_57] : memref<256xi32, #tpu.memory_space<vmem>> -> memref<128xi32, #tpu.memory_space<vmem>>
    %dma_wait3A_59 = arith.constant 0 : i32
    %dma_wait3A_60 = tpu.memref_slice %arg4[%dma_wait3A_59] : memref<400000xi32, #tpu.memory_space<hbm>> -> memref<128xi32, #tpu.memory_space<hbm>>
    tpu.wait_dma2 semaphore(%arg36 : memref<!tpu.dma_semaphore, #tpu.memory_space<semaphore_mem>>) src(%dma_wait3A_60 : memref<128xi32, #tpu.memory_space<hbm>>) dst(%dma_wait3A_58 : memref<128xi32, #tpu.memory_space<vmem>>)
    %dma_wait3A_61 = arith.constant 128 : i32
    %dma_wait3A_62 = tpu.memref_slice %arg15[%dma_wait3A_61] : memref<256xi32, #tpu.memory_space<vmem>> -> memref<128xi32, #tpu.memory_space<vmem>>
    %dma_wait3A_63 = arith.constant 0 : i32
    %dma_wait3A_64 = tpu.memref_slice %arg4[%dma_wait3A_63] : memref<400000xi32, #tpu.memory_space<hbm>> -> memref<128xi32, #tpu.memory_space<hbm>>
    %dma_wait3A_65 = arith.constant 128 : i32
    %dma_wait3A_66 = tpu.memref_slice %arg15[%dma_wait3A_65] : memref<256xi32, #tpu.memory_space<vmem>> -> memref<128xi32, #tpu.memory_space<vmem>>
    %dma_wait3A_67 = arith.constant 0 : i32
    %dma_wait3A_68 = tpu.memref_slice %arg4[%dma_wait3A_67] : memref<400000xi32, #tpu.memory_space<hbm>> -> memref<128xi32, #tpu.memory_space<hbm>>
    tpu.wait_dma2 semaphore(%arg36 : memref<!tpu.dma_semaphore, #tpu.memory_space<semaphore_mem>>) src(%dma_wait3A_68 : memref<128xi32, #tpu.memory_space<hbm>>) dst(%dma_wait3A_66 : memref<128xi32, #tpu.memory_space<vmem>>)
    %get3A = arith.constant 0 : index
    %get3A_69 = tpu.vector_load %arg15[%get3A] {strides = array<i32>} : memref<256xi32, #tpu.memory_space<vmem>>, vector<16xi32>,
    %add3A_70 = arith.addi %get3A_69, %broadcast_in_dim3A : vector<16xi32>
    %swap3A = arith.constant 0 : index
    %swap3A_71 = tpu.vector_load %arg17[%swap3A] {strides = array<i32>} : memref<128xi32, #tpu.memory_space<vmem>>, vector<16xi32>,
    tpu.vector_store %arg17[%swap3A], %add3A_70 {strides = array<i32>} : memref<128xi32, #tpu.memory_space<vmem>>, vector<16xi32>,
    %get3A_72 = arith.constant 0 : index
    %get3A_73 = tpu.vector_load %arg13[%get3A_72] {strides = array<i32>} : memref<256xi32, #tpu.memory_space<vmem>>, vector<16xi32>,
    %add3A_74 = arith.addi %get3A_73, %broadcast_in_dim3A : vector<16xi32>
    %swap3A_75 = arith.constant 0 : index
    %swap3A_76 = tpu.vector_load %arg21[%swap3A_75] {strides = array<i32>} : memref<128xi32, #tpu.memory_space<vmem>>, vector<16xi32>,
    tpu.vector_store %arg21[%swap3A_75], %add3A_74 {strides = array<i32>} : memref<128xi32, #tpu.memory_space<vmem>>, vector<16xi32>,
    %get3A_77 = arith.constant 16 : index
    %get3A_78 = tpu.vector_load %arg15[%get3A_77] {strides = array<i32>} : memref<256xi32, #tpu.memory_space<vmem>>, vector<16xi32>,
    %add3A_79 = arith.addi %get3A_78, %broadcast_in_dim3A : vector<16xi32>
    %swap3A_80 = arith.constant 16 : index
    %swap3A_81 = tpu.vector_load %arg17[%swap3A_80] {strides = array<i32>} : memref<128xi32, #tpu.memory_space<vmem>>, vector<16xi32>,
    tpu.vector_store %arg17[%swap3A_80], %add3A_79 {strides = array<i32>} : memref<128xi32, #tpu.memory_space<vmem>>, vector<16xi32>,
    %get3A_82 = arith.constant 16 : index
    %get3A_83 = tpu.vector_load %arg13[%get3A_82] {strides = array<i32>} : memref<256xi32, #tpu.memory_space<vmem>>, vector<16xi32>,
    %add3A_84 = arith.addi %get3A_83, %broadcast_in_dim3A : vector<16xi32>
    %swap3A_85 = arith.constant 16 : index
    %swap3A_86 = tpu.vector_load %arg21[%swap3A_85] {strides = array<i32>} : memref<128xi32, #tpu.memory_space<vmem>>, vector<16xi32>,
    tpu.vector_store %arg21[%swap3A_85], %add3A_84 {strides = array<i32>} : memref<128xi32, #tpu.memory_space<vmem>>, vector<16xi32>,
    %get3A_87 = arith.constant 32 : index
    %get3A_88 = tpu.vector_load %arg15[%get3A_87] {strides = array<i32>} : memref<256xi32, #tpu.memory_space<vmem>>, vector<16xi32>,
    %add3A_89 = arith.addi %get3A_88, %broadcast_in_dim3A : vector<16xi32>
    %swap3A_90 = arith.constant 32 : index
    %swap3A_91 = tpu.vector_load %arg17[%swap3A_90] {strides = array<i32>} : memref<128xi32, #tpu.memory_space<vmem>>, vector<16xi32>,
    tpu.vector_store %arg17[%swap3A_90], %add3A_89 {strides = array<i32>} : memref<128xi32, #tpu.memory_space<vmem>>, vector<16xi32>,
    %get3A_92 = arith.constant 32 : index
    %get3A_93 = tpu.vector_load %arg13[%get3A_92] {strides = array<i32>} : memref<256xi32, #tpu.memory_space<vmem>>, vector<16xi32>,
    %add3A_94 = arith.addi %get3A_93, %broadcast_in_dim3A : vector<16xi32>
    %swap3A_95 = arith.constant 32 : index
    %swap3A_96 = tpu.vector_load %arg21[%swap3A_95] {strides = array<i32>} : memref<128xi32, #tpu.memory_space<vmem>>, vector<16xi32>,
    tpu.vector_store %arg21[%swap3A_95], %add3A_94 {strides = array<i32>} : memref<128xi32, #tpu.memory_space<vmem>>, vector<16xi32>,
    %get3A_97 = arith.constant 48 : index
    %get3A_98 = tpu.vector_load %arg15[%get3A_97] {strides = array<i32>} : memref<256xi32, #tpu.memory_space<vmem>>, vector<16xi32>,
    %add3A_99 = arith.addi %get3A_98, %broadcast_in_dim3A : vector<16xi32>
    %swap3A_100 = arith.constant 48 : index
    %swap3A_101 = tpu.vector_load %arg17[%swap3A_100] {strides = array<i32>} : memref<128xi32, #tpu.memory_space<vmem>>, vector<16xi32>,
    tpu.vector_store %arg17[%swap3A_100], %add3A_99 {strides = array<i32>} : memref<128xi32, #tpu.memory_space<vmem>>, vector<16xi32>,
    %get3A_102 = arith.constant 48 : index
    %get3A_103 = tpu.vector_load %arg13[%get3A_102] {strides = array<i32>} : memref<256xi32, #tpu.memory_space<vmem>>, vector<16xi32>,
    %add3A_104 = arith.addi %get3A_103, %broadcast_in_dim3A : vector<16xi32>
    %swap3A_105 = arith.constant 48 : index
    %swap3A_106 = tpu.vector_load %arg21[%swap3A_105] {strides = array<i32>} : memref<128xi32, #tpu.memory_space<vmem>>, vector<16xi32>,
    tpu.vector_store %arg21[%swap3A_105], %add3A_104 {strides = array<i32>} : memref<128xi32, #tpu.memory_space<vmem>>, vector<16xi32>,
    %get3A_107 = arith.constant 64 : index
    %get3A_108 = tpu.vector_load %arg15[%get3A_107] {strides = array<i32>} : memref<256xi32, #tpu.memory_space<vmem>>, vector<16xi32>,
    %add3A_109 = arith.addi %get3A_108, %broadcast_in_dim3A : vector<16xi32>
    %swap3A_110 = arith.constant 64 : index
    %swap3A_111 = tpu.vector_load %arg17[%swap3A_110] {strides = array<i32>} : memref<128xi32, #tpu.memory_space<vmem>>, vector<16xi32>,
    tpu.vector_store %arg17[%swap3A_110], %add3A_109 {strides = array<i32>} : memref<128xi32, #tpu.memory_space<vmem>>, vector<16xi32>,
    %get3A_112 = arith.constant 64 : index
    %get3A_113 = tpu.vector_load %arg13[%get3A_112] {strides = array<i32>} : memref<256xi32, #tpu.memory_space<vmem>>, vector<16xi32>,
    %add3A_114 = arith.addi %get3A_113, %broadcast_in_dim3A : vector<16xi32>
    %swap3A_115 = arith.constant 64 : index
    %swap3A_116 = tpu.vector_load %arg21[%swap3A_115] {strides = array<i32>} : memref<128xi32, #tpu.memory_space<vmem>>, vector<16xi32>,
    tpu.vector_store %arg21[%swap3A_115], %add3A_114 {strides = array<i32>} : memref<128xi32, #tpu.memory_space<vmem>>, vector<16xi32>,
    %get3A_117 = arith.constant 80 : index
    %get3A_118 = tpu.vector_load %arg15[%get3A_117] {strides = array<i32>} : memref<256xi32, #tpu.memory_space<vmem>>, vector<16xi32>,
    %add3A_119 = arith.addi %get3A_118, %broadcast_in_dim3A : vector<16xi32>
    %swap3A_120 = arith.constant 80 : index
    %swap3A_121 = tpu.vector_load %arg17[%swap3A_120] {strides = array<i32>} : memref<128xi32, #tpu.memory_space<vmem>>, vector<16xi32>,
    tpu.vector_store %arg17[%swap3A_120], %add3A_119 {strides = array<i32>} : memref<128xi32, #tpu.memory_space<vmem>>, vector<16xi32>,
    %get3A_122 = arith.constant 80 : index
    %get3A_123 = tpu.vector_load %arg13[%get3A_122] {strides = array<i32>} : memref<256xi32, #tpu.memory_space<vmem>>, vector<16xi32>,
    %add3A_124 = arith.addi %get3A_123, %broadcast_in_dim3A : vector<16xi32>
    %swap3A_125 = arith.constant 80 : index
    %swap3A_126 = tpu.vector_load %arg21[%swap3A_125] {strides = array<i32>} : memref<128xi32, #tpu.memory_space<vmem>>, vector<16xi32>,
    tpu.vector_store %arg21[%swap3A_125], %add3A_124 {strides = array<i32>} : memref<128xi32, #tpu.memory_space<vmem>>, vector<16xi32>,
    %get3A_127 = arith.constant 96 : index
    %get3A_128 = tpu.vector_load %arg15[%get3A_127] {strides = array<i32>} : memref<256xi32, #tpu.memory_space<vmem>>, vector<16xi32>,
    %add3A_129 = arith.addi %get3A_128, %broadcast_in_dim3A : vector<16xi32>
    %swap3A_130 = arith.constant 96 : index
    %swap3A_131 = tpu.vector_load %arg17[%swap3A_130] {strides = array<i32>} : memref<128xi32, #tpu.memory_space<vmem>>, vector<16xi32>,
    tpu.vector_store %arg17[%swap3A_130], %add3A_129 {strides = array<i32>} : memref<128xi32, #tpu.memory_space<vmem>>, vector<16xi32>,
    %get3A_132 = arith.constant 96 : index
    %get3A_133 = tpu.vector_load %arg13[%get3A_132] {strides = array<i32>} : memref<256xi32, #tpu.memory_space<vmem>>, vector<16xi32>,
    %add3A_134 = arith.addi %get3A_133, %broadcast_in_dim3A : vector<16xi32>
    %swap3A_135 = arith.constant 96 : index
    %swap3A_136 = tpu.vector_load %arg21[%swap3A_135] {strides = array<i32>} : memref<128xi32, #tpu.memory_space<vmem>>, vector<16xi32>,
    tpu.vector_store %arg21[%swap3A_135], %add3A_134 {strides = array<i32>} : memref<128xi32, #tpu.memory_space<vmem>>, vector<16xi32>,
    %get3A_137 = arith.constant 112 : index
    %get3A_138 = tpu.vector_load %arg15[%get3A_137] {strides = array<i32>} : memref<256xi32, #tpu.memory_space<vmem>>, vector<16xi32>,
    %add3A_139 = arith.addi %get3A_138, %broadcast_in_dim3A : vector<16xi32>
    %swap3A_140 = arith.constant 112 : index
    %swap3A_141 = tpu.vector_load %arg17[%swap3A_140] {strides = array<i32>} : memref<128xi32, #tpu.memory_space<vmem>>, vector<16xi32>,
    tpu.vector_store %arg17[%swap3A_140], %add3A_139 {strides = array<i32>} : memref<128xi32, #tpu.memory_space<vmem>>, vector<16xi32>,
    %get3A_142 = arith.constant 112 : index
    %get3A_143 = tpu.vector_load %arg13[%get3A_142] {strides = array<i32>} : memref<256xi32, #tpu.memory_space<vmem>>, vector<16xi32>,
    %add3A_144 = arith.addi %get3A_143, %broadcast_in_dim3A : vector<16xi32>
    %swap3A_145 = arith.constant 112 : index
    %swap3A_146 = tpu.vector_load %arg21[%swap3A_145] {strides = array<i32>} : memref<128xi32, #tpu.memory_space<vmem>>, vector<16xi32>,
    tpu.vector_store %arg21[%swap3A_145], %add3A_144 {strides = array<i32>} : memref<128xi32, #tpu.memory_space<vmem>>, vector<16xi32>,
    %get3A_147 = arith.constant 128 : index
    %get3A_148 = tpu.vector_load %arg15[%get3A_147] {strides = array<i32>} : memref<256xi32, #tpu.memory_space<vmem>>, vector<16xi32>,
    %add3A_149 = arith.addi %get3A_148, %broadcast_in_dim3A : vector<16xi32>
    %swap3A_150 = arith.constant 0 : index
    %swap3A_151 = tpu.vector_load %arg19[%swap3A_150] {strides = array<i32>} : memref<128xi32, #tpu.memory_space<vmem>>, vector<16xi32>,
    tpu.vector_store %arg19[%swap3A_150], %add3A_149 {strides = array<i32>} : memref<128xi32, #tpu.memory_space<vmem>>, vector<16xi32>,
    %get3A_152 = arith.constant 128 : index
    %get3A_153 = tpu.vector_load %arg13[%get3A_152] {strides = array<i32>} : memref<256xi32, #tpu.memory_space<vmem>>, vector<16xi32>,
    %add3A_154 = arith.addi %get3A_153, %broadcast_in_dim3A : vector<16xi32>
    %swap3A_155 = arith.constant 0 : index
    %swap3A_156 = tpu.vector_load %arg23[%swap3A_155] {strides = array<i32>} : memref<128xi32, #tpu.memory_space<vmem>>, vector<16xi32>,
    tpu.vector_store %arg23[%swap3A_155], %add3A_154 {strides = array<i32>} : memref<128xi32, #tpu.memory_space<vmem>>, vector<16xi32>,
    %get3A_157 = arith.constant 144 : index
    %get3A_158 = tpu.vector_load %arg15[%get3A_157] {strides = array<i32>} : memref<256xi32, #tpu.memory_space<vmem>>, vector<16xi32>,
    %add3A_159 = arith.addi %get3A_158, %broadcast_in_dim3A : vector<16xi32>
    %swap3A_160 = arith.constant 16 : index
    %swap3A_161 = tpu.vector_load %arg19[%swap3A_160] {strides = array<i32>} : memref<128xi32, #tpu.memory_space<vmem>>, vector<16xi32>,
    tpu.vector_store %arg19[%swap3A_160], %add3A_159 {strides = array<i32>} : memref<128xi32, #tpu.memory_space<vmem>>, vector<16xi32>,
    %get3A_162 = arith.constant 144 : index
    %get3A_163 = tpu.vector_load %arg13[%get3A_162] {strides = array<i32>} : memref<256xi32, #tpu.memory_space<vmem>>, vector<16xi32>,
    %add3A_164 = arith.addi %get3A_163, %broadcast_in_dim3A : vector<16xi32>
    %swap3A_165 = arith.constant 16 : index
    %swap3A_166 = tpu.vector_load %arg23[%swap3A_165] {strides = array<i32>} : memref<128xi32, #tpu.memory_space<vmem>>, vector<16xi32>,
    tpu.vector_store %arg23[%swap3A_165], %add3A_164 {strides = array<i32>} : memref<128xi32, #tpu.memory_space<vmem>>, vector<16xi32>,
    %get3A_167 = arith.constant 160 : index
    %get3A_168 = tpu.vector_load %arg15[%get3A_167] {strides = array<i32>} : memref<256xi32, #tpu.memory_space<vmem>>, vector<16xi32>,
    %add3A_169 = arith.addi %get3A_168, %broadcast_in_dim3A : vector<16xi32>
    %swap3A_170 = arith.constant 32 : index
    %swap3A_171 = tpu.vector_load %arg19[%swap3A_170] {strides = array<i32>} : memref<128xi32, #tpu.memory_space<vmem>>, vector<16xi32>,
    tpu.vector_store %arg19[%swap3A_170], %add3A_169 {strides = array<i32>} : memref<128xi32, #tpu.memory_space<vmem>>, vector<16xi32>,
    %get3A_172 = arith.constant 160 : index
    %get3A_173 = tpu.vector_load %arg13[%get3A_172] {strides = array<i32>} : memref<256xi32, #tpu.memory_space<vmem>>, vector<16xi32>,
    %add3A_174 = arith.addi %get3A_173, %broadcast_in_dim3A : vector<16xi32>
    %swap3A_175 = arith.constant 32 : index
    %swap3A_176 = tpu.vector_load %arg23[%swap3A_175] {strides = array<i32>} : memref<128xi32, #tpu.memory_space<vmem>>, vector<16xi32>,
    tpu.vector_store %arg23[%swap3A_175], %add3A_174 {strides = array<i32>} : memref<128xi32, #tpu.memory_space<vmem>>, vector<16xi32>,
    %get3A_177 = arith.constant 176 : index
    %get3A_178 = tpu.vector_load %arg15[%get3A_177] {strides = array<i32>} : memref<256xi32, #tpu.memory_space<vmem>>, vector<16xi32>,
    %add3A_179 = arith.addi %get3A_178, %broadcast_in_dim3A : vector<16xi32>
    %swap3A_180 = arith.constant 48 : index
    %swap3A_181 = tpu.vector_load %arg19[%swap3A_180] {strides = array<i32>} : memref<128xi32, #tpu.memory_space<vmem>>, vector<16xi32>,
    tpu.vector_store %arg19[%swap3A_180], %add3A_179 {strides = array<i32>} : memref<128xi32, #tpu.memory_space<vmem>>, vector<16xi32>,
    %get3A_182 = arith.constant 176 : index
    %get3A_183 = tpu.vector_load %arg13[%get3A_182] {strides = array<i32>} : memref<256xi32, #tpu.memory_space<vmem>>, vector<16xi32>,
    %add3A_184 = arith.addi %get3A_183, %broadcast_in_dim3A : vector<16xi32>
    %swap3A_185 = arith.constant 48 : index
    %swap3A_186 = tpu.vector_load %arg23[%swap3A_185] {strides = array<i32>} : memref<128xi32, #tpu.memory_space<vmem>>, vector<16xi32>,
    tpu.vector_store %arg23[%swap3A_185], %add3A_184 {strides = array<i32>} : memref<128xi32, #tpu.memory_space<vmem>>, vector<16xi32>,
    %get3A_187 = arith.constant 192 : index
    %get3A_188 = tpu.vector_load %arg15[%get3A_187] {strides = array<i32>} : memref<256xi32, #tpu.memory_space<vmem>>, vector<16xi32>,
    %add3A_189 = arith.addi %get3A_188, %broadcast_in_dim3A : vector<16xi32>
    %swap3A_190 = arith.constant 64 : index
    %swap3A_191 = tpu.vector_load %arg19[%swap3A_190] {strides = array<i32>} : memref<128xi32, #tpu.memory_space<vmem>>, vector<16xi32>,
    tpu.vector_store %arg19[%swap3A_190], %add3A_189 {strides = array<i32>} : memref<128xi32, #tpu.memory_space<vmem>>, vector<16xi32>,
    %get3A_192 = arith.constant 192 : index
    %get3A_193 = tpu.vector_load %arg13[%get3A_192] {strides = array<i32>} : memref<256xi32, #tpu.memory_space<vmem>>, vector<16xi32>,
    %add3A_194 = arith.addi %get3A_193, %broadcast_in_dim3A : vector<16xi32>
    %swap3A_195 = arith.constant 64 : index
    %swap3A_196 = tpu.vector_load %arg23[%swap3A_195] {strides = array<i32>} : memref<128xi32, #tpu.memory_space<vmem>>, vector<16xi32>,
    tpu.vector_store %arg23[%swap3A_195], %add3A_194 {strides = array<i32>} : memref<128xi32, #tpu.memory_space<vmem>>, vector<16xi32>,
    %get3A_197 = arith.constant 208 : index
    %get3A_198 = tpu.vector_load %arg15[%get3A_197] {strides = array<i32>} : memref<256xi32, #tpu.memory_space<vmem>>, vector<16xi32>,
    %add3A_199 = arith.addi %get3A_198, %broadcast_in_dim3A : vector<16xi32>
    %swap3A_200 = arith.constant 80 : index
    %swap3A_201 = tpu.vector_load %arg19[%swap3A_200] {strides = array<i32>} : memref<128xi32, #tpu.memory_space<vmem>>, vector<16xi32>,
    tpu.vector_store %arg19[%swap3A_200], %add3A_199 {strides = array<i32>} : memref<128xi32, #tpu.memory_space<vmem>>, vector<16xi32>,
    %get3A_202 = arith.constant 208 : index
    %get3A_203 = tpu.vector_load %arg13[%get3A_202] {strides = array<i32>} : memref<256xi32, #tpu.memory_space<vmem>>, vector<16xi32>,
    %add3A_204 = arith.addi %get3A_203, %broadcast_in_dim3A : vector<16xi32>
    %swap3A_205 = arith.constant 80 : index
    %swap3A_206 = tpu.vector_load %arg23[%swap3A_205] {strides = array<i32>} : memref<128xi32, #tpu.memory_space<vmem>>, vector<16xi32>,
    tpu.vector_store %arg23[%swap3A_205], %add3A_204 {strides = array<i32>} : memref<128xi32, #tpu.memory_space<vmem>>, vector<16xi32>,
    %get3A_207 = arith.constant 224 : index
    %get3A_208 = tpu.vector_load %arg15[%get3A_207] {strides = array<i32>} : memref<256xi32, #tpu.memory_space<vmem>>, vector<16xi32>,
    %add3A_209 = arith.addi %get3A_208, %broadcast_in_dim3A : vector<16xi32>
    %swap3A_210 = arith.constant 96 : index
    %swap3A_211 = tpu.vector_load %arg19[%swap3A_210] {strides = array<i32>} : memref<128xi32, #tpu.memory_space<vmem>>, vector<16xi32>,
    tpu.vector_store %arg19[%swap3A_210], %add3A_209 {strides = array<i32>} : memref<128xi32, #tpu.memory_space<vmem>>, vector<16xi32>,
    %get3A_212 = arith.constant 224 : index
    %get3A_213 = tpu.vector_load %arg13[%get3A_212] {strides = array<i32>} : memref<256xi32, #tpu.memory_space<vmem>>, vector<16xi32>,
    %add3A_214 = arith.addi %get3A_213, %broadcast_in_dim3A : vector<16xi32>
    %swap3A_215 = arith.constant 96 : index
    %swap3A_216 = tpu.vector_load %arg23[%swap3A_215] {strides = array<i32>} : memref<128xi32, #tpu.memory_space<vmem>>, vector<16xi32>,
    tpu.vector_store %arg23[%swap3A_215], %add3A_214 {strides = array<i32>} : memref<128xi32, #tpu.memory_space<vmem>>, vector<16xi32>,
    %get3A_217 = arith.constant 240 : index
    %get3A_218 = tpu.vector_load %arg15[%get3A_217] {strides = array<i32>} : memref<256xi32, #tpu.memory_space<vmem>>, vector<16xi32>,
    %add3A_219 = arith.addi %get3A_218, %broadcast_in_dim3A : vector<16xi32>
    %swap3A_220 = arith.constant 112 : index
    %swap3A_221 = tpu.vector_load %arg19[%swap3A_220] {strides = array<i32>} : memref<128xi32, #tpu.memory_space<vmem>>, vector<16xi32>,
    tpu.vector_store %arg19[%swap3A_220], %add3A_219 {strides = array<i32>} : memref<128xi32, #tpu.memory_space<vmem>>, vector<16xi32>,
    %get3A_222 = arith.constant 240 : index
    %get3A_223 = tpu.vector_load %arg13[%get3A_222] {strides = array<i32>} : memref<256xi32, #tpu.memory_space<vmem>>, vector<16xi32>,
    %add3A_224 = arith.addi %get3A_223, %broadcast_in_dim3A : vector<16xi32>
    %swap3A_225 = arith.constant 112 : index
    %swap3A_226 = tpu.vector_load %arg23[%swap3A_225] {strides = array<i32>} : memref<128xi32, #tpu.memory_space<vmem>>, vector<16xi32>,
    tpu.vector_store %arg23[%swap3A_225], %add3A_224 {strides = array<i32>} : memref<128xi32, #tpu.memory_space<vmem>>, vector<16xi32>,
    %dma_start3A_227 = arith.constant 0 : i32
    %dma_start3A_228 = arith.constant 0 : i32
    %dma_start3A_229 = tpu.memref_slice %arg29[%dma_start3A_227, %dma_start3A_228] : memref<256x32xbf16, #tpu.memory_space<vmem>> -> memref<128x32xbf16, #tpu.memory_space<vmem>>
    %dma_start3A_230 = arith.constant 0 : i32
    %dma_start3A_231 = arith.constant 0 : i32
    %dma_start3A_232 = tpu.memref_slice %arg2[%dma_start3A_230, %dma_start3A_231] : memref<50000x32xbf16, #tpu.memory_space<hbm>> -> memref<50000x32xbf16, #tpu.memory_space<hbm>>
    tpu.enqueue_indirect_dma source(%dma_start3A_232 : memref<50000x32xbf16, #tpu.memory_space<hbm>>) target(%dma_start3A_229 : memref<128x32xbf16, #tpu.memory_space<vmem>>) offsets(%arg17 : memref<128xi32, #tpu.memory_space<vmem>>) semaphore(%arg38 : memref<!tpu.dma_semaphore, #tpu.memory_space<semaphore_mem>>)
    %dma_start3A_233 = arith.constant 128 : i32
    %dma_start3A_234 = arith.constant 0 : i32
    %dma_start3A_235 = tpu.memref_slice %arg29[%dma_start3A_233, %dma_start3A_234] : memref<256x32xbf16, #tpu.memory_space<vmem>> -> memref<128x32xbf16, #tpu.memory_space<vmem>>
    %dma_start3A_236 = arith.constant 0 : i32
    %dma_start3A_237 = arith.constant 0 : i32
    %dma_start3A_238 = tpu.memref_slice %arg2[%dma_start3A_236, %dma_start3A_237] : memref<50000x32xbf16, #tpu.memory_space<hbm>> -> memref<50000x32xbf16, #tpu.memory_space<hbm>>
    tpu.enqueue_indirect_dma source(%dma_start3A_238 : memref<50000x32xbf16, #tpu.memory_space<hbm>>) target(%dma_start3A_235 : memref<128x32xbf16, #tpu.memory_space<vmem>>) offsets(%arg19 : memref<128xi32, #tpu.memory_space<vmem>>) semaphore(%arg38 : memref<!tpu.dma_semaphore, #tpu.memory_space<semaphore_mem>>)
    %dma_start3A_239 = arith.constant 0 : i32
    %dma_start3A_240 = arith.constant 0 : i32
    %dma_start3A_241 = tpu.memref_slice %arg31[%dma_start3A_239, %dma_start3A_240] : memref<256x64xbf16, #tpu.memory_space<vmem>> -> memref<128x64xbf16, #tpu.memory_space<vmem>>
    %dma_start3A_242 = arith.constant 0 : i32
    %dma_start3A_243 = arith.constant 0 : i32
    %dma_start3A_244 = tpu.memref_slice %arg3[%dma_start3A_242, %dma_start3A_243] : memref<50000x64xbf16, #tpu.memory_space<hbm>> -> memref<50000x64xbf16, #tpu.memory_space<hbm>>
    tpu.enqueue_indirect_dma source(%dma_start3A_244 : memref<50000x64xbf16, #tpu.memory_space<hbm>>) target(%dma_start3A_241 : memref<128x64xbf16, #tpu.memory_space<vmem>>) offsets(%arg21 : memref<128xi32, #tpu.memory_space<vmem>>) semaphore(%arg40 : memref<!tpu.dma_semaphore, #tpu.memory_space<semaphore_mem>>)
    %dma_start3A_245 = arith.constant 128 : i32
    %dma_start3A_246 = arith.constant 0 : i32
    %dma_start3A_247 = tpu.memref_slice %arg31[%dma_start3A_245, %dma_start3A_246] : memref<256x64xbf16, #tpu.memory_space<vmem>> -> memref<128x64xbf16, #tpu.memory_space<vmem>>
    %dma_start3A_248 = arith.constant 0 : i32
    %dma_start3A_249 = arith.constant 0 : i32
    %dma_start3A_250 = tpu.memref_slice %arg3[%dma_start3A_248, %dma_start3A_249] : memref<50000x64xbf16, #tpu.memory_space<hbm>> -> memref<50000x64xbf16, #tpu.memory_space<hbm>>
    tpu.enqueue_indirect_dma source(%dma_start3A_250 : memref<50000x64xbf16, #tpu.memory_space<hbm>>) target(%dma_start3A_247 : memref<128x64xbf16, #tpu.memory_space<vmem>>) offsets(%arg23 : memref<128xi32, #tpu.memory_space<vmem>>) semaphore(%arg40 : memref<!tpu.dma_semaphore, #tpu.memory_space<semaphore_mem>>)
    %add3A_251 = arith.constant 16 : i32
    %add3A_252 = arith.addi %arg1, %add3A_251 : i32
    %min3A_253 = arith.constant 1562 : i32
    %min3A_254 = arith.minsi %add3A_252, %min3A_253 : i32
    %mul3A_255 = arith.constant 256 : i32
    %mul3A_256 = arith.muli %min3A_254, %mul3A_255 : i32
    %add3A_257 = arith.constant 128 : i32
    %add3A_258 = arith.addi %mul3A_256, %add3A_257 : i32
    %min3A_259 = arith.constant 399872 : i32
    %min3A_260 = arith.minsi %add3A_258, %min3A_259 : i32
    %dma_start3A_261 = arith.constant 0 : i32
    %dma_start3A_262 = tpu.memref_slice %arg14[%dma_start3A_261] : memref<256xi32, #tpu.memory_space<vmem>> -> memref<128xi32, #tpu.memory_space<vmem>>
    %dma_start3A_263 = tpu.memref_slice %arg4[%mul3A_256] : memref<400000xi32, #tpu.memory_space<hbm>> -> memref<128xi32, #tpu.memory_space<hbm>>
    %dma_start3A_264 = arith.constant 0 : i32
    %dma_start3A_265 = tpu.memref_slice %arg14[%dma_start3A_264] : memref<256xi32, #tpu.memory_space<vmem>> -> memref<128xi32, #tpu.memory_space<vmem>>
    %dma_start3A_266 = tpu.memref_slice %arg4[%mul3A_256] : memref<400000xi32, #tpu.memory_space<hbm>> -> memref<128xi32, #tpu.memory_space<hbm>>
    tpu.enqueue_dma source(%dma_start3A_266 : memref<128xi32, #tpu.memory_space<hbm>>) target(%dma_start3A_265 : memref<128xi32, #tpu.memory_space<vmem>>) target_semaphore(%arg37 : memref<!tpu.dma_semaphore, #tpu.memory_space<semaphore_mem>>)
    %dma_start3A_267 = arith.constant 128 : i32
    %dma_start3A_268 = tpu.memref_slice %arg14[%dma_start3A_267] : memref<256xi32, #tpu.memory_space<vmem>> -> memref<128xi32, #tpu.memory_space<vmem>>
    %dma_start3A_269 = tpu.memref_slice %arg4[%min3A_260] : memref<400000xi32, #tpu.memory_space<hbm>> -> memref<128xi32, #tpu.memory_space<hbm>>
    %dma_start3A_270 = arith.constant 128 : i32
    %dma_start3A_271 = tpu.memref_slice %arg14[%dma_start3A_270] : memref<256xi32, #tpu.memory_space<vmem>> -> memref<128xi32, #tpu.memory_space<vmem>>
    %dma_start3A_272 = tpu.memref_slice %arg4[%min3A_260] : memref<400000xi32, #tpu.memory_space<hbm>> -> memref<128xi32, #tpu.memory_space<hbm>>
    tpu.enqueue_dma source(%dma_start3A_272 : memref<128xi32, #tpu.memory_space<hbm>>) target(%dma_start3A_271 : memref<128xi32, #tpu.memory_space<vmem>>) target_semaphore(%arg37 : memref<!tpu.dma_semaphore, #tpu.memory_space<semaphore_mem>>)
    %dma_start3A_273 = arith.constant 0 : i32
    %dma_start3A_274 = tpu.memref_slice %arg16[%dma_start3A_273] : memref<256xi32, #tpu.memory_space<vmem>> -> memref<128xi32, #tpu.memory_space<vmem>>
    %dma_start3A_275 = tpu.memref_slice %arg5[%mul3A_256] : memref<400000xi32, #tpu.memory_space<hbm>> -> memref<128xi32, #tpu.memory_space<hbm>>
    %dma_start3A_276 = arith.constant 0 : i32
    %dma_start3A_277 = tpu.memref_slice %arg16[%dma_start3A_276] : memref<256xi32, #tpu.memory_space<vmem>> -> memref<128xi32, #tpu.memory_space<vmem>>
    %dma_start3A_278 = tpu.memref_slice %arg5[%mul3A_256] : memref<400000xi32, #tpu.memory_space<hbm>> -> memref<128xi32, #tpu.memory_space<hbm>>
    tpu.enqueue_dma source(%dma_start3A_278 : memref<128xi32, #tpu.memory_space<hbm>>) target(%dma_start3A_277 : memref<128xi32, #tpu.memory_space<vmem>>) target_semaphore(%arg37 : memref<!tpu.dma_semaphore, #tpu.memory_space<semaphore_mem>>)
    %dma_start3A_279 = arith.constant 128 : i32
    %dma_start3A_280 = tpu.memref_slice %arg16[%dma_start3A_279] : memref<256xi32, #tpu.memory_space<vmem>> -> memref<128xi32, #tpu.memory_space<vmem>>
    %dma_start3A_281 = tpu.memref_slice %arg5[%min3A_260] : memref<400000xi32, #tpu.memory_space<hbm>> -> memref<128xi32, #tpu.memory_space<hbm>>
    %dma_start3A_282 = arith.constant 128 : i32
    %dma_start3A_283 = tpu.memref_slice %arg16[%dma_start3A_282] : memref<256xi32, #tpu.memory_space<vmem>> -> memref<128xi32, #tpu.memory_space<vmem>>
    %dma_start3A_284 = tpu.memref_slice %arg5[%min3A_260] : memref<400000xi32, #tpu.memory_space<hbm>> -> memref<128xi32, #tpu.memory_space<hbm>>
    tpu.enqueue_dma source(%dma_start3A_284 : memref<128xi32, #tpu.memory_space<hbm>>) target(%dma_start3A_283 : memref<128xi32, #tpu.memory_space<vmem>>) target_semaphore(%arg37 : memref<!tpu.dma_semaphore, #tpu.memory_space<semaphore_mem>>)
    %barrier3A = arith.constant 0 : index
    tpu.barrier barrier_id(%barrier3A)
    %scan3A = arith.constant 0 : i32
    %scan3A_285 = arith.constant 0 : i32
    %scan3A_286 = arith.constant 49 : i32
    %scan3A_287 = arith.addi %scan3A_285, %scan3A_286 : i32
    %scan3A_288 = arith.constant 1 : i32
    scf.for %scan3A_743 = %scan3A_285 to %scan3A_287 step %scan3A_288  : i32 {
      %mul3A_744 = arith.constant 2 : i32
      %mul3A_745 = arith.muli %mul3A_744, %scan3A_743 : i32
      %dma_wait3A_746 = arith.constant 0 : i32
      %dma_wait3A_747 = tpu.memref_slice %arg14[%dma_wait3A_746] : memref<256xi32, #tpu.memory_space<vmem>> -> memref<128xi32, #tpu.memory_space<vmem>>
      %dma_wait3A_748 = arith.constant 0 : i32
      %dma_wait3A_749 = tpu.memref_slice %arg4[%dma_wait3A_748] : memref<400000xi32, #tpu.memory_space<hbm>> -> memref<128xi32, #tpu.memory_space<hbm>>
      %dma_wait3A_750 = arith.constant 0 : i32
      %dma_wait3A_751 = tpu.memref_slice %arg14[%dma_wait3A_750] : memref<256xi32, #tpu.memory_space<vmem>> -> memref<128xi32, #tpu.memory_space<vmem>>
      %dma_wait3A_752 = arith.constant 0 : i32
      %dma_wait3A_753 = tpu.memref_slice %arg4[%dma_wait3A_752] : memref<400000xi32, #tpu.memory_space<hbm>> -> memref<128xi32, #tpu.memory_space<hbm>>
      tpu.wait_dma2 semaphore(%arg37 : memref<!tpu.dma_semaphore, #tpu.memory_space<semaphore_mem>>) src(%dma_wait3A_753 : memref<128xi32, #tpu.memory_space<hbm>>) dst(%dma_wait3A_751 : memref<128xi32, #tpu.memory_space<vmem>>)
      %dma_wait3A_754 = arith.constant 128 : i32
      %dma_wait3A_755 = tpu.memref_slice %arg14[%dma_wait3A_754] : memref<256xi32, #tpu.memory_space<vmem>> -> memref<128xi32, #tpu.memory_space<vmem>>
      %dma_wait3A_756 = arith.constant 0 : i32
      %dma_wait3A_757 = tpu.memref_slice %arg4[%dma_wait3A_756] : memref<400000xi32, #tpu.memory_space<hbm>> -> memref<128xi32, #tpu.memory_space<hbm>>
      %dma_wait3A_758 = arith.constant 128 : i32
      %dma_wait3A_759 = tpu.memref_slice %arg14[%dma_wait3A_758] : memref<256xi32, #tpu.memory_space<vmem>> -> memref<128xi32, #tpu.memory_space<vmem>>
      %dma_wait3A_760 = arith.constant 0 : i32
      %dma_wait3A_761 = tpu.memref_slice %arg4[%dma_wait3A_760] : memref<400000xi32, #tpu.memory_space<hbm>> -> memref<128xi32, #tpu.memory_space<hbm>>
      tpu.wait_dma2 semaphore(%arg37 : memref<!tpu.dma_semaphore, #tpu.memory_space<semaphore_mem>>) src(%dma_wait3A_761 : memref<128xi32, #tpu.memory_space<hbm>>) dst(%dma_wait3A_759 : memref<128xi32, #tpu.memory_space<vmem>>)
      %dma_wait3A_762 = arith.constant 0 : i32
      %dma_wait3A_763 = tpu.memref_slice %arg16[%dma_wait3A_762] : memref<256xi32, #tpu.memory_space<vmem>> -> memref<128xi32, #tpu.memory_space<vmem>>
      %dma_wait3A_764 = arith.constant 0 : i32
      %dma_wait3A_765 = tpu.memref_slice %arg4[%dma_wait3A_764] : memref<400000xi32, #tpu.memory_space<hbm>> -> memref<128xi32, #tpu.memory_space<hbm>>
      %dma_wait3A_766 = arith.constant 0 : i32
      %dma_wait3A_767 = tpu.memref_slice %arg16[%dma_wait3A_766] : memref<256xi32, #tpu.memory_space<vmem>> -> memref<128xi32, #tpu.memory_space<vmem>>
      %dma_wait3A_768 = arith.constant 0 : i32
      %dma_wait3A_769 = tpu.memref_slice %arg4[%dma_wait3A_768] : memref<400000xi32, #tpu.memory_space<hbm>> -> memref<128xi32, #tpu.memory_space<hbm>>
      tpu.wait_dma2 semaphore(%arg37 : memref<!tpu.dma_semaphore, #tpu.memory_space<semaphore_mem>>) src(%dma_wait3A_769 : memref<128xi32, #tpu.memory_space<hbm>>) dst(%dma_wait3A_767 : memref<128xi32, #tpu.memory_space<vmem>>)
      %dma_wait3A_770 = arith.constant 128 : i32
      %dma_wait3A_771 = tpu.memref_slice %arg16[%dma_wait3A_770] : memref<256xi32, #tpu.memory_space<vmem>> -> memref<128xi32, #tpu.memory_space<vmem>>
      %dma_wait3A_772 = arith.constant 0 : i32
      %dma_wait3A_773 = tpu.memref_slice %arg4[%dma_wait3A_772] : memref<400000xi32, #tpu.memory_space<hbm>> -> memref<128xi32, #tpu.memory_space<hbm>>
      %dma_wait3A_774 = arith.constant 128 : i32
      %dma_wait3A_775 = tpu.memref_slice %arg16[%dma_wait3A_774] : memref<256xi32, #tpu.memory_space<vmem>> -> memref<128xi32, #tpu.memory_space<vmem>>
      %dma_wait3A_776 = arith.constant 0 : i32
      %dma_wait3A_777 = tpu.memref_slice %arg4[%dma_wait3A_776] : memref<400000xi32, #tpu.memory_space<hbm>> -> memref<128xi32, #tpu.memory_space<hbm>>
      tpu.wait_dma2 semaphore(%arg37 : memref<!tpu.dma_semaphore, #tpu.memory_space<semaphore_mem>>) src(%dma_wait3A_777 : memref<128xi32, #tpu.memory_space<hbm>>) dst(%dma_wait3A_775 : memref<128xi32, #tpu.memory_space<vmem>>)
      %get3A_778 = arith.constant 0 : index
      %get3A_779 = tpu.vector_load %arg16[%get3A_778] {strides = array<i32>} : memref<256xi32, #tpu.memory_space<vmem>>, vector<16xi32>,
      %add3A_780 = arith.addi %get3A_779, %broadcast_in_dim3A : vector<16xi32>
      %swap3A_781 = arith.constant 0 : index
      %swap3A_782 = tpu.vector_load %arg18[%swap3A_781] {strides = array<i32>} : memref<128xi32, #tpu.memory_space<vmem>>, vector<16xi32>,
      tpu.vector_store %arg18[%swap3A_781], %add3A_780 {strides = array<i32>} : memref<128xi32, #tpu.memory_space<vmem>>, vector<16xi32>,
      %get3A_783 = arith.constant 0 : index
      %get3A_784 = tpu.vector_load %arg14[%get3A_783] {strides = array<i32>} : memref<256xi32, #tpu.memory_space<vmem>>, vector<16xi32>,
      %add3A_785 = arith.addi %get3A_784, %broadcast_in_dim3A : vector<16xi32>
      %swap3A_786 = arith.constant 0 : index
      %swap3A_787 = tpu.vector_load %arg22[%swap3A_786] {strides = array<i32>} : memref<128xi32, #tpu.memory_space<vmem>>, vector<16xi32>,
      tpu.vector_store %arg22[%swap3A_786], %add3A_785 {strides = array<i32>} : memref<128xi32, #tpu.memory_space<vmem>>, vector<16xi32>,
      %get3A_788 = arith.constant 16 : index
      %get3A_789 = tpu.vector_load %arg16[%get3A_788] {strides = array<i32>} : memref<256xi32, #tpu.memory_space<vmem>>, vector<16xi32>,
      %add3A_790 = arith.addi %get3A_789, %broadcast_in_dim3A : vector<16xi32>
      %swap3A_791 = arith.constant 16 : index
      %swap3A_792 = tpu.vector_load %arg18[%swap3A_791] {strides = array<i32>} : memref<128xi32, #tpu.memory_space<vmem>>, vector<16xi32>,
      tpu.vector_store %arg18[%swap3A_791], %add3A_790 {strides = array<i32>} : memref<128xi32, #tpu.memory_space<vmem>>, vector<16xi32>,
      %get3A_793 = arith.constant 16 : index
      %get3A_794 = tpu.vector_load %arg14[%get3A_793] {strides = array<i32>} : memref<256xi32, #tpu.memory_space<vmem>>, vector<16xi32>,
      %add3A_795 = arith.addi %get3A_794, %broadcast_in_dim3A : vector<16xi32>
      %swap3A_796 = arith.constant 16 : index
      %swap3A_797 = tpu.vector_load %arg22[%swap3A_796] {strides = array<i32>} : memref<128xi32, #tpu.memory_space<vmem>>, vector<16xi32>,
      tpu.vector_store %arg22[%swap3A_796], %add3A_795 {strides = array<i32>} : memref<128xi32, #tpu.memory_space<vmem>>, vector<16xi32>,
      %get3A_798 = arith.constant 32 : index
      %get3A_799 = tpu.vector_load %arg16[%get3A_798] {strides = array<i32>} : memref<256xi32, #tpu.memory_space<vmem>>, vector<16xi32>,
      %add3A_800 = arith.addi %get3A_799, %broadcast_in_dim3A : vector<16xi32>
      %swap3A_801 = arith.constant 32 : index
      %swap3A_802 = tpu.vector_load %arg18[%swap3A_801] {strides = array<i32>} : memref<128xi32, #tpu.memory_space<vmem>>, vector<16xi32>,
      tpu.vector_store %arg18[%swap3A_801], %add3A_800 {strides = array<i32>} : memref<128xi32, #tpu.memory_space<vmem>>, vector<16xi32>,
      %get3A_803 = arith.constant 32 : index
      %get3A_804 = tpu.vector_load %arg14[%get3A_803] {strides = array<i32>} : memref<256xi32, #tpu.memory_space<vmem>>, vector<16xi32>,
      %add3A_805 = arith.addi %get3A_804, %broadcast_in_dim3A : vector<16xi32>
      %swap3A_806 = arith.constant 32 : index
      %swap3A_807 = tpu.vector_load %arg22[%swap3A_806] {strides = array<i32>} : memref<128xi32, #tpu.memory_space<vmem>>, vector<16xi32>,
      tpu.vector_store %arg22[%swap3A_806], %add3A_805 {strides = array<i32>} : memref<128xi32, #tpu.memory_space<vmem>>, vector<16xi32>,
      %get3A_808 = arith.constant 48 : index
      %get3A_809 = tpu.vector_load %arg16[%get3A_808] {strides = array<i32>} : memref<256xi32, #tpu.memory_space<vmem>>, vector<16xi32>,
      %add3A_810 = arith.addi %get3A_809, %broadcast_in_dim3A : vector<16xi32>
      %swap3A_811 = arith.constant 48 : index
      %swap3A_812 = tpu.vector_load %arg18[%swap3A_811] {strides = array<i32>} : memref<128xi32, #tpu.memory_space<vmem>>, vector<16xi32>,
      tpu.vector_store %arg18[%swap3A_811], %add3A_810 {strides = array<i32>} : memref<128xi32, #tpu.memory_space<vmem>>, vector<16xi32>,
      %get3A_813 = arith.constant 48 : index
      %get3A_814 = tpu.vector_load %arg14[%get3A_813] {strides = array<i32>} : memref<256xi32, #tpu.memory_space<vmem>>, vector<16xi32>,
      %add3A_815 = arith.addi %get3A_814, %broadcast_in_dim3A : vector<16xi32>
      %swap3A_816 = arith.constant 48 : index
      %swap3A_817 = tpu.vector_load %arg22[%swap3A_816] {strides = array<i32>} : memref<128xi32, #tpu.memory_space<vmem>>, vector<16xi32>,
      tpu.vector_store %arg22[%swap3A_816], %add3A_815 {strides = array<i32>} : memref<128xi32, #tpu.memory_space<vmem>>, vector<16xi32>,
      %get3A_818 = arith.constant 64 : index
      %get3A_819 = tpu.vector_load %arg16[%get3A_818] {strides = array<i32>} : memref<256xi32, #tpu.memory_space<vmem>>, vector<16xi32>,
      %add3A_820 = arith.addi %get3A_819, %broadcast_in_dim3A : vector<16xi32>
      %swap3A_821 = arith.constant 64 : index
      %swap3A_822 = tpu.vector_load %arg18[%swap3A_821] {strides = array<i32>} : memref<128xi32, #tpu.memory_space<vmem>>, vector<16xi32>,
      tpu.vector_store %arg18[%swap3A_821], %add3A_820 {strides = array<i32>} : memref<128xi32, #tpu.memory_space<vmem>>, vector<16xi32>,
      %get3A_823 = arith.constant 64 : index
      %get3A_824 = tpu.vector_load %arg14[%get3A_823] {strides = array<i32>} : memref<256xi32, #tpu.memory_space<vmem>>, vector<16xi32>,
      %add3A_825 = arith.addi %get3A_824, %broadcast_in_dim3A : vector<16xi32>
      %swap3A_826 = arith.constant 64 : index
      %swap3A_827 = tpu.vector_load %arg22[%swap3A_826] {strides = array<i32>} : memref<128xi32, #tpu.memory_space<vmem>>, vector<16xi32>,
      tpu.vector_store %arg22[%swap3A_826], %add3A_825 {strides = array<i32>} : memref<128xi32, #tpu.memory_space<vmem>>, vector<16xi32>,
      %get3A_828 = arith.constant 80 : index
      %get3A_829 = tpu.vector_load %arg16[%get3A_828] {strides = array<i32>} : memref<256xi32, #tpu.memory_space<vmem>>, vector<16xi32>,
      %add3A_830 = arith.addi %get3A_829, %broadcast_in_dim3A : vector<16xi32>
      %swap3A_831 = arith.constant 80 : index
      %swap3A_832 = tpu.vector_load %arg18[%swap3A_831] {strides = array<i32>} : memref<128xi32, #tpu.memory_space<vmem>>, vector<16xi32>,
      tpu.vector_store %arg18[%swap3A_831], %add3A_830 {strides = array<i32>} : memref<128xi32, #tpu.memory_space<vmem>>, vector<16xi32>,
      %get3A_833 = arith.constant 80 : index
      %get3A_834 = tpu.vector_load %arg14[%get3A_833] {strides = array<i32>} : memref<256xi32, #tpu.memory_space<vmem>>, vector<16xi32>,
      %add3A_835 = arith.addi %get3A_834, %broadcast_in_dim3A : vector<16xi32>
      %swap3A_836 = arith.constant 80 : index
      %swap3A_837 = tpu.vector_load %arg22[%swap3A_836] {strides = array<i32>} : memref<128xi32, #tpu.memory_space<vmem>>, vector<16xi32>,
      tpu.vector_store %arg22[%swap3A_836], %add3A_835 {strides = array<i32>} : memref<128xi32, #tpu.memory_space<vmem>>, vector<16xi32>,
      %get3A_838 = arith.constant 96 : index
      %get3A_839 = tpu.vector_load %arg16[%get3A_838] {strides = array<i32>} : memref<256xi32, #tpu.memory_space<vmem>>, vector<16xi32>,
      %add3A_840 = arith.addi %get3A_839, %broadcast_in_dim3A : vector<16xi32>
      %swap3A_841 = arith.constant 96 : index
      %swap3A_842 = tpu.vector_load %arg18[%swap3A_841] {strides = array<i32>} : memref<128xi32, #tpu.memory_space<vmem>>, vector<16xi32>,
      tpu.vector_store %arg18[%swap3A_841], %add3A_840 {strides = array<i32>} : memref<128xi32, #tpu.memory_space<vmem>>, vector<16xi32>,
      %get3A_843 = arith.constant 96 : index
      %get3A_844 = tpu.vector_load %arg14[%get3A_843] {strides = array<i32>} : memref<256xi32, #tpu.memory_space<vmem>>, vector<16xi32>,
      %add3A_845 = arith.addi %get3A_844, %broadcast_in_dim3A : vector<16xi32>
      %swap3A_846 = arith.constant 96 : index
      %swap3A_847 = tpu.vector_load %arg22[%swap3A_846] {strides = array<i32>} : memref<128xi32, #tpu.memory_space<vmem>>, vector<16xi32>,
      tpu.vector_store %arg22[%swap3A_846], %add3A_845 {strides = array<i32>} : memref<128xi32, #tpu.memory_space<vmem>>, vector<16xi32>,
      %get3A_848 = arith.constant 112 : index
      %get3A_849 = tpu.vector_load %arg16[%get3A_848] {strides = array<i32>} : memref<256xi32, #tpu.memory_space<vmem>>, vector<16xi32>,
      %add3A_850 = arith.addi %get3A_849, %broadcast_in_dim3A : vector<16xi32>
      %swap3A_851 = arith.constant 112 : index
      %swap3A_852 = tpu.vector_load %arg18[%swap3A_851] {strides = array<i32>} : memref<128xi32, #tpu.memory_space<vmem>>, vector<16xi32>,
      tpu.vector_store %arg18[%swap3A_851], %add3A_850 {strides = array<i32>} : memref<128xi32, #tpu.memory_space<vmem>>, vector<16xi32>,
      %get3A_853 = arith.constant 112 : index
      %get3A_854 = tpu.vector_load %arg14[%get3A_853] {strides = array<i32>} : memref<256xi32, #tpu.memory_space<vmem>>, vector<16xi32>,
      %add3A_855 = arith.addi %get3A_854, %broadcast_in_dim3A : vector<16xi32>
      %swap3A_856 = arith.constant 112 : index
      %swap3A_857 = tpu.vector_load %arg22[%swap3A_856] {strides = array<i32>} : memref<128xi32, #tpu.memory_space<vmem>>, vector<16xi32>,
      tpu.vector_store %arg22[%swap3A_856], %add3A_855 {strides = array<i32>} : memref<128xi32, #tpu.memory_space<vmem>>, vector<16xi32>,
      %get3A_858 = arith.constant 128 : index
      %get3A_859 = tpu.vector_load %arg16[%get3A_858] {strides = array<i32>} : memref<256xi32, #tpu.memory_space<vmem>>, vector<16xi32>,
      %add3A_860 = arith.addi %get3A_859, %broadcast_in_dim3A : vector<16xi32>
      %swap3A_861 = arith.constant 0 : index
      %swap3A_862 = tpu.vector_load %arg20[%swap3A_861] {strides = array<i32>} : memref<128xi32, #tpu.memory_space<vmem>>, vector<16xi32>,
      tpu.vector_store %arg20[%swap3A_861], %add3A_860 {strides = array<i32>} : memref<128xi32, #tpu.memory_space<vmem>>, vector<16xi32>,
      %get3A_863 = arith.constant 128 : index
      %get3A_864 = tpu.vector_load %arg14[%get3A_863] {strides = array<i32>} : memref<256xi32, #tpu.memory_space<vmem>>, vector<16xi32>,
      %add3A_865 = arith.addi %get3A_864, %broadcast_in_dim3A : vector<16xi32>
      %swap3A_866 = arith.constant 0 : index
      %swap3A_867 = tpu.vector_load %arg24[%swap3A_866] {strides = array<i32>} : memref<128xi32, #tpu.memory_space<vmem>>, vector<16xi32>,
      tpu.vector_store %arg24[%swap3A_866], %add3A_865 {strides = array<i32>} : memref<128xi32, #tpu.memory_space<vmem>>, vector<16xi32>,
      %get3A_868 = arith.constant 144 : index
      %get3A_869 = tpu.vector_load %arg16[%get3A_868] {strides = array<i32>} : memref<256xi32, #tpu.memory_space<vmem>>, vector<16xi32>,
      %add3A_870 = arith.addi %get3A_869, %broadcast_in_dim3A : vector<16xi32>
      %swap3A_871 = arith.constant 16 : index
      %swap3A_872 = tpu.vector_load %arg20[%swap3A_871] {strides = array<i32>} : memref<128xi32, #tpu.memory_space<vmem>>, vector<16xi32>,
      tpu.vector_store %arg20[%swap3A_871], %add3A_870 {strides = array<i32>} : memref<128xi32, #tpu.memory_space<vmem>>, vector<16xi32>,
      %get3A_873 = arith.constant 144 : index
      %get3A_874 = tpu.vector_load %arg14[%get3A_873] {strides = array<i32>} : memref<256xi32, #tpu.memory_space<vmem>>, vector<16xi32>,
      %add3A_875 = arith.addi %get3A_874, %broadcast_in_dim3A : vector<16xi32>
      %swap3A_876 = arith.constant 16 : index
      %swap3A_877 = tpu.vector_load %arg24[%swap3A_876] {strides = array<i32>} : memref<128xi32, #tpu.memory_space<vmem>>, vector<16xi32>,
      tpu.vector_store %arg24[%swap3A_876], %add3A_875 {strides = array<i32>} : memref<128xi32, #tpu.memory_space<vmem>>, vector<16xi32>,
      %get3A_878 = arith.constant 160 : index
      %get3A_879 = tpu.vector_load %arg16[%get3A_878] {strides = array<i32>} : memref<256xi32, #tpu.memory_space<vmem>>, vector<16xi32>,
      %add3A_880 = arith.addi %get3A_879, %broadcast_in_dim3A : vector<16xi32>
      %swap3A_881 = arith.constant 32 : index
      %swap3A_882 = tpu.vector_load %arg20[%swap3A_881] {strides = array<i32>} : memref<128xi32, #tpu.memory_space<vmem>>, vector<16xi32>,
      tpu.vector_store %arg20[%swap3A_881], %add3A_880 {strides = array<i32>} : memref<128xi32, #tpu.memory_space<vmem>>, vector<16xi32>,
      %get3A_883 = arith.constant 160 : index
      %get3A_884 = tpu.vector_load %arg14[%get3A_883] {strides = array<i32>} : memref<256xi32, #tpu.memory_space<vmem>>, vector<16xi32>,
      %add3A_885 = arith.addi %get3A_884, %broadcast_in_dim3A : vector<16xi32>
      %swap3A_886 = arith.constant 32 : index
      %swap3A_887 = tpu.vector_load %arg24[%swap3A_886] {strides = array<i32>} : memref<128xi32, #tpu.memory_space<vmem>>, vector<16xi32>,
      tpu.vector_store %arg24[%swap3A_886], %add3A_885 {strides = array<i32>} : memref<128xi32, #tpu.memory_space<vmem>>, vector<16xi32>,
      %get3A_888 = arith.constant 176 : index
      %get3A_889 = tpu.vector_load %arg16[%get3A_888] {strides = array<i32>} : memref<256xi32, #tpu.memory_space<vmem>>, vector<16xi32>,
      %add3A_890 = arith.addi %get3A_889, %broadcast_in_dim3A : vector<16xi32>
      %swap3A_891 = arith.constant 48 : index
      %swap3A_892 = tpu.vector_load %arg20[%swap3A_891] {strides = array<i32>} : memref<128xi32, #tpu.memory_space<vmem>>, vector<16xi32>,
      tpu.vector_store %arg20[%swap3A_891], %add3A_890 {strides = array<i32>} : memref<128xi32, #tpu.memory_space<vmem>>, vector<16xi32>,
      %get3A_893 = arith.constant 176 : index
      %get3A_894 = tpu.vector_load %arg14[%get3A_893] {strides = array<i32>} : memref<256xi32, #tpu.memory_space<vmem>>, vector<16xi32>,
      %add3A_895 = arith.addi %get3A_894, %broadcast_in_dim3A : vector<16xi32>
      %swap3A_896 = arith.constant 48 : index
      %swap3A_897 = tpu.vector_load %arg24[%swap3A_896] {strides = array<i32>} : memref<128xi32, #tpu.memory_space<vmem>>, vector<16xi32>,
      tpu.vector_store %arg24[%swap3A_896], %add3A_895 {strides = array<i32>} : memref<128xi32, #tpu.memory_space<vmem>>, vector<16xi32>,
      %get3A_898 = arith.constant 192 : index
      %get3A_899 = tpu.vector_load %arg16[%get3A_898] {strides = array<i32>} : memref<256xi32, #tpu.memory_space<vmem>>, vector<16xi32>,
      %add3A_900 = arith.addi %get3A_899, %broadcast_in_dim3A : vector<16xi32>
      %swap3A_901 = arith.constant 64 : index
      %swap3A_902 = tpu.vector_load %arg20[%swap3A_901] {strides = array<i32>} : memref<128xi32, #tpu.memory_space<vmem>>, vector<16xi32>,
      tpu.vector_store %arg20[%swap3A_901], %add3A_900 {strides = array<i32>} : memref<128xi32, #tpu.memory_space<vmem>>, vector<16xi32>,
      %get3A_903 = arith.constant 192 : index
      %get3A_904 = tpu.vector_load %arg14[%get3A_903] {strides = array<i32>} : memref<256xi32, #tpu.memory_space<vmem>>, vector<16xi32>,
      %add3A_905 = arith.addi %get3A_904, %broadcast_in_dim3A : vector<16xi32>
      %swap3A_906 = arith.constant 64 : index
      %swap3A_907 = tpu.vector_load %arg24[%swap3A_906] {strides = array<i32>} : memref<128xi32, #tpu.memory_space<vmem>>, vector<16xi32>,
      tpu.vector_store %arg24[%swap3A_906], %add3A_905 {strides = array<i32>} : memref<128xi32, #tpu.memory_space<vmem>>, vector<16xi32>,
      %get3A_908 = arith.constant 208 : index
      %get3A_909 = tpu.vector_load %arg16[%get3A_908] {strides = array<i32>} : memref<256xi32, #tpu.memory_space<vmem>>, vector<16xi32>,
      %add3A_910 = arith.addi %get3A_909, %broadcast_in_dim3A : vector<16xi32>
      %swap3A_911 = arith.constant 80 : index
      %swap3A_912 = tpu.vector_load %arg20[%swap3A_911] {strides = array<i32>} : memref<128xi32, #tpu.memory_space<vmem>>, vector<16xi32>,
      tpu.vector_store %arg20[%swap3A_911], %add3A_910 {strides = array<i32>} : memref<128xi32, #tpu.memory_space<vmem>>, vector<16xi32>,
      %get3A_913 = arith.constant 208 : index
      %get3A_914 = tpu.vector_load %arg14[%get3A_913] {strides = array<i32>} : memref<256xi32, #tpu.memory_space<vmem>>, vector<16xi32>,
      %add3A_915 = arith.addi %get3A_914, %broadcast_in_dim3A : vector<16xi32>
      %swap3A_916 = arith.constant 80 : index
      %swap3A_917 = tpu.vector_load %arg24[%swap3A_916] {strides = array<i32>} : memref<128xi32, #tpu.memory_space<vmem>>, vector<16xi32>,
      tpu.vector_store %arg24[%swap3A_916], %add3A_915 {strides = array<i32>} : memref<128xi32, #tpu.memory_space<vmem>>, vector<16xi32>,
      %get3A_918 = arith.constant 224 : index
      %get3A_919 = tpu.vector_load %arg16[%get3A_918] {strides = array<i32>} : memref<256xi32, #tpu.memory_space<vmem>>, vector<16xi32>,
      %add3A_920 = arith.addi %get3A_919, %broadcast_in_dim3A : vector<16xi32>
      %swap3A_921 = arith.constant 96 : index
      %swap3A_922 = tpu.vector_load %arg20[%swap3A_921] {strides = array<i32>} : memref<128xi32, #tpu.memory_space<vmem>>, vector<16xi32>,
      tpu.vector_store %arg20[%swap3A_921], %add3A_920 {strides = array<i32>} : memref<128xi32, #tpu.memory_space<vmem>>, vector<16xi32>,
      %get3A_923 = arith.constant 224 : index
      %get3A_924 = tpu.vector_load %arg14[%get3A_923] {strides = array<i32>} : memref<256xi32, #tpu.memory_space<vmem>>, vector<16xi32>,
      %add3A_925 = arith.addi %get3A_924, %broadcast_in_dim3A : vector<16xi32>
      %swap3A_926 = arith.constant 96 : index
      %swap3A_927 = tpu.vector_load %arg24[%swap3A_926] {strides = array<i32>} : memref<128xi32, #tpu.memory_space<vmem>>, vector<16xi32>,
      tpu.vector_store %arg24[%swap3A_926], %add3A_925 {strides = array<i32>} : memref<128xi32, #tpu.memory_space<vmem>>, vector<16xi32>,
      %get3A_928 = arith.constant 240 : index
      %get3A_929 = tpu.vector_load %arg16[%get3A_928] {strides = array<i32>} : memref<256xi32, #tpu.memory_space<vmem>>, vector<16xi32>,
      %add3A_930 = arith.addi %get3A_929, %broadcast_in_dim3A : vector<16xi32>
      %swap3A_931 = arith.constant 112 : index
      %swap3A_932 = tpu.vector_load %arg20[%swap3A_931] {strides = array<i32>} : memref<128xi32, #tpu.memory_space<vmem>>, vector<16xi32>,
      tpu.vector_store %arg20[%swap3A_931], %add3A_930 {strides = array<i32>} : memref<128xi32, #tpu.memory_space<vmem>>, vector<16xi32>,
      %get3A_933 = arith.constant 240 : index
      %get3A_934 = tpu.vector_load %arg14[%get3A_933] {strides = array<i32>} : memref<256xi32, #tpu.memory_space<vmem>>, vector<16xi32>,
      %add3A_935 = arith.addi %get3A_934, %broadcast_in_dim3A : vector<16xi32>
      %swap3A_936 = arith.constant 112 : index
      %swap3A_937 = tpu.vector_load %arg24[%swap3A_936] {strides = array<i32>} : memref<128xi32, #tpu.memory_space<vmem>>, vector<16xi32>,
      tpu.vector_store %arg24[%swap3A_936], %add3A_935 {strides = array<i32>} : memref<128xi32, #tpu.memory_space<vmem>>, vector<16xi32>,
      %dma_start3A_938 = arith.constant 0 : i32
      %dma_start3A_939 = arith.constant 0 : i32
      %dma_start3A_940 = tpu.memref_slice %arg30[%dma_start3A_938, %dma_start3A_939] : memref<256x32xbf16, #tpu.memory_space<vmem>> -> memref<128x32xbf16, #tpu.memory_space<vmem>>
      %dma_start3A_941 = arith.constant 0 : i32
      %dma_start3A_942 = arith.constant 0 : i32
      %dma_start3A_943 = tpu.memref_slice %arg2[%dma_start3A_941, %dma_start3A_942] : memref<50000x32xbf16, #tpu.memory_space<hbm>> -> memref<50000x32xbf16, #tpu.memory_space<hbm>>
      tpu.enqueue_indirect_dma source(%dma_start3A_943 : memref<50000x32xbf16, #tpu.memory_space<hbm>>) target(%dma_start3A_940 : memref<128x32xbf16, #tpu.memory_space<vmem>>) offsets(%arg18 : memref<128xi32, #tpu.memory_space<vmem>>) semaphore(%arg39 : memref<!tpu.dma_semaphore, #tpu.memory_space<semaphore_mem>>)
      %dma_start3A_944 = arith.constant 128 : i32
      %dma_start3A_945 = arith.constant 0 : i32
      %dma_start3A_946 = tpu.memref_slice %arg30[%dma_start3A_944, %dma_start3A_945] : memref<256x32xbf16, #tpu.memory_space<vmem>> -> memref<128x32xbf16, #tpu.memory_space<vmem>>
      %dma_start3A_947 = arith.constant 0 : i32
      %dma_start3A_948 = arith.constant 0 : i32
      %dma_start3A_949 = tpu.memref_slice %arg2[%dma_start3A_947, %dma_start3A_948] : memref<50000x32xbf16, #tpu.memory_space<hbm>> -> memref<50000x32xbf16, #tpu.memory_space<hbm>>
      tpu.enqueue_indirect_dma source(%dma_start3A_949 : memref<50000x32xbf16, #tpu.memory_space<hbm>>) target(%dma_start3A_946 : memref<128x32xbf16, #tpu.memory_space<vmem>>) offsets(%arg20 : memref<128xi32, #tpu.memory_space<vmem>>) semaphore(%arg39 : memref<!tpu.dma_semaphore, #tpu.memory_space<semaphore_mem>>)
      %dma_start3A_950 = arith.constant 0 : i32
      %dma_start3A_951 = arith.constant 0 : i32
      %dma_start3A_952 = tpu.memref_slice %arg32[%dma_start3A_950, %dma_start3A_951] : memref<256x64xbf16, #tpu.memory_space<vmem>> -> memref<128x64xbf16, #tpu.memory_space<vmem>>
      %dma_start3A_953 = arith.constant 0 : i32
      %dma_start3A_954 = arith.constant 0 : i32
      %dma_start3A_955 = tpu.memref_slice %arg3[%dma_start3A_953, %dma_start3A_954] : memref<50000x64xbf16, #tpu.memory_space<hbm>> -> memref<50000x64xbf16, #tpu.memory_space<hbm>>
      tpu.enqueue_indirect_dma source(%dma_start3A_955 : memref<50000x64xbf16, #tpu.memory_space<hbm>>) target(%dma_start3A_952 : memref<128x64xbf16, #tpu.memory_space<vmem>>) offsets(%arg22 : memref<128xi32, #tpu.memory_space<vmem>>) semaphore(%arg41 : memref<!tpu.dma_semaphore, #tpu.memory_space<semaphore_mem>>)
      %dma_start3A_956 = arith.constant 128 : i32
      %dma_start3A_957 = arith.constant 0 : i32
      %dma_start3A_958 = tpu.memref_slice %arg32[%dma_start3A_956, %dma_start3A_957] : memref<256x64xbf16, #tpu.memory_space<vmem>> -> memref<128x64xbf16, #tpu.memory_space<vmem>>
      %dma_start3A_959 = arith.constant 0 : i32
      %dma_start3A_960 = arith.constant 0 : i32
      %dma_start3A_961 = tpu.memref_slice %arg3[%dma_start3A_959, %dma_start3A_960] : memref<50000x64xbf16, #tpu.memory_space<hbm>> -> memref<50000x64xbf16, #tpu.memory_space<hbm>>
      tpu.enqueue_indirect_dma source(%dma_start3A_961 : memref<50000x64xbf16, #tpu.memory_space<hbm>>) target(%dma_start3A_958 : memref<128x64xbf16, #tpu.memory_space<vmem>>) offsets(%arg24 : memref<128xi32, #tpu.memory_space<vmem>>) semaphore(%arg41 : memref<!tpu.dma_semaphore, #tpu.memory_space<semaphore_mem>>)
      %ge3A = arith.constant 2 : i32
      %ge3A_962 = arith.cmpi sge, %mul3A_745, %ge3A : i32
      %convert_element_type3A = arith.extui %ge3A_962 : i1 to i32
      %cond3A = arith.constant 0 : i32
      %cond3A_963 = arith.cmpi ne, %convert_element_type3A, %cond3A : i32
      scf.if %cond3A_963 {
        %dma_wait3A_1732 = arith.constant 0 : i32
        %dma_wait3A_1733 = arith.constant 0 : i32
        %dma_wait3A_1734 = tpu.memref_slice %arg33[%dma_wait3A_1732, %dma_wait3A_1733] : memref<256x40xf32, #tpu.memory_space<vmem>> -> memref<128x40xf32, #tpu.memory_space<vmem>>
        %dma_wait3A_1735 = arith.constant 0 : i32
        %dma_wait3A_1736 = arith.constant 0 : i32
        %dma_wait3A_1737 = tpu.memref_slice %arg35[%dma_wait3A_1735, %dma_wait3A_1736] : memref<25088x40xf32, #tpu.memory_space<vmem_shared>> -> memref<25088x40xf32, #tpu.memory_space<vmem_shared>>
        tpu.wait_indirect_dma semaphore(%arg42 : memref<!tpu.dma_semaphore, #tpu.memory_space<semaphore_mem>>) src(%dma_wait3A_1734 : memref<128x40xf32, #tpu.memory_space<vmem>>) dst(%dma_wait3A_1737 : memref<25088x40xf32, #tpu.memory_space<vmem_shared>>)
        %dma_wait3A_1738 = arith.constant 128 : i32
        %dma_wait3A_1739 = arith.constant 0 : i32
        %dma_wait3A_1740 = tpu.memref_slice %arg33[%dma_wait3A_1738, %dma_wait3A_1739] : memref<256x40xf32, #tpu.memory_space<vmem>> -> memref<128x40xf32, #tpu.memory_space<vmem>>
        %dma_wait3A_1741 = arith.constant 0 : i32
        %dma_wait3A_1742 = arith.constant 0 : i32
        %dma_wait3A_1743 = tpu.memref_slice %arg35[%dma_wait3A_1741, %dma_wait3A_1742] : memref<25088x40xf32, #tpu.memory_space<vmem_shared>> -> memref<25088x40xf32, #tpu.memory_space<vmem_shared>>
        tpu.wait_indirect_dma semaphore(%arg42 : memref<!tpu.dma_semaphore, #tpu.memory_space<semaphore_mem>>) src(%dma_wait3A_1740 : memref<128x40xf32, #tpu.memory_space<vmem>>) dst(%dma_wait3A_1743 : memref<25088x40xf32, #tpu.memory_space<vmem_shared>>)
      } else {
      }
      %mul3A_964 = arith.constant 16 : i32
      %mul3A_965 = arith.muli %mul3A_745, %mul3A_964 : i32
      %add3A_966 = arith.addi %arg1, %mul3A_965 : i32
      %mul3A_967 = arith.constant 256 : i32
      %mul3A_968 = arith.muli %add3A_966, %mul3A_967 : i32
      %add3A_969 = arith.constant 0 : i32
      %add3A_970 = arith.addi %mul3A_968, %add3A_969 : i32
      %add3A_971 = vector.broadcast %add3A_970 : i32 to vector<16xi32>
      %add3A_972 = arith.addi %iota3A, %add3A_971 : vector<16xi32>
      %lt3A = arith.constant 400000 : i32
      %lt3A_973 = vector.broadcast %lt3A : i32 to vector<16xi32>
      %lt3A_974 = arith.cmpi slt, %add3A_972, %lt3A_973 : vector<16xi32>
      %get3A_975 = arith.constant 0 : index
      %get3A_976 = tpu.vector_load %arg15[%get3A_975] {strides = array<i32>} : memref<256xi32, #tpu.memory_space<vmem>>, vector<16xi32>,
      %select_n3A = arith.select %lt3A_974, %get3A_976, %broadcast_in_dim3A_6 : vector<16xi1>, vector<16xi32>
      %swap3A_977 = arith.constant 0 : index
      %swap3A_978 = tpu.vector_load %arg25[%swap3A_977] {strides = array<i32>} : memref<128xi32, #tpu.memory_space<vmem>>, vector<16xi32>,
      tpu.vector_store %arg25[%swap3A_977], %select_n3A {strides = array<i32>} : memref<128xi32, #tpu.memory_space<vmem>>, vector<16xi32>,
      %add3A_979 = arith.constant 16 : i32
      %add3A_980 = arith.addi %mul3A_968, %add3A_979 : i32
      %add3A_981 = vector.broadcast %add3A_980 : i32 to vector<16xi32>
      %add3A_982 = arith.addi %iota3A, %add3A_981 : vector<16xi32>
      %lt3A_983 = arith.constant 400000 : i32
      %lt3A_984 = vector.broadcast %lt3A_983 : i32 to vector<16xi32>
      %lt3A_985 = arith.cmpi slt, %add3A_982, %lt3A_984 : vector<16xi32>
      %get3A_986 = arith.constant 16 : index
      %get3A_987 = tpu.vector_load %arg15[%get3A_986] {strides = array<i32>} : memref<256xi32, #tpu.memory_space<vmem>>, vector<16xi32>,
      %select_n3A_988 = arith.select %lt3A_985, %get3A_987, %broadcast_in_dim3A_6 : vector<16xi1>, vector<16xi32>
      %swap3A_989 = arith.constant 16 : index
      %swap3A_990 = tpu.vector_load %arg25[%swap3A_989] {strides = array<i32>} : memref<128xi32, #tpu.memory_space<vmem>>, vector<16xi32>,
      tpu.vector_store %arg25[%swap3A_989], %select_n3A_988 {strides = array<i32>} : memref<128xi32, #tpu.memory_space<vmem>>, vector<16xi32>,
      %add3A_991 = arith.constant 32 : i32
      %add3A_992 = arith.addi %mul3A_968, %add3A_991 : i32
      %add3A_993 = vector.broadcast %add3A_992 : i32 to vector<16xi32>
      %add3A_994 = arith.addi %iota3A, %add3A_993 : vector<16xi32>
      %lt3A_995 = arith.constant 400000 : i32
      %lt3A_996 = vector.broadcast %lt3A_995 : i32 to vector<16xi32>
      %lt3A_997 = arith.cmpi slt, %add3A_994, %lt3A_996 : vector<16xi32>
      %get3A_998 = arith.constant 32 : index
      %get3A_999 = tpu.vector_load %arg15[%get3A_998] {strides = array<i32>} : memref<256xi32, #tpu.memory_space<vmem>>, vector<16xi32>,
      %select_n3A_1000 = arith.select %lt3A_997, %get3A_999, %broadcast_in_dim3A_6 : vector<16xi1>, vector<16xi32>
      %swap3A_1001 = arith.constant 32 : index
      %swap3A_1002 = tpu.vector_load %arg25[%swap3A_1001] {strides = array<i32>} : memref<128xi32, #tpu.memory_space<vmem>>, vector<16xi32>,
      tpu.vector_store %arg25[%swap3A_1001], %select_n3A_1000 {strides = array<i32>} : memref<128xi32, #tpu.memory_space<vmem>>, vector<16xi32>,
      %add3A_1003 = arith.constant 48 : i32
      %add3A_1004 = arith.addi %mul3A_968, %add3A_1003 : i32
      %add3A_1005 = vector.broadcast %add3A_1004 : i32 to vector<16xi32>
      %add3A_1006 = arith.addi %iota3A, %add3A_1005 : vector<16xi32>
      %lt3A_1007 = arith.constant 400000 : i32
      %lt3A_1008 = vector.broadcast %lt3A_1007 : i32 to vector<16xi32>
      %lt3A_1009 = arith.cmpi slt, %add3A_1006, %lt3A_1008 : vector<16xi32>
      %get3A_1010 = arith.constant 48 : index
      %get3A_1011 = tpu.vector_load %arg15[%get3A_1010] {strides = array<i32>} : memref<256xi32, #tpu.memory_space<vmem>>, vector<16xi32>,
      %select_n3A_1012 = arith.select %lt3A_1009, %get3A_1011, %broadcast_in_dim3A_6 : vector<16xi1>, vector<16xi32>
      %swap3A_1013 = arith.constant 48 : index
      %swap3A_1014 = tpu.vector_load %arg25[%swap3A_1013] {strides = array<i32>} : memref<128xi32, #tpu.memory_space<vmem>>, vector<16xi32>,
      tpu.vector_store %arg25[%swap3A_1013], %select_n3A_1012 {strides = array<i32>} : memref<128xi32, #tpu.memory_space<vmem>>, vector<16xi32>,
      %add3A_1015 = arith.constant 64 : i32
      %add3A_1016 = arith.addi %mul3A_968, %add3A_1015 : i32
      %add3A_1017 = vector.broadcast %add3A_1016 : i32 to vector<16xi32>
      %add3A_1018 = arith.addi %iota3A, %add3A_1017 : vector<16xi32>
      %lt3A_1019 = arith.constant 400000 : i32
      %lt3A_1020 = vector.broadcast %lt3A_1019 : i32 to vector<16xi32>
      %lt3A_1021 = arith.cmpi slt, %add3A_1018, %lt3A_1020 : vector<16xi32>
      %get3A_1022 = arith.constant 64 : index
      %get3A_1023 = tpu.vector_load %arg15[%get3A_1022] {strides = array<i32>} : memref<256xi32, #tpu.memory_space<vmem>>, vector<16xi32>,
      %select_n3A_1024 = arith.select %lt3A_1021, %get3A_1023, %broadcast_in_dim3A_6 : vector<16xi1>, vector<16xi32>
      %swap3A_1025 = arith.constant 64 : index
      %swap3A_1026 = tpu.vector_load %arg25[%swap3A_1025] {strides = array<i32>} : memref<128xi32, #tpu.memory_space<vmem>>, vector<16xi32>,
      tpu.vector_store %arg25[%swap3A_1025], %select_n3A_1024 {strides = array<i32>} : memref<128xi32, #tpu.memory_space<vmem>>, vector<16xi32>,
      %add3A_1027 = arith.constant 80 : i32
      %add3A_1028 = arith.addi %mul3A_968, %add3A_1027 : i32
      %add3A_1029 = vector.broadcast %add3A_1028 : i32 to vector<16xi32>
      %add3A_1030 = arith.addi %iota3A, %add3A_1029 : vector<16xi32>
      %lt3A_1031 = arith.constant 400000 : i32
      %lt3A_1032 = vector.broadcast %lt3A_1031 : i32 to vector<16xi32>
      %lt3A_1033 = arith.cmpi slt, %add3A_1030, %lt3A_1032 : vector<16xi32>
      %get3A_1034 = arith.constant 80 : index
      %get3A_1035 = tpu.vector_load %arg15[%get3A_1034] {strides = array<i32>} : memref<256xi32, #tpu.memory_space<vmem>>, vector<16xi32>,
      %select_n3A_1036 = arith.select %lt3A_1033, %get3A_1035, %broadcast_in_dim3A_6 : vector<16xi1>, vector<16xi32>
      %swap3A_1037 = arith.constant 80 : index
      %swap3A_1038 = tpu.vector_load %arg25[%swap3A_1037] {strides = array<i32>} : memref<128xi32, #tpu.memory_space<vmem>>, vector<16xi32>,
      tpu.vector_store %arg25[%swap3A_1037], %select_n3A_1036 {strides = array<i32>} : memref<128xi32, #tpu.memory_space<vmem>>, vector<16xi32>,
      %add3A_1039 = arith.constant 96 : i32
      %add3A_1040 = arith.addi %mul3A_968, %add3A_1039 : i32
      %add3A_1041 = vector.broadcast %add3A_1040 : i32 to vector<16xi32>
      %add3A_1042 = arith.addi %iota3A, %add3A_1041 : vector<16xi32>
      %lt3A_1043 = arith.constant 400000 : i32
      %lt3A_1044 = vector.broadcast %lt3A_1043 : i32 to vector<16xi32>
      %lt3A_1045 = arith.cmpi slt, %add3A_1042, %lt3A_1044 : vector<16xi32>
      %get3A_1046 = arith.constant 96 : index
      %get3A_1047 = tpu.vector_load %arg15[%get3A_1046] {strides = array<i32>} : memref<256xi32, #tpu.memory_space<vmem>>, vector<16xi32>,
      %select_n3A_1048 = arith.select %lt3A_1045, %get3A_1047, %broadcast_in_dim3A_6 : vector<16xi1>, vector<16xi32>
      %swap3A_1049 = arith.constant 96 : index
      %swap3A_1050 = tpu.vector_load %arg25[%swap3A_1049] {strides = array<i32>} : memref<128xi32, #tpu.memory_space<vmem>>, vector<16xi32>,
      tpu.vector_store %arg25[%swap3A_1049], %select_n3A_1048 {strides = array<i32>} : memref<128xi32, #tpu.memory_space<vmem>>, vector<16xi32>,
      %add3A_1051 = arith.constant 112 : i32
      %add3A_1052 = arith.addi %mul3A_968, %add3A_1051 : i32
      %add3A_1053 = vector.broadcast %add3A_1052 : i32 to vector<16xi32>
      %add3A_1054 = arith.addi %iota3A, %add3A_1053 : vector<16xi32>
      %lt3A_1055 = arith.constant 400000 : i32
      %lt3A_1056 = vector.broadcast %lt3A_1055 : i32 to vector<16xi32>
      %lt3A_1057 = arith.cmpi slt, %add3A_1054, %lt3A_1056 : vector<16xi32>
      %get3A_1058 = arith.constant 112 : index
      %get3A_1059 = tpu.vector_load %arg15[%get3A_1058] {strides = array<i32>} : memref<256xi32, #tpu.memory_space<vmem>>, vector<16xi32>,
      %select_n3A_1060 = arith.select %lt3A_1057, %get3A_1059, %broadcast_in_dim3A_6 : vector<16xi1>, vector<16xi32>
      %swap3A_1061 = arith.constant 112 : index
      %swap3A_1062 = tpu.vector_load %arg25[%swap3A_1061] {strides = array<i32>} : memref<128xi32, #tpu.memory_space<vmem>>, vector<16xi32>,
      tpu.vector_store %arg25[%swap3A_1061], %select_n3A_1060 {strides = array<i32>} : memref<128xi32, #tpu.memory_space<vmem>>, vector<16xi32>,
      %add3A_1063 = arith.constant 128 : i32
      %add3A_1064 = arith.addi %mul3A_968, %add3A_1063 : i32
      %add3A_1065 = vector.broadcast %add3A_1064 : i32 to vector<16xi32>
      %add3A_1066 = arith.addi %iota3A, %add3A_1065 : vector<16xi32>
      %lt3A_1067 = arith.constant 400000 : i32
      %lt3A_1068 = vector.broadcast %lt3A_1067 : i32 to vector<16xi32>
      %lt3A_1069 = arith.cmpi slt, %add3A_1066, %lt3A_1068 : vector<16xi32>
      %get3A_1070 = arith.constant 128 : index
      %get3A_1071 = tpu.vector_load %arg15[%get3A_1070] {strides = array<i32>} : memref<256xi32, #tpu.memory_space<vmem>>, vector<16xi32>,
      %select_n3A_1072 = arith.select %lt3A_1069, %get3A_1071, %broadcast_in_dim3A_6 : vector<16xi1>, vector<16xi32>
      %swap3A_1073 = arith.constant 0 : index
      %swap3A_1074 = tpu.vector_load %arg27[%swap3A_1073] {strides = array<i32>} : memref<128xi32, #tpu.memory_space<vmem>>, vector<16xi32>,
      tpu.vector_store %arg27[%swap3A_1073], %select_n3A_1072 {strides = array<i32>} : memref<128xi32, #tpu.memory_space<vmem>>, vector<16xi32>,
      %add3A_1075 = arith.constant 144 : i32
      %add3A_1076 = arith.addi %mul3A_968, %add3A_1075 : i32
      %add3A_1077 = vector.broadcast %add3A_1076 : i32 to vector<16xi32>
      %add3A_1078 = arith.addi %iota3A, %add3A_1077 : vector<16xi32>
      %lt3A_1079 = arith.constant 400000 : i32
      %lt3A_1080 = vector.broadcast %lt3A_1079 : i32 to vector<16xi32>
      %lt3A_1081 = arith.cmpi slt, %add3A_1078, %lt3A_1080 : vector<16xi32>
      %get3A_1082 = arith.constant 144 : index
      %get3A_1083 = tpu.vector_load %arg15[%get3A_1082] {strides = array<i32>} : memref<256xi32, #tpu.memory_space<vmem>>, vector<16xi32>,
      %select_n3A_1084 = arith.select %lt3A_1081, %get3A_1083, %broadcast_in_dim3A_6 : vector<16xi1>, vector<16xi32>
      %swap3A_1085 = arith.constant 16 : index
      %swap3A_1086 = tpu.vector_load %arg27[%swap3A_1085] {strides = array<i32>} : memref<128xi32, #tpu.memory_space<vmem>>, vector<16xi32>,
      tpu.vector_store %arg27[%swap3A_1085], %select_n3A_1084 {strides = array<i32>} : memref<128xi32, #tpu.memory_space<vmem>>, vector<16xi32>,
      %add3A_1087 = arith.constant 160 : i32
      %add3A_1088 = arith.addi %mul3A_968, %add3A_1087 : i32
      %add3A_1089 = vector.broadcast %add3A_1088 : i32 to vector<16xi32>
      %add3A_1090 = arith.addi %iota3A, %add3A_1089 : vector<16xi32>
      %lt3A_1091 = arith.constant 400000 : i32
      %lt3A_1092 = vector.broadcast %lt3A_1091 : i32 to vector<16xi32>
      %lt3A_1093 = arith.cmpi slt, %add3A_1090, %lt3A_1092 : vector<16xi32>
      %get3A_1094 = arith.constant 160 : index
      %get3A_1095 = tpu.vector_load %arg15[%get3A_1094] {strides = array<i32>} : memref<256xi32, #tpu.memory_space<vmem>>, vector<16xi32>,
      %select_n3A_1096 = arith.select %lt3A_1093, %get3A_1095, %broadcast_in_dim3A_6 : vector<16xi1>, vector<16xi32>
      %swap3A_1097 = arith.constant 32 : index
      %swap3A_1098 = tpu.vector_load %arg27[%swap3A_1097] {strides = array<i32>} : memref<128xi32, #tpu.memory_space<vmem>>, vector<16xi32>,
      tpu.vector_store %arg27[%swap3A_1097], %select_n3A_1096 {strides = array<i32>} : memref<128xi32, #tpu.memory_space<vmem>>, vector<16xi32>,
      %add3A_1099 = arith.constant 176 : i32
      %add3A_1100 = arith.addi %mul3A_968, %add3A_1099 : i32
      %add3A_1101 = vector.broadcast %add3A_1100 : i32 to vector<16xi32>
      %add3A_1102 = arith.addi %iota3A, %add3A_1101 : vector<16xi32>
      %lt3A_1103 = arith.constant 400000 : i32
      %lt3A_1104 = vector.broadcast %lt3A_1103 : i32 to vector<16xi32>
      %lt3A_1105 = arith.cmpi slt, %add3A_1102, %lt3A_1104 : vector<16xi32>
      %get3A_1106 = arith.constant 176 : index
      %get3A_1107 = tpu.vector_load %arg15[%get3A_1106] {strides = array<i32>} : memref<256xi32, #tpu.memory_space<vmem>>, vector<16xi32>,
      %select_n3A_1108 = arith.select %lt3A_1105, %get3A_1107, %broadcast_in_dim3A_6 : vector<16xi1>, vector<16xi32>
      %swap3A_1109 = arith.constant 48 : index
      %swap3A_1110 = tpu.vector_load %arg27[%swap3A_1109] {strides = array<i32>} : memref<128xi32, #tpu.memory_space<vmem>>, vector<16xi32>,
      tpu.vector_store %arg27[%swap3A_1109], %select_n3A_1108 {strides = array<i32>} : memref<128xi32, #tpu.memory_space<vmem>>, vector<16xi32>,
      %add3A_1111 = arith.constant 192 : i32
      %add3A_1112 = arith.addi %mul3A_968, %add3A_1111 : i32
      %add3A_1113 = vector.broadcast %add3A_1112 : i32 to vector<16xi32>
      %add3A_1114 = arith.addi %iota3A, %add3A_1113 : vector<16xi32>
      %lt3A_1115 = arith.constant 400000 : i32
      %lt3A_1116 = vector.broadcast %lt3A_1115 : i32 to vector<16xi32>
      %lt3A_1117 = arith.cmpi slt, %add3A_1114, %lt3A_1116 : vector<16xi32>
      %get3A_1118 = arith.constant 192 : index
      %get3A_1119 = tpu.vector_load %arg15[%get3A_1118] {strides = array<i32>} : memref<256xi32, #tpu.memory_space<vmem>>, vector<16xi32>,
      %select_n3A_1120 = arith.select %lt3A_1117, %get3A_1119, %broadcast_in_dim3A_6 : vector<16xi1>, vector<16xi32>
      %swap3A_1121 = arith.constant 64 : index
      %swap3A_1122 = tpu.vector_load %arg27[%swap3A_1121] {strides = array<i32>} : memref<128xi32, #tpu.memory_space<vmem>>, vector<16xi32>,
      tpu.vector_store %arg27[%swap3A_1121], %select_n3A_1120 {strides = array<i32>} : memref<128xi32, #tpu.memory_space<vmem>>, vector<16xi32>,
      %add3A_1123 = arith.constant 208 : i32
      %add3A_1124 = arith.addi %mul3A_968, %add3A_1123 : i32
      %add3A_1125 = vector.broadcast %add3A_1124 : i32 to vector<16xi32>
      %add3A_1126 = arith.addi %iota3A, %add3A_1125 : vector<16xi32>
      %lt3A_1127 = arith.constant 400000 : i32
      %lt3A_1128 = vector.broadcast %lt3A_1127 : i32 to vector<16xi32>
      %lt3A_1129 = arith.cmpi slt, %add3A_1126, %lt3A_1128 : vector<16xi32>
      %get3A_1130 = arith.constant 208 : index
      %get3A_1131 = tpu.vector_load %arg15[%get3A_1130] {strides = array<i32>} : memref<256xi32, #tpu.memory_space<vmem>>, vector<16xi32>,
      %select_n3A_1132 = arith.select %lt3A_1129, %get3A_1131, %broadcast_in_dim3A_6 : vector<16xi1>, vector<16xi32>
      %swap3A_1133 = arith.constant 80 : index
      %swap3A_1134 = tpu.vector_load %arg27[%swap3A_1133] {strides = array<i32>} : memref<128xi32, #tpu.memory_space<vmem>>, vector<16xi32>,
      tpu.vector_store %arg27[%swap3A_1133], %select_n3A_1132 {strides = array<i32>} : memref<128xi32, #tpu.memory_space<vmem>>, vector<16xi32>,
      %add3A_1135 = arith.constant 224 : i32
      %add3A_1136 = arith.addi %mul3A_968, %add3A_1135 : i32
      %add3A_1137 = vector.broadcast %add3A_1136 : i32 to vector<16xi32>
      %add3A_1138 = arith.addi %iota3A, %add3A_1137 : vector<16xi32>
      %lt3A_1139 = arith.constant 400000 : i32
      %lt3A_1140 = vector.broadcast %lt3A_1139 : i32 to vector<16xi32>
      %lt3A_1141 = arith.cmpi slt, %add3A_1138, %lt3A_1140 : vector<16xi32>
      %get3A_1142 = arith.constant 224 : index
      %get3A_1143 = tpu.vector_load %arg15[%get3A_1142] {strides = array<i32>} : memref<256xi32, #tpu.memory_space<vmem>>, vector<16xi32>,
      %select_n3A_1144 = arith.select %lt3A_1141, %get3A_1143, %broadcast_in_dim3A_6 : vector<16xi1>, vector<16xi32>
      %swap3A_1145 = arith.constant 96 : index
      %swap3A_1146 = tpu.vector_load %arg27[%swap3A_1145] {strides = array<i32>} : memref<128xi32, #tpu.memory_space<vmem>>, vector<16xi32>,
      tpu.vector_store %arg27[%swap3A_1145], %select_n3A_1144 {strides = array<i32>} : memref<128xi32, #tpu.memory_space<vmem>>, vector<16xi32>,
      %add3A_1147 = arith.constant 240 : i32
      %add3A_1148 = arith.addi %mul3A_968, %add3A_1147 : i32
      %add3A_1149 = vector.broadcast %add3A_1148 : i32 to vector<16xi32>
      %add3A_1150 = arith.addi %iota3A, %add3A_1149 : vector<16xi32>
      %lt3A_1151 = arith.constant 400000 : i32
      %lt3A_1152 = vector.broadcast %lt3A_1151 : i32 to vector<16xi32>
      %lt3A_1153 = arith.cmpi slt, %add3A_1150, %lt3A_1152 : vector<16xi32>
      %get3A_1154 = arith.constant 240 : index
      %get3A_1155 = tpu.vector_load %arg15[%get3A_1154] {strides = array<i32>} : memref<256xi32, #tpu.memory_space<vmem>>, vector<16xi32>,
      %select_n3A_1156 = arith.select %lt3A_1153, %get3A_1155, %broadcast_in_dim3A_6 : vector<16xi1>, vector<16xi32>
      %swap3A_1157 = arith.constant 112 : index
      %swap3A_1158 = tpu.vector_load %arg27[%swap3A_1157] {strides = array<i32>} : memref<128xi32, #tpu.memory_space<vmem>>, vector<16xi32>,
      tpu.vector_store %arg27[%swap3A_1157], %select_n3A_1156 {strides = array<i32>} : memref<128xi32, #tpu.memory_space<vmem>>, vector<16xi32>,
      %add3A_1159 = arith.constant 2 : i32
      %add3A_1160 = arith.addi %mul3A_745, %add3A_1159 : i32
      %mul3A_1161 = arith.constant 16 : i32
      %mul3A_1162 = arith.muli %add3A_1160, %mul3A_1161 : i32
      %add3A_1163 = arith.addi %arg1, %mul3A_1162 : i32
      %min3A_1164 = arith.constant 1562 : i32
      %min3A_1165 = arith.minsi %add3A_1163, %min3A_1164 : i32
      %mul3A_1166 = arith.constant 256 : i32
      %mul3A_1167 = arith.muli %min3A_1165, %mul3A_1166 : i32
      %add3A_1168 = arith.constant 128 : i32
      %add3A_1169 = arith.addi %mul3A_1167, %add3A_1168 : i32
      %min3A_1170 = arith.constant 399872 : i32
      %min3A_1171 = arith.minsi %add3A_1169, %min3A_1170 : i32
      %dma_start3A_1172 = arith.constant 0 : i32
      %dma_start3A_1173 = tpu.memref_slice %arg13[%dma_start3A_1172] : memref<256xi32, #tpu.memory_space<vmem>> -> memref<128xi32, #tpu.memory_space<vmem>>
      %dma_start3A_1174 = tpu.memref_slice %arg4[%mul3A_1167] : memref<400000xi32, #tpu.memory_space<hbm>> -> memref<128xi32, #tpu.memory_space<hbm>>
      %dma_start3A_1175 = arith.constant 0 : i32
      %dma_start3A_1176 = tpu.memref_slice %arg13[%dma_start3A_1175] : memref<256xi32, #tpu.memory_space<vmem>> -> memref<128xi32, #tpu.memory_space<vmem>>
      %dma_start3A_1177 = tpu.memref_slice %arg4[%mul3A_1167] : memref<400000xi32, #tpu.memory_space<hbm>> -> memref<128xi32, #tpu.memory_space<hbm>>
      tpu.enqueue_dma source(%dma_start3A_1177 : memref<128xi32, #tpu.memory_space<hbm>>) target(%dma_start3A_1176 : memref<128xi32, #tpu.memory_space<vmem>>) target_semaphore(%arg36 : memref<!tpu.dma_semaphore, #tpu.memory_space<semaphore_mem>>)
      %dma_start3A_1178 = arith.constant 128 : i32
      %dma_start3A_1179 = tpu.memref_slice %arg13[%dma_start3A_1178] : memref<256xi32, #tpu.memory_space<vmem>> -> memref<128xi32, #tpu.memory_space<vmem>>
      %dma_start3A_1180 = tpu.memref_slice %arg4[%min3A_1171] : memref<400000xi32, #tpu.memory_space<hbm>> -> memref<128xi32, #tpu.memory_space<hbm>>
      %dma_start3A_1181 = arith.constant 128 : i32
      %dma_start3A_1182 = tpu.memref_slice %arg13[%dma_start3A_1181] : memref<256xi32, #tpu.memory_space<vmem>> -> memref<128xi32, #tpu.memory_space<vmem>>
      %dma_start3A_1183 = tpu.memref_slice %arg4[%min3A_1171] : memref<400000xi32, #tpu.memory_space<hbm>> -> memref<128xi32, #tpu.memory_space<hbm>>
      tpu.enqueue_dma source(%dma_start3A_1183 : memref<128xi32, #tpu.memory_space<hbm>>) target(%dma_start3A_1182 : memref<128xi32, #tpu.memory_space<vmem>>) target_semaphore(%arg36 : memref<!tpu.dma_semaphore, #tpu.memory_space<semaphore_mem>>)
      %dma_start3A_1184 = arith.constant 0 : i32
      %dma_start3A_1185 = tpu.memref_slice %arg15[%dma_start3A_1184] : memref<256xi32, #tpu.memory_space<vmem>> -> memref<128xi32, #tpu.memory_space<vmem>>
      %dma_start3A_1186 = tpu.memref_slice %arg5[%mul3A_1167] : memref<400000xi32, #tpu.memory_space<hbm>> -> memref<128xi32, #tpu.memory_space<hbm>>
      %dma_start3A_1187 = arith.constant 0 : i32
      %dma_start3A_1188 = tpu.memref_slice %arg15[%dma_start3A_1187] : memref<256xi32, #tpu.memory_space<vmem>> -> memref<128xi32, #tpu.memory_space<vmem>>
      %dma_start3A_1189 = tpu.memref_slice %arg5[%mul3A_1167] : memref<400000xi32, #tpu.memory_space<hbm>> -> memref<128xi32, #tpu.memory_space<hbm>>
      tpu.enqueue_dma source(%dma_start3A_1189 : memref<128xi32, #tpu.memory_space<hbm>>) target(%dma_start3A_1188 : memref<128xi32, #tpu.memory_space<vmem>>) target_semaphore(%arg36 : memref<!tpu.dma_semaphore, #tpu.memory_space<semaphore_mem>>)
      %dma_start3A_1190 = arith.constant 128 : i32
      %dma_start3A_1191 = tpu.memref_slice %arg15[%dma_start3A_1190] : memref<256xi32, #tpu.memory_space<vmem>> -> memref<128xi32, #tpu.memory_space<vmem>>
      %dma_start3A_1192 = tpu.memref_slice %arg5[%min3A_1171] : memref<400000xi32, #tpu.memory_space<hbm>> -> memref<128xi32, #tpu.memory_space<hbm>>
      %dma_start3A_1193 = arith.constant 128 : i32
      %dma_start3A_1194 = tpu.memref_slice %arg15[%dma_start3A_1193] : memref<256xi32, #tpu.memory_space<vmem>> -> memref<128xi32, #tpu.memory_space<vmem>>
      %dma_start3A_1195 = tpu.memref_slice %arg5[%min3A_1171] : memref<400000xi32, #tpu.memory_space<hbm>> -> memref<128xi32, #tpu.memory_space<hbm>>
      tpu.enqueue_dma source(%dma_start3A_1195 : memref<128xi32, #tpu.memory_space<hbm>>) target(%dma_start3A_1194 : memref<128xi32, #tpu.memory_space<vmem>>) target_semaphore(%arg36 : memref<!tpu.dma_semaphore, #tpu.memory_space<semaphore_mem>>)
      %dma_wait3A_1196 = arith.constant 0 : i32
      %dma_wait3A_1197 = arith.constant 0 : i32
      %dma_wait3A_1198 = tpu.memref_slice %arg29[%dma_wait3A_1196, %dma_wait3A_1197] : memref<256x32xbf16, #tpu.memory_space<vmem>> -> memref<128x32xbf16, #tpu.memory_space<vmem>>
      %dma_wait3A_1199 = arith.constant 0 : i32
      %dma_wait3A_1200 = arith.constant 0 : i32
      %dma_wait3A_1201 = tpu.memref_slice %arg2[%dma_wait3A_1199, %dma_wait3A_1200] : memref<50000x32xbf16, #tpu.memory_space<hbm>> -> memref<50000x32xbf16, #tpu.memory_space<hbm>>
      tpu.wait_indirect_dma semaphore(%arg38 : memref<!tpu.dma_semaphore, #tpu.memory_space<semaphore_mem>>) src(%dma_wait3A_1201 : memref<50000x32xbf16, #tpu.memory_space<hbm>>) dst(%dma_wait3A_1198 : memref<128x32xbf16, #tpu.memory_space<vmem>>)
      %dma_wait3A_1202 = arith.constant 128 : i32
      %dma_wait3A_1203 = arith.constant 0 : i32
      %dma_wait3A_1204 = tpu.memref_slice %arg29[%dma_wait3A_1202, %dma_wait3A_1203] : memref<256x32xbf16, #tpu.memory_space<vmem>> -> memref<128x32xbf16, #tpu.memory_space<vmem>>
      %dma_wait3A_1205 = arith.constant 0 : i32
      %dma_wait3A_1206 = arith.constant 0 : i32
      %dma_wait3A_1207 = tpu.memref_slice %arg2[%dma_wait3A_1205, %dma_wait3A_1206] : memref<50000x32xbf16, #tpu.memory_space<hbm>> -> memref<50000x32xbf16, #tpu.memory_space<hbm>>
      tpu.wait_indirect_dma semaphore(%arg38 : memref<!tpu.dma_semaphore, #tpu.memory_space<semaphore_mem>>) src(%dma_wait3A_1207 : memref<50000x32xbf16, #tpu.memory_space<hbm>>) dst(%dma_wait3A_1204 : memref<128x32xbf16, #tpu.memory_space<vmem>>)
      %dma_wait3A_1208 = arith.constant 0 : i32
      %dma_wait3A_1209 = arith.constant 0 : i32
      %dma_wait3A_1210 = tpu.memref_slice %arg31[%dma_wait3A_1208, %dma_wait3A_1209] : memref<256x64xbf16, #tpu.memory_space<vmem>> -> memref<128x64xbf16, #tpu.memory_space<vmem>>
      %dma_wait3A_1211 = arith.constant 0 : i32
      %dma_wait3A_1212 = arith.constant 0 : i32
      %dma_wait3A_1213 = tpu.memref_slice %arg3[%dma_wait3A_1211, %dma_wait3A_1212] : memref<50000x64xbf16, #tpu.memory_space<hbm>> -> memref<50000x64xbf16, #tpu.memory_space<hbm>>
      tpu.wait_indirect_dma semaphore(%arg40 : memref<!tpu.dma_semaphore, #tpu.memory_space<semaphore_mem>>) src(%dma_wait3A_1213 : memref<50000x64xbf16, #tpu.memory_space<hbm>>) dst(%dma_wait3A_1210 : memref<128x64xbf16, #tpu.memory_space<vmem>>)
      %dma_wait3A_1214 = arith.constant 128 : i32
      %dma_wait3A_1215 = arith.constant 0 : i32
      %dma_wait3A_1216 = tpu.memref_slice %arg31[%dma_wait3A_1214, %dma_wait3A_1215] : memref<256x64xbf16, #tpu.memory_space<vmem>> -> memref<128x64xbf16, #tpu.memory_space<vmem>>
      %dma_wait3A_1217 = arith.constant 0 : i32
      %dma_wait3A_1218 = arith.constant 0 : i32
      %dma_wait3A_1219 = tpu.memref_slice %arg3[%dma_wait3A_1217, %dma_wait3A_1218] : memref<50000x64xbf16, #tpu.memory_space<hbm>> -> memref<50000x64xbf16, #tpu.memory_space<hbm>>
      tpu.wait_indirect_dma semaphore(%arg40 : memref<!tpu.dma_semaphore, #tpu.memory_space<semaphore_mem>>) src(%dma_wait3A_1219 : memref<50000x64xbf16, #tpu.memory_space<hbm>>) dst(%dma_wait3A_1216 : memref<128x64xbf16, #tpu.memory_space<vmem>>)
      %parallel_loop3A = arith.constant 0 : i32
      %parallel_loop3A_1220 = arith.constant 256 : i32
      %parallel_loop3A_1221 = arith.constant 1 : i32
      scf.for %parallel_loop3A_1732 = %parallel_loop3A to %parallel_loop3A_1220 step %parallel_loop3A_1221  : i32 {
        %parallel_loop3A_1733 = arith.index_cast %parallel_loop3A_1732 : i32 to index
        %parallel_loop3A_1734 = arith.constant 0 : index
        %parallel_loop3A_1735 = tpu.vector_load %arg29[%parallel_loop3A_1733, %parallel_loop3A_1734] {strides = array<i32>} : memref<256x32xbf16, #tpu.memory_space<vmem>>, vector<32xbf16>,
        %parallel_loop3A_1736 = tpu.unpack_subelements %parallel_loop3A_1735, 0 {pack_format = #tpu.pack_format<interleaved>} : vector<32xbf16> -> vector<16xf32>
        %parallel_loop3A_1737 = tpu.unpack_subelements %parallel_loop3A_1735, 1 {pack_format = #tpu.pack_format<interleaved>} : vector<32xbf16> -> vector<16xf32>
        %parallel_loop3A_1738 = arith.index_cast %parallel_loop3A_1732 : i32 to index
        %parallel_loop3A_1739 = arith.constant 0 : index
        %parallel_loop3A_1740 = tpu.vector_load %arg31[%parallel_loop3A_1738, %parallel_loop3A_1739] {strides = array<i32>} : memref<256x64xbf16, #tpu.memory_space<vmem>>, vector<32xbf16>,
        %parallel_loop3A_1741 = tpu.unpack_subelements %parallel_loop3A_1740, 0 {pack_format = #tpu.pack_format<interleaved>} : vector<32xbf16> -> vector<16xf32>
        %parallel_loop3A_1742 = tpu.unpack_subelements %parallel_loop3A_1740, 1 {pack_format = #tpu.pack_format<interleaved>} : vector<32xbf16> -> vector<16xf32>
        %parallel_loop3A_1743 = arith.mulf %parallel_loop3A_1736, %parallel_loop3A_1741 : vector<16xf32>
        %parallel_loop3A_1744 = arith.mulf %parallel_loop3A_1737, %parallel_loop3A_1742 : vector<16xf32>
        %parallel_loop3A_1745 = arith.addf %parallel_loop3A_1743, %parallel_loop3A_1744 : vector<16xf32>
        %parallel_loop3A_1746 = arith.constant true
        %parallel_loop3A_1747 = vector.broadcast %parallel_loop3A_1746 : i1 to vector<16xi1>
        %parallel_loop3A_1748 = tpu.scan <sum>, %parallel_loop3A_1745 masked %parallel_loop3A_1747 : vector<16xf32>, vector<16xi1> -> vector<16xf32>
        %parallel_loop3A_1749 = vector.extract %parallel_loop3A_1748[15] : f32 from vector<16xf32>
        %parallel_loop3A_1750 = vector.broadcast %parallel_loop3A_1749 : f32 to vector<16xf32>
        %parallel_loop3A_1751 = math.exp %parallel_loop3A_1750 : vector<16xf32>
        %parallel_loop3A_1752 = arith.index_cast %parallel_loop3A_1732 : i32 to index
        %parallel_loop3A_1753 = arith.constant 32 : index
        %parallel_loop3A_1754 = tpu.vector_load %arg31[%parallel_loop3A_1752, %parallel_loop3A_1753] {strides = array<i32>} : memref<256x64xbf16, #tpu.memory_space<vmem>>, vector<32xbf16>,
        %parallel_loop3A_1755 = tpu.unpack_subelements %parallel_loop3A_1754, 0 {pack_format = #tpu.pack_format<interleaved>} : vector<32xbf16> -> vector<16xf32>
        %parallel_loop3A_1756 = tpu.unpack_subelements %parallel_loop3A_1754, 1 {pack_format = #tpu.pack_format<interleaved>} : vector<32xbf16> -> vector<16xf32>
        %parallel_loop3A_1757 = arith.mulf %parallel_loop3A_1756, %parallel_loop3A_1751 : vector<16xf32>
        %parallel_loop3A_1758 = arith.mulf %parallel_loop3A_1755, %parallel_loop3A_1751 : vector<16xf32>
        %parallel_loop3A_1759 = arith.index_cast %parallel_loop3A_1732 : i32 to index
        %parallel_loop3A_1760 = arith.constant 0 : index
        %parallel_loop3A_1761 = tpu.vector_load %arg33[%parallel_loop3A_1759, %parallel_loop3A_1760] {strides = array<i32>} : memref<256x40xf32, #tpu.memory_space<vmem>>, vector<16xf32>,
        tpu.vector_store %arg33[%parallel_loop3A_1759, %parallel_loop3A_1760], %parallel_loop3A_1758 {strides = array<i32>} : memref<256x40xf32, #tpu.memory_space<vmem>>, vector<16xf32>,
        %parallel_loop3A_1762 = arith.index_cast %parallel_loop3A_1732 : i32 to index
        %parallel_loop3A_1763 = arith.constant 16 : index
        %parallel_loop3A_1764 = tpu.vector_load %arg33[%parallel_loop3A_1762, %parallel_loop3A_1763] {strides = array<i32>} : memref<256x40xf32, #tpu.memory_space<vmem>>, vector<16xf32>,
        tpu.vector_store %arg33[%parallel_loop3A_1762, %parallel_loop3A_1763], %parallel_loop3A_1757 {strides = array<i32>} : memref<256x40xf32, #tpu.memory_space<vmem>>, vector<16xf32>,
        %parallel_loop3A_1765 = arith.constant 8 : i32
        %parallel_loop3A_1766 = vector.broadcast %parallel_loop3A_1765 : i32 to vector<16xi32>
        %parallel_loop3A_1767 = arith.cmpi slt, %iota3A, %parallel_loop3A_1766 : vector<16xi32>
        %parallel_loop3A_1768 = arith.constant 15 : i32
        %parallel_loop3A_1769 = vector.broadcast %parallel_loop3A_1768 : i32 to vector<16xi32>
        %parallel_loop3A_1770 = tpu.iota {dimensions = array<i32: 0>} : vector<16xi32>
        %parallel_loop3A_1771 = arith.subi %parallel_loop3A_1769, %parallel_loop3A_1770 : vector<16xi32>
        %parallel_loop3A_1772 = tpu.dynamic_gather %parallel_loop3A_1757[%parallel_loop3A_1771] in [0] : vector<16xf32>, vector<16xi32> -> vector<16xf32>
        %parallel_loop3A_1773 = arith.constant 9 : i32
        %parallel_loop3A_1774 = vector.broadcast %parallel_loop3A_1773 : i32 to vector<16xi32>
        %parallel_loop3A_1775 = arith.cmpi slt, %iota3A, %parallel_loop3A_1774 : vector<16xi32>
        %parallel_loop3A_1776 = arith.select %parallel_loop3A_1775, %parallel_loop3A_1751, %broadcast_in_dim3A_4 : vector<16xi1>, vector<16xf32>
        %parallel_loop3A_1777 = arith.select %parallel_loop3A_1767, %parallel_loop3A_1772, %parallel_loop3A_1776 : vector<16xi1>, vector<16xf32>
        %parallel_loop3A_1778 = arith.index_cast %parallel_loop3A_1732 : i32 to index
        %parallel_loop3A_1779 = arith.constant 24 : index
        %parallel_loop3A_1780 = tpu.vector_load %arg33[%parallel_loop3A_1778, %parallel_loop3A_1779] {strides = array<i32>} : memref<256x40xf32, #tpu.memory_space<vmem>>, vector<16xf32>,
        tpu.vector_store %arg33[%parallel_loop3A_1778, %parallel_loop3A_1779], %parallel_loop3A_1777 {strides = array<i32>} : memref<256x40xf32, #tpu.memory_space<vmem>>, vector<16xf32>,
      } {sc.loop_unroll_factor = 4 : i64, sc.parallel_access}
      %dma_start3A_1222 = arith.constant 0 : i32
      %dma_start3A_1223 = arith.constant 0 : i32
      %dma_start3A_1224 = tpu.memref_slice %arg33[%dma_start3A_1222, %dma_start3A_1223] : memref<256x40xf32, #tpu.memory_space<vmem>> -> memref<128x40xf32, #tpu.memory_space<vmem>>
      %dma_start3A_1225 = arith.constant 0 : i32
      %dma_start3A_1226 = arith.constant 0 : i32
      %dma_start3A_1227 = tpu.memref_slice %arg35[%dma_start3A_1225, %dma_start3A_1226] : memref<25088x40xf32, #tpu.memory_space<vmem_shared>> -> memref<25088x40xf32, #tpu.memory_space<vmem_shared>>
      tpu.enqueue_indirect_dma source(%dma_start3A_1224 : memref<128x40xf32, #tpu.memory_space<vmem>>) target(%dma_start3A_1227 : memref<25088x40xf32, #tpu.memory_space<vmem_shared>>) offsets(%arg25 : memref<128xi32, #tpu.memory_space<vmem>>) semaphore(%arg42 : memref<!tpu.dma_semaphore, #tpu.memory_space<semaphore_mem>>) {add = true}
      %dma_start3A_1228 = arith.constant 128 : i32
      %dma_start3A_1229 = arith.constant 0 : i32
      %dma_start3A_1230 = tpu.memref_slice %arg33[%dma_start3A_1228, %dma_start3A_1229] : memref<256x40xf32, #tpu.memory_space<vmem>> -> memref<128x40xf32, #tpu.memory_space<vmem>>
      %dma_start3A_1231 = arith.constant 0 : i32
      %dma_start3A_1232 = arith.constant 0 : i32
      %dma_start3A_1233 = tpu.memref_slice %arg35[%dma_start3A_1231, %dma_start3A_1232] : memref<25088x40xf32, #tpu.memory_space<vmem_shared>> -> memref<25088x40xf32, #tpu.memory_space<vmem_shared>>
      tpu.enqueue_indirect_dma source(%dma_start3A_1230 : memref<128x40xf32, #tpu.memory_space<vmem>>) target(%dma_start3A_1233 : memref<25088x40xf32, #tpu.memory_space<vmem_shared>>) offsets(%arg27 : memref<128xi32, #tpu.memory_space<vmem>>) semaphore(%arg42 : memref<!tpu.dma_semaphore, #tpu.memory_space<semaphore_mem>>) {add = true}
      %mul3A_1234 = arith.constant 2 : i32
      %mul3A_1235 = arith.muli %mul3A_1234, %scan3A_743 : i32
      %add3A_1236 = arith.constant 1 : i32
      %add3A_1237 = arith.addi %mul3A_1235, %add3A_1236 : i32
      %dma_wait3A_1238 = arith.constant 0 : i32
      %dma_wait3A_1239 = tpu.memref_slice %arg13[%dma_wait3A_1238] : memref<256xi32, #tpu.memory_space<vmem>> -> memref<128xi32, #tpu.memory_space<vmem>>
      %dma_wait3A_1240 = arith.constant 0 : i32
      %dma_wait3A_1241 = tpu.memref_slice %arg4[%dma_wait3A_1240] : memref<400000xi32, #tpu.memory_space<hbm>> -> memref<128xi32, #tpu.memory_space<hbm>>
      %dma_wait3A_1242 = arith.constant 0 : i32
      %dma_wait3A_1243 = tpu.memref_slice %arg13[%dma_wait3A_1242] : memref<256xi32, #tpu.memory_space<vmem>> -> memref<128xi32, #tpu.memory_space<vmem>>
      %dma_wait3A_1244 = arith.constant 0 : i32
      %dma_wait3A_1245 = tpu.memref_slice %arg4[%dma_wait3A_1244] : memref<400000xi32, #tpu.memory_space<hbm>> -> memref<128xi32, #tpu.memory_space<hbm>>
      tpu.wait_dma2 semaphore(%arg36 : memref<!tpu.dma_semaphore, #tpu.memory_space<semaphore_mem>>) src(%dma_wait3A_1245 : memref<128xi32, #tpu.memory_space<hbm>>) dst(%dma_wait3A_1243 : memref<128xi32, #tpu.memory_space<vmem>>)
      %dma_wait3A_1246 = arith.constant 128 : i32
      %dma_wait3A_1247 = tpu.memref_slice %arg13[%dma_wait3A_1246] : memref<256xi32, #tpu.memory_space<vmem>> -> memref<128xi32, #tpu.memory_space<vmem>>
      %dma_wait3A_1248 = arith.constant 0 : i32
      %dma_wait3A_1249 = tpu.memref_slice %arg4[%dma_wait3A_1248] : memref<400000xi32, #tpu.memory_space<hbm>> -> memref<128xi32, #tpu.memory_space<hbm>>
      %dma_wait3A_1250 = arith.constant 128 : i32
      %dma_wait3A_1251 = tpu.memref_slice %arg13[%dma_wait3A_1250] : memref<256xi32, #tpu.memory_space<vmem>> -> memref<128xi32, #tpu.memory_space<vmem>>
      %dma_wait3A_1252 = arith.constant 0 : i32
      %dma_wait3A_1253 = tpu.memref_slice %arg4[%dma_wait3A_1252] : memref<400000xi32, #tpu.memory_space<hbm>> -> memref<128xi32, #tpu.memory_space<hbm>>
      tpu.wait_dma2 semaphore(%arg36 : memref<!tpu.dma_semaphore, #tpu.memory_space<semaphore_mem>>) src(%dma_wait3A_1253 : memref<128xi32, #tpu.memory_space<hbm>>) dst(%dma_wait3A_1251 : memref<128xi32, #tpu.memory_space<vmem>>)
      %dma_wait3A_1254 = arith.constant 0 : i32
      %dma_wait3A_1255 = tpu.memref_slice %arg15[%dma_wait3A_1254] : memref<256xi32, #tpu.memory_space<vmem>> -> memref<128xi32, #tpu.memory_space<vmem>>
      %dma_wait3A_1256 = arith.constant 0 : i32
      %dma_wait3A_1257 = tpu.memref_slice %arg4[%dma_wait3A_1256] : memref<400000xi32, #tpu.memory_space<hbm>> -> memref<128xi32, #tpu.memory_space<hbm>>
      %dma_wait3A_1258 = arith.constant 0 : i32
      %dma_wait3A_1259 = tpu.memref_slice %arg15[%dma_wait3A_1258] : memref<256xi32, #tpu.memory_space<vmem>> -> memref<128xi32, #tpu.memory_space<vmem>>
      %dma_wait3A_1260 = arith.constant 0 : i32
      %dma_wait3A_1261 = tpu.memref_slice %arg4[%dma_wait3A_1260] : memref<400000xi32, #tpu.memory_space<hbm>> -> memref<128xi32, #tpu.memory_space<hbm>>
      tpu.wait_dma2 semaphore(%arg36 : memref<!tpu.dma_semaphore, #tpu.memory_space<semaphore_mem>>) src(%dma_wait3A_1261 : memref<128xi32, #tpu.memory_space<hbm>>) dst(%dma_wait3A_1259 : memref<128xi32, #tpu.memory_space<vmem>>)
      %dma_wait3A_1262 = arith.constant 128 : i32
      %dma_wait3A_1263 = tpu.memref_slice %arg15[%dma_wait3A_1262] : memref<256xi32, #tpu.memory_space<vmem>> -> memref<128xi32, #tpu.memory_space<vmem>>
      %dma_wait3A_1264 = arith.constant 0 : i32
      %dma_wait3A_1265 = tpu.memref_slice %arg4[%dma_wait3A_1264] : memref<400000xi32, #tpu.memory_space<hbm>> -> memref<128xi32, #tpu.memory_space<hbm>>
      %dma_wait3A_1266 = arith.constant 128 : i32
      %dma_wait3A_1267 = tpu.memref_slice %arg15[%dma_wait3A_1266] : memref<256xi32, #tpu.memory_space<vmem>> -> memref<128xi32, #tpu.memory_space<vmem>>
      %dma_wait3A_1268 = arith.constant 0 : i32
      %dma_wait3A_1269 = tpu.memref_slice %arg4[%dma_wait3A_1268] : memref<400000xi32, #tpu.memory_space<hbm>> -> memref<128xi32, #tpu.memory_space<hbm>>
      tpu.wait_dma2 semaphore(%arg36 : memref<!tpu.dma_semaphore, #tpu.memory_space<semaphore_mem>>) src(%dma_wait3A_1269 : memref<128xi32, #tpu.memory_space<hbm>>) dst(%dma_wait3A_1267 : memref<128xi32, #tpu.memory_space<vmem>>)
      %get3A_1270 = arith.constant 0 : index
      %get3A_1271 = tpu.vector_load %arg15[%get3A_1270] {strides = array<i32>} : memref<256xi32, #tpu.memory_space<vmem>>, vector<16xi32>,
      %add3A_1272 = arith.addi %get3A_1271, %broadcast_in_dim3A : vector<16xi32>
      %swap3A_1273 = arith.constant 0 : index
      %swap3A_1274 = tpu.vector_load %arg17[%swap3A_1273] {strides = array<i32>} : memref<128xi32, #tpu.memory_space<vmem>>, vector<16xi32>,
      tpu.vector_store %arg17[%swap3A_1273], %add3A_1272 {strides = array<i32>} : memref<128xi32, #tpu.memory_space<vmem>>, vector<16xi32>,
      %get3A_1275 = arith.constant 0 : index
      %get3A_1276 = tpu.vector_load %arg13[%get3A_1275] {strides = array<i32>} : memref<256xi32, #tpu.memory_space<vmem>>, vector<16xi32>,
      %add3A_1277 = arith.addi %get3A_1276, %broadcast_in_dim3A : vector<16xi32>
      %swap3A_1278 = arith.constant 0 : index
      %swap3A_1279 = tpu.vector_load %arg21[%swap3A_1278] {strides = array<i32>} : memref<128xi32, #tpu.memory_space<vmem>>, vector<16xi32>,
      tpu.vector_store %arg21[%swap3A_1278], %add3A_1277 {strides = array<i32>} : memref<128xi32, #tpu.memory_space<vmem>>, vector<16xi32>,
      %get3A_1280 = arith.constant 16 : index
      %get3A_1281 = tpu.vector_load %arg15[%get3A_1280] {strides = array<i32>} : memref<256xi32, #tpu.memory_space<vmem>>, vector<16xi32>,
      %add3A_1282 = arith.addi %get3A_1281, %broadcast_in_dim3A : vector<16xi32>
      %swap3A_1283 = arith.constant 16 : index
      %swap3A_1284 = tpu.vector_load %arg17[%swap3A_1283] {strides = array<i32>} : memref<128xi32, #tpu.memory_space<vmem>>, vector<16xi32>,
      tpu.vector_store %arg17[%swap3A_1283], %add3A_1282 {strides = array<i32>} : memref<128xi32, #tpu.memory_space<vmem>>, vector<16xi32>,
      %get3A_1285 = arith.constant 16 : index
      %get3A_1286 = tpu.vector_load %arg13[%get3A_1285] {strides = array<i32>} : memref<256xi32, #tpu.memory_space<vmem>>, vector<16xi32>,
      %add3A_1287 = arith.addi %get3A_1286, %broadcast_in_dim3A : vector<16xi32>
      %swap3A_1288 = arith.constant 16 : index
      %swap3A_1289 = tpu.vector_load %arg21[%swap3A_1288] {strides = array<i32>} : memref<128xi32, #tpu.memory_space<vmem>>, vector<16xi32>,
      tpu.vector_store %arg21[%swap3A_1288], %add3A_1287 {strides = array<i32>} : memref<128xi32, #tpu.memory_space<vmem>>, vector<16xi32>,
      %get3A_1290 = arith.constant 32 : index
      %get3A_1291 = tpu.vector_load %arg15[%get3A_1290] {strides = array<i32>} : memref<256xi32, #tpu.memory_space<vmem>>, vector<16xi32>,
      %add3A_1292 = arith.addi %get3A_1291, %broadcast_in_dim3A : vector<16xi32>
      %swap3A_1293 = arith.constant 32 : index
      %swap3A_1294 = tpu.vector_load %arg17[%swap3A_1293] {strides = array<i32>} : memref<128xi32, #tpu.memory_space<vmem>>, vector<16xi32>,
      tpu.vector_store %arg17[%swap3A_1293], %add3A_1292 {strides = array<i32>} : memref<128xi32, #tpu.memory_space<vmem>>, vector<16xi32>,
      %get3A_1295 = arith.constant 32 : index
      %get3A_1296 = tpu.vector_load %arg13[%get3A_1295] {strides = array<i32>} : memref<256xi32, #tpu.memory_space<vmem>>, vector<16xi32>,
      %add3A_1297 = arith.addi %get3A_1296, %broadcast_in_dim3A : vector<16xi32>
      %swap3A_1298 = arith.constant 32 : index
      %swap3A_1299 = tpu.vector_load %arg21[%swap3A_1298] {strides = array<i32>} : memref<128xi32, #tpu.memory_space<vmem>>, vector<16xi32>,
      tpu.vector_store %arg21[%swap3A_1298], %add3A_1297 {strides = array<i32>} : memref<128xi32, #tpu.memory_space<vmem>>, vector<16xi32>,
      %get3A_1300 = arith.constant 48 : index
      %get3A_1301 = tpu.vector_load %arg15[%get3A_1300] {strides = array<i32>} : memref<256xi32, #tpu.memory_space<vmem>>, vector<16xi32>,
      %add3A_1302 = arith.addi %get3A_1301, %broadcast_in_dim3A : vector<16xi32>
      %swap3A_1303 = arith.constant 48 : index
      %swap3A_1304 = tpu.vector_load %arg17[%swap3A_1303] {strides = array<i32>} : memref<128xi32, #tpu.memory_space<vmem>>, vector<16xi32>,
      tpu.vector_store %arg17[%swap3A_1303], %add3A_1302 {strides = array<i32>} : memref<128xi32, #tpu.memory_space<vmem>>, vector<16xi32>,
      %get3A_1305 = arith.constant 48 : index
      %get3A_1306 = tpu.vector_load %arg13[%get3A_1305] {strides = array<i32>} : memref<256xi32, #tpu.memory_space<vmem>>, vector<16xi32>,
      %add3A_1307 = arith.addi %get3A_1306, %broadcast_in_dim3A : vector<16xi32>
      %swap3A_1308 = arith.constant 48 : index
      %swap3A_1309 = tpu.vector_load %arg21[%swap3A_1308] {strides = array<i32>} : memref<128xi32, #tpu.memory_space<vmem>>, vector<16xi32>,
      tpu.vector_store %arg21[%swap3A_1308], %add3A_1307 {strides = array<i32>} : memref<128xi32, #tpu.memory_space<vmem>>, vector<16xi32>,
      %get3A_1310 = arith.constant 64 : index
      %get3A_1311 = tpu.vector_load %arg15[%get3A_1310] {strides = array<i32>} : memref<256xi32, #tpu.memory_space<vmem>>, vector<16xi32>,
      %add3A_1312 = arith.addi %get3A_1311, %broadcast_in_dim3A : vector<16xi32>
      %swap3A_1313 = arith.constant 64 : index
      %swap3A_1314 = tpu.vector_load %arg17[%swap3A_1313] {strides = array<i32>} : memref<128xi32, #tpu.memory_space<vmem>>, vector<16xi32>,
      tpu.vector_store %arg17[%swap3A_1313], %add3A_1312 {strides = array<i32>} : memref<128xi32, #tpu.memory_space<vmem>>, vector<16xi32>,
      %get3A_1315 = arith.constant 64 : index
      %get3A_1316 = tpu.vector_load %arg13[%get3A_1315] {strides = array<i32>} : memref<256xi32, #tpu.memory_space<vmem>>, vector<16xi32>,
      %add3A_1317 = arith.addi %get3A_1316, %broadcast_in_dim3A : vector<16xi32>
      %swap3A_1318 = arith.constant 64 : index
      %swap3A_1319 = tpu.vector_load %arg21[%swap3A_1318] {strides = array<i32>} : memref<128xi32, #tpu.memory_space<vmem>>, vector<16xi32>,
      tpu.vector_store %arg21[%swap3A_1318], %add3A_1317 {strides = array<i32>} : memref<128xi32, #tpu.memory_space<vmem>>, vector<16xi32>,
      %get3A_1320 = arith.constant 80 : index
      %get3A_1321 = tpu.vector_load %arg15[%get3A_1320] {strides = array<i32>} : memref<256xi32, #tpu.memory_space<vmem>>, vector<16xi32>,
      %add3A_1322 = arith.addi %get3A_1321, %broadcast_in_dim3A : vector<16xi32>
      %swap3A_1323 = arith.constant 80 : index
      %swap3A_1324 = tpu.vector_load %arg17[%swap3A_1323] {strides = array<i32>} : memref<128xi32, #tpu.memory_space<vmem>>, vector<16xi32>,
      tpu.vector_store %arg17[%swap3A_1323], %add3A_1322 {strides = array<i32>} : memref<128xi32, #tpu.memory_space<vmem>>, vector<16xi32>,
      %get3A_1325 = arith.constant 80 : index
      %get3A_1326 = tpu.vector_load %arg13[%get3A_1325] {strides = array<i32>} : memref<256xi32, #tpu.memory_space<vmem>>, vector<16xi32>,
      %add3A_1327 = arith.addi %get3A_1326, %broadcast_in_dim3A : vector<16xi32>
      %swap3A_1328 = arith.constant 80 : index
      %swap3A_1329 = tpu.vector_load %arg21[%swap3A_1328] {strides = array<i32>} : memref<128xi32, #tpu.memory_space<vmem>>, vector<16xi32>,
      tpu.vector_store %arg21[%swap3A_1328], %add3A_1327 {strides = array<i32>} : memref<128xi32, #tpu.memory_space<vmem>>, vector<16xi32>,
      %get3A_1330 = arith.constant 96 : index
      %get3A_1331 = tpu.vector_load %arg15[%get3A_1330] {strides = array<i32>} : memref<256xi32, #tpu.memory_space<vmem>>, vector<16xi32>,
      %add3A_1332 = arith.addi %get3A_1331, %broadcast_in_dim3A : vector<16xi32>
      %swap3A_1333 = arith.constant 96 : index
      %swap3A_1334 = tpu.vector_load %arg17[%swap3A_1333] {strides = array<i32>} : memref<128xi32, #tpu.memory_space<vmem>>, vector<16xi32>,
      tpu.vector_store %arg17[%swap3A_1333], %add3A_1332 {strides = array<i32>} : memref<128xi32, #tpu.memory_space<vmem>>, vector<16xi32>,
      %get3A_1335 = arith.constant 96 : index
      %get3A_1336 = tpu.vector_load %arg13[%get3A_1335] {strides = array<i32>} : memref<256xi32, #tpu.memory_space<vmem>>, vector<16xi32>,
      %add3A_1337 = arith.addi %get3A_1336, %broadcast_in_dim3A : vector<16xi32>
      %swap3A_1338 = arith.constant 96 : index
      %swap3A_1339 = tpu.vector_load %arg21[%swap3A_1338] {strides = array<i32>} : memref<128xi32, #tpu.memory_space<vmem>>, vector<16xi32>,
      tpu.vector_store %arg21[%swap3A_1338], %add3A_1337 {strides = array<i32>} : memref<128xi32, #tpu.memory_space<vmem>>, vector<16xi32>,
      %get3A_1340 = arith.constant 112 : index
      %get3A_1341 = tpu.vector_load %arg15[%get3A_1340] {strides = array<i32>} : memref<256xi32, #tpu.memory_space<vmem>>, vector<16xi32>,
      %add3A_1342 = arith.addi %get3A_1341, %broadcast_in_dim3A : vector<16xi32>
      %swap3A_1343 = arith.constant 112 : index
      %swap3A_1344 = tpu.vector_load %arg17[%swap3A_1343] {strides = array<i32>} : memref<128xi32, #tpu.memory_space<vmem>>, vector<16xi32>,
      tpu.vector_store %arg17[%swap3A_1343], %add3A_1342 {strides = array<i32>} : memref<128xi32, #tpu.memory_space<vmem>>, vector<16xi32>,
      %get3A_1345 = arith.constant 112 : index
      %get3A_1346 = tpu.vector_load %arg13[%get3A_1345] {strides = array<i32>} : memref<256xi32, #tpu.memory_space<vmem>>, vector<16xi32>,
      %add3A_1347 = arith.addi %get3A_1346, %broadcast_in_dim3A : vector<16xi32>
      %swap3A_1348 = arith.constant 112 : index
      %swap3A_1349 = tpu.vector_load %arg21[%swap3A_1348] {strides = array<i32>} : memref<128xi32, #tpu.memory_space<vmem>>, vector<16xi32>,
      tpu.vector_store %arg21[%swap3A_1348], %add3A_1347 {strides = array<i32>} : memref<128xi32, #tpu.memory_space<vmem>>, vector<16xi32>,
      %get3A_1350 = arith.constant 128 : index
      %get3A_1351 = tpu.vector_load %arg15[%get3A_1350] {strides = array<i32>} : memref<256xi32, #tpu.memory_space<vmem>>, vector<16xi32>,
      %add3A_1352 = arith.addi %get3A_1351, %broadcast_in_dim3A : vector<16xi32>
      %swap3A_1353 = arith.constant 0 : index
      %swap3A_1354 = tpu.vector_load %arg19[%swap3A_1353] {strides = array<i32>} : memref<128xi32, #tpu.memory_space<vmem>>, vector<16xi32>,
      tpu.vector_store %arg19[%swap3A_1353], %add3A_1352 {strides = array<i32>} : memref<128xi32, #tpu.memory_space<vmem>>, vector<16xi32>,
      %get3A_1355 = arith.constant 128 : index
      %get3A_1356 = tpu.vector_load %arg13[%get3A_1355] {strides = array<i32>} : memref<256xi32, #tpu.memory_space<vmem>>, vector<16xi32>,
      %add3A_1357 = arith.addi %get3A_1356, %broadcast_in_dim3A : vector<16xi32>
      %swap3A_1358 = arith.constant 0 : index
      %swap3A_1359 = tpu.vector_load %arg23[%swap3A_1358] {strides = array<i32>} : memref<128xi32, #tpu.memory_space<vmem>>, vector<16xi32>,
      tpu.vector_store %arg23[%swap3A_1358], %add3A_1357 {strides = array<i32>} : memref<128xi32, #tpu.memory_space<vmem>>, vector<16xi32>,
      %get3A_1360 = arith.constant 144 : index
      %get3A_1361 = tpu.vector_load %arg15[%get3A_1360] {strides = array<i32>} : memref<256xi32, #tpu.memory_space<vmem>>, vector<16xi32>,
      %add3A_1362 = arith.addi %get3A_1361, %broadcast_in_dim3A : vector<16xi32>
      %swap3A_1363 = arith.constant 16 : index
      %swap3A_1364 = tpu.vector_load %arg19[%swap3A_1363] {strides = array<i32>} : memref<128xi32, #tpu.memory_space<vmem>>, vector<16xi32>,
      tpu.vector_store %arg19[%swap3A_1363], %add3A_1362 {strides = array<i32>} : memref<128xi32, #tpu.memory_space<vmem>>, vector<16xi32>,
      %get3A_1365 = arith.constant 144 : index
      %get3A_1366 = tpu.vector_load %arg13[%get3A_1365] {strides = array<i32>} : memref<256xi32, #tpu.memory_space<vmem>>, vector<16xi32>,
      %add3A_1367 = arith.addi %get3A_1366, %broadcast_in_dim3A : vector<16xi32>
      %swap3A_1368 = arith.constant 16 : index
      %swap3A_1369 = tpu.vector_load %arg23[%swap3A_1368] {strides = array<i32>} : memref<128xi32, #tpu.memory_space<vmem>>, vector<16xi32>,
      tpu.vector_store %arg23[%swap3A_1368], %add3A_1367 {strides = array<i32>} : memref<128xi32, #tpu.memory_space<vmem>>, vector<16xi32>,
      %get3A_1370 = arith.constant 160 : index
      %get3A_1371 = tpu.vector_load %arg15[%get3A_1370] {strides = array<i32>} : memref<256xi32, #tpu.memory_space<vmem>>, vector<16xi32>,
      %add3A_1372 = arith.addi %get3A_1371, %broadcast_in_dim3A : vector<16xi32>
      %swap3A_1373 = arith.constant 32 : index
      %swap3A_1374 = tpu.vector_load %arg19[%swap3A_1373] {strides = array<i32>} : memref<128xi32, #tpu.memory_space<vmem>>, vector<16xi32>,
      tpu.vector_store %arg19[%swap3A_1373], %add3A_1372 {strides = array<i32>} : memref<128xi32, #tpu.memory_space<vmem>>, vector<16xi32>,
      %get3A_1375 = arith.constant 160 : index
      %get3A_1376 = tpu.vector_load %arg13[%get3A_1375] {strides = array<i32>} : memref<256xi32, #tpu.memory_space<vmem>>, vector<16xi32>,
      %add3A_1377 = arith.addi %get3A_1376, %broadcast_in_dim3A : vector<16xi32>
      %swap3A_1378 = arith.constant 32 : index
      %swap3A_1379 = tpu.vector_load %arg23[%swap3A_1378] {strides = array<i32>} : memref<128xi32, #tpu.memory_space<vmem>>, vector<16xi32>,
      tpu.vector_store %arg23[%swap3A_1378], %add3A_1377 {strides = array<i32>} : memref<128xi32, #tpu.memory_space<vmem>>, vector<16xi32>,
      %get3A_1380 = arith.constant 176 : index
      %get3A_1381 = tpu.vector_load %arg15[%get3A_1380] {strides = array<i32>} : memref<256xi32, #tpu.memory_space<vmem>>, vector<16xi32>,
      %add3A_1382 = arith.addi %get3A_1381, %broadcast_in_dim3A : vector<16xi32>
      %swap3A_1383 = arith.constant 48 : index
      %swap3A_1384 = tpu.vector_load %arg19[%swap3A_1383] {strides = array<i32>} : memref<128xi32, #tpu.memory_space<vmem>>, vector<16xi32>,
      tpu.vector_store %arg19[%swap3A_1383], %add3A_1382 {strides = array<i32>} : memref<128xi32, #tpu.memory_space<vmem>>, vector<16xi32>,
      %get3A_1385 = arith.constant 176 : index
      %get3A_1386 = tpu.vector_load %arg13[%get3A_1385] {strides = array<i32>} : memref<256xi32, #tpu.memory_space<vmem>>, vector<16xi32>,
      %add3A_1387 = arith.addi %get3A_1386, %broadcast_in_dim3A : vector<16xi32>
      %swap3A_1388 = arith.constant 48 : index
      %swap3A_1389 = tpu.vector_load %arg23[%swap3A_1388] {strides = array<i32>} : memref<128xi32, #tpu.memory_space<vmem>>, vector<16xi32>,
      tpu.vector_store %arg23[%swap3A_1388], %add3A_1387 {strides = array<i32>} : memref<128xi32, #tpu.memory_space<vmem>>, vector<16xi32>,
      %get3A_1390 = arith.constant 192 : index
      %get3A_1391 = tpu.vector_load %arg15[%get3A_1390] {strides = array<i32>} : memref<256xi32, #tpu.memory_space<vmem>>, vector<16xi32>,
      %add3A_1392 = arith.addi %get3A_1391, %broadcast_in_dim3A : vector<16xi32>
      %swap3A_1393 = arith.constant 64 : index
      %swap3A_1394 = tpu.vector_load %arg19[%swap3A_1393] {strides = array<i32>} : memref<128xi32, #tpu.memory_space<vmem>>, vector<16xi32>,
      tpu.vector_store %arg19[%swap3A_1393], %add3A_1392 {strides = array<i32>} : memref<128xi32, #tpu.memory_space<vmem>>, vector<16xi32>,
      %get3A_1395 = arith.constant 192 : index
      %get3A_1396 = tpu.vector_load %arg13[%get3A_1395] {strides = array<i32>} : memref<256xi32, #tpu.memory_space<vmem>>, vector<16xi32>,
      %add3A_1397 = arith.addi %get3A_1396, %broadcast_in_dim3A : vector<16xi32>
      %swap3A_1398 = arith.constant 64 : index
      %swap3A_1399 = tpu.vector_load %arg23[%swap3A_1398] {strides = array<i32>} : memref<128xi32, #tpu.memory_space<vmem>>, vector<16xi32>,
      tpu.vector_store %arg23[%swap3A_1398], %add3A_1397 {strides = array<i32>} : memref<128xi32, #tpu.memory_space<vmem>>, vector<16xi32>,
      %get3A_1400 = arith.constant 208 : index
      %get3A_1401 = tpu.vector_load %arg15[%get3A_1400] {strides = array<i32>} : memref<256xi32, #tpu.memory_space<vmem>>, vector<16xi32>,
      %add3A_1402 = arith.addi %get3A_1401, %broadcast_in_dim3A : vector<16xi32>
      %swap3A_1403 = arith.constant 80 : index
      %swap3A_1404 = tpu.vector_load %arg19[%swap3A_1403] {strides = array<i32>} : memref<128xi32, #tpu.memory_space<vmem>>, vector<16xi32>,
      tpu.vector_store %arg19[%swap3A_1403], %add3A_1402 {strides = array<i32>} : memref<128xi32, #tpu.memory_space<vmem>>, vector<16xi32>,
      %get3A_1405 = arith.constant 208 : index
      %get3A_1406 = tpu.vector_load %arg13[%get3A_1405] {strides = array<i32>} : memref<256xi32, #tpu.memory_space<vmem>>, vector<16xi32>,
      %add3A_1407 = arith.addi %get3A_1406, %broadcast_in_dim3A : vector<16xi32>
      %swap3A_1408 = arith.constant 80 : index
      %swap3A_1409 = tpu.vector_load %arg23[%swap3A_1408] {strides = array<i32>} : memref<128xi32, #tpu.memory_space<vmem>>, vector<16xi32>,
      tpu.vector_store %arg23[%swap3A_1408], %add3A_1407 {strides = array<i32>} : memref<128xi32, #tpu.memory_space<vmem>>, vector<16xi32>,
      %get3A_1410 = arith.constant 224 : index
      %get3A_1411 = tpu.vector_load %arg15[%get3A_1410] {strides = array<i32>} : memref<256xi32, #tpu.memory_space<vmem>>, vector<16xi32>,
      %add3A_1412 = arith.addi %get3A_1411, %broadcast_in_dim3A : vector<16xi32>
      %swap3A_1413 = arith.constant 96 : index
      %swap3A_1414 = tpu.vector_load %arg19[%swap3A_1413] {strides = array<i32>} : memref<128xi32, #tpu.memory_space<vmem>>, vector<16xi32>,
      tpu.vector_store %arg19[%swap3A_1413], %add3A_1412 {strides = array<i32>} : memref<128xi32, #tpu.memory_space<vmem>>, vector<16xi32>,
      %get3A_1415 = arith.constant 224 : index
      %get3A_1416 = tpu.vector_load %arg13[%get3A_1415] {strides = array<i32>} : memref<256xi32, #tpu.memory_space<vmem>>, vector<16xi32>,
      %add3A_1417 = arith.addi %get3A_1416, %broadcast_in_dim3A : vector<16xi32>
      %swap3A_1418 = arith.constant 96 : index
      %swap3A_1419 = tpu.vector_load %arg23[%swap3A_1418] {strides = array<i32>} : memref<128xi32, #tpu.memory_space<vmem>>, vector<16xi32>,
      tpu.vector_store %arg23[%swap3A_1418], %add3A_1417 {strides = array<i32>} : memref<128xi32, #tpu.memory_space<vmem>>, vector<16xi32>,
      %get3A_1420 = arith.constant 240 : index
      %get3A_1421 = tpu.vector_load %arg15[%get3A_1420] {strides = array<i32>} : memref<256xi32, #tpu.memory_space<vmem>>, vector<16xi32>,
      %add3A_1422 = arith.addi %get3A_1421, %broadcast_in_dim3A : vector<16xi32>
      %swap3A_1423 = arith.constant 112 : index
      %swap3A_1424 = tpu.vector_load %arg19[%swap3A_1423] {strides = array<i32>} : memref<128xi32, #tpu.memory_space<vmem>>, vector<16xi32>,
      tpu.vector_store %arg19[%swap3A_1423], %add3A_1422 {strides = array<i32>} : memref<128xi32, #tpu.memory_space<vmem>>, vector<16xi32>,
      %get3A_1425 = arith.constant 240 : index
      %get3A_1426 = tpu.vector_load %arg13[%get3A_1425] {strides = array<i32>} : memref<256xi32, #tpu.memory_space<vmem>>, vector<16xi32>,
      %add3A_1427 = arith.addi %get3A_1426, %broadcast_in_dim3A : vector<16xi32>
      %swap3A_1428 = arith.constant 112 : index
      %swap3A_1429 = tpu.vector_load %arg23[%swap3A_1428] {strides = array<i32>} : memref<128xi32, #tpu.memory_space<vmem>>, vector<16xi32>,
      tpu.vector_store %arg23[%swap3A_1428], %add3A_1427 {strides = array<i32>} : memref<128xi32, #tpu.memory_space<vmem>>, vector<16xi32>,
      %dma_start3A_1430 = arith.constant 0 : i32
      %dma_start3A_1431 = arith.constant 0 : i32
      %dma_start3A_1432 = tpu.memref_slice %arg29[%dma_start3A_1430, %dma_start3A_1431] : memref<256x32xbf16, #tpu.memory_space<vmem>> -> memref<128x32xbf16, #tpu.memory_space<vmem>>
      %dma_start3A_1433 = arith.constant 0 : i32
      %dma_start3A_1434 = arith.constant 0 : i32
      %dma_start3A_1435 = tpu.memref_slice %arg2[%dma_start3A_1433, %dma_start3A_1434] : memref<50000x32xbf16, #tpu.memory_space<hbm>> -> memref<50000x32xbf16, #tpu.memory_space<hbm>>
      tpu.enqueue_indirect_dma source(%dma_start3A_1435 : memref<50000x32xbf16, #tpu.memory_space<hbm>>) target(%dma_start3A_1432 : memref<128x32xbf16, #tpu.memory_space<vmem>>) offsets(%arg17 : memref<128xi32, #tpu.memory_space<vmem>>) semaphore(%arg38 : memref<!tpu.dma_semaphore, #tpu.memory_space<semaphore_mem>>)
      %dma_start3A_1436 = arith.constant 128 : i32
      %dma_start3A_1437 = arith.constant 0 : i32
      %dma_start3A_1438 = tpu.memref_slice %arg29[%dma_start3A_1436, %dma_start3A_1437] : memref<256x32xbf16, #tpu.memory_space<vmem>> -> memref<128x32xbf16, #tpu.memory_space<vmem>>
      %dma_start3A_1439 = arith.constant 0 : i32
      %dma_start3A_1440 = arith.constant 0 : i32
      %dma_start3A_1441 = tpu.memref_slice %arg2[%dma_start3A_1439, %dma_start3A_1440] : memref<50000x32xbf16, #tpu.memory_space<hbm>> -> memref<50000x32xbf16, #tpu.memory_space<hbm>>
      tpu.enqueue_indirect_dma source(%dma_start3A_1441 : memref<50000x32xbf16, #tpu.memory_space<hbm>>) target(%dma_start3A_1438 : memref<128x32xbf16, #tpu.memory_space<vmem>>) offsets(%arg19 : memref<128xi32, #tpu.memory_space<vmem>>) semaphore(%arg38 : memref<!tpu.dma_semaphore, #tpu.memory_space<semaphore_mem>>)
      %dma_start3A_1442 = arith.constant 0 : i32
      %dma_start3A_1443 = arith.constant 0 : i32
      %dma_start3A_1444 = tpu.memref_slice %arg31[%dma_start3A_1442, %dma_start3A_1443] : memref<256x64xbf16, #tpu.memory_space<vmem>> -> memref<128x64xbf16, #tpu.memory_space<vmem>>
      %dma_start3A_1445 = arith.constant 0 : i32
      %dma_start3A_1446 = arith.constant 0 : i32
      %dma_start3A_1447 = tpu.memref_slice %arg3[%dma_start3A_1445, %dma_start3A_1446] : memref<50000x64xbf16, #tpu.memory_space<hbm>> -> memref<50000x64xbf16, #tpu.memory_space<hbm>>
      tpu.enqueue_indirect_dma source(%dma_start3A_1447 : memref<50000x64xbf16, #tpu.memory_space<hbm>>) target(%dma_start3A_1444 : memref<128x64xbf16, #tpu.memory_space<vmem>>) offsets(%arg21 : memref<128xi32, #tpu.memory_space<vmem>>) semaphore(%arg40 : memref<!tpu.dma_semaphore, #tpu.memory_space<semaphore_mem>>)
      %dma_start3A_1448 = arith.constant 128 : i32
      %dma_start3A_1449 = arith.constant 0 : i32
      %dma_start3A_1450 = tpu.memref_slice %arg31[%dma_start3A_1448, %dma_start3A_1449] : memref<256x64xbf16, #tpu.memory_space<vmem>> -> memref<128x64xbf16, #tpu.memory_space<vmem>>
      %dma_start3A_1451 = arith.constant 0 : i32
      %dma_start3A_1452 = arith.constant 0 : i32
      %dma_start3A_1453 = tpu.memref_slice %arg3[%dma_start3A_1451, %dma_start3A_1452] : memref<50000x64xbf16, #tpu.memory_space<hbm>> -> memref<50000x64xbf16, #tpu.memory_space<hbm>>
      tpu.enqueue_indirect_dma source(%dma_start3A_1453 : memref<50000x64xbf16, #tpu.memory_space<hbm>>) target(%dma_start3A_1450 : memref<128x64xbf16, #tpu.memory_space<vmem>>) offsets(%arg23 : memref<128xi32, #tpu.memory_space<vmem>>) semaphore(%arg40 : memref<!tpu.dma_semaphore, #tpu.memory_space<semaphore_mem>>)
      %ge3A_1454 = arith.constant 2 : i32
      %ge3A_1455 = arith.cmpi sge, %add3A_1237, %ge3A_1454 : i32
      %convert_element_type3A_1456 = arith.extui %ge3A_1455 : i1 to i32
      %cond3A_1457 = arith.constant 0 : i32
      %cond3A_1458 = arith.cmpi ne, %convert_element_type3A_1456, %cond3A_1457 : i32
      scf.if %cond3A_1458 {
        %dma_wait3A_1732 = arith.constant 0 : i32
        %dma_wait3A_1733 = arith.constant 0 : i32
        %dma_wait3A_1734 = tpu.memref_slice %arg34[%dma_wait3A_1732, %dma_wait3A_1733] : memref<256x40xf32, #tpu.memory_space<vmem>> -> memref<128x40xf32, #tpu.memory_space<vmem>>
        %dma_wait3A_1735 = arith.constant 0 : i32
        %dma_wait3A_1736 = arith.constant 0 : i32
        %dma_wait3A_1737 = tpu.memref_slice %arg35[%dma_wait3A_1735, %dma_wait3A_1736] : memref<25088x40xf32, #tpu.memory_space<vmem_shared>> -> memref<25088x40xf32, #tpu.memory_space<vmem_shared>>
        tpu.wait_indirect_dma semaphore(%arg43 : memref<!tpu.dma_semaphore, #tpu.memory_space<semaphore_mem>>) src(%dma_wait3A_1734 : memref<128x40xf32, #tpu.memory_space<vmem>>) dst(%dma_wait3A_1737 : memref<25088x40xf32, #tpu.memory_space<vmem_shared>>)
        %dma_wait3A_1738 = arith.constant 128 : i32
        %dma_wait3A_1739 = arith.constant 0 : i32
        %dma_wait3A_1740 = tpu.memref_slice %arg34[%dma_wait3A_1738, %dma_wait3A_1739] : memref<256x40xf32, #tpu.memory_space<vmem>> -> memref<128x40xf32, #tpu.memory_space<vmem>>
        %dma_wait3A_1741 = arith.constant 0 : i32
        %dma_wait3A_1742 = arith.constant 0 : i32
        %dma_wait3A_1743 = tpu.memref_slice %arg35[%dma_wait3A_1741, %dma_wait3A_1742] : memref<25088x40xf32, #tpu.memory_space<vmem_shared>> -> memref<25088x40xf32, #tpu.memory_space<vmem_shared>>
        tpu.wait_indirect_dma semaphore(%arg43 : memref<!tpu.dma_semaphore, #tpu.memory_space<semaphore_mem>>) src(%dma_wait3A_1740 : memref<128x40xf32, #tpu.memory_space<vmem>>) dst(%dma_wait3A_1743 : memref<25088x40xf32, #tpu.memory_space<vmem_shared>>)
      } else {
      }
      %mul3A_1459 = arith.constant 16 : i32
      %mul3A_1460 = arith.muli %add3A_1237, %mul3A_1459 : i32
      %add3A_1461 = arith.addi %arg1, %mul3A_1460 : i32
      %mul3A_1462 = arith.constant 256 : i32
      %mul3A_1463 = arith.muli %add3A_1461, %mul3A_1462 : i32
      %add3A_1464 = arith.constant 0 : i32
      %add3A_1465 = arith.addi %mul3A_1463, %add3A_1464 : i32
      %add3A_1466 = vector.broadcast %add3A_1465 : i32 to vector<16xi32>
      %add3A_1467 = arith.addi %iota3A, %add3A_1466 : vector<16xi32>
      %lt3A_1468 = arith.constant 400000 : i32
      %lt3A_1469 = vector.broadcast %lt3A_1468 : i32 to vector<16xi32>
      %lt3A_1470 = arith.cmpi slt, %add3A_1467, %lt3A_1469 : vector<16xi32>
      %get3A_1471 = arith.constant 0 : index
      %get3A_1472 = tpu.vector_load %arg16[%get3A_1471] {strides = array<i32>} : memref<256xi32, #tpu.memory_space<vmem>>, vector<16xi32>,
      %select_n3A_1473 = arith.select %lt3A_1470, %get3A_1472, %broadcast_in_dim3A_6 : vector<16xi1>, vector<16xi32>
      %swap3A_1474 = arith.constant 0 : index
      %swap3A_1475 = tpu.vector_load %arg26[%swap3A_1474] {strides = array<i32>} : memref<128xi32, #tpu.memory_space<vmem>>, vector<16xi32>,
      tpu.vector_store %arg26[%swap3A_1474], %select_n3A_1473 {strides = array<i32>} : memref<128xi32, #tpu.memory_space<vmem>>, vector<16xi32>,
      %add3A_1476 = arith.constant 16 : i32
      %add3A_1477 = arith.addi %mul3A_1463, %add3A_1476 : i32
      %add3A_1478 = vector.broadcast %add3A_1477 : i32 to vector<16xi32>
      %add3A_1479 = arith.addi %iota3A, %add3A_1478 : vector<16xi32>
      %lt3A_1480 = arith.constant 400000 : i32
      %lt3A_1481 = vector.broadcast %lt3A_1480 : i32 to vector<16xi32>
      %lt3A_1482 = arith.cmpi slt, %add3A_1479, %lt3A_1481 : vector<16xi32>
      %get3A_1483 = arith.constant 16 : index
      %get3A_1484 = tpu.vector_load %arg16[%get3A_1483] {strides = array<i32>} : memref<256xi32, #tpu.memory_space<vmem>>, vector<16xi32>,
      %select_n3A_1485 = arith.select %lt3A_1482, %get3A_1484, %broadcast_in_dim3A_6 : vector<16xi1>, vector<16xi32>
      %swap3A_1486 = arith.constant 16 : index
      %swap3A_1487 = tpu.vector_load %arg26[%swap3A_1486] {strides = array<i32>} : memref<128xi32, #tpu.memory_space<vmem>>, vector<16xi32>,
      tpu.vector_store %arg26[%swap3A_1486], %select_n3A_1485 {strides = array<i32>} : memref<128xi32, #tpu.memory_space<vmem>>, vector<16xi32>,
      %add3A_1488 = arith.constant 32 : i32
      %add3A_1489 = arith.addi %mul3A_1463, %add3A_1488 : i32
      %add3A_1490 = vector.broadcast %add3A_1489 : i32 to vector<16xi32>
      %add3A_1491 = arith.addi %iota3A, %add3A_1490 : vector<16xi32>
      %lt3A_1492 = arith.constant 400000 : i32
      %lt3A_1493 = vector.broadcast %lt3A_1492 : i32 to vector<16xi32>
      %lt3A_1494 = arith.cmpi slt, %add3A_1491, %lt3A_1493 : vector<16xi32>
      %get3A_1495 = arith.constant 32 : index
      %get3A_1496 = tpu.vector_load %arg16[%get3A_1495] {strides = array<i32>} : memref<256xi32, #tpu.memory_space<vmem>>, vector<16xi32>,
      %select_n3A_1497 = arith.select %lt3A_1494, %get3A_1496, %broadcast_in_dim3A_6 : vector<16xi1>, vector<16xi32>
      %swap3A_1498 = arith.constant 32 : index
      %swap3A_1499 = tpu.vector_load %arg26[%swap3A_1498] {strides = array<i32>} : memref<128xi32, #tpu.memory_space<vmem>>, vector<16xi32>,
      tpu.vector_store %arg26[%swap3A_1498], %select_n3A_1497 {strides = array<i32>} : memref<128xi32, #tpu.memory_space<vmem>>, vector<16xi32>,
      %add3A_1500 = arith.constant 48 : i32
      %add3A_1501 = arith.addi %mul3A_1463, %add3A_1500 : i32
      %add3A_1502 = vector.broadcast %add3A_1501 : i32 to vector<16xi32>
      %add3A_1503 = arith.addi %iota3A, %add3A_1502 : vector<16xi32>
      %lt3A_1504 = arith.constant 400000 : i32
      %lt3A_1505 = vector.broadcast %lt3A_1504 : i32 to vector<16xi32>
      %lt3A_1506 = arith.cmpi slt, %add3A_1503, %lt3A_1505 : vector<16xi32>
      %get3A_1507 = arith.constant 48 : index
      %get3A_1508 = tpu.vector_load %arg16[%get3A_1507] {strides = array<i32>} : memref<256xi32, #tpu.memory_space<vmem>>, vector<16xi32>,
      %select_n3A_1509 = arith.select %lt3A_1506, %get3A_1508, %broadcast_in_dim3A_6 : vector<16xi1>, vector<16xi32>
      %swap3A_1510 = arith.constant 48 : index
      %swap3A_1511 = tpu.vector_load %arg26[%swap3A_1510] {strides = array<i32>} : memref<128xi32, #tpu.memory_space<vmem>>, vector<16xi32>,
      tpu.vector_store %arg26[%swap3A_1510], %select_n3A_1509 {strides = array<i32>} : memref<128xi32, #tpu.memory_space<vmem>>, vector<16xi32>,
      %add3A_1512 = arith.constant 64 : i32
      %add3A_1513 = arith.addi %mul3A_1463, %add3A_1512 : i32
      %add3A_1514 = vector.broadcast %add3A_1513 : i32 to vector<16xi32>
      %add3A_1515 = arith.addi %iota3A, %add3A_1514 : vector<16xi32>
      %lt3A_1516 = arith.constant 400000 : i32
      %lt3A_1517 = vector.broadcast %lt3A_1516 : i32 to vector<16xi32>
      %lt3A_1518 = arith.cmpi slt, %add3A_1515, %lt3A_1517 : vector<16xi32>
      %get3A_1519 = arith.constant 64 : index
      %get3A_1520 = tpu.vector_load %arg16[%get3A_1519] {strides = array<i32>} : memref<256xi32, #tpu.memory_space<vmem>>, vector<16xi32>,
      %select_n3A_1521 = arith.select %lt3A_1518, %get3A_1520, %broadcast_in_dim3A_6 : vector<16xi1>, vector<16xi32>
      %swap3A_1522 = arith.constant 64 : index
      %swap3A_1523 = tpu.vector_load %arg26[%swap3A_1522] {strides = array<i32>} : memref<128xi32, #tpu.memory_space<vmem>>, vector<16xi32>,
      tpu.vector_store %arg26[%swap3A_1522], %select_n3A_1521 {strides = array<i32>} : memref<128xi32, #tpu.memory_space<vmem>>, vector<16xi32>,
      %add3A_1524 = arith.constant 80 : i32
      %add3A_1525 = arith.addi %mul3A_1463, %add3A_1524 : i32
      %add3A_1526 = vector.broadcast %add3A_1525 : i32 to vector<16xi32>
      %add3A_1527 = arith.addi %iota3A, %add3A_1526 : vector<16xi32>
      %lt3A_1528 = arith.constant 400000 : i32
      %lt3A_1529 = vector.broadcast %lt3A_1528 : i32 to vector<16xi32>
      %lt3A_1530 = arith.cmpi slt, %add3A_1527, %lt3A_1529 : vector<16xi32>
      %get3A_1531 = arith.constant 80 : index
      %get3A_1532 = tpu.vector_load %arg16[%get3A_1531] {strides = array<i32>} : memref<256xi32, #tpu.memory_space<vmem>>, vector<16xi32>,
      %select_n3A_1533 = arith.select %lt3A_1530, %get3A_1532, %broadcast_in_dim3A_6 : vector<16xi1>, vector<16xi32>
      %swap3A_1534 = arith.constant 80 : index
      %swap3A_1535 = tpu.vector_load %arg26[%swap3A_1534] {strides = array<i32>} : memref<128xi32, #tpu.memory_space<vmem>>, vector<16xi32>,
      tpu.vector_store %arg26[%swap3A_1534], %select_n3A_1533 {strides = array<i32>} : memref<128xi32, #tpu.memory_space<vmem>>, vector<16xi32>,
      %add3A_1536 = arith.constant 96 : i32
      %add3A_1537 = arith.addi %mul3A_1463, %add3A_1536 : i32
      %add3A_1538 = vector.broadcast %add3A_1537 : i32 to vector<16xi32>
      %add3A_1539 = arith.addi %iota3A, %add3A_1538 : vector<16xi32>
      %lt3A_1540 = arith.constant 400000 : i32
      %lt3A_1541 = vector.broadcast %lt3A_1540 : i32 to vector<16xi32>
      %lt3A_1542 = arith.cmpi slt, %add3A_1539, %lt3A_1541 : vector<16xi32>
      %get3A_1543 = arith.constant 96 : index
      %get3A_1544 = tpu.vector_load %arg16[%get3A_1543] {strides = array<i32>} : memref<256xi32, #tpu.memory_space<vmem>>, vector<16xi32>,
      %select_n3A_1545 = arith.select %lt3A_1542, %get3A_1544, %broadcast_in_dim3A_6 : vector<16xi1>, vector<16xi32>
      %swap3A_1546 = arith.constant 96 : index
      %swap3A_1547 = tpu.vector_load %arg26[%swap3A_1546] {strides = array<i32>} : memref<128xi32, #tpu.memory_space<vmem>>, vector<16xi32>,
      tpu.vector_store %arg26[%swap3A_1546], %select_n3A_1545 {strides = array<i32>} : memref<128xi32, #tpu.memory_space<vmem>>, vector<16xi32>,
      %add3A_1548 = arith.constant 112 : i32
      %add3A_1549 = arith.addi %mul3A_1463, %add3A_1548 : i32
      %add3A_1550 = vector.broadcast %add3A_1549 : i32 to vector<16xi32>
      %add3A_1551 = arith.addi %iota3A, %add3A_1550 : vector<16xi32>
      %lt3A_1552 = arith.constant 400000 : i32
      %lt3A_1553 = vector.broadcast %lt3A_1552 : i32 to vector<16xi32>
      %lt3A_1554 = arith.cmpi slt, %add3A_1551, %lt3A_1553 : vector<16xi32>
      %get3A_1555 = arith.constant 112 : index
      %get3A_1556 = tpu.vector_load %arg16[%get3A_1555] {strides = array<i32>} : memref<256xi32, #tpu.memory_space<vmem>>, vector<16xi32>,
      %select_n3A_1557 = arith.select %lt3A_1554, %get3A_1556, %broadcast_in_dim3A_6 : vector<16xi1>, vector<16xi32>
      %swap3A_1558 = arith.constant 112 : index
      %swap3A_1559 = tpu.vector_load %arg26[%swap3A_1558] {strides = array<i32>} : memref<128xi32, #tpu.memory_space<vmem>>, vector<16xi32>,
      tpu.vector_store %arg26[%swap3A_1558], %select_n3A_1557 {strides = array<i32>} : memref<128xi32, #tpu.memory_space<vmem>>, vector<16xi32>,
      %add3A_1560 = arith.constant 128 : i32
      %add3A_1561 = arith.addi %mul3A_1463, %add3A_1560 : i32
      %add3A_1562 = vector.broadcast %add3A_1561 : i32 to vector<16xi32>
      %add3A_1563 = arith.addi %iota3A, %add3A_1562 : vector<16xi32>
      %lt3A_1564 = arith.constant 400000 : i32
      %lt3A_1565 = vector.broadcast %lt3A_1564 : i32 to vector<16xi32>
      %lt3A_1566 = arith.cmpi slt, %add3A_1563, %lt3A_1565 : vector<16xi32>
      %get3A_1567 = arith.constant 128 : index
      %get3A_1568 = tpu.vector_load %arg16[%get3A_1567] {strides = array<i32>} : memref<256xi32, #tpu.memory_space<vmem>>, vector<16xi32>,
      %select_n3A_1569 = arith.select %lt3A_1566, %get3A_1568, %broadcast_in_dim3A_6 : vector<16xi1>, vector<16xi32>
      %swap3A_1570 = arith.constant 0 : index
      %swap3A_1571 = tpu.vector_load %arg28[%swap3A_1570] {strides = array<i32>} : memref<128xi32, #tpu.memory_space<vmem>>, vector<16xi32>,
      tpu.vector_store %arg28[%swap3A_1570], %select_n3A_1569 {strides = array<i32>} : memref<128xi32, #tpu.memory_space<vmem>>, vector<16xi32>,
      %add3A_1572 = arith.constant 144 : i32
      %add3A_1573 = arith.addi %mul3A_1463, %add3A_1572 : i32
      %add3A_1574 = vector.broadcast %add3A_1573 : i32 to vector<16xi32>
      %add3A_1575 = arith.addi %iota3A, %add3A_1574 : vector<16xi32>
      %lt3A_1576 = arith.constant 400000 : i32
      %lt3A_1577 = vector.broadcast %lt3A_1576 : i32 to vector<16xi32>
      %lt3A_1578 = arith.cmpi slt, %add3A_1575, %lt3A_1577 : vector<16xi32>
      %get3A_1579 = arith.constant 144 : index
      %get3A_1580 = tpu.vector_load %arg16[%get3A_1579] {strides = array<i32>} : memref<256xi32, #tpu.memory_space<vmem>>, vector<16xi32>,
      %select_n3A_1581 = arith.select %lt3A_1578, %get3A_1580, %broadcast_in_dim3A_6 : vector<16xi1>, vector<16xi32>
      %swap3A_1582 = arith.constant 16 : index
      %swap3A_1583 = tpu.vector_load %arg28[%swap3A_1582] {strides = array<i32>} : memref<128xi32, #tpu.memory_space<vmem>>, vector<16xi32>,
      tpu.vector_store %arg28[%swap3A_1582], %select_n3A_1581 {strides = array<i32>} : memref<128xi32, #tpu.memory_space<vmem>>, vector<16xi32>,
      %add3A_1584 = arith.constant 160 : i32
      %add3A_1585 = arith.addi %mul3A_1463, %add3A_1584 : i32
      %add3A_1586 = vector.broadcast %add3A_1585 : i32 to vector<16xi32>
      %add3A_1587 = arith.addi %iota3A, %add3A_1586 : vector<16xi32>
      %lt3A_1588 = arith.constant 400000 : i32
      %lt3A_1589 = vector.broadcast %lt3A_1588 : i32 to vector<16xi32>
      %lt3A_1590 = arith.cmpi slt, %add3A_1587, %lt3A_1589 : vector<16xi32>
      %get3A_1591 = arith.constant 160 : index
      %get3A_1592 = tpu.vector_load %arg16[%get3A_1591] {strides = array<i32>} : memref<256xi32, #tpu.memory_space<vmem>>, vector<16xi32>,
      %select_n3A_1593 = arith.select %lt3A_1590, %get3A_1592, %broadcast_in_dim3A_6 : vector<16xi1>, vector<16xi32>
      %swap3A_1594 = arith.constant 32 : index
      %swap3A_1595 = tpu.vector_load %arg28[%swap3A_1594] {strides = array<i32>} : memref<128xi32, #tpu.memory_space<vmem>>, vector<16xi32>,
      tpu.vector_store %arg28[%swap3A_1594], %select_n3A_1593 {strides = array<i32>} : memref<128xi32, #tpu.memory_space<vmem>>, vector<16xi32>,
      %add3A_1596 = arith.constant 176 : i32
      %add3A_1597 = arith.addi %mul3A_1463, %add3A_1596 : i32
      %add3A_1598 = vector.broadcast %add3A_1597 : i32 to vector<16xi32>
      %add3A_1599 = arith.addi %iota3A, %add3A_1598 : vector<16xi32>
      %lt3A_1600 = arith.constant 400000 : i32
      %lt3A_1601 = vector.broadcast %lt3A_1600 : i32 to vector<16xi32>
      %lt3A_1602 = arith.cmpi slt, %add3A_1599, %lt3A_1601 : vector<16xi32>
      %get3A_1603 = arith.constant 176 : index
      %get3A_1604 = tpu.vector_load %arg16[%get3A_1603] {strides = array<i32>} : memref<256xi32, #tpu.memory_space<vmem>>, vector<16xi32>,
      %select_n3A_1605 = arith.select %lt3A_1602, %get3A_1604, %broadcast_in_dim3A_6 : vector<16xi1>, vector<16xi32>
      %swap3A_1606 = arith.constant 48 : index
      %swap3A_1607 = tpu.vector_load %arg28[%swap3A_1606] {strides = array<i32>} : memref<128xi32, #tpu.memory_space<vmem>>, vector<16xi32>,
      tpu.vector_store %arg28[%swap3A_1606], %select_n3A_1605 {strides = array<i32>} : memref<128xi32, #tpu.memory_space<vmem>>, vector<16xi32>,
      %add3A_1608 = arith.constant 192 : i32
      %add3A_1609 = arith.addi %mul3A_1463, %add3A_1608 : i32
      %add3A_1610 = vector.broadcast %add3A_1609 : i32 to vector<16xi32>
      %add3A_1611 = arith.addi %iota3A, %add3A_1610 : vector<16xi32>
      %lt3A_1612 = arith.constant 400000 : i32
      %lt3A_1613 = vector.broadcast %lt3A_1612 : i32 to vector<16xi32>
      %lt3A_1614 = arith.cmpi slt, %add3A_1611, %lt3A_1613 : vector<16xi32>
      %get3A_1615 = arith.constant 192 : index
      %get3A_1616 = tpu.vector_load %arg16[%get3A_1615] {strides = array<i32>} : memref<256xi32, #tpu.memory_space<vmem>>, vector<16xi32>,
      %select_n3A_1617 = arith.select %lt3A_1614, %get3A_1616, %broadcast_in_dim3A_6 : vector<16xi1>, vector<16xi32>
      %swap3A_1618 = arith.constant 64 : index
      %swap3A_1619 = tpu.vector_load %arg28[%swap3A_1618] {strides = array<i32>} : memref<128xi32, #tpu.memory_space<vmem>>, vector<16xi32>,
      tpu.vector_store %arg28[%swap3A_1618], %select_n3A_1617 {strides = array<i32>} : memref<128xi32, #tpu.memory_space<vmem>>, vector<16xi32>,
      %add3A_1620 = arith.constant 208 : i32
      %add3A_1621 = arith.addi %mul3A_1463, %add3A_1620 : i32
      %add3A_1622 = vector.broadcast %add3A_1621 : i32 to vector<16xi32>
      %add3A_1623 = arith.addi %iota3A, %add3A_1622 : vector<16xi32>
      %lt3A_1624 = arith.constant 400000 : i32
      %lt3A_1625 = vector.broadcast %lt3A_1624 : i32 to vector<16xi32>
      %lt3A_1626 = arith.cmpi slt, %add3A_1623, %lt3A_1625 : vector<16xi32>
      %get3A_1627 = arith.constant 208 : index
      %get3A_1628 = tpu.vector_load %arg16[%get3A_1627] {strides = array<i32>} : memref<256xi32, #tpu.memory_space<vmem>>, vector<16xi32>,
      %select_n3A_1629 = arith.select %lt3A_1626, %get3A_1628, %broadcast_in_dim3A_6 : vector<16xi1>, vector<16xi32>
      %swap3A_1630 = arith.constant 80 : index
      %swap3A_1631 = tpu.vector_load %arg28[%swap3A_1630] {strides = array<i32>} : memref<128xi32, #tpu.memory_space<vmem>>, vector<16xi32>,
      tpu.vector_store %arg28[%swap3A_1630], %select_n3A_1629 {strides = array<i32>} : memref<128xi32, #tpu.memory_space<vmem>>, vector<16xi32>,
      %add3A_1632 = arith.constant 224 : i32
      %add3A_1633 = arith.addi %mul3A_1463, %add3A_1632 : i32
      %add3A_1634 = vector.broadcast %add3A_1633 : i32 to vector<16xi32>
      %add3A_1635 = arith.addi %iota3A, %add3A_1634 : vector<16xi32>
      %lt3A_1636 = arith.constant 400000 : i32
      %lt3A_1637 = vector.broadcast %lt3A_1636 : i32 to vector<16xi32>
      %lt3A_1638 = arith.cmpi slt, %add3A_1635, %lt3A_1637 : vector<16xi32>
      %get3A_1639 = arith.constant 224 : index
      %get3A_1640 = tpu.vector_load %arg16[%get3A_1639] {strides = array<i32>} : memref<256xi32, #tpu.memory_space<vmem>>, vector<16xi32>,
      %select_n3A_1641 = arith.select %lt3A_1638, %get3A_1640, %broadcast_in_dim3A_6 : vector<16xi1>, vector<16xi32>
      %swap3A_1642 = arith.constant 96 : index
      %swap3A_1643 = tpu.vector_load %arg28[%swap3A_1642] {strides = array<i32>} : memref<128xi32, #tpu.memory_space<vmem>>, vector<16xi32>,
      tpu.vector_store %arg28[%swap3A_1642], %select_n3A_1641 {strides = array<i32>} : memref<128xi32, #tpu.memory_space<vmem>>, vector<16xi32>,
      %add3A_1644 = arith.constant 240 : i32
      %add3A_1645 = arith.addi %mul3A_1463, %add3A_1644 : i32
      %add3A_1646 = vector.broadcast %add3A_1645 : i32 to vector<16xi32>
      %add3A_1647 = arith.addi %iota3A, %add3A_1646 : vector<16xi32>
      %lt3A_1648 = arith.constant 400000 : i32
      %lt3A_1649 = vector.broadcast %lt3A_1648 : i32 to vector<16xi32>
      %lt3A_1650 = arith.cmpi slt, %add3A_1647, %lt3A_1649 : vector<16xi32>
      %get3A_1651 = arith.constant 240 : index
      %get3A_1652 = tpu.vector_load %arg16[%get3A_1651] {strides = array<i32>} : memref<256xi32, #tpu.memory_space<vmem>>, vector<16xi32>,
      %select_n3A_1653 = arith.select %lt3A_1650, %get3A_1652, %broadcast_in_dim3A_6 : vector<16xi1>, vector<16xi32>
      %swap3A_1654 = arith.constant 112 : index
      %swap3A_1655 = tpu.vector_load %arg28[%swap3A_1654] {strides = array<i32>} : memref<128xi32, #tpu.memory_space<vmem>>, vector<16xi32>,
      tpu.vector_store %arg28[%swap3A_1654], %select_n3A_1653 {strides = array<i32>} : memref<128xi32, #tpu.memory_space<vmem>>, vector<16xi32>,
      %add3A_1656 = arith.constant 2 : i32
      %add3A_1657 = arith.addi %add3A_1237, %add3A_1656 : i32
      %mul3A_1658 = arith.constant 16 : i32
      %mul3A_1659 = arith.muli %add3A_1657, %mul3A_1658 : i32
      %add3A_1660 = arith.addi %arg1, %mul3A_1659 : i32
      %min3A_1661 = arith.constant 1562 : i32
      %min3A_1662 = arith.minsi %add3A_1660, %min3A_1661 : i32
      %mul3A_1663 = arith.constant 256 : i32
      %mul3A_1664 = arith.muli %min3A_1662, %mul3A_1663 : i32
      %add3A_1665 = arith.constant 128 : i32
      %add3A_1666 = arith.addi %mul3A_1664, %add3A_1665 : i32
      %min3A_1667 = arith.constant 399872 : i32
      %min3A_1668 = arith.minsi %add3A_1666, %min3A_1667 : i32
      %dma_start3A_1669 = arith.constant 0 : i32
      %dma_start3A_1670 = tpu.memref_slice %arg14[%dma_start3A_1669] : memref<256xi32, #tpu.memory_space<vmem>> -> memref<128xi32, #tpu.memory_space<vmem>>
      %dma_start3A_1671 = tpu.memref_slice %arg4[%mul3A_1664] : memref<400000xi32, #tpu.memory_space<hbm>> -> memref<128xi32, #tpu.memory_space<hbm>>
      %dma_start3A_1672 = arith.constant 0 : i32
      %dma_start3A_1673 = tpu.memref_slice %arg14[%dma_start3A_1672] : memref<256xi32, #tpu.memory_space<vmem>> -> memref<128xi32, #tpu.memory_space<vmem>>
      %dma_start3A_1674 = tpu.memref_slice %arg4[%mul3A_1664] : memref<400000xi32, #tpu.memory_space<hbm>> -> memref<128xi32, #tpu.memory_space<hbm>>
      tpu.enqueue_dma source(%dma_start3A_1674 : memref<128xi32, #tpu.memory_space<hbm>>) target(%dma_start3A_1673 : memref<128xi32, #tpu.memory_space<vmem>>) target_semaphore(%arg37 : memref<!tpu.dma_semaphore, #tpu.memory_space<semaphore_mem>>)
      %dma_start3A_1675 = arith.constant 128 : i32
      %dma_start3A_1676 = tpu.memref_slice %arg14[%dma_start3A_1675] : memref<256xi32, #tpu.memory_space<vmem>> -> memref<128xi32, #tpu.memory_space<vmem>>
      %dma_start3A_1677 = tpu.memref_slice %arg4[%min3A_1668] : memref<400000xi32, #tpu.memory_space<hbm>> -> memref<128xi32, #tpu.memory_space<hbm>>
      %dma_start3A_1678 = arith.constant 128 : i32
      %dma_start3A_1679 = tpu.memref_slice %arg14[%dma_start3A_1678] : memref<256xi32, #tpu.memory_space<vmem>> -> memref<128xi32, #tpu.memory_space<vmem>>
      %dma_start3A_1680 = tpu.memref_slice %arg4[%min3A_1668] : memref<400000xi32, #tpu.memory_space<hbm>> -> memref<128xi32, #tpu.memory_space<hbm>>
      tpu.enqueue_dma source(%dma_start3A_1680 : memref<128xi32, #tpu.memory_space<hbm>>) target(%dma_start3A_1679 : memref<128xi32, #tpu.memory_space<vmem>>) target_semaphore(%arg37 : memref<!tpu.dma_semaphore, #tpu.memory_space<semaphore_mem>>)
      %dma_start3A_1681 = arith.constant 0 : i32
      %dma_start3A_1682 = tpu.memref_slice %arg16[%dma_start3A_1681] : memref<256xi32, #tpu.memory_space<vmem>> -> memref<128xi32, #tpu.memory_space<vmem>>
      %dma_start3A_1683 = tpu.memref_slice %arg5[%mul3A_1664] : memref<400000xi32, #tpu.memory_space<hbm>> -> memref<128xi32, #tpu.memory_space<hbm>>
      %dma_start3A_1684 = arith.constant 0 : i32
      %dma_start3A_1685 = tpu.memref_slice %arg16[%dma_start3A_1684] : memref<256xi32, #tpu.memory_space<vmem>> -> memref<128xi32, #tpu.memory_space<vmem>>
      %dma_start3A_1686 = tpu.memref_slice %arg5[%mul3A_1664] : memref<400000xi32, #tpu.memory_space<hbm>> -> memref<128xi32, #tpu.memory_space<hbm>>
      tpu.enqueue_dma source(%dma_start3A_1686 : memref<128xi32, #tpu.memory_space<hbm>>) target(%dma_start3A_1685 : memref<128xi32, #tpu.memory_space<vmem>>) target_semaphore(%arg37 : memref<!tpu.dma_semaphore, #tpu.memory_space<semaphore_mem>>)
      %dma_start3A_1687 = arith.constant 128 : i32
      %dma_start3A_1688 = tpu.memref_slice %arg16[%dma_start3A_1687] : memref<256xi32, #tpu.memory_space<vmem>> -> memref<128xi32, #tpu.memory_space<vmem>>
      %dma_start3A_1689 = tpu.memref_slice %arg5[%min3A_1668] : memref<400000xi32, #tpu.memory_space<hbm>> -> memref<128xi32, #tpu.memory_space<hbm>>
      %dma_start3A_1690 = arith.constant 128 : i32
      %dma_start3A_1691 = tpu.memref_slice %arg16[%dma_start3A_1690] : memref<256xi32, #tpu.memory_space<vmem>> -> memref<128xi32, #tpu.memory_space<vmem>>
      %dma_start3A_1692 = tpu.memref_slice %arg5[%min3A_1668] : memref<400000xi32, #tpu.memory_space<hbm>> -> memref<128xi32, #tpu.memory_space<hbm>>
      tpu.enqueue_dma source(%dma_start3A_1692 : memref<128xi32, #tpu.memory_space<hbm>>) target(%dma_start3A_1691 : memref<128xi32, #tpu.memory_space<vmem>>) target_semaphore(%arg37 : memref<!tpu.dma_semaphore, #tpu.memory_space<semaphore_mem>>)
      %dma_wait3A_1693 = arith.constant 0 : i32
      %dma_wait3A_1694 = arith.constant 0 : i32
      %dma_wait3A_1695 = tpu.memref_slice %arg30[%dma_wait3A_1693, %dma_wait3A_1694] : memref<256x32xbf16, #tpu.memory_space<vmem>> -> memref<128x32xbf16, #tpu.memory_space<vmem>>
      %dma_wait3A_1696 = arith.constant 0 : i32
      %dma_wait3A_1697 = arith.constant 0 : i32
      %dma_wait3A_1698 = tpu.memref_slice %arg2[%dma_wait3A_1696, %dma_wait3A_1697] : memref<50000x32xbf16, #tpu.memory_space<hbm>> -> memref<50000x32xbf16, #tpu.memory_space<hbm>>
      tpu.wait_indirect_dma semaphore(%arg39 : memref<!tpu.dma_semaphore, #tpu.memory_space<semaphore_mem>>) src(%dma_wait3A_1698 : memref<50000x32xbf16, #tpu.memory_space<hbm>>) dst(%dma_wait3A_1695 : memref<128x32xbf16, #tpu.memory_space<vmem>>)
      %dma_wait3A_1699 = arith.constant 128 : i32
      %dma_wait3A_1700 = arith.constant 0 : i32
      %dma_wait3A_1701 = tpu.memref_slice %arg30[%dma_wait3A_1699, %dma_wait3A_1700] : memref<256x32xbf16, #tpu.memory_space<vmem>> -> memref<128x32xbf16, #tpu.memory_space<vmem>>
      %dma_wait3A_1702 = arith.constant 0 : i32
      %dma_wait3A_1703 = arith.constant 0 : i32
      %dma_wait3A_1704 = tpu.memref_slice %arg2[%dma_wait3A_1702, %dma_wait3A_1703] : memref<50000x32xbf16, #tpu.memory_space<hbm>> -> memref<50000x32xbf16, #tpu.memory_space<hbm>>
      tpu.wait_indirect_dma semaphore(%arg39 : memref<!tpu.dma_semaphore, #tpu.memory_space<semaphore_mem>>) src(%dma_wait3A_1704 : memref<50000x32xbf16, #tpu.memory_space<hbm>>) dst(%dma_wait3A_1701 : memref<128x32xbf16, #tpu.memory_space<vmem>>)
      %dma_wait3A_1705 = arith.constant 0 : i32
      %dma_wait3A_1706 = arith.constant 0 : i32
      %dma_wait3A_1707 = tpu.memref_slice %arg32[%dma_wait3A_1705, %dma_wait3A_1706] : memref<256x64xbf16, #tpu.memory_space<vmem>> -> memref<128x64xbf16, #tpu.memory_space<vmem>>
      %dma_wait3A_1708 = arith.constant 0 : i32
      %dma_wait3A_1709 = arith.constant 0 : i32
      %dma_wait3A_1710 = tpu.memref_slice %arg3[%dma_wait3A_1708, %dma_wait3A_1709] : memref<50000x64xbf16, #tpu.memory_space<hbm>> -> memref<50000x64xbf16, #tpu.memory_space<hbm>>
      tpu.wait_indirect_dma semaphore(%arg41 : memref<!tpu.dma_semaphore, #tpu.memory_space<semaphore_mem>>) src(%dma_wait3A_1710 : memref<50000x64xbf16, #tpu.memory_space<hbm>>) dst(%dma_wait3A_1707 : memref<128x64xbf16, #tpu.memory_space<vmem>>)
      %dma_wait3A_1711 = arith.constant 128 : i32
      %dma_wait3A_1712 = arith.constant 0 : i32
      %dma_wait3A_1713 = tpu.memref_slice %arg32[%dma_wait3A_1711, %dma_wait3A_1712] : memref<256x64xbf16, #tpu.memory_space<vmem>> -> memref<128x64xbf16, #tpu.memory_space<vmem>>
      %dma_wait3A_1714 = arith.constant 0 : i32
      %dma_wait3A_1715 = arith.constant 0 : i32
      %dma_wait3A_1716 = tpu.memref_slice %arg3[%dma_wait3A_1714, %dma_wait3A_1715] : memref<50000x64xbf16, #tpu.memory_space<hbm>> -> memref<50000x64xbf16, #tpu.memory_space<hbm>>
      tpu.wait_indirect_dma semaphore(%arg41 : memref<!tpu.dma_semaphore, #tpu.memory_space<semaphore_mem>>) src(%dma_wait3A_1716 : memref<50000x64xbf16, #tpu.memory_space<hbm>>) dst(%dma_wait3A_1713 : memref<128x64xbf16, #tpu.memory_space<vmem>>)
      %parallel_loop3A_1717 = arith.constant 0 : i32
      %parallel_loop3A_1718 = arith.constant 256 : i32
      %parallel_loop3A_1719 = arith.constant 1 : i32
      scf.for %parallel_loop3A_1732 = %parallel_loop3A_1717 to %parallel_loop3A_1718 step %parallel_loop3A_1719  : i32 {
        %parallel_loop3A_1733 = arith.index_cast %parallel_loop3A_1732 : i32 to index
        %parallel_loop3A_1734 = arith.constant 0 : index
        %parallel_loop3A_1735 = tpu.vector_load %arg30[%parallel_loop3A_1733, %parallel_loop3A_1734] {strides = array<i32>} : memref<256x32xbf16, #tpu.memory_space<vmem>>, vector<32xbf16>,
        %parallel_loop3A_1736 = tpu.unpack_subelements %parallel_loop3A_1735, 0 {pack_format = #tpu.pack_format<interleaved>} : vector<32xbf16> -> vector<16xf32>
        %parallel_loop3A_1737 = tpu.unpack_subelements %parallel_loop3A_1735, 1 {pack_format = #tpu.pack_format<interleaved>} : vector<32xbf16> -> vector<16xf32>
        %parallel_loop3A_1738 = arith.index_cast %parallel_loop3A_1732 : i32 to index
        %parallel_loop3A_1739 = arith.constant 0 : index
        %parallel_loop3A_1740 = tpu.vector_load %arg32[%parallel_loop3A_1738, %parallel_loop3A_1739] {strides = array<i32>} : memref<256x64xbf16, #tpu.memory_space<vmem>>, vector<32xbf16>,
        %parallel_loop3A_1741 = tpu.unpack_subelements %parallel_loop3A_1740, 0 {pack_format = #tpu.pack_format<interleaved>} : vector<32xbf16> -> vector<16xf32>
        %parallel_loop3A_1742 = tpu.unpack_subelements %parallel_loop3A_1740, 1 {pack_format = #tpu.pack_format<interleaved>} : vector<32xbf16> -> vector<16xf32>
        %parallel_loop3A_1743 = arith.mulf %parallel_loop3A_1736, %parallel_loop3A_1741 : vector<16xf32>
        %parallel_loop3A_1744 = arith.mulf %parallel_loop3A_1737, %parallel_loop3A_1742 : vector<16xf32>
        %parallel_loop3A_1745 = arith.addf %parallel_loop3A_1743, %parallel_loop3A_1744 : vector<16xf32>
        %parallel_loop3A_1746 = arith.constant true
        %parallel_loop3A_1747 = vector.broadcast %parallel_loop3A_1746 : i1 to vector<16xi1>
        %parallel_loop3A_1748 = tpu.scan <sum>, %parallel_loop3A_1745 masked %parallel_loop3A_1747 : vector<16xf32>, vector<16xi1> -> vector<16xf32>
        %parallel_loop3A_1749 = vector.extract %parallel_loop3A_1748[15] : f32 from vector<16xf32>
        %parallel_loop3A_1750 = vector.broadcast %parallel_loop3A_1749 : f32 to vector<16xf32>
        %parallel_loop3A_1751 = math.exp %parallel_loop3A_1750 : vector<16xf32>
        %parallel_loop3A_1752 = arith.index_cast %parallel_loop3A_1732 : i32 to index
        %parallel_loop3A_1753 = arith.constant 32 : index
        %parallel_loop3A_1754 = tpu.vector_load %arg32[%parallel_loop3A_1752, %parallel_loop3A_1753] {strides = array<i32>} : memref<256x64xbf16, #tpu.memory_space<vmem>>, vector<32xbf16>,
        %parallel_loop3A_1755 = tpu.unpack_subelements %parallel_loop3A_1754, 0 {pack_format = #tpu.pack_format<interleaved>} : vector<32xbf16> -> vector<16xf32>
        %parallel_loop3A_1756 = tpu.unpack_subelements %parallel_loop3A_1754, 1 {pack_format = #tpu.pack_format<interleaved>} : vector<32xbf16> -> vector<16xf32>
        %parallel_loop3A_1757 = arith.mulf %parallel_loop3A_1756, %parallel_loop3A_1751 : vector<16xf32>
        %parallel_loop3A_1758 = arith.mulf %parallel_loop3A_1755, %parallel_loop3A_1751 : vector<16xf32>
        %parallel_loop3A_1759 = arith.index_cast %parallel_loop3A_1732 : i32 to index
        %parallel_loop3A_1760 = arith.constant 0 : index
        %parallel_loop3A_1761 = tpu.vector_load %arg34[%parallel_loop3A_1759, %parallel_loop3A_1760] {strides = array<i32>} : memref<256x40xf32, #tpu.memory_space<vmem>>, vector<16xf32>,
        tpu.vector_store %arg34[%parallel_loop3A_1759, %parallel_loop3A_1760], %parallel_loop3A_1758 {strides = array<i32>} : memref<256x40xf32, #tpu.memory_space<vmem>>, vector<16xf32>,
        %parallel_loop3A_1762 = arith.index_cast %parallel_loop3A_1732 : i32 to index
        %parallel_loop3A_1763 = arith.constant 16 : index
        %parallel_loop3A_1764 = tpu.vector_load %arg34[%parallel_loop3A_1762, %parallel_loop3A_1763] {strides = array<i32>} : memref<256x40xf32, #tpu.memory_space<vmem>>, vector<16xf32>,
        tpu.vector_store %arg34[%parallel_loop3A_1762, %parallel_loop3A_1763], %parallel_loop3A_1757 {strides = array<i32>} : memref<256x40xf32, #tpu.memory_space<vmem>>, vector<16xf32>,
        %parallel_loop3A_1765 = arith.constant 8 : i32
        %parallel_loop3A_1766 = vector.broadcast %parallel_loop3A_1765 : i32 to vector<16xi32>
        %parallel_loop3A_1767 = arith.cmpi slt, %iota3A, %parallel_loop3A_1766 : vector<16xi32>
        %parallel_loop3A_1768 = arith.constant 15 : i32
        %parallel_loop3A_1769 = vector.broadcast %parallel_loop3A_1768 : i32 to vector<16xi32>
        %parallel_loop3A_1770 = tpu.iota {dimensions = array<i32: 0>} : vector<16xi32>
        %parallel_loop3A_1771 = arith.subi %parallel_loop3A_1769, %parallel_loop3A_1770 : vector<16xi32>
        %parallel_loop3A_1772 = tpu.dynamic_gather %parallel_loop3A_1757[%parallel_loop3A_1771] in [0] : vector<16xf32>, vector<16xi32> -> vector<16xf32>
        %parallel_loop3A_1773 = arith.constant 9 : i32
        %parallel_loop3A_1774 = vector.broadcast %parallel_loop3A_1773 : i32 to vector<16xi32>
        %parallel_loop3A_1775 = arith.cmpi slt, %iota3A, %parallel_loop3A_1774 : vector<16xi32>
        %parallel_loop3A_1776 = arith.select %parallel_loop3A_1775, %parallel_loop3A_1751, %broadcast_in_dim3A_4 : vector<16xi1>, vector<16xf32>
        %parallel_loop3A_1777 = arith.select %parallel_loop3A_1767, %parallel_loop3A_1772, %parallel_loop3A_1776 : vector<16xi1>, vector<16xf32>
        %parallel_loop3A_1778 = arith.index_cast %parallel_loop3A_1732 : i32 to index
        %parallel_loop3A_1779 = arith.constant 24 : index
        %parallel_loop3A_1780 = tpu.vector_load %arg34[%parallel_loop3A_1778, %parallel_loop3A_1779] {strides = array<i32>} : memref<256x40xf32, #tpu.memory_space<vmem>>, vector<16xf32>,
        tpu.vector_store %arg34[%parallel_loop3A_1778, %parallel_loop3A_1779], %parallel_loop3A_1777 {strides = array<i32>} : memref<256x40xf32, #tpu.memory_space<vmem>>, vector<16xf32>,
      } {sc.loop_unroll_factor = 4 : i64, sc.parallel_access}
      %dma_start3A_1720 = arith.constant 0 : i32
      %dma_start3A_1721 = arith.constant 0 : i32
      %dma_start3A_1722 = tpu.memref_slice %arg34[%dma_start3A_1720, %dma_start3A_1721] : memref<256x40xf32, #tpu.memory_space<vmem>> -> memref<128x40xf32, #tpu.memory_space<vmem>>
      %dma_start3A_1723 = arith.constant 0 : i32
      %dma_start3A_1724 = arith.constant 0 : i32
      %dma_start3A_1725 = tpu.memref_slice %arg35[%dma_start3A_1723, %dma_start3A_1724] : memref<25088x40xf32, #tpu.memory_space<vmem_shared>> -> memref<25088x40xf32, #tpu.memory_space<vmem_shared>>
      tpu.enqueue_indirect_dma source(%dma_start3A_1722 : memref<128x40xf32, #tpu.memory_space<vmem>>) target(%dma_start3A_1725 : memref<25088x40xf32, #tpu.memory_space<vmem_shared>>) offsets(%arg26 : memref<128xi32, #tpu.memory_space<vmem>>) semaphore(%arg43 : memref<!tpu.dma_semaphore, #tpu.memory_space<semaphore_mem>>) {add = true}
      %dma_start3A_1726 = arith.constant 128 : i32
      %dma_start3A_1727 = arith.constant 0 : i32
      %dma_start3A_1728 = tpu.memref_slice %arg34[%dma_start3A_1726, %dma_start3A_1727] : memref<256x40xf32, #tpu.memory_space<vmem>> -> memref<128x40xf32, #tpu.memory_space<vmem>>
      %dma_start3A_1729 = arith.constant 0 : i32
      %dma_start3A_1730 = arith.constant 0 : i32
      %dma_start3A_1731 = tpu.memref_slice %arg35[%dma_start3A_1729, %dma_start3A_1730] : memref<25088x40xf32, #tpu.memory_space<vmem_shared>> -> memref<25088x40xf32, #tpu.memory_space<vmem_shared>>
      tpu.enqueue_indirect_dma source(%dma_start3A_1728 : memref<128x40xf32, #tpu.memory_space<vmem>>) target(%dma_start3A_1731 : memref<25088x40xf32, #tpu.memory_space<vmem_shared>>) offsets(%arg28 : memref<128xi32, #tpu.memory_space<vmem>>) semaphore(%arg43 : memref<!tpu.dma_semaphore, #tpu.memory_space<semaphore_mem>>) {add = true}
    }
    %scan3A_289 = arith.constant 49 : i32
    %dma_wait3A_290 = arith.constant 0 : i32
    %dma_wait3A_291 = arith.constant 0 : i32
    %dma_wait3A_292 = tpu.memref_slice %arg33[%dma_wait3A_290, %dma_wait3A_291] : memref<256x40xf32, #tpu.memory_space<vmem>> -> memref<128x40xf32, #tpu.memory_space<vmem>>
    %dma_wait3A_293 = arith.constant 0 : i32
    %dma_wait3A_294 = arith.constant 0 : i32
    %dma_wait3A_295 = tpu.memref_slice %arg35[%dma_wait3A_293, %dma_wait3A_294] : memref<25088x40xf32, #tpu.memory_space<vmem_shared>> -> memref<25088x40xf32, #tpu.memory_space<vmem_shared>>
    tpu.wait_indirect_dma semaphore(%arg42 : memref<!tpu.dma_semaphore, #tpu.memory_space<semaphore_mem>>) src(%dma_wait3A_292 : memref<128x40xf32, #tpu.memory_space<vmem>>) dst(%dma_wait3A_295 : memref<25088x40xf32, #tpu.memory_space<vmem_shared>>)
    %dma_wait3A_296 = arith.constant 128 : i32
    %dma_wait3A_297 = arith.constant 0 : i32
    %dma_wait3A_298 = tpu.memref_slice %arg33[%dma_wait3A_296, %dma_wait3A_297] : memref<256x40xf32, #tpu.memory_space<vmem>> -> memref<128x40xf32, #tpu.memory_space<vmem>>
    %dma_wait3A_299 = arith.constant 0 : i32
    %dma_wait3A_300 = arith.constant 0 : i32
    %dma_wait3A_301 = tpu.memref_slice %arg35[%dma_wait3A_299, %dma_wait3A_300] : memref<25088x40xf32, #tpu.memory_space<vmem_shared>> -> memref<25088x40xf32, #tpu.memory_space<vmem_shared>>
    tpu.wait_indirect_dma semaphore(%arg42 : memref<!tpu.dma_semaphore, #tpu.memory_space<semaphore_mem>>) src(%dma_wait3A_298 : memref<128x40xf32, #tpu.memory_space<vmem>>) dst(%dma_wait3A_301 : memref<25088x40xf32, #tpu.memory_space<vmem_shared>>)
    %dma_wait3A_302 = arith.constant 0 : i32
    %dma_wait3A_303 = arith.constant 0 : i32
    %dma_wait3A_304 = tpu.memref_slice %arg34[%dma_wait3A_302, %dma_wait3A_303] : memref<256x40xf32, #tpu.memory_space<vmem>> -> memref<128x40xf32, #tpu.memory_space<vmem>>
    %dma_wait3A_305 = arith.constant 0 : i32
    %dma_wait3A_306 = arith.constant 0 : i32
    %dma_wait3A_307 = tpu.memref_slice %arg35[%dma_wait3A_305, %dma_wait3A_306] : memref<25088x40xf32, #tpu.memory_space<vmem_shared>> -> memref<25088x40xf32, #tpu.memory_space<vmem_shared>>
    tpu.wait_indirect_dma semaphore(%arg43 : memref<!tpu.dma_semaphore, #tpu.memory_space<semaphore_mem>>) src(%dma_wait3A_304 : memref<128x40xf32, #tpu.memory_space<vmem>>) dst(%dma_wait3A_307 : memref<25088x40xf32, #tpu.memory_space<vmem_shared>>)
    %dma_wait3A_308 = arith.constant 128 : i32
    %dma_wait3A_309 = arith.constant 0 : i32
    %dma_wait3A_310 = tpu.memref_slice %arg34[%dma_wait3A_308, %dma_wait3A_309] : memref<256x40xf32, #tpu.memory_space<vmem>> -> memref<128x40xf32, #tpu.memory_space<vmem>>
    %dma_wait3A_311 = arith.constant 0 : i32
    %dma_wait3A_312 = arith.constant 0 : i32
    %dma_wait3A_313 = tpu.memref_slice %arg35[%dma_wait3A_311, %dma_wait3A_312] : memref<25088x40xf32, #tpu.memory_space<vmem_shared>> -> memref<25088x40xf32, #tpu.memory_space<vmem_shared>>
    tpu.wait_indirect_dma semaphore(%arg43 : memref<!tpu.dma_semaphore, #tpu.memory_space<semaphore_mem>>) src(%dma_wait3A_310 : memref<128x40xf32, #tpu.memory_space<vmem>>) dst(%dma_wait3A_313 : memref<25088x40xf32, #tpu.memory_space<vmem_shared>>)
    %dma_wait3A_314 = arith.constant 0 : i32
    %dma_wait3A_315 = arith.constant 0 : i32
    %dma_wait3A_316 = tpu.memref_slice %arg29[%dma_wait3A_314, %dma_wait3A_315] : memref<256x32xbf16, #tpu.memory_space<vmem>> -> memref<128x32xbf16, #tpu.memory_space<vmem>>
    %dma_wait3A_317 = arith.constant 0 : i32
    %dma_wait3A_318 = arith.constant 0 : i32
    %dma_wait3A_319 = tpu.memref_slice %arg2[%dma_wait3A_317, %dma_wait3A_318] : memref<50000x32xbf16, #tpu.memory_space<hbm>> -> memref<50000x32xbf16, #tpu.memory_space<hbm>>
    tpu.wait_indirect_dma semaphore(%arg38 : memref<!tpu.dma_semaphore, #tpu.memory_space<semaphore_mem>>) src(%dma_wait3A_319 : memref<50000x32xbf16, #tpu.memory_space<hbm>>) dst(%dma_wait3A_316 : memref<128x32xbf16, #tpu.memory_space<vmem>>)
    %dma_wait3A_320 = arith.constant 128 : i32
    %dma_wait3A_321 = arith.constant 0 : i32
    %dma_wait3A_322 = tpu.memref_slice %arg29[%dma_wait3A_320, %dma_wait3A_321] : memref<256x32xbf16, #tpu.memory_space<vmem>> -> memref<128x32xbf16, #tpu.memory_space<vmem>>
    %dma_wait3A_323 = arith.constant 0 : i32
    %dma_wait3A_324 = arith.constant 0 : i32
    %dma_wait3A_325 = tpu.memref_slice %arg2[%dma_wait3A_323, %dma_wait3A_324] : memref<50000x32xbf16, #tpu.memory_space<hbm>> -> memref<50000x32xbf16, #tpu.memory_space<hbm>>
    tpu.wait_indirect_dma semaphore(%arg38 : memref<!tpu.dma_semaphore, #tpu.memory_space<semaphore_mem>>) src(%dma_wait3A_325 : memref<50000x32xbf16, #tpu.memory_space<hbm>>) dst(%dma_wait3A_322 : memref<128x32xbf16, #tpu.memory_space<vmem>>)
    %dma_wait3A_326 = arith.constant 0 : i32
    %dma_wait3A_327 = arith.constant 0 : i32
    %dma_wait3A_328 = tpu.memref_slice %arg31[%dma_wait3A_326, %dma_wait3A_327] : memref<256x64xbf16, #tpu.memory_space<vmem>> -> memref<128x64xbf16, #tpu.memory_space<vmem>>
    %dma_wait3A_329 = arith.constant 0 : i32
    %dma_wait3A_330 = arith.constant 0 : i32
    %dma_wait3A_331 = tpu.memref_slice %arg3[%dma_wait3A_329, %dma_wait3A_330] : memref<50000x64xbf16, #tpu.memory_space<hbm>> -> memref<50000x64xbf16, #tpu.memory_space<hbm>>
    tpu.wait_indirect_dma semaphore(%arg40 : memref<!tpu.dma_semaphore, #tpu.memory_space<semaphore_mem>>) src(%dma_wait3A_331 : memref<50000x64xbf16, #tpu.memory_space<hbm>>) dst(%dma_wait3A_328 : memref<128x64xbf16, #tpu.memory_space<vmem>>)
    %dma_wait3A_332 = arith.constant 128 : i32
    %dma_wait3A_333 = arith.constant 0 : i32
    %dma_wait3A_334 = tpu.memref_slice %arg31[%dma_wait3A_332, %dma_wait3A_333] : memref<256x64xbf16, #tpu.memory_space<vmem>> -> memref<128x64xbf16, #tpu.memory_space<vmem>>
    %dma_wait3A_335 = arith.constant 0 : i32
    %dma_wait3A_336 = arith.constant 0 : i32
    %dma_wait3A_337 = tpu.memref_slice %arg3[%dma_wait3A_335, %dma_wait3A_336] : memref<50000x64xbf16, #tpu.memory_space<hbm>> -> memref<50000x64xbf16, #tpu.memory_space<hbm>>
    tpu.wait_indirect_dma semaphore(%arg40 : memref<!tpu.dma_semaphore, #tpu.memory_space<semaphore_mem>>) src(%dma_wait3A_337 : memref<50000x64xbf16, #tpu.memory_space<hbm>>) dst(%dma_wait3A_334 : memref<128x64xbf16, #tpu.memory_space<vmem>>)
    %dma_wait3A_338 = arith.constant 0 : i32
    %dma_wait3A_339 = tpu.memref_slice %arg14[%dma_wait3A_338] : memref<256xi32, #tpu.memory_space<vmem>> -> memref<128xi32, #tpu.memory_space<vmem>>
    %dma_wait3A_340 = arith.constant 0 : i32
    %dma_wait3A_341 = tpu.memref_slice %arg4[%dma_wait3A_340] : memref<400000xi32, #tpu.memory_space<hbm>> -> memref<128xi32, #tpu.memory_space<hbm>>
    %dma_wait3A_342 = arith.constant 0 : i32
    %dma_wait3A_343 = tpu.memref_slice %arg14[%dma_wait3A_342] : memref<256xi32, #tpu.memory_space<vmem>> -> memref<128xi32, #tpu.memory_space<vmem>>
    %dma_wait3A_344 = arith.constant 0 : i32
    %dma_wait3A_345 = tpu.memref_slice %arg4[%dma_wait3A_344] : memref<400000xi32, #tpu.memory_space<hbm>> -> memref<128xi32, #tpu.memory_space<hbm>>
    tpu.wait_dma2 semaphore(%arg37 : memref<!tpu.dma_semaphore, #tpu.memory_space<semaphore_mem>>) src(%dma_wait3A_345 : memref<128xi32, #tpu.memory_space<hbm>>) dst(%dma_wait3A_343 : memref<128xi32, #tpu.memory_space<vmem>>)
    %dma_wait3A_346 = arith.constant 128 : i32
    %dma_wait3A_347 = tpu.memref_slice %arg14[%dma_wait3A_346] : memref<256xi32, #tpu.memory_space<vmem>> -> memref<128xi32, #tpu.memory_space<vmem>>
    %dma_wait3A_348 = arith.constant 0 : i32
    %dma_wait3A_349 = tpu.memref_slice %arg4[%dma_wait3A_348] : memref<400000xi32, #tpu.memory_space<hbm>> -> memref<128xi32, #tpu.memory_space<hbm>>
    %dma_wait3A_350 = arith.constant 128 : i32
    %dma_wait3A_351 = tpu.memref_slice %arg14[%dma_wait3A_350] : memref<256xi32, #tpu.memory_space<vmem>> -> memref<128xi32, #tpu.memory_space<vmem>>
    %dma_wait3A_352 = arith.constant 0 : i32
    %dma_wait3A_353 = tpu.memref_slice %arg4[%dma_wait3A_352] : memref<400000xi32, #tpu.memory_space<hbm>> -> memref<128xi32, #tpu.memory_space<hbm>>
    tpu.wait_dma2 semaphore(%arg37 : memref<!tpu.dma_semaphore, #tpu.memory_space<semaphore_mem>>) src(%dma_wait3A_353 : memref<128xi32, #tpu.memory_space<hbm>>) dst(%dma_wait3A_351 : memref<128xi32, #tpu.memory_space<vmem>>)
    %dma_wait3A_354 = arith.constant 0 : i32
    %dma_wait3A_355 = tpu.memref_slice %arg16[%dma_wait3A_354] : memref<256xi32, #tpu.memory_space<vmem>> -> memref<128xi32, #tpu.memory_space<vmem>>
    %dma_wait3A_356 = arith.constant 0 : i32
    %dma_wait3A_357 = tpu.memref_slice %arg4[%dma_wait3A_356] : memref<400000xi32, #tpu.memory_space<hbm>> -> memref<128xi32, #tpu.memory_space<hbm>>
    %dma_wait3A_358 = arith.constant 0 : i32
    %dma_wait3A_359 = tpu.memref_slice %arg16[%dma_wait3A_358] : memref<256xi32, #tpu.memory_space<vmem>> -> memref<128xi32, #tpu.memory_space<vmem>>
    %dma_wait3A_360 = arith.constant 0 : i32
    %dma_wait3A_361 = tpu.memref_slice %arg4[%dma_wait3A_360] : memref<400000xi32, #tpu.memory_space<hbm>> -> memref<128xi32, #tpu.memory_space<hbm>>
    tpu.wait_dma2 semaphore(%arg37 : memref<!tpu.dma_semaphore, #tpu.memory_space<semaphore_mem>>) src(%dma_wait3A_361 : memref<128xi32, #tpu.memory_space<hbm>>) dst(%dma_wait3A_359 : memref<128xi32, #tpu.memory_space<vmem>>)
    %dma_wait3A_362 = arith.constant 128 : i32
    %dma_wait3A_363 = tpu.memref_slice %arg16[%dma_wait3A_362] : memref<256xi32, #tpu.memory_space<vmem>> -> memref<128xi32, #tpu.memory_space<vmem>>
    %dma_wait3A_364 = arith.constant 0 : i32
    %dma_wait3A_365 = tpu.memref_slice %arg4[%dma_wait3A_364] : memref<400000xi32, #tpu.memory_space<hbm>> -> memref<128xi32, #tpu.memory_space<hbm>>
    %dma_wait3A_366 = arith.constant 128 : i32
    %dma_wait3A_367 = tpu.memref_slice %arg16[%dma_wait3A_366] : memref<256xi32, #tpu.memory_space<vmem>> -> memref<128xi32, #tpu.memory_space<vmem>>
    %dma_wait3A_368 = arith.constant 0 : i32
    %dma_wait3A_369 = tpu.memref_slice %arg4[%dma_wait3A_368] : memref<400000xi32, #tpu.memory_space<hbm>> -> memref<128xi32, #tpu.memory_space<hbm>>
    tpu.wait_dma2 semaphore(%arg37 : memref<!tpu.dma_semaphore, #tpu.memory_space<semaphore_mem>>) src(%dma_wait3A_369 : memref<128xi32, #tpu.memory_space<hbm>>) dst(%dma_wait3A_367 : memref<128xi32, #tpu.memory_space<vmem>>)
    %barrier3A_370 = arith.constant 0 : index
    tpu.barrier barrier_id(%barrier3A_370)
    "tpu.region"() ({
      %run_scoped3A = tpu.sem_alloc : memref<!tpu.dma_semaphore, #tpu.memory_space<semaphore_mem>>
      %dma_start3A_743 = arith.constant 0 : i32
      %dma_start3A_744 = tpu.memref_slice %arg11[%arg0, %mul3A_0, %dma_start3A_743] : memref<2x25088x40xf32, #tpu.memory_space<hbm>> -> memref<1x1568x40xf32, #tpu.memory_space<hbm>>
      %dma_start3A_745 = tpu.memref_squeeze %dma_start3A_744 : memref<1x1568x40xf32, #tpu.memory_space<hbm>> -> memref<1568x40xf32, #tpu.memory_space<hbm>>
      %dma_start3A_746 = arith.constant 0 : i32
      %dma_start3A_747 = tpu.memref_slice %arg35[%mul3A_0, %dma_start3A_746] : memref<25088x40xf32, #tpu.memory_space<vmem_shared>> -> memref<1568x40xf32, #tpu.memory_space<vmem_shared>>
      tpu.enqueue_dma source(%dma_start3A_747 : memref<1568x40xf32, #tpu.memory_space<vmem_shared>>) target(%dma_start3A_745 : memref<1568x40xf32, #tpu.memory_space<hbm>>) target_semaphore(%run_scoped3A : memref<!tpu.dma_semaphore, #tpu.memory_space<semaphore_mem>>)
      %dma_wait3A_748 = arith.constant 0 : i32
      %dma_wait3A_749 = tpu.memref_slice %arg11[%arg0, %mul3A_0, %dma_wait3A_748] : memref<2x25088x40xf32, #tpu.memory_space<hbm>> -> memref<1x1568x40xf32, #tpu.memory_space<hbm>>
      %dma_wait3A_750 = tpu.memref_squeeze %dma_wait3A_749 : memref<1x1568x40xf32, #tpu.memory_space<hbm>> -> memref<1568x40xf32, #tpu.memory_space<hbm>>
      %dma_wait3A_751 = arith.constant 0 : i32
      %dma_wait3A_752 = tpu.memref_slice %arg35[%mul3A_0, %dma_wait3A_751] : memref<25088x40xf32, #tpu.memory_space<vmem_shared>> -> memref<1568x40xf32, #tpu.memory_space<vmem_shared>>
      tpu.wait_dma2 semaphore(%run_scoped3A : memref<!tpu.dma_semaphore, #tpu.memory_space<semaphore_mem>>) src(%dma_wait3A_752 : memref<1568x40xf32, #tpu.memory_space<vmem_shared>>) dst(%dma_wait3A_750 : memref<1568x40xf32, #tpu.memory_space<hbm>>)
      tpu.yield
    }) : () -> ()
    "tpu.region"() ({
      %run_scoped3A = tpu.sem_alloc : memref<!tpu.dma_semaphore, #tpu.memory_space<semaphore_mem>>
      %dma_start3A_743 = arith.constant 0 : i32
      %dma_start3A_744 = tpu.memref_slice %arg35[%mul3A_0, %dma_start3A_743] : memref<25088x40xf32, #tpu.memory_space<vmem_shared>> -> memref<1568x40xf32, #tpu.memory_space<vmem_shared>>
      tpu.enqueue_dma source(%arg10 : memref<1568x40xf32, #tpu.memory_space<hbm>>) target(%dma_start3A_744 : memref<1568x40xf32, #tpu.memory_space<vmem_shared>>) target_semaphore(%run_scoped3A : memref<!tpu.dma_semaphore, #tpu.memory_space<semaphore_mem>>)
      %dma_wait3A_745 = arith.constant 0 : i32
      %dma_wait3A_746 = tpu.memref_slice %arg35[%mul3A_0, %dma_wait3A_745] : memref<25088x40xf32, #tpu.memory_space<vmem_shared>> -> memref<1568x40xf32, #tpu.memory_space<vmem_shared>>
      tpu.wait_dma2 semaphore(%run_scoped3A : memref<!tpu.dma_semaphore, #tpu.memory_space<semaphore_mem>>) src(%arg10 : memref<1568x40xf32, #tpu.memory_space<hbm>>) dst(%dma_wait3A_746 : memref<1568x40xf32, #tpu.memory_space<vmem_shared>>)
      tpu.yield
    }) : () -> ()
    %add3A_371 = arith.constant 0 : i32
    %add3A_372 = arith.addi %arg1, %add3A_371 : i32
    %min3A_373 = arith.constant 1562 : i32
    %min3A_374 = arith.minsi %add3A_372, %min3A_373 : i32
    %mul3A_375 = arith.constant 256 : i32
    %mul3A_376 = arith.muli %min3A_374, %mul3A_375 : i32
    %add3A_377 = arith.constant 128 : i32
    %add3A_378 = arith.addi %mul3A_376, %add3A_377 : i32
    %min3A_379 = arith.constant 399872 : i32
    %min3A_380 = arith.minsi %add3A_378, %min3A_379 : i32
    %dma_start3A_381 = arith.constant 0 : i32
    %dma_start3A_382 = tpu.memref_slice %arg13[%dma_start3A_381] : memref<256xi32, #tpu.memory_space<vmem>> -> memref<128xi32, #tpu.memory_space<vmem>>
    %dma_start3A_383 = tpu.memref_slice %arg8[%mul3A_376] : memref<400000xi32, #tpu.memory_space<hbm>> -> memref<128xi32, #tpu.memory_space<hbm>>
    %dma_start3A_384 = arith.constant 0 : i32
    %dma_start3A_385 = tpu.memref_slice %arg13[%dma_start3A_384] : memref<256xi32, #tpu.memory_space<vmem>> -> memref<128xi32, #tpu.memory_space<vmem>>
    %dma_start3A_386 = tpu.memref_slice %arg8[%mul3A_376] : memref<400000xi32, #tpu.memory_space<hbm>> -> memref<128xi32, #tpu.memory_space<hbm>>
    tpu.enqueue_dma source(%dma_start3A_386 : memref<128xi32, #tpu.memory_space<hbm>>) target(%dma_start3A_385 : memref<128xi32, #tpu.memory_space<vmem>>) target_semaphore(%arg36 : memref<!tpu.dma_semaphore, #tpu.memory_space<semaphore_mem>>)
    %dma_start3A_387 = arith.constant 128 : i32
    %dma_start3A_388 = tpu.memref_slice %arg13[%dma_start3A_387] : memref<256xi32, #tpu.memory_space<vmem>> -> memref<128xi32, #tpu.memory_space<vmem>>
    %dma_start3A_389 = tpu.memref_slice %arg8[%min3A_380] : memref<400000xi32, #tpu.memory_space<hbm>> -> memref<128xi32, #tpu.memory_space<hbm>>
    %dma_start3A_390 = arith.constant 128 : i32
    %dma_start3A_391 = tpu.memref_slice %arg13[%dma_start3A_390] : memref<256xi32, #tpu.memory_space<vmem>> -> memref<128xi32, #tpu.memory_space<vmem>>
    %dma_start3A_392 = tpu.memref_slice %arg8[%min3A_380] : memref<400000xi32, #tpu.memory_space<hbm>> -> memref<128xi32, #tpu.memory_space<hbm>>
    tpu.enqueue_dma source(%dma_start3A_392 : memref<128xi32, #tpu.memory_space<hbm>>) target(%dma_start3A_391 : memref<128xi32, #tpu.memory_space<vmem>>) target_semaphore(%arg36 : memref<!tpu.dma_semaphore, #tpu.memory_space<semaphore_mem>>)
    %dma_start3A_393 = arith.constant 0 : i32
    %dma_start3A_394 = tpu.memref_slice %arg15[%dma_start3A_393] : memref<256xi32, #tpu.memory_space<vmem>> -> memref<128xi32, #tpu.memory_space<vmem>>
    %dma_start3A_395 = tpu.memref_slice %arg9[%mul3A_376] : memref<400000xi32, #tpu.memory_space<hbm>> -> memref<128xi32, #tpu.memory_space<hbm>>
    %dma_start3A_396 = arith.constant 0 : i32
    %dma_start3A_397 = tpu.memref_slice %arg15[%dma_start3A_396] : memref<256xi32, #tpu.memory_space<vmem>> -> memref<128xi32, #tpu.memory_space<vmem>>
    %dma_start3A_398 = tpu.memref_slice %arg9[%mul3A_376] : memref<400000xi32, #tpu.memory_space<hbm>> -> memref<128xi32, #tpu.memory_space<hbm>>
    tpu.enqueue_dma source(%dma_start3A_398 : memref<128xi32, #tpu.memory_space<hbm>>) target(%dma_start3A_397 : memref<128xi32, #tpu.memory_space<vmem>>) target_semaphore(%arg36 : memref<!tpu.dma_semaphore, #tpu.memory_space<semaphore_mem>>)
    %dma_start3A_399 = arith.constant 128 : i32
    %dma_start3A_400 = tpu.memref_slice %arg15[%dma_start3A_399] : memref<256xi32, #tpu.memory_space<vmem>> -> memref<128xi32, #tpu.memory_space<vmem>>
    %dma_start3A_401 = tpu.memref_slice %arg9[%min3A_380] : memref<400000xi32, #tpu.memory_space<hbm>> -> memref<128xi32, #tpu.memory_space<hbm>>
    %dma_start3A_402 = arith.constant 128 : i32
    %dma_start3A_403 = tpu.memref_slice %arg15[%dma_start3A_402] : memref<256xi32, #tpu.memory_space<vmem>> -> memref<128xi32, #tpu.memory_space<vmem>>
    %dma_start3A_404 = tpu.memref_slice %arg9[%min3A_380] : memref<400000xi32, #tpu.memory_space<hbm>> -> memref<128xi32, #tpu.memory_space<hbm>>
    tpu.enqueue_dma source(%dma_start3A_404 : memref<128xi32, #tpu.memory_space<hbm>>) target(%dma_start3A_403 : memref<128xi32, #tpu.memory_space<vmem>>) target_semaphore(%arg36 : memref<!tpu.dma_semaphore, #tpu.memory_space<semaphore_mem>>)
    %dma_wait3A_405 = arith.constant 0 : i32
    %dma_wait3A_406 = tpu.memref_slice %arg13[%dma_wait3A_405] : memref<256xi32, #tpu.memory_space<vmem>> -> memref<128xi32, #tpu.memory_space<vmem>>
    %dma_wait3A_407 = arith.constant 0 : i32
    %dma_wait3A_408 = tpu.memref_slice %arg8[%dma_wait3A_407] : memref<400000xi32, #tpu.memory_space<hbm>> -> memref<128xi32, #tpu.memory_space<hbm>>
    %dma_wait3A_409 = arith.constant 0 : i32
    %dma_wait3A_410 = tpu.memref_slice %arg13[%dma_wait3A_409] : memref<256xi32, #tpu.memory_space<vmem>> -> memref<128xi32, #tpu.memory_space<vmem>>
    %dma_wait3A_411 = arith.constant 0 : i32
    %dma_wait3A_412 = tpu.memref_slice %arg8[%dma_wait3A_411] : memref<400000xi32, #tpu.memory_space<hbm>> -> memref<128xi32, #tpu.memory_space<hbm>>
    tpu.wait_dma2 semaphore(%arg36 : memref<!tpu.dma_semaphore, #tpu.memory_space<semaphore_mem>>) src(%dma_wait3A_412 : memref<128xi32, #tpu.memory_space<hbm>>) dst(%dma_wait3A_410 : memref<128xi32, #tpu.memory_space<vmem>>)
    %dma_wait3A_413 = arith.constant 128 : i32
    %dma_wait3A_414 = tpu.memref_slice %arg13[%dma_wait3A_413] : memref<256xi32, #tpu.memory_space<vmem>> -> memref<128xi32, #tpu.memory_space<vmem>>
    %dma_wait3A_415 = arith.constant 0 : i32
    %dma_wait3A_416 = tpu.memref_slice %arg8[%dma_wait3A_415] : memref<400000xi32, #tpu.memory_space<hbm>> -> memref<128xi32, #tpu.memory_space<hbm>>
    %dma_wait3A_417 = arith.constant 128 : i32
    %dma_wait3A_418 = tpu.memref_slice %arg13[%dma_wait3A_417] : memref<256xi32, #tpu.memory_space<vmem>> -> memref<128xi32, #tpu.memory_space<vmem>>
    %dma_wait3A_419 = arith.constant 0 : i32
    %dma_wait3A_420 = tpu.memref_slice %arg8[%dma_wait3A_419] : memref<400000xi32, #tpu.memory_space<hbm>> -> memref<128xi32, #tpu.memory_space<hbm>>
    tpu.wait_dma2 semaphore(%arg36 : memref<!tpu.dma_semaphore, #tpu.memory_space<semaphore_mem>>) src(%dma_wait3A_420 : memref<128xi32, #tpu.memory_space<hbm>>) dst(%dma_wait3A_418 : memref<128xi32, #tpu.memory_space<vmem>>)
    %dma_wait3A_421 = arith.constant 0 : i32
    %dma_wait3A_422 = tpu.memref_slice %arg15[%dma_wait3A_421] : memref<256xi32, #tpu.memory_space<vmem>> -> memref<128xi32, #tpu.memory_space<vmem>>
    %dma_wait3A_423 = arith.constant 0 : i32
    %dma_wait3A_424 = tpu.memref_slice %arg8[%dma_wait3A_423] : memref<400000xi32, #tpu.memory_space<hbm>> -> memref<128xi32, #tpu.memory_space<hbm>>
    %dma_wait3A_425 = arith.constant 0 : i32
    %dma_wait3A_426 = tpu.memref_slice %arg15[%dma_wait3A_425] : memref<256xi32, #tpu.memory_space<vmem>> -> memref<128xi32, #tpu.memory_space<vmem>>
    %dma_wait3A_427 = arith.constant 0 : i32
    %dma_wait3A_428 = tpu.memref_slice %arg8[%dma_wait3A_427] : memref<400000xi32, #tpu.memory_space<hbm>> -> memref<128xi32, #tpu.memory_space<hbm>>
    tpu.wait_dma2 semaphore(%arg36 : memref<!tpu.dma_semaphore, #tpu.memory_space<semaphore_mem>>) src(%dma_wait3A_428 : memref<128xi32, #tpu.memory_space<hbm>>) dst(%dma_wait3A_426 : memref<128xi32, #tpu.memory_space<vmem>>)
    %dma_wait3A_429 = arith.constant 128 : i32
    %dma_wait3A_430 = tpu.memref_slice %arg15[%dma_wait3A_429] : memref<256xi32, #tpu.memory_space<vmem>> -> memref<128xi32, #tpu.memory_space<vmem>>
    %dma_wait3A_431 = arith.constant 0 : i32
    %dma_wait3A_432 = tpu.memref_slice %arg8[%dma_wait3A_431] : memref<400000xi32, #tpu.memory_space<hbm>> -> memref<128xi32, #tpu.memory_space<hbm>>
    %dma_wait3A_433 = arith.constant 128 : i32
    %dma_wait3A_434 = tpu.memref_slice %arg15[%dma_wait3A_433] : memref<256xi32, #tpu.memory_space<vmem>> -> memref<128xi32, #tpu.memory_space<vmem>>
    %dma_wait3A_435 = arith.constant 0 : i32
    %dma_wait3A_436 = tpu.memref_slice %arg8[%dma_wait3A_435] : memref<400000xi32, #tpu.memory_space<hbm>> -> memref<128xi32, #tpu.memory_space<hbm>>
    tpu.wait_dma2 semaphore(%arg36 : memref<!tpu.dma_semaphore, #tpu.memory_space<semaphore_mem>>) src(%dma_wait3A_436 : memref<128xi32, #tpu.memory_space<hbm>>) dst(%dma_wait3A_434 : memref<128xi32, #tpu.memory_space<vmem>>)
    %get3A_437 = arith.constant 0 : index
    %get3A_438 = tpu.vector_load %arg15[%get3A_437] {strides = array<i32>} : memref<256xi32, #tpu.memory_space<vmem>>, vector<16xi32>,
    %add3A_439 = arith.addi %get3A_438, %broadcast_in_dim3A : vector<16xi32>
    %swap3A_440 = arith.constant 0 : index
    %swap3A_441 = tpu.vector_load %arg17[%swap3A_440] {strides = array<i32>} : memref<128xi32, #tpu.memory_space<vmem>>, vector<16xi32>,
    tpu.vector_store %arg17[%swap3A_440], %add3A_439 {strides = array<i32>} : memref<128xi32, #tpu.memory_space<vmem>>, vector<16xi32>,
    %get3A_442 = arith.constant 0 : index
    %get3A_443 = tpu.vector_load %arg13[%get3A_442] {strides = array<i32>} : memref<256xi32, #tpu.memory_space<vmem>>, vector<16xi32>,
    %add3A_444 = arith.addi %get3A_443, %broadcast_in_dim3A : vector<16xi32>
    %swap3A_445 = arith.constant 0 : index
    %swap3A_446 = tpu.vector_load %arg21[%swap3A_445] {strides = array<i32>} : memref<128xi32, #tpu.memory_space<vmem>>, vector<16xi32>,
    tpu.vector_store %arg21[%swap3A_445], %add3A_444 {strides = array<i32>} : memref<128xi32, #tpu.memory_space<vmem>>, vector<16xi32>,
    %get3A_447 = arith.constant 16 : index
    %get3A_448 = tpu.vector_load %arg15[%get3A_447] {strides = array<i32>} : memref<256xi32, #tpu.memory_space<vmem>>, vector<16xi32>,
    %add3A_449 = arith.addi %get3A_448, %broadcast_in_dim3A : vector<16xi32>
    %swap3A_450 = arith.constant 16 : index
    %swap3A_451 = tpu.vector_load %arg17[%swap3A_450] {strides = array<i32>} : memref<128xi32, #tpu.memory_space<vmem>>, vector<16xi32>,
    tpu.vector_store %arg17[%swap3A_450], %add3A_449 {strides = array<i32>} : memref<128xi32, #tpu.memory_space<vmem>>, vector<16xi32>,
    %get3A_452 = arith.constant 16 : index
    %get3A_453 = tpu.vector_load %arg13[%get3A_452] {strides = array<i32>} : memref<256xi32, #tpu.memory_space<vmem>>, vector<16xi32>,
    %add3A_454 = arith.addi %get3A_453, %broadcast_in_dim3A : vector<16xi32>
    %swap3A_455 = arith.constant 16 : index
    %swap3A_456 = tpu.vector_load %arg21[%swap3A_455] {strides = array<i32>} : memref<128xi32, #tpu.memory_space<vmem>>, vector<16xi32>,
    tpu.vector_store %arg21[%swap3A_455], %add3A_454 {strides = array<i32>} : memref<128xi32, #tpu.memory_space<vmem>>, vector<16xi32>,
    %get3A_457 = arith.constant 32 : index
    %get3A_458 = tpu.vector_load %arg15[%get3A_457] {strides = array<i32>} : memref<256xi32, #tpu.memory_space<vmem>>, vector<16xi32>,
    %add3A_459 = arith.addi %get3A_458, %broadcast_in_dim3A : vector<16xi32>
    %swap3A_460 = arith.constant 32 : index
    %swap3A_461 = tpu.vector_load %arg17[%swap3A_460] {strides = array<i32>} : memref<128xi32, #tpu.memory_space<vmem>>, vector<16xi32>,
    tpu.vector_store %arg17[%swap3A_460], %add3A_459 {strides = array<i32>} : memref<128xi32, #tpu.memory_space<vmem>>, vector<16xi32>,
    %get3A_462 = arith.constant 32 : index
    %get3A_463 = tpu.vector_load %arg13[%get3A_462] {strides = array<i32>} : memref<256xi32, #tpu.memory_space<vmem>>, vector<16xi32>,
    %add3A_464 = arith.addi %get3A_463, %broadcast_in_dim3A : vector<16xi32>
    %swap3A_465 = arith.constant 32 : index
    %swap3A_466 = tpu.vector_load %arg21[%swap3A_465] {strides = array<i32>} : memref<128xi32, #tpu.memory_space<vmem>>, vector<16xi32>,
    tpu.vector_store %arg21[%swap3A_465], %add3A_464 {strides = array<i32>} : memref<128xi32, #tpu.memory_space<vmem>>, vector<16xi32>,
    %get3A_467 = arith.constant 48 : index
    %get3A_468 = tpu.vector_load %arg15[%get3A_467] {strides = array<i32>} : memref<256xi32, #tpu.memory_space<vmem>>, vector<16xi32>,
    %add3A_469 = arith.addi %get3A_468, %broadcast_in_dim3A : vector<16xi32>
    %swap3A_470 = arith.constant 48 : index
    %swap3A_471 = tpu.vector_load %arg17[%swap3A_470] {strides = array<i32>} : memref<128xi32, #tpu.memory_space<vmem>>, vector<16xi32>,
    tpu.vector_store %arg17[%swap3A_470], %add3A_469 {strides = array<i32>} : memref<128xi32, #tpu.memory_space<vmem>>, vector<16xi32>,
    %get3A_472 = arith.constant 48 : index
    %get3A_473 = tpu.vector_load %arg13[%get3A_472] {strides = array<i32>} : memref<256xi32, #tpu.memory_space<vmem>>, vector<16xi32>,
    %add3A_474 = arith.addi %get3A_473, %broadcast_in_dim3A : vector<16xi32>
    %swap3A_475 = arith.constant 48 : index
    %swap3A_476 = tpu.vector_load %arg21[%swap3A_475] {strides = array<i32>} : memref<128xi32, #tpu.memory_space<vmem>>, vector<16xi32>,
    tpu.vector_store %arg21[%swap3A_475], %add3A_474 {strides = array<i32>} : memref<128xi32, #tpu.memory_space<vmem>>, vector<16xi32>,
    %get3A_477 = arith.constant 64 : index
    %get3A_478 = tpu.vector_load %arg15[%get3A_477] {strides = array<i32>} : memref<256xi32, #tpu.memory_space<vmem>>, vector<16xi32>,
    %add3A_479 = arith.addi %get3A_478, %broadcast_in_dim3A : vector<16xi32>
    %swap3A_480 = arith.constant 64 : index
    %swap3A_481 = tpu.vector_load %arg17[%swap3A_480] {strides = array<i32>} : memref<128xi32, #tpu.memory_space<vmem>>, vector<16xi32>,
    tpu.vector_store %arg17[%swap3A_480], %add3A_479 {strides = array<i32>} : memref<128xi32, #tpu.memory_space<vmem>>, vector<16xi32>,
    %get3A_482 = arith.constant 64 : index
    %get3A_483 = tpu.vector_load %arg13[%get3A_482] {strides = array<i32>} : memref<256xi32, #tpu.memory_space<vmem>>, vector<16xi32>,
    %add3A_484 = arith.addi %get3A_483, %broadcast_in_dim3A : vector<16xi32>
    %swap3A_485 = arith.constant 64 : index
    %swap3A_486 = tpu.vector_load %arg21[%swap3A_485] {strides = array<i32>} : memref<128xi32, #tpu.memory_space<vmem>>, vector<16xi32>,
    tpu.vector_store %arg21[%swap3A_485], %add3A_484 {strides = array<i32>} : memref<128xi32, #tpu.memory_space<vmem>>, vector<16xi32>,
    %get3A_487 = arith.constant 80 : index
    %get3A_488 = tpu.vector_load %arg15[%get3A_487] {strides = array<i32>} : memref<256xi32, #tpu.memory_space<vmem>>, vector<16xi32>,
    %add3A_489 = arith.addi %get3A_488, %broadcast_in_dim3A : vector<16xi32>
    %swap3A_490 = arith.constant 80 : index
    %swap3A_491 = tpu.vector_load %arg17[%swap3A_490] {strides = array<i32>} : memref<128xi32, #tpu.memory_space<vmem>>, vector<16xi32>,
    tpu.vector_store %arg17[%swap3A_490], %add3A_489 {strides = array<i32>} : memref<128xi32, #tpu.memory_space<vmem>>, vector<16xi32>,
    %get3A_492 = arith.constant 80 : index
    %get3A_493 = tpu.vector_load %arg13[%get3A_492] {strides = array<i32>} : memref<256xi32, #tpu.memory_space<vmem>>, vector<16xi32>,
    %add3A_494 = arith.addi %get3A_493, %broadcast_in_dim3A : vector<16xi32>
    %swap3A_495 = arith.constant 80 : index
    %swap3A_496 = tpu.vector_load %arg21[%swap3A_495] {strides = array<i32>} : memref<128xi32, #tpu.memory_space<vmem>>, vector<16xi32>,
    tpu.vector_store %arg21[%swap3A_495], %add3A_494 {strides = array<i32>} : memref<128xi32, #tpu.memory_space<vmem>>, vector<16xi32>,
    %get3A_497 = arith.constant 96 : index
    %get3A_498 = tpu.vector_load %arg15[%get3A_497] {strides = array<i32>} : memref<256xi32, #tpu.memory_space<vmem>>, vector<16xi32>,
    %add3A_499 = arith.addi %get3A_498, %broadcast_in_dim3A : vector<16xi32>
    %swap3A_500 = arith.constant 96 : index
    %swap3A_501 = tpu.vector_load %arg17[%swap3A_500] {strides = array<i32>} : memref<128xi32, #tpu.memory_space<vmem>>, vector<16xi32>,
    tpu.vector_store %arg17[%swap3A_500], %add3A_499 {strides = array<i32>} : memref<128xi32, #tpu.memory_space<vmem>>, vector<16xi32>,
    %get3A_502 = arith.constant 96 : index
    %get3A_503 = tpu.vector_load %arg13[%get3A_502] {strides = array<i32>} : memref<256xi32, #tpu.memory_space<vmem>>, vector<16xi32>,
    %add3A_504 = arith.addi %get3A_503, %broadcast_in_dim3A : vector<16xi32>
    %swap3A_505 = arith.constant 96 : index
    %swap3A_506 = tpu.vector_load %arg21[%swap3A_505] {strides = array<i32>} : memref<128xi32, #tpu.memory_space<vmem>>, vector<16xi32>,
    tpu.vector_store %arg21[%swap3A_505], %add3A_504 {strides = array<i32>} : memref<128xi32, #tpu.memory_space<vmem>>, vector<16xi32>,
    %get3A_507 = arith.constant 112 : index
    %get3A_508 = tpu.vector_load %arg15[%get3A_507] {strides = array<i32>} : memref<256xi32, #tpu.memory_space<vmem>>, vector<16xi32>,
    %add3A_509 = arith.addi %get3A_508, %broadcast_in_dim3A : vector<16xi32>
    %swap3A_510 = arith.constant 112 : index
    %swap3A_511 = tpu.vector_load %arg17[%swap3A_510] {strides = array<i32>} : memref<128xi32, #tpu.memory_space<vmem>>, vector<16xi32>,
    tpu.vector_store %arg17[%swap3A_510], %add3A_509 {strides = array<i32>} : memref<128xi32, #tpu.memory_space<vmem>>, vector<16xi32>,
    %get3A_512 = arith.constant 112 : index
    %get3A_513 = tpu.vector_load %arg13[%get3A_512] {strides = array<i32>} : memref<256xi32, #tpu.memory_space<vmem>>, vector<16xi32>,
    %add3A_514 = arith.addi %get3A_513, %broadcast_in_dim3A : vector<16xi32>
    %swap3A_515 = arith.constant 112 : index
    %swap3A_516 = tpu.vector_load %arg21[%swap3A_515] {strides = array<i32>} : memref<128xi32, #tpu.memory_space<vmem>>, vector<16xi32>,
    tpu.vector_store %arg21[%swap3A_515], %add3A_514 {strides = array<i32>} : memref<128xi32, #tpu.memory_space<vmem>>, vector<16xi32>,
    %get3A_517 = arith.constant 128 : index
    %get3A_518 = tpu.vector_load %arg15[%get3A_517] {strides = array<i32>} : memref<256xi32, #tpu.memory_space<vmem>>, vector<16xi32>,
    %add3A_519 = arith.addi %get3A_518, %broadcast_in_dim3A : vector<16xi32>
    %swap3A_520 = arith.constant 0 : index
    %swap3A_521 = tpu.vector_load %arg19[%swap3A_520] {strides = array<i32>} : memref<128xi32, #tpu.memory_space<vmem>>, vector<16xi32>,
    tpu.vector_store %arg19[%swap3A_520], %add3A_519 {strides = array<i32>} : memref<128xi32, #tpu.memory_space<vmem>>, vector<16xi32>,
    %get3A_522 = arith.constant 128 : index
    %get3A_523 = tpu.vector_load %arg13[%get3A_522] {strides = array<i32>} : memref<256xi32, #tpu.memory_space<vmem>>, vector<16xi32>,
    %add3A_524 = arith.addi %get3A_523, %broadcast_in_dim3A : vector<16xi32>
    %swap3A_525 = arith.constant 0 : index
    %swap3A_526 = tpu.vector_load %arg23[%swap3A_525] {strides = array<i32>} : memref<128xi32, #tpu.memory_space<vmem>>, vector<16xi32>,
    tpu.vector_store %arg23[%swap3A_525], %add3A_524 {strides = array<i32>} : memref<128xi32, #tpu.memory_space<vmem>>, vector<16xi32>,
    %get3A_527 = arith.constant 144 : index
    %get3A_528 = tpu.vector_load %arg15[%get3A_527] {strides = array<i32>} : memref<256xi32, #tpu.memory_space<vmem>>, vector<16xi32>,
    %add3A_529 = arith.addi %get3A_528, %broadcast_in_dim3A : vector<16xi32>
    %swap3A_530 = arith.constant 16 : index
    %swap3A_531 = tpu.vector_load %arg19[%swap3A_530] {strides = array<i32>} : memref<128xi32, #tpu.memory_space<vmem>>, vector<16xi32>,
    tpu.vector_store %arg19[%swap3A_530], %add3A_529 {strides = array<i32>} : memref<128xi32, #tpu.memory_space<vmem>>, vector<16xi32>,
    %get3A_532 = arith.constant 144 : index
    %get3A_533 = tpu.vector_load %arg13[%get3A_532] {strides = array<i32>} : memref<256xi32, #tpu.memory_space<vmem>>, vector<16xi32>,
    %add3A_534 = arith.addi %get3A_533, %broadcast_in_dim3A : vector<16xi32>
    %swap3A_535 = arith.constant 16 : index
    %swap3A_536 = tpu.vector_load %arg23[%swap3A_535] {strides = array<i32>} : memref<128xi32, #tpu.memory_space<vmem>>, vector<16xi32>,
    tpu.vector_store %arg23[%swap3A_535], %add3A_534 {strides = array<i32>} : memref<128xi32, #tpu.memory_space<vmem>>, vector<16xi32>,
    %get3A_537 = arith.constant 160 : index
    %get3A_538 = tpu.vector_load %arg15[%get3A_537] {strides = array<i32>} : memref<256xi32, #tpu.memory_space<vmem>>, vector<16xi32>,
    %add3A_539 = arith.addi %get3A_538, %broadcast_in_dim3A : vector<16xi32>
    %swap3A_540 = arith.constant 32 : index
    %swap3A_541 = tpu.vector_load %arg19[%swap3A_540] {strides = array<i32>} : memref<128xi32, #tpu.memory_space<vmem>>, vector<16xi32>,
    tpu.vector_store %arg19[%swap3A_540], %add3A_539 {strides = array<i32>} : memref<128xi32, #tpu.memory_space<vmem>>, vector<16xi32>,
    %get3A_542 = arith.constant 160 : index
    %get3A_543 = tpu.vector_load %arg13[%get3A_542] {strides = array<i32>} : memref<256xi32, #tpu.memory_space<vmem>>, vector<16xi32>,
    %add3A_544 = arith.addi %get3A_543, %broadcast_in_dim3A : vector<16xi32>
    %swap3A_545 = arith.constant 32 : index
    %swap3A_546 = tpu.vector_load %arg23[%swap3A_545] {strides = array<i32>} : memref<128xi32, #tpu.memory_space<vmem>>, vector<16xi32>,
    tpu.vector_store %arg23[%swap3A_545], %add3A_544 {strides = array<i32>} : memref<128xi32, #tpu.memory_space<vmem>>, vector<16xi32>,
    %get3A_547 = arith.constant 176 : index
    %get3A_548 = tpu.vector_load %arg15[%get3A_547] {strides = array<i32>} : memref<256xi32, #tpu.memory_space<vmem>>, vector<16xi32>,
    %add3A_549 = arith.addi %get3A_548, %broadcast_in_dim3A : vector<16xi32>
    %swap3A_550 = arith.constant 48 : index
    %swap3A_551 = tpu.vector_load %arg19[%swap3A_550] {strides = array<i32>} : memref<128xi32, #tpu.memory_space<vmem>>, vector<16xi32>,
    tpu.vector_store %arg19[%swap3A_550], %add3A_549 {strides = array<i32>} : memref<128xi32, #tpu.memory_space<vmem>>, vector<16xi32>,
    %get3A_552 = arith.constant 176 : index
    %get3A_553 = tpu.vector_load %arg13[%get3A_552] {strides = array<i32>} : memref<256xi32, #tpu.memory_space<vmem>>, vector<16xi32>,
    %add3A_554 = arith.addi %get3A_553, %broadcast_in_dim3A : vector<16xi32>
    %swap3A_555 = arith.constant 48 : index
    %swap3A_556 = tpu.vector_load %arg23[%swap3A_555] {strides = array<i32>} : memref<128xi32, #tpu.memory_space<vmem>>, vector<16xi32>,
    tpu.vector_store %arg23[%swap3A_555], %add3A_554 {strides = array<i32>} : memref<128xi32, #tpu.memory_space<vmem>>, vector<16xi32>,
    %get3A_557 = arith.constant 192 : index
    %get3A_558 = tpu.vector_load %arg15[%get3A_557] {strides = array<i32>} : memref<256xi32, #tpu.memory_space<vmem>>, vector<16xi32>,
    %add3A_559 = arith.addi %get3A_558, %broadcast_in_dim3A : vector<16xi32>
    %swap3A_560 = arith.constant 64 : index
    %swap3A_561 = tpu.vector_load %arg19[%swap3A_560] {strides = array<i32>} : memref<128xi32, #tpu.memory_space<vmem>>, vector<16xi32>,
    tpu.vector_store %arg19[%swap3A_560], %add3A_559 {strides = array<i32>} : memref<128xi32, #tpu.memory_space<vmem>>, vector<16xi32>,
    %get3A_562 = arith.constant 192 : index
    %get3A_563 = tpu.vector_load %arg13[%get3A_562] {strides = array<i32>} : memref<256xi32, #tpu.memory_space<vmem>>, vector<16xi32>,
    %add3A_564 = arith.addi %get3A_563, %broadcast_in_dim3A : vector<16xi32>
    %swap3A_565 = arith.constant 64 : index
    %swap3A_566 = tpu.vector_load %arg23[%swap3A_565] {strides = array<i32>} : memref<128xi32, #tpu.memory_space<vmem>>, vector<16xi32>,
    tpu.vector_store %arg23[%swap3A_565], %add3A_564 {strides = array<i32>} : memref<128xi32, #tpu.memory_space<vmem>>, vector<16xi32>,
    %get3A_567 = arith.constant 208 : index
    %get3A_568 = tpu.vector_load %arg15[%get3A_567] {strides = array<i32>} : memref<256xi32, #tpu.memory_space<vmem>>, vector<16xi32>,
    %add3A_569 = arith.addi %get3A_568, %broadcast_in_dim3A : vector<16xi32>
    %swap3A_570 = arith.constant 80 : index
    %swap3A_571 = tpu.vector_load %arg19[%swap3A_570] {strides = array<i32>} : memref<128xi32, #tpu.memory_space<vmem>>, vector<16xi32>,
    tpu.vector_store %arg19[%swap3A_570], %add3A_569 {strides = array<i32>} : memref<128xi32, #tpu.memory_space<vmem>>, vector<16xi32>,
    %get3A_572 = arith.constant 208 : index
    %get3A_573 = tpu.vector_load %arg13[%get3A_572] {strides = array<i32>} : memref<256xi32, #tpu.memory_space<vmem>>, vector<16xi32>,
    %add3A_574 = arith.addi %get3A_573, %broadcast_in_dim3A : vector<16xi32>
    %swap3A_575 = arith.constant 80 : index
    %swap3A_576 = tpu.vector_load %arg23[%swap3A_575] {strides = array<i32>} : memref<128xi32, #tpu.memory_space<vmem>>, vector<16xi32>,
    tpu.vector_store %arg23[%swap3A_575], %add3A_574 {strides = array<i32>} : memref<128xi32, #tpu.memory_space<vmem>>, vector<16xi32>,
    %get3A_577 = arith.constant 224 : index
    %get3A_578 = tpu.vector_load %arg15[%get3A_577] {strides = array<i32>} : memref<256xi32, #tpu.memory_space<vmem>>, vector<16xi32>,
    %add3A_579 = arith.addi %get3A_578, %broadcast_in_dim3A : vector<16xi32>
    %swap3A_580 = arith.constant 96 : index
    %swap3A_581 = tpu.vector_load %arg19[%swap3A_580] {strides = array<i32>} : memref<128xi32, #tpu.memory_space<vmem>>, vector<16xi32>,
    tpu.vector_store %arg19[%swap3A_580], %add3A_579 {strides = array<i32>} : memref<128xi32, #tpu.memory_space<vmem>>, vector<16xi32>,
    %get3A_582 = arith.constant 224 : index
    %get3A_583 = tpu.vector_load %arg13[%get3A_582] {strides = array<i32>} : memref<256xi32, #tpu.memory_space<vmem>>, vector<16xi32>,
    %add3A_584 = arith.addi %get3A_583, %broadcast_in_dim3A : vector<16xi32>
    %swap3A_585 = arith.constant 96 : index
    %swap3A_586 = tpu.vector_load %arg23[%swap3A_585] {strides = array<i32>} : memref<128xi32, #tpu.memory_space<vmem>>, vector<16xi32>,
    tpu.vector_store %arg23[%swap3A_585], %add3A_584 {strides = array<i32>} : memref<128xi32, #tpu.memory_space<vmem>>, vector<16xi32>,
    %get3A_587 = arith.constant 240 : index
    %get3A_588 = tpu.vector_load %arg15[%get3A_587] {strides = array<i32>} : memref<256xi32, #tpu.memory_space<vmem>>, vector<16xi32>,
    %add3A_589 = arith.addi %get3A_588, %broadcast_in_dim3A : vector<16xi32>
    %swap3A_590 = arith.constant 112 : index
    %swap3A_591 = tpu.vector_load %arg19[%swap3A_590] {strides = array<i32>} : memref<128xi32, #tpu.memory_space<vmem>>, vector<16xi32>,
    tpu.vector_store %arg19[%swap3A_590], %add3A_589 {strides = array<i32>} : memref<128xi32, #tpu.memory_space<vmem>>, vector<16xi32>,
    %get3A_592 = arith.constant 240 : index
    %get3A_593 = tpu.vector_load %arg13[%get3A_592] {strides = array<i32>} : memref<256xi32, #tpu.memory_space<vmem>>, vector<16xi32>,
    %add3A_594 = arith.addi %get3A_593, %broadcast_in_dim3A : vector<16xi32>
    %swap3A_595 = arith.constant 112 : index
    %swap3A_596 = tpu.vector_load %arg23[%swap3A_595] {strides = array<i32>} : memref<128xi32, #tpu.memory_space<vmem>>, vector<16xi32>,
    tpu.vector_store %arg23[%swap3A_595], %add3A_594 {strides = array<i32>} : memref<128xi32, #tpu.memory_space<vmem>>, vector<16xi32>,
    %dma_start3A_597 = arith.constant 0 : i32
    %dma_start3A_598 = arith.constant 0 : i32
    %dma_start3A_599 = tpu.memref_slice %arg29[%dma_start3A_597, %dma_start3A_598] : memref<256x32xbf16, #tpu.memory_space<vmem>> -> memref<128x32xbf16, #tpu.memory_space<vmem>>
    %dma_start3A_600 = arith.constant 0 : i32
    %dma_start3A_601 = arith.constant 0 : i32
    %dma_start3A_602 = tpu.memref_slice %arg6[%dma_start3A_600, %dma_start3A_601] : memref<50000x32xbf16, #tpu.memory_space<hbm>> -> memref<50000x32xbf16, #tpu.memory_space<hbm>>
    tpu.enqueue_indirect_dma source(%dma_start3A_602 : memref<50000x32xbf16, #tpu.memory_space<hbm>>) target(%dma_start3A_599 : memref<128x32xbf16, #tpu.memory_space<vmem>>) offsets(%arg17 : memref<128xi32, #tpu.memory_space<vmem>>) semaphore(%arg38 : memref<!tpu.dma_semaphore, #tpu.memory_space<semaphore_mem>>)
    %dma_start3A_603 = arith.constant 128 : i32
    %dma_start3A_604 = arith.constant 0 : i32
    %dma_start3A_605 = tpu.memref_slice %arg29[%dma_start3A_603, %dma_start3A_604] : memref<256x32xbf16, #tpu.memory_space<vmem>> -> memref<128x32xbf16, #tpu.memory_space<vmem>>
    %dma_start3A_606 = arith.constant 0 : i32
    %dma_start3A_607 = arith.constant 0 : i32
    %dma_start3A_608 = tpu.memref_slice %arg6[%dma_start3A_606, %dma_start3A_607] : memref<50000x32xbf16, #tpu.memory_space<hbm>> -> memref<50000x32xbf16, #tpu.memory_space<hbm>>
    tpu.enqueue_indirect_dma source(%dma_start3A_608 : memref<50000x32xbf16, #tpu.memory_space<hbm>>) target(%dma_start3A_605 : memref<128x32xbf16, #tpu.memory_space<vmem>>) offsets(%arg19 : memref<128xi32, #tpu.memory_space<vmem>>) semaphore(%arg38 : memref<!tpu.dma_semaphore, #tpu.memory_space<semaphore_mem>>)
    %dma_start3A_609 = arith.constant 0 : i32
    %dma_start3A_610 = arith.constant 0 : i32
    %dma_start3A_611 = tpu.memref_slice %arg31[%dma_start3A_609, %dma_start3A_610] : memref<256x64xbf16, #tpu.memory_space<vmem>> -> memref<128x64xbf16, #tpu.memory_space<vmem>>
    %dma_start3A_612 = arith.constant 0 : i32
    %dma_start3A_613 = arith.constant 0 : i32
    %dma_start3A_614 = tpu.memref_slice %arg7[%dma_start3A_612, %dma_start3A_613] : memref<50000x64xbf16, #tpu.memory_space<hbm>> -> memref<50000x64xbf16, #tpu.memory_space<hbm>>
    tpu.enqueue_indirect_dma source(%dma_start3A_614 : memref<50000x64xbf16, #tpu.memory_space<hbm>>) target(%dma_start3A_611 : memref<128x64xbf16, #tpu.memory_space<vmem>>) offsets(%arg21 : memref<128xi32, #tpu.memory_space<vmem>>) semaphore(%arg40 : memref<!tpu.dma_semaphore, #tpu.memory_space<semaphore_mem>>)
    %dma_start3A_615 = arith.constant 128 : i32
    %dma_start3A_616 = arith.constant 0 : i32
    %dma_start3A_617 = tpu.memref_slice %arg31[%dma_start3A_615, %dma_start3A_616] : memref<256x64xbf16, #tpu.memory_space<vmem>> -> memref<128x64xbf16, #tpu.memory_space<vmem>>
    %dma_start3A_618 = arith.constant 0 : i32
    %dma_start3A_619 = arith.constant 0 : i32
    %dma_start3A_620 = tpu.memref_slice %arg7[%dma_start3A_618, %dma_start3A_619] : memref<50000x64xbf16, #tpu.memory_space<hbm>> -> memref<50000x64xbf16, #tpu.memory_space<hbm>>
    tpu.enqueue_indirect_dma source(%dma_start3A_620 : memref<50000x64xbf16, #tpu.memory_space<hbm>>) target(%dma_start3A_617 : memref<128x64xbf16, #tpu.memory_space<vmem>>) offsets(%arg23 : memref<128xi32, #tpu.memory_space<vmem>>) semaphore(%arg40 : memref<!tpu.dma_semaphore, #tpu.memory_space<semaphore_mem>>)
    %add3A_621 = arith.constant 16 : i32
    %add3A_622 = arith.addi %arg1, %add3A_621 : i32
    %min3A_623 = arith.constant 1562 : i32
    %min3A_624 = arith.minsi %add3A_622, %min3A_623 : i32
    %mul3A_625 = arith.constant 256 : i32
    %mul3A_626 = arith.muli %min3A_624, %mul3A_625 : i32
    %add3A_627 = arith.constant 128 : i32
    %add3A_628 = arith.addi %mul3A_626, %add3A_627 : i32
    %min3A_629 = arith.constant 399872 : i32
    %min3A_630 = arith.minsi %add3A_628, %min3A_629 : i32
    %dma_start3A_631 = arith.constant 0 : i32
    %dma_start3A_632 = tpu.memref_slice %arg14[%dma_start3A_631] : memref<256xi32, #tpu.memory_space<vmem>> -> memref<128xi32, #tpu.memory_space<vmem>>
    %dma_start3A_633 = tpu.memref_slice %arg8[%mul3A_626] : memref<400000xi32, #tpu.memory_space<hbm>> -> memref<128xi32, #tpu.memory_space<hbm>>
    %dma_start3A_634 = arith.constant 0 : i32
    %dma_start3A_635 = tpu.memref_slice %arg14[%dma_start3A_634] : memref<256xi32, #tpu.memory_space<vmem>> -> memref<128xi32, #tpu.memory_space<vmem>>
    %dma_start3A_636 = tpu.memref_slice %arg8[%mul3A_626] : memref<400000xi32, #tpu.memory_space<hbm>> -> memref<128xi32, #tpu.memory_space<hbm>>
    tpu.enqueue_dma source(%dma_start3A_636 : memref<128xi32, #tpu.memory_space<hbm>>) target(%dma_start3A_635 : memref<128xi32, #tpu.memory_space<vmem>>) target_semaphore(%arg37 : memref<!tpu.dma_semaphore, #tpu.memory_space<semaphore_mem>>)
    %dma_start3A_637 = arith.constant 128 : i32
    %dma_start3A_638 = tpu.memref_slice %arg14[%dma_start3A_637] : memref<256xi32, #tpu.memory_space<vmem>> -> memref<128xi32, #tpu.memory_space<vmem>>
    %dma_start3A_639 = tpu.memref_slice %arg8[%min3A_630] : memref<400000xi32, #tpu.memory_space<hbm>> -> memref<128xi32, #tpu.memory_space<hbm>>
    %dma_start3A_640 = arith.constant 128 : i32
    %dma_start3A_641 = tpu.memref_slice %arg14[%dma_start3A_640] : memref<256xi32, #tpu.memory_space<vmem>> -> memref<128xi32, #tpu.memory_space<vmem>>
    %dma_start3A_642 = tpu.memref_slice %arg8[%min3A_630] : memref<400000xi32, #tpu.memory_space<hbm>> -> memref<128xi32, #tpu.memory_space<hbm>>
    tpu.enqueue_dma source(%dma_start3A_642 : memref<128xi32, #tpu.memory_space<hbm>>) target(%dma_start3A_641 : memref<128xi32, #tpu.memory_space<vmem>>) target_semaphore(%arg37 : memref<!tpu.dma_semaphore, #tpu.memory_space<semaphore_mem>>)
    %dma_start3A_643 = arith.constant 0 : i32
    %dma_start3A_644 = tpu.memref_slice %arg16[%dma_start3A_643] : memref<256xi32, #tpu.memory_space<vmem>> -> memref<128xi32, #tpu.memory_space<vmem>>
    %dma_start3A_645 = tpu.memref_slice %arg9[%mul3A_626] : memref<400000xi32, #tpu.memory_space<hbm>> -> memref<128xi32, #tpu.memory_space<hbm>>
    %dma_start3A_646 = arith.constant 0 : i32
    %dma_start3A_647 = tpu.memref_slice %arg16[%dma_start3A_646] : memref<256xi32, #tpu.memory_space<vmem>> -> memref<128xi32, #tpu.memory_space<vmem>>
    %dma_start3A_648 = tpu.memref_slice %arg9[%mul3A_626] : memref<400000xi32, #tpu.memory_space<hbm>> -> memref<128xi32, #tpu.memory_space<hbm>>
    tpu.enqueue_dma source(%dma_start3A_648 : memref<128xi32, #tpu.memory_space<hbm>>) target(%dma_start3A_647 : memref<128xi32, #tpu.memory_space<vmem>>) target_semaphore(%arg37 : memref<!tpu.dma_semaphore, #tpu.memory_space<semaphore_mem>>)
    %dma_start3A_649 = arith.constant 128 : i32
    %dma_start3A_650 = tpu.memref_slice %arg16[%dma_start3A_649] : memref<256xi32, #tpu.memory_space<vmem>> -> memref<128xi32, #tpu.memory_space<vmem>>
    %dma_start3A_651 = tpu.memref_slice %arg9[%min3A_630] : memref<400000xi32, #tpu.memory_space<hbm>> -> memref<128xi32, #tpu.memory_space<hbm>>
    %dma_start3A_652 = arith.constant 128 : i32
    %dma_start3A_653 = tpu.memref_slice %arg16[%dma_start3A_652] : memref<256xi32, #tpu.memory_space<vmem>> -> memref<128xi32, #tpu.memory_space<vmem>>
    %dma_start3A_654 = tpu.memref_slice %arg9[%min3A_630] : memref<400000xi32, #tpu.memory_space<hbm>> -> memref<128xi32, #tpu.memory_space<hbm>>
    tpu.enqueue_dma source(%dma_start3A_654 : memref<128xi32, #tpu.memory_space<hbm>>) target(%dma_start3A_653 : memref<128xi32, #tpu.memory_space<vmem>>) target_semaphore(%arg37 : memref<!tpu.dma_semaphore, #tpu.memory_space<semaphore_mem>>)
    %barrier3A_655 = arith.constant 0 : index
    tpu.barrier barrier_id(%barrier3A_655)
    %scan3A_656 = arith.constant 0 : i32
    %scan3A_657 = arith.constant 0 : i32
    %scan3A_658 = arith.constant 49 : i32
    %scan3A_659 = arith.addi %scan3A_657, %scan3A_658 : i32
    %scan3A_660 = arith.constant 1 : i32
    scf.for %scan3A_743 = %scan3A_657 to %scan3A_659 step %scan3A_660  : i32 {
      %mul3A_744 = arith.constant 2 : i32
      %mul3A_745 = arith.muli %mul3A_744, %scan3A_743 : i32
      %dma_wait3A_746 = arith.constant 0 : i32
      %dma_wait3A_747 = tpu.memref_slice %arg14[%dma_wait3A_746] : memref<256xi32, #tpu.memory_space<vmem>> -> memref<128xi32, #tpu.memory_space<vmem>>
      %dma_wait3A_748 = arith.constant 0 : i32
      %dma_wait3A_749 = tpu.memref_slice %arg8[%dma_wait3A_748] : memref<400000xi32, #tpu.memory_space<hbm>> -> memref<128xi32, #tpu.memory_space<hbm>>
      %dma_wait3A_750 = arith.constant 0 : i32
      %dma_wait3A_751 = tpu.memref_slice %arg14[%dma_wait3A_750] : memref<256xi32, #tpu.memory_space<vmem>> -> memref<128xi32, #tpu.memory_space<vmem>>
      %dma_wait3A_752 = arith.constant 0 : i32
      %dma_wait3A_753 = tpu.memref_slice %arg8[%dma_wait3A_752] : memref<400000xi32, #tpu.memory_space<hbm>> -> memref<128xi32, #tpu.memory_space<hbm>>
      tpu.wait_dma2 semaphore(%arg37 : memref<!tpu.dma_semaphore, #tpu.memory_space<semaphore_mem>>) src(%dma_wait3A_753 : memref<128xi32, #tpu.memory_space<hbm>>) dst(%dma_wait3A_751 : memref<128xi32, #tpu.memory_space<vmem>>)
      %dma_wait3A_754 = arith.constant 128 : i32
      %dma_wait3A_755 = tpu.memref_slice %arg14[%dma_wait3A_754] : memref<256xi32, #tpu.memory_space<vmem>> -> memref<128xi32, #tpu.memory_space<vmem>>
      %dma_wait3A_756 = arith.constant 0 : i32
      %dma_wait3A_757 = tpu.memref_slice %arg8[%dma_wait3A_756] : memref<400000xi32, #tpu.memory_space<hbm>> -> memref<128xi32, #tpu.memory_space<hbm>>
      %dma_wait3A_758 = arith.constant 128 : i32
      %dma_wait3A_759 = tpu.memref_slice %arg14[%dma_wait3A_758] : memref<256xi32, #tpu.memory_space<vmem>> -> memref<128xi32, #tpu.memory_space<vmem>>
      %dma_wait3A_760 = arith.constant 0 : i32
      %dma_wait3A_761 = tpu.memref_slice %arg8[%dma_wait3A_760] : memref<400000xi32, #tpu.memory_space<hbm>> -> memref<128xi32, #tpu.memory_space<hbm>>
      tpu.wait_dma2 semaphore(%arg37 : memref<!tpu.dma_semaphore, #tpu.memory_space<semaphore_mem>>) src(%dma_wait3A_761 : memref<128xi32, #tpu.memory_space<hbm>>) dst(%dma_wait3A_759 : memref<128xi32, #tpu.memory_space<vmem>>)
      %dma_wait3A_762 = arith.constant 0 : i32
      %dma_wait3A_763 = tpu.memref_slice %arg16[%dma_wait3A_762] : memref<256xi32, #tpu.memory_space<vmem>> -> memref<128xi32, #tpu.memory_space<vmem>>
      %dma_wait3A_764 = arith.constant 0 : i32
      %dma_wait3A_765 = tpu.memref_slice %arg8[%dma_wait3A_764] : memref<400000xi32, #tpu.memory_space<hbm>> -> memref<128xi32, #tpu.memory_space<hbm>>
      %dma_wait3A_766 = arith.constant 0 : i32
      %dma_wait3A_767 = tpu.memref_slice %arg16[%dma_wait3A_766] : memref<256xi32, #tpu.memory_space<vmem>> -> memref<128xi32, #tpu.memory_space<vmem>>
      %dma_wait3A_768 = arith.constant 0 : i32
      %dma_wait3A_769 = tpu.memref_slice %arg8[%dma_wait3A_768] : memref<400000xi32, #tpu.memory_space<hbm>> -> memref<128xi32, #tpu.memory_space<hbm>>
      tpu.wait_dma2 semaphore(%arg37 : memref<!tpu.dma_semaphore, #tpu.memory_space<semaphore_mem>>) src(%dma_wait3A_769 : memref<128xi32, #tpu.memory_space<hbm>>) dst(%dma_wait3A_767 : memref<128xi32, #tpu.memory_space<vmem>>)
      %dma_wait3A_770 = arith.constant 128 : i32
      %dma_wait3A_771 = tpu.memref_slice %arg16[%dma_wait3A_770] : memref<256xi32, #tpu.memory_space<vmem>> -> memref<128xi32, #tpu.memory_space<vmem>>
      %dma_wait3A_772 = arith.constant 0 : i32
      %dma_wait3A_773 = tpu.memref_slice %arg8[%dma_wait3A_772] : memref<400000xi32, #tpu.memory_space<hbm>> -> memref<128xi32, #tpu.memory_space<hbm>>
      %dma_wait3A_774 = arith.constant 128 : i32
      %dma_wait3A_775 = tpu.memref_slice %arg16[%dma_wait3A_774] : memref<256xi32, #tpu.memory_space<vmem>> -> memref<128xi32, #tpu.memory_space<vmem>>
      %dma_wait3A_776 = arith.constant 0 : i32
      %dma_wait3A_777 = tpu.memref_slice %arg8[%dma_wait3A_776] : memref<400000xi32, #tpu.memory_space<hbm>> -> memref<128xi32, #tpu.memory_space<hbm>>
      tpu.wait_dma2 semaphore(%arg37 : memref<!tpu.dma_semaphore, #tpu.memory_space<semaphore_mem>>) src(%dma_wait3A_777 : memref<128xi32, #tpu.memory_space<hbm>>) dst(%dma_wait3A_775 : memref<128xi32, #tpu.memory_space<vmem>>)
      %get3A_778 = arith.constant 0 : index
      %get3A_779 = tpu.vector_load %arg16[%get3A_778] {strides = array<i32>} : memref<256xi32, #tpu.memory_space<vmem>>, vector<16xi32>,
      %add3A_780 = arith.addi %get3A_779, %broadcast_in_dim3A : vector<16xi32>
      %swap3A_781 = arith.constant 0 : index
      %swap3A_782 = tpu.vector_load %arg18[%swap3A_781] {strides = array<i32>} : memref<128xi32, #tpu.memory_space<vmem>>, vector<16xi32>,
      tpu.vector_store %arg18[%swap3A_781], %add3A_780 {strides = array<i32>} : memref<128xi32, #tpu.memory_space<vmem>>, vector<16xi32>,
      %get3A_783 = arith.constant 0 : index
      %get3A_784 = tpu.vector_load %arg14[%get3A_783] {strides = array<i32>} : memref<256xi32, #tpu.memory_space<vmem>>, vector<16xi32>,
      %add3A_785 = arith.addi %get3A_784, %broadcast_in_dim3A : vector<16xi32>
      %swap3A_786 = arith.constant 0 : index
      %swap3A_787 = tpu.vector_load %arg22[%swap3A_786] {strides = array<i32>} : memref<128xi32, #tpu.memory_space<vmem>>, vector<16xi32>,
      tpu.vector_store %arg22[%swap3A_786], %add3A_785 {strides = array<i32>} : memref<128xi32, #tpu.memory_space<vmem>>, vector<16xi32>,
      %get3A_788 = arith.constant 16 : index
      %get3A_789 = tpu.vector_load %arg16[%get3A_788] {strides = array<i32>} : memref<256xi32, #tpu.memory_space<vmem>>, vector<16xi32>,
      %add3A_790 = arith.addi %get3A_789, %broadcast_in_dim3A : vector<16xi32>
      %swap3A_791 = arith.constant 16 : index
      %swap3A_792 = tpu.vector_load %arg18[%swap3A_791] {strides = array<i32>} : memref<128xi32, #tpu.memory_space<vmem>>, vector<16xi32>,
      tpu.vector_store %arg18[%swap3A_791], %add3A_790 {strides = array<i32>} : memref<128xi32, #tpu.memory_space<vmem>>, vector<16xi32>,
      %get3A_793 = arith.constant 16 : index
      %get3A_794 = tpu.vector_load %arg14[%get3A_793] {strides = array<i32>} : memref<256xi32, #tpu.memory_space<vmem>>, vector<16xi32>,
      %add3A_795 = arith.addi %get3A_794, %broadcast_in_dim3A : vector<16xi32>
      %swap3A_796 = arith.constant 16 : index
      %swap3A_797 = tpu.vector_load %arg22[%swap3A_796] {strides = array<i32>} : memref<128xi32, #tpu.memory_space<vmem>>, vector<16xi32>,
      tpu.vector_store %arg22[%swap3A_796], %add3A_795 {strides = array<i32>} : memref<128xi32, #tpu.memory_space<vmem>>, vector<16xi32>,
      %get3A_798 = arith.constant 32 : index
      %get3A_799 = tpu.vector_load %arg16[%get3A_798] {strides = array<i32>} : memref<256xi32, #tpu.memory_space<vmem>>, vector<16xi32>,
      %add3A_800 = arith.addi %get3A_799, %broadcast_in_dim3A : vector<16xi32>
      %swap3A_801 = arith.constant 32 : index
      %swap3A_802 = tpu.vector_load %arg18[%swap3A_801] {strides = array<i32>} : memref<128xi32, #tpu.memory_space<vmem>>, vector<16xi32>,
      tpu.vector_store %arg18[%swap3A_801], %add3A_800 {strides = array<i32>} : memref<128xi32, #tpu.memory_space<vmem>>, vector<16xi32>,
      %get3A_803 = arith.constant 32 : index
      %get3A_804 = tpu.vector_load %arg14[%get3A_803] {strides = array<i32>} : memref<256xi32, #tpu.memory_space<vmem>>, vector<16xi32>,
      %add3A_805 = arith.addi %get3A_804, %broadcast_in_dim3A : vector<16xi32>
      %swap3A_806 = arith.constant 32 : index
      %swap3A_807 = tpu.vector_load %arg22[%swap3A_806] {strides = array<i32>} : memref<128xi32, #tpu.memory_space<vmem>>, vector<16xi32>,
      tpu.vector_store %arg22[%swap3A_806], %add3A_805 {strides = array<i32>} : memref<128xi32, #tpu.memory_space<vmem>>, vector<16xi32>,
      %get3A_808 = arith.constant 48 : index
      %get3A_809 = tpu.vector_load %arg16[%get3A_808] {strides = array<i32>} : memref<256xi32, #tpu.memory_space<vmem>>, vector<16xi32>,
      %add3A_810 = arith.addi %get3A_809, %broadcast_in_dim3A : vector<16xi32>
      %swap3A_811 = arith.constant 48 : index
      %swap3A_812 = tpu.vector_load %arg18[%swap3A_811] {strides = array<i32>} : memref<128xi32, #tpu.memory_space<vmem>>, vector<16xi32>,
      tpu.vector_store %arg18[%swap3A_811], %add3A_810 {strides = array<i32>} : memref<128xi32, #tpu.memory_space<vmem>>, vector<16xi32>,
      %get3A_813 = arith.constant 48 : index
      %get3A_814 = tpu.vector_load %arg14[%get3A_813] {strides = array<i32>} : memref<256xi32, #tpu.memory_space<vmem>>, vector<16xi32>,
      %add3A_815 = arith.addi %get3A_814, %broadcast_in_dim3A : vector<16xi32>
      %swap3A_816 = arith.constant 48 : index
      %swap3A_817 = tpu.vector_load %arg22[%swap3A_816] {strides = array<i32>} : memref<128xi32, #tpu.memory_space<vmem>>, vector<16xi32>,
      tpu.vector_store %arg22[%swap3A_816], %add3A_815 {strides = array<i32>} : memref<128xi32, #tpu.memory_space<vmem>>, vector<16xi32>,
      %get3A_818 = arith.constant 64 : index
      %get3A_819 = tpu.vector_load %arg16[%get3A_818] {strides = array<i32>} : memref<256xi32, #tpu.memory_space<vmem>>, vector<16xi32>,
      %add3A_820 = arith.addi %get3A_819, %broadcast_in_dim3A : vector<16xi32>
      %swap3A_821 = arith.constant 64 : index
      %swap3A_822 = tpu.vector_load %arg18[%swap3A_821] {strides = array<i32>} : memref<128xi32, #tpu.memory_space<vmem>>, vector<16xi32>,
      tpu.vector_store %arg18[%swap3A_821], %add3A_820 {strides = array<i32>} : memref<128xi32, #tpu.memory_space<vmem>>, vector<16xi32>,
      %get3A_823 = arith.constant 64 : index
      %get3A_824 = tpu.vector_load %arg14[%get3A_823] {strides = array<i32>} : memref<256xi32, #tpu.memory_space<vmem>>, vector<16xi32>,
      %add3A_825 = arith.addi %get3A_824, %broadcast_in_dim3A : vector<16xi32>
      %swap3A_826 = arith.constant 64 : index
      %swap3A_827 = tpu.vector_load %arg22[%swap3A_826] {strides = array<i32>} : memref<128xi32, #tpu.memory_space<vmem>>, vector<16xi32>,
      tpu.vector_store %arg22[%swap3A_826], %add3A_825 {strides = array<i32>} : memref<128xi32, #tpu.memory_space<vmem>>, vector<16xi32>,
      %get3A_828 = arith.constant 80 : index
      %get3A_829 = tpu.vector_load %arg16[%get3A_828] {strides = array<i32>} : memref<256xi32, #tpu.memory_space<vmem>>, vector<16xi32>,
      %add3A_830 = arith.addi %get3A_829, %broadcast_in_dim3A : vector<16xi32>
      %swap3A_831 = arith.constant 80 : index
      %swap3A_832 = tpu.vector_load %arg18[%swap3A_831] {strides = array<i32>} : memref<128xi32, #tpu.memory_space<vmem>>, vector<16xi32>,
      tpu.vector_store %arg18[%swap3A_831], %add3A_830 {strides = array<i32>} : memref<128xi32, #tpu.memory_space<vmem>>, vector<16xi32>,
      %get3A_833 = arith.constant 80 : index
      %get3A_834 = tpu.vector_load %arg14[%get3A_833] {strides = array<i32>} : memref<256xi32, #tpu.memory_space<vmem>>, vector<16xi32>,
      %add3A_835 = arith.addi %get3A_834, %broadcast_in_dim3A : vector<16xi32>
      %swap3A_836 = arith.constant 80 : index
      %swap3A_837 = tpu.vector_load %arg22[%swap3A_836] {strides = array<i32>} : memref<128xi32, #tpu.memory_space<vmem>>, vector<16xi32>,
      tpu.vector_store %arg22[%swap3A_836], %add3A_835 {strides = array<i32>} : memref<128xi32, #tpu.memory_space<vmem>>, vector<16xi32>,
      %get3A_838 = arith.constant 96 : index
      %get3A_839 = tpu.vector_load %arg16[%get3A_838] {strides = array<i32>} : memref<256xi32, #tpu.memory_space<vmem>>, vector<16xi32>,
      %add3A_840 = arith.addi %get3A_839, %broadcast_in_dim3A : vector<16xi32>
      %swap3A_841 = arith.constant 96 : index
      %swap3A_842 = tpu.vector_load %arg18[%swap3A_841] {strides = array<i32>} : memref<128xi32, #tpu.memory_space<vmem>>, vector<16xi32>,
      tpu.vector_store %arg18[%swap3A_841], %add3A_840 {strides = array<i32>} : memref<128xi32, #tpu.memory_space<vmem>>, vector<16xi32>,
      %get3A_843 = arith.constant 96 : index
      %get3A_844 = tpu.vector_load %arg14[%get3A_843] {strides = array<i32>} : memref<256xi32, #tpu.memory_space<vmem>>, vector<16xi32>,
      %add3A_845 = arith.addi %get3A_844, %broadcast_in_dim3A : vector<16xi32>
      %swap3A_846 = arith.constant 96 : index
      %swap3A_847 = tpu.vector_load %arg22[%swap3A_846] {strides = array<i32>} : memref<128xi32, #tpu.memory_space<vmem>>, vector<16xi32>,
      tpu.vector_store %arg22[%swap3A_846], %add3A_845 {strides = array<i32>} : memref<128xi32, #tpu.memory_space<vmem>>, vector<16xi32>,
      %get3A_848 = arith.constant 112 : index
      %get3A_849 = tpu.vector_load %arg16[%get3A_848] {strides = array<i32>} : memref<256xi32, #tpu.memory_space<vmem>>, vector<16xi32>,
      %add3A_850 = arith.addi %get3A_849, %broadcast_in_dim3A : vector<16xi32>
      %swap3A_851 = arith.constant 112 : index
      %swap3A_852 = tpu.vector_load %arg18[%swap3A_851] {strides = array<i32>} : memref<128xi32, #tpu.memory_space<vmem>>, vector<16xi32>,
      tpu.vector_store %arg18[%swap3A_851], %add3A_850 {strides = array<i32>} : memref<128xi32, #tpu.memory_space<vmem>>, vector<16xi32>,
      %get3A_853 = arith.constant 112 : index
      %get3A_854 = tpu.vector_load %arg14[%get3A_853] {strides = array<i32>} : memref<256xi32, #tpu.memory_space<vmem>>, vector<16xi32>,
      %add3A_855 = arith.addi %get3A_854, %broadcast_in_dim3A : vector<16xi32>
      %swap3A_856 = arith.constant 112 : index
      %swap3A_857 = tpu.vector_load %arg22[%swap3A_856] {strides = array<i32>} : memref<128xi32, #tpu.memory_space<vmem>>, vector<16xi32>,
      tpu.vector_store %arg22[%swap3A_856], %add3A_855 {strides = array<i32>} : memref<128xi32, #tpu.memory_space<vmem>>, vector<16xi32>,
      %get3A_858 = arith.constant 128 : index
      %get3A_859 = tpu.vector_load %arg16[%get3A_858] {strides = array<i32>} : memref<256xi32, #tpu.memory_space<vmem>>, vector<16xi32>,
      %add3A_860 = arith.addi %get3A_859, %broadcast_in_dim3A : vector<16xi32>
      %swap3A_861 = arith.constant 0 : index
      %swap3A_862 = tpu.vector_load %arg20[%swap3A_861] {strides = array<i32>} : memref<128xi32, #tpu.memory_space<vmem>>, vector<16xi32>,
      tpu.vector_store %arg20[%swap3A_861], %add3A_860 {strides = array<i32>} : memref<128xi32, #tpu.memory_space<vmem>>, vector<16xi32>,
      %get3A_863 = arith.constant 128 : index
      %get3A_864 = tpu.vector_load %arg14[%get3A_863] {strides = array<i32>} : memref<256xi32, #tpu.memory_space<vmem>>, vector<16xi32>,
      %add3A_865 = arith.addi %get3A_864, %broadcast_in_dim3A : vector<16xi32>
      %swap3A_866 = arith.constant 0 : index
      %swap3A_867 = tpu.vector_load %arg24[%swap3A_866] {strides = array<i32>} : memref<128xi32, #tpu.memory_space<vmem>>, vector<16xi32>,
      tpu.vector_store %arg24[%swap3A_866], %add3A_865 {strides = array<i32>} : memref<128xi32, #tpu.memory_space<vmem>>, vector<16xi32>,
      %get3A_868 = arith.constant 144 : index
      %get3A_869 = tpu.vector_load %arg16[%get3A_868] {strides = array<i32>} : memref<256xi32, #tpu.memory_space<vmem>>, vector<16xi32>,
      %add3A_870 = arith.addi %get3A_869, %broadcast_in_dim3A : vector<16xi32>
      %swap3A_871 = arith.constant 16 : index
      %swap3A_872 = tpu.vector_load %arg20[%swap3A_871] {strides = array<i32>} : memref<128xi32, #tpu.memory_space<vmem>>, vector<16xi32>,
      tpu.vector_store %arg20[%swap3A_871], %add3A_870 {strides = array<i32>} : memref<128xi32, #tpu.memory_space<vmem>>, vector<16xi32>,
      %get3A_873 = arith.constant 144 : index
      %get3A_874 = tpu.vector_load %arg14[%get3A_873] {strides = array<i32>} : memref<256xi32, #tpu.memory_space<vmem>>, vector<16xi32>,
      %add3A_875 = arith.addi %get3A_874, %broadcast_in_dim3A : vector<16xi32>
      %swap3A_876 = arith.constant 16 : index
      %swap3A_877 = tpu.vector_load %arg24[%swap3A_876] {strides = array<i32>} : memref<128xi32, #tpu.memory_space<vmem>>, vector<16xi32>,
      tpu.vector_store %arg24[%swap3A_876], %add3A_875 {strides = array<i32>} : memref<128xi32, #tpu.memory_space<vmem>>, vector<16xi32>,
      %get3A_878 = arith.constant 160 : index
      %get3A_879 = tpu.vector_load %arg16[%get3A_878] {strides = array<i32>} : memref<256xi32, #tpu.memory_space<vmem>>, vector<16xi32>,
      %add3A_880 = arith.addi %get3A_879, %broadcast_in_dim3A : vector<16xi32>
      %swap3A_881 = arith.constant 32 : index
      %swap3A_882 = tpu.vector_load %arg20[%swap3A_881] {strides = array<i32>} : memref<128xi32, #tpu.memory_space<vmem>>, vector<16xi32>,
      tpu.vector_store %arg20[%swap3A_881], %add3A_880 {strides = array<i32>} : memref<128xi32, #tpu.memory_space<vmem>>, vector<16xi32>,
      %get3A_883 = arith.constant 160 : index
      %get3A_884 = tpu.vector_load %arg14[%get3A_883] {strides = array<i32>} : memref<256xi32, #tpu.memory_space<vmem>>, vector<16xi32>,
      %add3A_885 = arith.addi %get3A_884, %broadcast_in_dim3A : vector<16xi32>
      %swap3A_886 = arith.constant 32 : index
      %swap3A_887 = tpu.vector_load %arg24[%swap3A_886] {strides = array<i32>} : memref<128xi32, #tpu.memory_space<vmem>>, vector<16xi32>,
      tpu.vector_store %arg24[%swap3A_886], %add3A_885 {strides = array<i32>} : memref<128xi32, #tpu.memory_space<vmem>>, vector<16xi32>,
      %get3A_888 = arith.constant 176 : index
      %get3A_889 = tpu.vector_load %arg16[%get3A_888] {strides = array<i32>} : memref<256xi32, #tpu.memory_space<vmem>>, vector<16xi32>,
      %add3A_890 = arith.addi %get3A_889, %broadcast_in_dim3A : vector<16xi32>
      %swap3A_891 = arith.constant 48 : index
      %swap3A_892 = tpu.vector_load %arg20[%swap3A_891] {strides = array<i32>} : memref<128xi32, #tpu.memory_space<vmem>>, vector<16xi32>,
      tpu.vector_store %arg20[%swap3A_891], %add3A_890 {strides = array<i32>} : memref<128xi32, #tpu.memory_space<vmem>>, vector<16xi32>,
      %get3A_893 = arith.constant 176 : index
      %get3A_894 = tpu.vector_load %arg14[%get3A_893] {strides = array<i32>} : memref<256xi32, #tpu.memory_space<vmem>>, vector<16xi32>,
      %add3A_895 = arith.addi %get3A_894, %broadcast_in_dim3A : vector<16xi32>
      %swap3A_896 = arith.constant 48 : index
      %swap3A_897 = tpu.vector_load %arg24[%swap3A_896] {strides = array<i32>} : memref<128xi32, #tpu.memory_space<vmem>>, vector<16xi32>,
      tpu.vector_store %arg24[%swap3A_896], %add3A_895 {strides = array<i32>} : memref<128xi32, #tpu.memory_space<vmem>>, vector<16xi32>,
      %get3A_898 = arith.constant 192 : index
      %get3A_899 = tpu.vector_load %arg16[%get3A_898] {strides = array<i32>} : memref<256xi32, #tpu.memory_space<vmem>>, vector<16xi32>,
      %add3A_900 = arith.addi %get3A_899, %broadcast_in_dim3A : vector<16xi32>
      %swap3A_901 = arith.constant 64 : index
      %swap3A_902 = tpu.vector_load %arg20[%swap3A_901] {strides = array<i32>} : memref<128xi32, #tpu.memory_space<vmem>>, vector<16xi32>,
      tpu.vector_store %arg20[%swap3A_901], %add3A_900 {strides = array<i32>} : memref<128xi32, #tpu.memory_space<vmem>>, vector<16xi32>,
      %get3A_903 = arith.constant 192 : index
      %get3A_904 = tpu.vector_load %arg14[%get3A_903] {strides = array<i32>} : memref<256xi32, #tpu.memory_space<vmem>>, vector<16xi32>,
      %add3A_905 = arith.addi %get3A_904, %broadcast_in_dim3A : vector<16xi32>
      %swap3A_906 = arith.constant 64 : index
      %swap3A_907 = tpu.vector_load %arg24[%swap3A_906] {strides = array<i32>} : memref<128xi32, #tpu.memory_space<vmem>>, vector<16xi32>,
      tpu.vector_store %arg24[%swap3A_906], %add3A_905 {strides = array<i32>} : memref<128xi32, #tpu.memory_space<vmem>>, vector<16xi32>,
      %get3A_908 = arith.constant 208 : index
      %get3A_909 = tpu.vector_load %arg16[%get3A_908] {strides = array<i32>} : memref<256xi32, #tpu.memory_space<vmem>>, vector<16xi32>,
      %add3A_910 = arith.addi %get3A_909, %broadcast_in_dim3A : vector<16xi32>
      %swap3A_911 = arith.constant 80 : index
      %swap3A_912 = tpu.vector_load %arg20[%swap3A_911] {strides = array<i32>} : memref<128xi32, #tpu.memory_space<vmem>>, vector<16xi32>,
      tpu.vector_store %arg20[%swap3A_911], %add3A_910 {strides = array<i32>} : memref<128xi32, #tpu.memory_space<vmem>>, vector<16xi32>,
      %get3A_913 = arith.constant 208 : index
      %get3A_914 = tpu.vector_load %arg14[%get3A_913] {strides = array<i32>} : memref<256xi32, #tpu.memory_space<vmem>>, vector<16xi32>,
      %add3A_915 = arith.addi %get3A_914, %broadcast_in_dim3A : vector<16xi32>
      %swap3A_916 = arith.constant 80 : index
      %swap3A_917 = tpu.vector_load %arg24[%swap3A_916] {strides = array<i32>} : memref<128xi32, #tpu.memory_space<vmem>>, vector<16xi32>,
      tpu.vector_store %arg24[%swap3A_916], %add3A_915 {strides = array<i32>} : memref<128xi32, #tpu.memory_space<vmem>>, vector<16xi32>,
      %get3A_918 = arith.constant 224 : index
      %get3A_919 = tpu.vector_load %arg16[%get3A_918] {strides = array<i32>} : memref<256xi32, #tpu.memory_space<vmem>>, vector<16xi32>,
      %add3A_920 = arith.addi %get3A_919, %broadcast_in_dim3A : vector<16xi32>
      %swap3A_921 = arith.constant 96 : index
      %swap3A_922 = tpu.vector_load %arg20[%swap3A_921] {strides = array<i32>} : memref<128xi32, #tpu.memory_space<vmem>>, vector<16xi32>,
      tpu.vector_store %arg20[%swap3A_921], %add3A_920 {strides = array<i32>} : memref<128xi32, #tpu.memory_space<vmem>>, vector<16xi32>,
      %get3A_923 = arith.constant 224 : index
      %get3A_924 = tpu.vector_load %arg14[%get3A_923] {strides = array<i32>} : memref<256xi32, #tpu.memory_space<vmem>>, vector<16xi32>,
      %add3A_925 = arith.addi %get3A_924, %broadcast_in_dim3A : vector<16xi32>
      %swap3A_926 = arith.constant 96 : index
      %swap3A_927 = tpu.vector_load %arg24[%swap3A_926] {strides = array<i32>} : memref<128xi32, #tpu.memory_space<vmem>>, vector<16xi32>,
      tpu.vector_store %arg24[%swap3A_926], %add3A_925 {strides = array<i32>} : memref<128xi32, #tpu.memory_space<vmem>>, vector<16xi32>,
      %get3A_928 = arith.constant 240 : index
      %get3A_929 = tpu.vector_load %arg16[%get3A_928] {strides = array<i32>} : memref<256xi32, #tpu.memory_space<vmem>>, vector<16xi32>,
      %add3A_930 = arith.addi %get3A_929, %broadcast_in_dim3A : vector<16xi32>
      %swap3A_931 = arith.constant 112 : index
      %swap3A_932 = tpu.vector_load %arg20[%swap3A_931] {strides = array<i32>} : memref<128xi32, #tpu.memory_space<vmem>>, vector<16xi32>,
      tpu.vector_store %arg20[%swap3A_931], %add3A_930 {strides = array<i32>} : memref<128xi32, #tpu.memory_space<vmem>>, vector<16xi32>,
      %get3A_933 = arith.constant 240 : index
      %get3A_934 = tpu.vector_load %arg14[%get3A_933] {strides = array<i32>} : memref<256xi32, #tpu.memory_space<vmem>>, vector<16xi32>,
      %add3A_935 = arith.addi %get3A_934, %broadcast_in_dim3A : vector<16xi32>
      %swap3A_936 = arith.constant 112 : index
      %swap3A_937 = tpu.vector_load %arg24[%swap3A_936] {strides = array<i32>} : memref<128xi32, #tpu.memory_space<vmem>>, vector<16xi32>,
      tpu.vector_store %arg24[%swap3A_936], %add3A_935 {strides = array<i32>} : memref<128xi32, #tpu.memory_space<vmem>>, vector<16xi32>,
      %dma_start3A_938 = arith.constant 0 : i32
      %dma_start3A_939 = arith.constant 0 : i32
      %dma_start3A_940 = tpu.memref_slice %arg30[%dma_start3A_938, %dma_start3A_939] : memref<256x32xbf16, #tpu.memory_space<vmem>> -> memref<128x32xbf16, #tpu.memory_space<vmem>>
      %dma_start3A_941 = arith.constant 0 : i32
      %dma_start3A_942 = arith.constant 0 : i32
      %dma_start3A_943 = tpu.memref_slice %arg6[%dma_start3A_941, %dma_start3A_942] : memref<50000x32xbf16, #tpu.memory_space<hbm>> -> memref<50000x32xbf16, #tpu.memory_space<hbm>>
      tpu.enqueue_indirect_dma source(%dma_start3A_943 : memref<50000x32xbf16, #tpu.memory_space<hbm>>) target(%dma_start3A_940 : memref<128x32xbf16, #tpu.memory_space<vmem>>) offsets(%arg18 : memref<128xi32, #tpu.memory_space<vmem>>) semaphore(%arg39 : memref<!tpu.dma_semaphore, #tpu.memory_space<semaphore_mem>>)
      %dma_start3A_944 = arith.constant 128 : i32
      %dma_start3A_945 = arith.constant 0 : i32
      %dma_start3A_946 = tpu.memref_slice %arg30[%dma_start3A_944, %dma_start3A_945] : memref<256x32xbf16, #tpu.memory_space<vmem>> -> memref<128x32xbf16, #tpu.memory_space<vmem>>
      %dma_start3A_947 = arith.constant 0 : i32
      %dma_start3A_948 = arith.constant 0 : i32
      %dma_start3A_949 = tpu.memref_slice %arg6[%dma_start3A_947, %dma_start3A_948] : memref<50000x32xbf16, #tpu.memory_space<hbm>> -> memref<50000x32xbf16, #tpu.memory_space<hbm>>
      tpu.enqueue_indirect_dma source(%dma_start3A_949 : memref<50000x32xbf16, #tpu.memory_space<hbm>>) target(%dma_start3A_946 : memref<128x32xbf16, #tpu.memory_space<vmem>>) offsets(%arg20 : memref<128xi32, #tpu.memory_space<vmem>>) semaphore(%arg39 : memref<!tpu.dma_semaphore, #tpu.memory_space<semaphore_mem>>)
      %dma_start3A_950 = arith.constant 0 : i32
      %dma_start3A_951 = arith.constant 0 : i32
      %dma_start3A_952 = tpu.memref_slice %arg32[%dma_start3A_950, %dma_start3A_951] : memref<256x64xbf16, #tpu.memory_space<vmem>> -> memref<128x64xbf16, #tpu.memory_space<vmem>>
      %dma_start3A_953 = arith.constant 0 : i32
      %dma_start3A_954 = arith.constant 0 : i32
      %dma_start3A_955 = tpu.memref_slice %arg7[%dma_start3A_953, %dma_start3A_954] : memref<50000x64xbf16, #tpu.memory_space<hbm>> -> memref<50000x64xbf16, #tpu.memory_space<hbm>>
      tpu.enqueue_indirect_dma source(%dma_start3A_955 : memref<50000x64xbf16, #tpu.memory_space<hbm>>) target(%dma_start3A_952 : memref<128x64xbf16, #tpu.memory_space<vmem>>) offsets(%arg22 : memref<128xi32, #tpu.memory_space<vmem>>) semaphore(%arg41 : memref<!tpu.dma_semaphore, #tpu.memory_space<semaphore_mem>>)
      %dma_start3A_956 = arith.constant 128 : i32
      %dma_start3A_957 = arith.constant 0 : i32
      %dma_start3A_958 = tpu.memref_slice %arg32[%dma_start3A_956, %dma_start3A_957] : memref<256x64xbf16, #tpu.memory_space<vmem>> -> memref<128x64xbf16, #tpu.memory_space<vmem>>
      %dma_start3A_959 = arith.constant 0 : i32
      %dma_start3A_960 = arith.constant 0 : i32
      %dma_start3A_961 = tpu.memref_slice %arg7[%dma_start3A_959, %dma_start3A_960] : memref<50000x64xbf16, #tpu.memory_space<hbm>> -> memref<50000x64xbf16, #tpu.memory_space<hbm>>
      tpu.enqueue_indirect_dma source(%dma_start3A_961 : memref<50000x64xbf16, #tpu.memory_space<hbm>>) target(%dma_start3A_958 : memref<128x64xbf16, #tpu.memory_space<vmem>>) offsets(%arg24 : memref<128xi32, #tpu.memory_space<vmem>>) semaphore(%arg41 : memref<!tpu.dma_semaphore, #tpu.memory_space<semaphore_mem>>)
      %ge3A = arith.constant 2 : i32
      %ge3A_962 = arith.cmpi sge, %mul3A_745, %ge3A : i32
      %convert_element_type3A = arith.extui %ge3A_962 : i1 to i32
      %cond3A = arith.constant 0 : i32
      %cond3A_963 = arith.cmpi ne, %convert_element_type3A, %cond3A : i32
      scf.if %cond3A_963 {
        %dma_wait3A_1732 = arith.constant 0 : i32
        %dma_wait3A_1733 = arith.constant 0 : i32
        %dma_wait3A_1734 = tpu.memref_slice %arg33[%dma_wait3A_1732, %dma_wait3A_1733] : memref<256x40xf32, #tpu.memory_space<vmem>> -> memref<128x40xf32, #tpu.memory_space<vmem>>
        %dma_wait3A_1735 = arith.constant 0 : i32
        %dma_wait3A_1736 = arith.constant 0 : i32
        %dma_wait3A_1737 = tpu.memref_slice %arg35[%dma_wait3A_1735, %dma_wait3A_1736] : memref<25088x40xf32, #tpu.memory_space<vmem_shared>> -> memref<25088x40xf32, #tpu.memory_space<vmem_shared>>
        tpu.wait_indirect_dma semaphore(%arg42 : memref<!tpu.dma_semaphore, #tpu.memory_space<semaphore_mem>>) src(%dma_wait3A_1734 : memref<128x40xf32, #tpu.memory_space<vmem>>) dst(%dma_wait3A_1737 : memref<25088x40xf32, #tpu.memory_space<vmem_shared>>)
        %dma_wait3A_1738 = arith.constant 128 : i32
        %dma_wait3A_1739 = arith.constant 0 : i32
        %dma_wait3A_1740 = tpu.memref_slice %arg33[%dma_wait3A_1738, %dma_wait3A_1739] : memref<256x40xf32, #tpu.memory_space<vmem>> -> memref<128x40xf32, #tpu.memory_space<vmem>>
        %dma_wait3A_1741 = arith.constant 0 : i32
        %dma_wait3A_1742 = arith.constant 0 : i32
        %dma_wait3A_1743 = tpu.memref_slice %arg35[%dma_wait3A_1741, %dma_wait3A_1742] : memref<25088x40xf32, #tpu.memory_space<vmem_shared>> -> memref<25088x40xf32, #tpu.memory_space<vmem_shared>>
        tpu.wait_indirect_dma semaphore(%arg42 : memref<!tpu.dma_semaphore, #tpu.memory_space<semaphore_mem>>) src(%dma_wait3A_1740 : memref<128x40xf32, #tpu.memory_space<vmem>>) dst(%dma_wait3A_1743 : memref<25088x40xf32, #tpu.memory_space<vmem_shared>>)
      } else {
      }
      %mul3A_964 = arith.constant 16 : i32
      %mul3A_965 = arith.muli %mul3A_745, %mul3A_964 : i32
      %add3A_966 = arith.addi %arg1, %mul3A_965 : i32
      %mul3A_967 = arith.constant 256 : i32
      %mul3A_968 = arith.muli %add3A_966, %mul3A_967 : i32
      %add3A_969 = arith.constant 0 : i32
      %add3A_970 = arith.addi %mul3A_968, %add3A_969 : i32
      %add3A_971 = vector.broadcast %add3A_970 : i32 to vector<16xi32>
      %add3A_972 = arith.addi %iota3A, %add3A_971 : vector<16xi32>
      %lt3A = arith.constant 400000 : i32
      %lt3A_973 = vector.broadcast %lt3A : i32 to vector<16xi32>
      %lt3A_974 = arith.cmpi slt, %add3A_972, %lt3A_973 : vector<16xi32>
      %get3A_975 = arith.constant 0 : index
      %get3A_976 = tpu.vector_load %arg15[%get3A_975] {strides = array<i32>} : memref<256xi32, #tpu.memory_space<vmem>>, vector<16xi32>,
      %select_n3A = arith.select %lt3A_974, %get3A_976, %broadcast_in_dim3A_6 : vector<16xi1>, vector<16xi32>
      %swap3A_977 = arith.constant 0 : index
      %swap3A_978 = tpu.vector_load %arg25[%swap3A_977] {strides = array<i32>} : memref<128xi32, #tpu.memory_space<vmem>>, vector<16xi32>,
      tpu.vector_store %arg25[%swap3A_977], %select_n3A {strides = array<i32>} : memref<128xi32, #tpu.memory_space<vmem>>, vector<16xi32>,
      %add3A_979 = arith.constant 16 : i32
      %add3A_980 = arith.addi %mul3A_968, %add3A_979 : i32
      %add3A_981 = vector.broadcast %add3A_980 : i32 to vector<16xi32>
      %add3A_982 = arith.addi %iota3A, %add3A_981 : vector<16xi32>
      %lt3A_983 = arith.constant 400000 : i32
      %lt3A_984 = vector.broadcast %lt3A_983 : i32 to vector<16xi32>
      %lt3A_985 = arith.cmpi slt, %add3A_982, %lt3A_984 : vector<16xi32>
      %get3A_986 = arith.constant 16 : index
      %get3A_987 = tpu.vector_load %arg15[%get3A_986] {strides = array<i32>} : memref<256xi32, #tpu.memory_space<vmem>>, vector<16xi32>,
      %select_n3A_988 = arith.select %lt3A_985, %get3A_987, %broadcast_in_dim3A_6 : vector<16xi1>, vector<16xi32>
      %swap3A_989 = arith.constant 16 : index
      %swap3A_990 = tpu.vector_load %arg25[%swap3A_989] {strides = array<i32>} : memref<128xi32, #tpu.memory_space<vmem>>, vector<16xi32>,
      tpu.vector_store %arg25[%swap3A_989], %select_n3A_988 {strides = array<i32>} : memref<128xi32, #tpu.memory_space<vmem>>, vector<16xi32>,
      %add3A_991 = arith.constant 32 : i32
      %add3A_992 = arith.addi %mul3A_968, %add3A_991 : i32
      %add3A_993 = vector.broadcast %add3A_992 : i32 to vector<16xi32>
      %add3A_994 = arith.addi %iota3A, %add3A_993 : vector<16xi32>
      %lt3A_995 = arith.constant 400000 : i32
      %lt3A_996 = vector.broadcast %lt3A_995 : i32 to vector<16xi32>
      %lt3A_997 = arith.cmpi slt, %add3A_994, %lt3A_996 : vector<16xi32>
      %get3A_998 = arith.constant 32 : index
      %get3A_999 = tpu.vector_load %arg15[%get3A_998] {strides = array<i32>} : memref<256xi32, #tpu.memory_space<vmem>>, vector<16xi32>,
      %select_n3A_1000 = arith.select %lt3A_997, %get3A_999, %broadcast_in_dim3A_6 : vector<16xi1>, vector<16xi32>
      %swap3A_1001 = arith.constant 32 : index
      %swap3A_1002 = tpu.vector_load %arg25[%swap3A_1001] {strides = array<i32>} : memref<128xi32, #tpu.memory_space<vmem>>, vector<16xi32>,
      tpu.vector_store %arg25[%swap3A_1001], %select_n3A_1000 {strides = array<i32>} : memref<128xi32, #tpu.memory_space<vmem>>, vector<16xi32>,
      %add3A_1003 = arith.constant 48 : i32
      %add3A_1004 = arith.addi %mul3A_968, %add3A_1003 : i32
      %add3A_1005 = vector.broadcast %add3A_1004 : i32 to vector<16xi32>
      %add3A_1006 = arith.addi %iota3A, %add3A_1005 : vector<16xi32>
      %lt3A_1007 = arith.constant 400000 : i32
      %lt3A_1008 = vector.broadcast %lt3A_1007 : i32 to vector<16xi32>
      %lt3A_1009 = arith.cmpi slt, %add3A_1006, %lt3A_1008 : vector<16xi32>
      %get3A_1010 = arith.constant 48 : index
      %get3A_1011 = tpu.vector_load %arg15[%get3A_1010] {strides = array<i32>} : memref<256xi32, #tpu.memory_space<vmem>>, vector<16xi32>,
      %select_n3A_1012 = arith.select %lt3A_1009, %get3A_1011, %broadcast_in_dim3A_6 : vector<16xi1>, vector<16xi32>
      %swap3A_1013 = arith.constant 48 : index
      %swap3A_1014 = tpu.vector_load %arg25[%swap3A_1013] {strides = array<i32>} : memref<128xi32, #tpu.memory_space<vmem>>, vector<16xi32>,
      tpu.vector_store %arg25[%swap3A_1013], %select_n3A_1012 {strides = array<i32>} : memref<128xi32, #tpu.memory_space<vmem>>, vector<16xi32>,
      %add3A_1015 = arith.constant 64 : i32
      %add3A_1016 = arith.addi %mul3A_968, %add3A_1015 : i32
      %add3A_1017 = vector.broadcast %add3A_1016 : i32 to vector<16xi32>
      %add3A_1018 = arith.addi %iota3A, %add3A_1017 : vector<16xi32>
      %lt3A_1019 = arith.constant 400000 : i32
      %lt3A_1020 = vector.broadcast %lt3A_1019 : i32 to vector<16xi32>
      %lt3A_1021 = arith.cmpi slt, %add3A_1018, %lt3A_1020 : vector<16xi32>
      %get3A_1022 = arith.constant 64 : index
      %get3A_1023 = tpu.vector_load %arg15[%get3A_1022] {strides = array<i32>} : memref<256xi32, #tpu.memory_space<vmem>>, vector<16xi32>,
      %select_n3A_1024 = arith.select %lt3A_1021, %get3A_1023, %broadcast_in_dim3A_6 : vector<16xi1>, vector<16xi32>
      %swap3A_1025 = arith.constant 64 : index
      %swap3A_1026 = tpu.vector_load %arg25[%swap3A_1025] {strides = array<i32>} : memref<128xi32, #tpu.memory_space<vmem>>, vector<16xi32>,
      tpu.vector_store %arg25[%swap3A_1025], %select_n3A_1024 {strides = array<i32>} : memref<128xi32, #tpu.memory_space<vmem>>, vector<16xi32>,
      %add3A_1027 = arith.constant 80 : i32
      %add3A_1028 = arith.addi %mul3A_968, %add3A_1027 : i32
      %add3A_1029 = vector.broadcast %add3A_1028 : i32 to vector<16xi32>
      %add3A_1030 = arith.addi %iota3A, %add3A_1029 : vector<16xi32>
      %lt3A_1031 = arith.constant 400000 : i32
      %lt3A_1032 = vector.broadcast %lt3A_1031 : i32 to vector<16xi32>
      %lt3A_1033 = arith.cmpi slt, %add3A_1030, %lt3A_1032 : vector<16xi32>
      %get3A_1034 = arith.constant 80 : index
      %get3A_1035 = tpu.vector_load %arg15[%get3A_1034] {strides = array<i32>} : memref<256xi32, #tpu.memory_space<vmem>>, vector<16xi32>,
      %select_n3A_1036 = arith.select %lt3A_1033, %get3A_1035, %broadcast_in_dim3A_6 : vector<16xi1>, vector<16xi32>
      %swap3A_1037 = arith.constant 80 : index
      %swap3A_1038 = tpu.vector_load %arg25[%swap3A_1037] {strides = array<i32>} : memref<128xi32, #tpu.memory_space<vmem>>, vector<16xi32>,
      tpu.vector_store %arg25[%swap3A_1037], %select_n3A_1036 {strides = array<i32>} : memref<128xi32, #tpu.memory_space<vmem>>, vector<16xi32>,
      %add3A_1039 = arith.constant 96 : i32
      %add3A_1040 = arith.addi %mul3A_968, %add3A_1039 : i32
      %add3A_1041 = vector.broadcast %add3A_1040 : i32 to vector<16xi32>
      %add3A_1042 = arith.addi %iota3A, %add3A_1041 : vector<16xi32>
      %lt3A_1043 = arith.constant 400000 : i32
      %lt3A_1044 = vector.broadcast %lt3A_1043 : i32 to vector<16xi32>
      %lt3A_1045 = arith.cmpi slt, %add3A_1042, %lt3A_1044 : vector<16xi32>
      %get3A_1046 = arith.constant 96 : index
      %get3A_1047 = tpu.vector_load %arg15[%get3A_1046] {strides = array<i32>} : memref<256xi32, #tpu.memory_space<vmem>>, vector<16xi32>,
      %select_n3A_1048 = arith.select %lt3A_1045, %get3A_1047, %broadcast_in_dim3A_6 : vector<16xi1>, vector<16xi32>
      %swap3A_1049 = arith.constant 96 : index
      %swap3A_1050 = tpu.vector_load %arg25[%swap3A_1049] {strides = array<i32>} : memref<128xi32, #tpu.memory_space<vmem>>, vector<16xi32>,
      tpu.vector_store %arg25[%swap3A_1049], %select_n3A_1048 {strides = array<i32>} : memref<128xi32, #tpu.memory_space<vmem>>, vector<16xi32>,
      %add3A_1051 = arith.constant 112 : i32
      %add3A_1052 = arith.addi %mul3A_968, %add3A_1051 : i32
      %add3A_1053 = vector.broadcast %add3A_1052 : i32 to vector<16xi32>
      %add3A_1054 = arith.addi %iota3A, %add3A_1053 : vector<16xi32>
      %lt3A_1055 = arith.constant 400000 : i32
      %lt3A_1056 = vector.broadcast %lt3A_1055 : i32 to vector<16xi32>
      %lt3A_1057 = arith.cmpi slt, %add3A_1054, %lt3A_1056 : vector<16xi32>
      %get3A_1058 = arith.constant 112 : index
      %get3A_1059 = tpu.vector_load %arg15[%get3A_1058] {strides = array<i32>} : memref<256xi32, #tpu.memory_space<vmem>>, vector<16xi32>,
      %select_n3A_1060 = arith.select %lt3A_1057, %get3A_1059, %broadcast_in_dim3A_6 : vector<16xi1>, vector<16xi32>
      %swap3A_1061 = arith.constant 112 : index
      %swap3A_1062 = tpu.vector_load %arg25[%swap3A_1061] {strides = array<i32>} : memref<128xi32, #tpu.memory_space<vmem>>, vector<16xi32>,
      tpu.vector_store %arg25[%swap3A_1061], %select_n3A_1060 {strides = array<i32>} : memref<128xi32, #tpu.memory_space<vmem>>, vector<16xi32>,
      %add3A_1063 = arith.constant 128 : i32
      %add3A_1064 = arith.addi %mul3A_968, %add3A_1063 : i32
      %add3A_1065 = vector.broadcast %add3A_1064 : i32 to vector<16xi32>
      %add3A_1066 = arith.addi %iota3A, %add3A_1065 : vector<16xi32>
      %lt3A_1067 = arith.constant 400000 : i32
      %lt3A_1068 = vector.broadcast %lt3A_1067 : i32 to vector<16xi32>
      %lt3A_1069 = arith.cmpi slt, %add3A_1066, %lt3A_1068 : vector<16xi32>
      %get3A_1070 = arith.constant 128 : index
      %get3A_1071 = tpu.vector_load %arg15[%get3A_1070] {strides = array<i32>} : memref<256xi32, #tpu.memory_space<vmem>>, vector<16xi32>,
      %select_n3A_1072 = arith.select %lt3A_1069, %get3A_1071, %broadcast_in_dim3A_6 : vector<16xi1>, vector<16xi32>
      %swap3A_1073 = arith.constant 0 : index
      %swap3A_1074 = tpu.vector_load %arg27[%swap3A_1073] {strides = array<i32>} : memref<128xi32, #tpu.memory_space<vmem>>, vector<16xi32>,
      tpu.vector_store %arg27[%swap3A_1073], %select_n3A_1072 {strides = array<i32>} : memref<128xi32, #tpu.memory_space<vmem>>, vector<16xi32>,
      %add3A_1075 = arith.constant 144 : i32
      %add3A_1076 = arith.addi %mul3A_968, %add3A_1075 : i32
      %add3A_1077 = vector.broadcast %add3A_1076 : i32 to vector<16xi32>
      %add3A_1078 = arith.addi %iota3A, %add3A_1077 : vector<16xi32>
      %lt3A_1079 = arith.constant 400000 : i32
      %lt3A_1080 = vector.broadcast %lt3A_1079 : i32 to vector<16xi32>
      %lt3A_1081 = arith.cmpi slt, %add3A_1078, %lt3A_1080 : vector<16xi32>
      %get3A_1082 = arith.constant 144 : index
      %get3A_1083 = tpu.vector_load %arg15[%get3A_1082] {strides = array<i32>} : memref<256xi32, #tpu.memory_space<vmem>>, vector<16xi32>,
      %select_n3A_1084 = arith.select %lt3A_1081, %get3A_1083, %broadcast_in_dim3A_6 : vector<16xi1>, vector<16xi32>
      %swap3A_1085 = arith.constant 16 : index
      %swap3A_1086 = tpu.vector_load %arg27[%swap3A_1085] {strides = array<i32>} : memref<128xi32, #tpu.memory_space<vmem>>, vector<16xi32>,
      tpu.vector_store %arg27[%swap3A_1085], %select_n3A_1084 {strides = array<i32>} : memref<128xi32, #tpu.memory_space<vmem>>, vector<16xi32>,
      %add3A_1087 = arith.constant 160 : i32
      %add3A_1088 = arith.addi %mul3A_968, %add3A_1087 : i32
      %add3A_1089 = vector.broadcast %add3A_1088 : i32 to vector<16xi32>
      %add3A_1090 = arith.addi %iota3A, %add3A_1089 : vector<16xi32>
      %lt3A_1091 = arith.constant 400000 : i32
      %lt3A_1092 = vector.broadcast %lt3A_1091 : i32 to vector<16xi32>
      %lt3A_1093 = arith.cmpi slt, %add3A_1090, %lt3A_1092 : vector<16xi32>
      %get3A_1094 = arith.constant 160 : index
      %get3A_1095 = tpu.vector_load %arg15[%get3A_1094] {strides = array<i32>} : memref<256xi32, #tpu.memory_space<vmem>>, vector<16xi32>,
      %select_n3A_1096 = arith.select %lt3A_1093, %get3A_1095, %broadcast_in_dim3A_6 : vector<16xi1>, vector<16xi32>
      %swap3A_1097 = arith.constant 32 : index
      %swap3A_1098 = tpu.vector_load %arg27[%swap3A_1097] {strides = array<i32>} : memref<128xi32, #tpu.memory_space<vmem>>, vector<16xi32>,
      tpu.vector_store %arg27[%swap3A_1097], %select_n3A_1096 {strides = array<i32>} : memref<128xi32, #tpu.memory_space<vmem>>, vector<16xi32>,
      %add3A_1099 = arith.constant 176 : i32
      %add3A_1100 = arith.addi %mul3A_968, %add3A_1099 : i32
      %add3A_1101 = vector.broadcast %add3A_1100 : i32 to vector<16xi32>
      %add3A_1102 = arith.addi %iota3A, %add3A_1101 : vector<16xi32>
      %lt3A_1103 = arith.constant 400000 : i32
      %lt3A_1104 = vector.broadcast %lt3A_1103 : i32 to vector<16xi32>
      %lt3A_1105 = arith.cmpi slt, %add3A_1102, %lt3A_1104 : vector<16xi32>
      %get3A_1106 = arith.constant 176 : index
      %get3A_1107 = tpu.vector_load %arg15[%get3A_1106] {strides = array<i32>} : memref<256xi32, #tpu.memory_space<vmem>>, vector<16xi32>,
      %select_n3A_1108 = arith.select %lt3A_1105, %get3A_1107, %broadcast_in_dim3A_6 : vector<16xi1>, vector<16xi32>
      %swap3A_1109 = arith.constant 48 : index
      %swap3A_1110 = tpu.vector_load %arg27[%swap3A_1109] {strides = array<i32>} : memref<128xi32, #tpu.memory_space<vmem>>, vector<16xi32>,
      tpu.vector_store %arg27[%swap3A_1109], %select_n3A_1108 {strides = array<i32>} : memref<128xi32, #tpu.memory_space<vmem>>, vector<16xi32>,
      %add3A_1111 = arith.constant 192 : i32
      %add3A_1112 = arith.addi %mul3A_968, %add3A_1111 : i32
      %add3A_1113 = vector.broadcast %add3A_1112 : i32 to vector<16xi32>
      %add3A_1114 = arith.addi %iota3A, %add3A_1113 : vector<16xi32>
      %lt3A_1115 = arith.constant 400000 : i32
      %lt3A_1116 = vector.broadcast %lt3A_1115 : i32 to vector<16xi32>
      %lt3A_1117 = arith.cmpi slt, %add3A_1114, %lt3A_1116 : vector<16xi32>
      %get3A_1118 = arith.constant 192 : index
      %get3A_1119 = tpu.vector_load %arg15[%get3A_1118] {strides = array<i32>} : memref<256xi32, #tpu.memory_space<vmem>>, vector<16xi32>,
      %select_n3A_1120 = arith.select %lt3A_1117, %get3A_1119, %broadcast_in_dim3A_6 : vector<16xi1>, vector<16xi32>
      %swap3A_1121 = arith.constant 64 : index
      %swap3A_1122 = tpu.vector_load %arg27[%swap3A_1121] {strides = array<i32>} : memref<128xi32, #tpu.memory_space<vmem>>, vector<16xi32>,
      tpu.vector_store %arg27[%swap3A_1121], %select_n3A_1120 {strides = array<i32>} : memref<128xi32, #tpu.memory_space<vmem>>, vector<16xi32>,
      %add3A_1123 = arith.constant 208 : i32
      %add3A_1124 = arith.addi %mul3A_968, %add3A_1123 : i32
      %add3A_1125 = vector.broadcast %add3A_1124 : i32 to vector<16xi32>
      %add3A_1126 = arith.addi %iota3A, %add3A_1125 : vector<16xi32>
      %lt3A_1127 = arith.constant 400000 : i32
      %lt3A_1128 = vector.broadcast %lt3A_1127 : i32 to vector<16xi32>
      %lt3A_1129 = arith.cmpi slt, %add3A_1126, %lt3A_1128 : vector<16xi32>
      %get3A_1130 = arith.constant 208 : index
      %get3A_1131 = tpu.vector_load %arg15[%get3A_1130] {strides = array<i32>} : memref<256xi32, #tpu.memory_space<vmem>>, vector<16xi32>,
      %select_n3A_1132 = arith.select %lt3A_1129, %get3A_1131, %broadcast_in_dim3A_6 : vector<16xi1>, vector<16xi32>
      %swap3A_1133 = arith.constant 80 : index
      %swap3A_1134 = tpu.vector_load %arg27[%swap3A_1133] {strides = array<i32>} : memref<128xi32, #tpu.memory_space<vmem>>, vector<16xi32>,
      tpu.vector_store %arg27[%swap3A_1133], %select_n3A_1132 {strides = array<i32>} : memref<128xi32, #tpu.memory_space<vmem>>, vector<16xi32>,
      %add3A_1135 = arith.constant 224 : i32
      %add3A_1136 = arith.addi %mul3A_968, %add3A_1135 : i32
      %add3A_1137 = vector.broadcast %add3A_1136 : i32 to vector<16xi32>
      %add3A_1138 = arith.addi %iota3A, %add3A_1137 : vector<16xi32>
      %lt3A_1139 = arith.constant 400000 : i32
      %lt3A_1140 = vector.broadcast %lt3A_1139 : i32 to vector<16xi32>
      %lt3A_1141 = arith.cmpi slt, %add3A_1138, %lt3A_1140 : vector<16xi32>
      %get3A_1142 = arith.constant 224 : index
      %get3A_1143 = tpu.vector_load %arg15[%get3A_1142] {strides = array<i32>} : memref<256xi32, #tpu.memory_space<vmem>>, vector<16xi32>,
      %select_n3A_1144 = arith.select %lt3A_1141, %get3A_1143, %broadcast_in_dim3A_6 : vector<16xi1>, vector<16xi32>
      %swap3A_1145 = arith.constant 96 : index
      %swap3A_1146 = tpu.vector_load %arg27[%swap3A_1145] {strides = array<i32>} : memref<128xi32, #tpu.memory_space<vmem>>, vector<16xi32>,
      tpu.vector_store %arg27[%swap3A_1145], %select_n3A_1144 {strides = array<i32>} : memref<128xi32, #tpu.memory_space<vmem>>, vector<16xi32>,
      %add3A_1147 = arith.constant 240 : i32
      %add3A_1148 = arith.addi %mul3A_968, %add3A_1147 : i32
      %add3A_1149 = vector.broadcast %add3A_1148 : i32 to vector<16xi32>
      %add3A_1150 = arith.addi %iota3A, %add3A_1149 : vector<16xi32>
      %lt3A_1151 = arith.constant 400000 : i32
      %lt3A_1152 = vector.broadcast %lt3A_1151 : i32 to vector<16xi32>
      %lt3A_1153 = arith.cmpi slt, %add3A_1150, %lt3A_1152 : vector<16xi32>
      %get3A_1154 = arith.constant 240 : index
      %get3A_1155 = tpu.vector_load %arg15[%get3A_1154] {strides = array<i32>} : memref<256xi32, #tpu.memory_space<vmem>>, vector<16xi32>,
      %select_n3A_1156 = arith.select %lt3A_1153, %get3A_1155, %broadcast_in_dim3A_6 : vector<16xi1>, vector<16xi32>
      %swap3A_1157 = arith.constant 112 : index
      %swap3A_1158 = tpu.vector_load %arg27[%swap3A_1157] {strides = array<i32>} : memref<128xi32, #tpu.memory_space<vmem>>, vector<16xi32>,
      tpu.vector_store %arg27[%swap3A_1157], %select_n3A_1156 {strides = array<i32>} : memref<128xi32, #tpu.memory_space<vmem>>, vector<16xi32>,
      %add3A_1159 = arith.constant 2 : i32
      %add3A_1160 = arith.addi %mul3A_745, %add3A_1159 : i32
      %mul3A_1161 = arith.constant 16 : i32
      %mul3A_1162 = arith.muli %add3A_1160, %mul3A_1161 : i32
      %add3A_1163 = arith.addi %arg1, %mul3A_1162 : i32
      %min3A_1164 = arith.constant 1562 : i32
      %min3A_1165 = arith.minsi %add3A_1163, %min3A_1164 : i32
      %mul3A_1166 = arith.constant 256 : i32
      %mul3A_1167 = arith.muli %min3A_1165, %mul3A_1166 : i32
      %add3A_1168 = arith.constant 128 : i32
      %add3A_1169 = arith.addi %mul3A_1167, %add3A_1168 : i32
      %min3A_1170 = arith.constant 399872 : i32
      %min3A_1171 = arith.minsi %add3A_1169, %min3A_1170 : i32
      %dma_start3A_1172 = arith.constant 0 : i32
      %dma_start3A_1173 = tpu.memref_slice %arg13[%dma_start3A_1172] : memref<256xi32, #tpu.memory_space<vmem>> -> memref<128xi32, #tpu.memory_space<vmem>>
      %dma_start3A_1174 = tpu.memref_slice %arg8[%mul3A_1167] : memref<400000xi32, #tpu.memory_space<hbm>> -> memref<128xi32, #tpu.memory_space<hbm>>
      %dma_start3A_1175 = arith.constant 0 : i32
      %dma_start3A_1176 = tpu.memref_slice %arg13[%dma_start3A_1175] : memref<256xi32, #tpu.memory_space<vmem>> -> memref<128xi32, #tpu.memory_space<vmem>>
      %dma_start3A_1177 = tpu.memref_slice %arg8[%mul3A_1167] : memref<400000xi32, #tpu.memory_space<hbm>> -> memref<128xi32, #tpu.memory_space<hbm>>
      tpu.enqueue_dma source(%dma_start3A_1177 : memref<128xi32, #tpu.memory_space<hbm>>) target(%dma_start3A_1176 : memref<128xi32, #tpu.memory_space<vmem>>) target_semaphore(%arg36 : memref<!tpu.dma_semaphore, #tpu.memory_space<semaphore_mem>>)
      %dma_start3A_1178 = arith.constant 128 : i32
      %dma_start3A_1179 = tpu.memref_slice %arg13[%dma_start3A_1178] : memref<256xi32, #tpu.memory_space<vmem>> -> memref<128xi32, #tpu.memory_space<vmem>>
      %dma_start3A_1180 = tpu.memref_slice %arg8[%min3A_1171] : memref<400000xi32, #tpu.memory_space<hbm>> -> memref<128xi32, #tpu.memory_space<hbm>>
      %dma_start3A_1181 = arith.constant 128 : i32
      %dma_start3A_1182 = tpu.memref_slice %arg13[%dma_start3A_1181] : memref<256xi32, #tpu.memory_space<vmem>> -> memref<128xi32, #tpu.memory_space<vmem>>
      %dma_start3A_1183 = tpu.memref_slice %arg8[%min3A_1171] : memref<400000xi32, #tpu.memory_space<hbm>> -> memref<128xi32, #tpu.memory_space<hbm>>
      tpu.enqueue_dma source(%dma_start3A_1183 : memref<128xi32, #tpu.memory_space<hbm>>) target(%dma_start3A_1182 : memref<128xi32, #tpu.memory_space<vmem>>) target_semaphore(%arg36 : memref<!tpu.dma_semaphore, #tpu.memory_space<semaphore_mem>>)
      %dma_start3A_1184 = arith.constant 0 : i32
      %dma_start3A_1185 = tpu.memref_slice %arg15[%dma_start3A_1184] : memref<256xi32, #tpu.memory_space<vmem>> -> memref<128xi32, #tpu.memory_space<vmem>>
      %dma_start3A_1186 = tpu.memref_slice %arg9[%mul3A_1167] : memref<400000xi32, #tpu.memory_space<hbm>> -> memref<128xi32, #tpu.memory_space<hbm>>
      %dma_start3A_1187 = arith.constant 0 : i32
      %dma_start3A_1188 = tpu.memref_slice %arg15[%dma_start3A_1187] : memref<256xi32, #tpu.memory_space<vmem>> -> memref<128xi32, #tpu.memory_space<vmem>>
      %dma_start3A_1189 = tpu.memref_slice %arg9[%mul3A_1167] : memref<400000xi32, #tpu.memory_space<hbm>> -> memref<128xi32, #tpu.memory_space<hbm>>
      tpu.enqueue_dma source(%dma_start3A_1189 : memref<128xi32, #tpu.memory_space<hbm>>) target(%dma_start3A_1188 : memref<128xi32, #tpu.memory_space<vmem>>) target_semaphore(%arg36 : memref<!tpu.dma_semaphore, #tpu.memory_space<semaphore_mem>>)
      %dma_start3A_1190 = arith.constant 128 : i32
      %dma_start3A_1191 = tpu.memref_slice %arg15[%dma_start3A_1190] : memref<256xi32, #tpu.memory_space<vmem>> -> memref<128xi32, #tpu.memory_space<vmem>>
      %dma_start3A_1192 = tpu.memref_slice %arg9[%min3A_1171] : memref<400000xi32, #tpu.memory_space<hbm>> -> memref<128xi32, #tpu.memory_space<hbm>>
      %dma_start3A_1193 = arith.constant 128 : i32
      %dma_start3A_1194 = tpu.memref_slice %arg15[%dma_start3A_1193] : memref<256xi32, #tpu.memory_space<vmem>> -> memref<128xi32, #tpu.memory_space<vmem>>
      %dma_start3A_1195 = tpu.memref_slice %arg9[%min3A_1171] : memref<400000xi32, #tpu.memory_space<hbm>> -> memref<128xi32, #tpu.memory_space<hbm>>
      tpu.enqueue_dma source(%dma_start3A_1195 : memref<128xi32, #tpu.memory_space<hbm>>) target(%dma_start3A_1194 : memref<128xi32, #tpu.memory_space<vmem>>) target_semaphore(%arg36 : memref<!tpu.dma_semaphore, #tpu.memory_space<semaphore_mem>>)
      %dma_wait3A_1196 = arith.constant 0 : i32
      %dma_wait3A_1197 = arith.constant 0 : i32
      %dma_wait3A_1198 = tpu.memref_slice %arg29[%dma_wait3A_1196, %dma_wait3A_1197] : memref<256x32xbf16, #tpu.memory_space<vmem>> -> memref<128x32xbf16, #tpu.memory_space<vmem>>
      %dma_wait3A_1199 = arith.constant 0 : i32
      %dma_wait3A_1200 = arith.constant 0 : i32
      %dma_wait3A_1201 = tpu.memref_slice %arg6[%dma_wait3A_1199, %dma_wait3A_1200] : memref<50000x32xbf16, #tpu.memory_space<hbm>> -> memref<50000x32xbf16, #tpu.memory_space<hbm>>
      tpu.wait_indirect_dma semaphore(%arg38 : memref<!tpu.dma_semaphore, #tpu.memory_space<semaphore_mem>>) src(%dma_wait3A_1201 : memref<50000x32xbf16, #tpu.memory_space<hbm>>) dst(%dma_wait3A_1198 : memref<128x32xbf16, #tpu.memory_space<vmem>>)
      %dma_wait3A_1202 = arith.constant 128 : i32
      %dma_wait3A_1203 = arith.constant 0 : i32
      %dma_wait3A_1204 = tpu.memref_slice %arg29[%dma_wait3A_1202, %dma_wait3A_1203] : memref<256x32xbf16, #tpu.memory_space<vmem>> -> memref<128x32xbf16, #tpu.memory_space<vmem>>
      %dma_wait3A_1205 = arith.constant 0 : i32
      %dma_wait3A_1206 = arith.constant 0 : i32
      %dma_wait3A_1207 = tpu.memref_slice %arg6[%dma_wait3A_1205, %dma_wait3A_1206] : memref<50000x32xbf16, #tpu.memory_space<hbm>> -> memref<50000x32xbf16, #tpu.memory_space<hbm>>
      tpu.wait_indirect_dma semaphore(%arg38 : memref<!tpu.dma_semaphore, #tpu.memory_space<semaphore_mem>>) src(%dma_wait3A_1207 : memref<50000x32xbf16, #tpu.memory_space<hbm>>) dst(%dma_wait3A_1204 : memref<128x32xbf16, #tpu.memory_space<vmem>>)
      %dma_wait3A_1208 = arith.constant 0 : i32
      %dma_wait3A_1209 = arith.constant 0 : i32
      %dma_wait3A_1210 = tpu.memref_slice %arg31[%dma_wait3A_1208, %dma_wait3A_1209] : memref<256x64xbf16, #tpu.memory_space<vmem>> -> memref<128x64xbf16, #tpu.memory_space<vmem>>
      %dma_wait3A_1211 = arith.constant 0 : i32
      %dma_wait3A_1212 = arith.constant 0 : i32
      %dma_wait3A_1213 = tpu.memref_slice %arg7[%dma_wait3A_1211, %dma_wait3A_1212] : memref<50000x64xbf16, #tpu.memory_space<hbm>> -> memref<50000x64xbf16, #tpu.memory_space<hbm>>
      tpu.wait_indirect_dma semaphore(%arg40 : memref<!tpu.dma_semaphore, #tpu.memory_space<semaphore_mem>>) src(%dma_wait3A_1213 : memref<50000x64xbf16, #tpu.memory_space<hbm>>) dst(%dma_wait3A_1210 : memref<128x64xbf16, #tpu.memory_space<vmem>>)
      %dma_wait3A_1214 = arith.constant 128 : i32
      %dma_wait3A_1215 = arith.constant 0 : i32
      %dma_wait3A_1216 = tpu.memref_slice %arg31[%dma_wait3A_1214, %dma_wait3A_1215] : memref<256x64xbf16, #tpu.memory_space<vmem>> -> memref<128x64xbf16, #tpu.memory_space<vmem>>
      %dma_wait3A_1217 = arith.constant 0 : i32
      %dma_wait3A_1218 = arith.constant 0 : i32
      %dma_wait3A_1219 = tpu.memref_slice %arg7[%dma_wait3A_1217, %dma_wait3A_1218] : memref<50000x64xbf16, #tpu.memory_space<hbm>> -> memref<50000x64xbf16, #tpu.memory_space<hbm>>
      tpu.wait_indirect_dma semaphore(%arg40 : memref<!tpu.dma_semaphore, #tpu.memory_space<semaphore_mem>>) src(%dma_wait3A_1219 : memref<50000x64xbf16, #tpu.memory_space<hbm>>) dst(%dma_wait3A_1216 : memref<128x64xbf16, #tpu.memory_space<vmem>>)
      %parallel_loop3A = arith.constant 0 : i32
      %parallel_loop3A_1220 = arith.constant 256 : i32
      %parallel_loop3A_1221 = arith.constant 1 : i32
      scf.for %parallel_loop3A_1732 = %parallel_loop3A to %parallel_loop3A_1220 step %parallel_loop3A_1221  : i32 {
        %parallel_loop3A_1733 = arith.index_cast %parallel_loop3A_1732 : i32 to index
        %parallel_loop3A_1734 = arith.constant 0 : index
        %parallel_loop3A_1735 = tpu.vector_load %arg29[%parallel_loop3A_1733, %parallel_loop3A_1734] {strides = array<i32>} : memref<256x32xbf16, #tpu.memory_space<vmem>>, vector<32xbf16>,
        %parallel_loop3A_1736 = tpu.unpack_subelements %parallel_loop3A_1735, 0 {pack_format = #tpu.pack_format<interleaved>} : vector<32xbf16> -> vector<16xf32>
        %parallel_loop3A_1737 = tpu.unpack_subelements %parallel_loop3A_1735, 1 {pack_format = #tpu.pack_format<interleaved>} : vector<32xbf16> -> vector<16xf32>
        %parallel_loop3A_1738 = arith.index_cast %parallel_loop3A_1732 : i32 to index
        %parallel_loop3A_1739 = arith.constant 0 : index
        %parallel_loop3A_1740 = tpu.vector_load %arg31[%parallel_loop3A_1738, %parallel_loop3A_1739] {strides = array<i32>} : memref<256x64xbf16, #tpu.memory_space<vmem>>, vector<32xbf16>,
        %parallel_loop3A_1741 = tpu.unpack_subelements %parallel_loop3A_1740, 0 {pack_format = #tpu.pack_format<interleaved>} : vector<32xbf16> -> vector<16xf32>
        %parallel_loop3A_1742 = tpu.unpack_subelements %parallel_loop3A_1740, 1 {pack_format = #tpu.pack_format<interleaved>} : vector<32xbf16> -> vector<16xf32>
        %parallel_loop3A_1743 = arith.mulf %parallel_loop3A_1736, %parallel_loop3A_1741 : vector<16xf32>
        %parallel_loop3A_1744 = arith.mulf %parallel_loop3A_1737, %parallel_loop3A_1742 : vector<16xf32>
        %parallel_loop3A_1745 = arith.addf %parallel_loop3A_1743, %parallel_loop3A_1744 : vector<16xf32>
        %parallel_loop3A_1746 = arith.constant true
        %parallel_loop3A_1747 = vector.broadcast %parallel_loop3A_1746 : i1 to vector<16xi1>
        %parallel_loop3A_1748 = tpu.scan <sum>, %parallel_loop3A_1745 masked %parallel_loop3A_1747 : vector<16xf32>, vector<16xi1> -> vector<16xf32>
        %parallel_loop3A_1749 = vector.extract %parallel_loop3A_1748[15] : f32 from vector<16xf32>
        %parallel_loop3A_1750 = vector.broadcast %parallel_loop3A_1749 : f32 to vector<16xf32>
        %parallel_loop3A_1751 = math.exp %parallel_loop3A_1750 : vector<16xf32>
        %parallel_loop3A_1752 = arith.index_cast %parallel_loop3A_1732 : i32 to index
        %parallel_loop3A_1753 = arith.constant 32 : index
        %parallel_loop3A_1754 = tpu.vector_load %arg31[%parallel_loop3A_1752, %parallel_loop3A_1753] {strides = array<i32>} : memref<256x64xbf16, #tpu.memory_space<vmem>>, vector<32xbf16>,
        %parallel_loop3A_1755 = tpu.unpack_subelements %parallel_loop3A_1754, 0 {pack_format = #tpu.pack_format<interleaved>} : vector<32xbf16> -> vector<16xf32>
        %parallel_loop3A_1756 = tpu.unpack_subelements %parallel_loop3A_1754, 1 {pack_format = #tpu.pack_format<interleaved>} : vector<32xbf16> -> vector<16xf32>
        %parallel_loop3A_1757 = arith.mulf %parallel_loop3A_1756, %parallel_loop3A_1751 : vector<16xf32>
        %parallel_loop3A_1758 = arith.mulf %parallel_loop3A_1755, %parallel_loop3A_1751 : vector<16xf32>
        %parallel_loop3A_1759 = arith.index_cast %parallel_loop3A_1732 : i32 to index
        %parallel_loop3A_1760 = arith.constant 0 : index
        %parallel_loop3A_1761 = tpu.vector_load %arg33[%parallel_loop3A_1759, %parallel_loop3A_1760] {strides = array<i32>} : memref<256x40xf32, #tpu.memory_space<vmem>>, vector<16xf32>,
        tpu.vector_store %arg33[%parallel_loop3A_1759, %parallel_loop3A_1760], %parallel_loop3A_1758 {strides = array<i32>} : memref<256x40xf32, #tpu.memory_space<vmem>>, vector<16xf32>,
        %parallel_loop3A_1762 = arith.index_cast %parallel_loop3A_1732 : i32 to index
        %parallel_loop3A_1763 = arith.constant 16 : index
        %parallel_loop3A_1764 = tpu.vector_load %arg33[%parallel_loop3A_1762, %parallel_loop3A_1763] {strides = array<i32>} : memref<256x40xf32, #tpu.memory_space<vmem>>, vector<16xf32>,
        tpu.vector_store %arg33[%parallel_loop3A_1762, %parallel_loop3A_1763], %parallel_loop3A_1757 {strides = array<i32>} : memref<256x40xf32, #tpu.memory_space<vmem>>, vector<16xf32>,
        %parallel_loop3A_1765 = arith.constant 8 : i32
        %parallel_loop3A_1766 = vector.broadcast %parallel_loop3A_1765 : i32 to vector<16xi32>
        %parallel_loop3A_1767 = arith.cmpi slt, %iota3A, %parallel_loop3A_1766 : vector<16xi32>
        %parallel_loop3A_1768 = arith.constant 15 : i32
        %parallel_loop3A_1769 = vector.broadcast %parallel_loop3A_1768 : i32 to vector<16xi32>
        %parallel_loop3A_1770 = tpu.iota {dimensions = array<i32: 0>} : vector<16xi32>
        %parallel_loop3A_1771 = arith.subi %parallel_loop3A_1769, %parallel_loop3A_1770 : vector<16xi32>
        %parallel_loop3A_1772 = tpu.dynamic_gather %parallel_loop3A_1757[%parallel_loop3A_1771] in [0] : vector<16xf32>, vector<16xi32> -> vector<16xf32>
        %parallel_loop3A_1773 = arith.constant 9 : i32
        %parallel_loop3A_1774 = vector.broadcast %parallel_loop3A_1773 : i32 to vector<16xi32>
        %parallel_loop3A_1775 = arith.cmpi slt, %iota3A, %parallel_loop3A_1774 : vector<16xi32>
        %parallel_loop3A_1776 = arith.select %parallel_loop3A_1775, %parallel_loop3A_1751, %broadcast_in_dim3A_4 : vector<16xi1>, vector<16xf32>
        %parallel_loop3A_1777 = arith.select %parallel_loop3A_1767, %parallel_loop3A_1772, %parallel_loop3A_1776 : vector<16xi1>, vector<16xf32>
        %parallel_loop3A_1778 = arith.index_cast %parallel_loop3A_1732 : i32 to index
        %parallel_loop3A_1779 = arith.constant 24 : index
        %parallel_loop3A_1780 = tpu.vector_load %arg33[%parallel_loop3A_1778, %parallel_loop3A_1779] {strides = array<i32>} : memref<256x40xf32, #tpu.memory_space<vmem>>, vector<16xf32>,
        tpu.vector_store %arg33[%parallel_loop3A_1778, %parallel_loop3A_1779], %parallel_loop3A_1777 {strides = array<i32>} : memref<256x40xf32, #tpu.memory_space<vmem>>, vector<16xf32>,
      } {sc.loop_unroll_factor = 4 : i64, sc.parallel_access}
      %dma_start3A_1222 = arith.constant 0 : i32
      %dma_start3A_1223 = arith.constant 0 : i32
      %dma_start3A_1224 = tpu.memref_slice %arg33[%dma_start3A_1222, %dma_start3A_1223] : memref<256x40xf32, #tpu.memory_space<vmem>> -> memref<128x40xf32, #tpu.memory_space<vmem>>
      %dma_start3A_1225 = arith.constant 0 : i32
      %dma_start3A_1226 = arith.constant 0 : i32
      %dma_start3A_1227 = tpu.memref_slice %arg35[%dma_start3A_1225, %dma_start3A_1226] : memref<25088x40xf32, #tpu.memory_space<vmem_shared>> -> memref<25088x40xf32, #tpu.memory_space<vmem_shared>>
      tpu.enqueue_indirect_dma source(%dma_start3A_1224 : memref<128x40xf32, #tpu.memory_space<vmem>>) target(%dma_start3A_1227 : memref<25088x40xf32, #tpu.memory_space<vmem_shared>>) offsets(%arg25 : memref<128xi32, #tpu.memory_space<vmem>>) semaphore(%arg42 : memref<!tpu.dma_semaphore, #tpu.memory_space<semaphore_mem>>) {add = true}
      %dma_start3A_1228 = arith.constant 128 : i32
      %dma_start3A_1229 = arith.constant 0 : i32
      %dma_start3A_1230 = tpu.memref_slice %arg33[%dma_start3A_1228, %dma_start3A_1229] : memref<256x40xf32, #tpu.memory_space<vmem>> -> memref<128x40xf32, #tpu.memory_space<vmem>>
      %dma_start3A_1231 = arith.constant 0 : i32
      %dma_start3A_1232 = arith.constant 0 : i32
      %dma_start3A_1233 = tpu.memref_slice %arg35[%dma_start3A_1231, %dma_start3A_1232] : memref<25088x40xf32, #tpu.memory_space<vmem_shared>> -> memref<25088x40xf32, #tpu.memory_space<vmem_shared>>
      tpu.enqueue_indirect_dma source(%dma_start3A_1230 : memref<128x40xf32, #tpu.memory_space<vmem>>) target(%dma_start3A_1233 : memref<25088x40xf32, #tpu.memory_space<vmem_shared>>) offsets(%arg27 : memref<128xi32, #tpu.memory_space<vmem>>) semaphore(%arg42 : memref<!tpu.dma_semaphore, #tpu.memory_space<semaphore_mem>>) {add = true}
      %mul3A_1234 = arith.constant 2 : i32
      %mul3A_1235 = arith.muli %mul3A_1234, %scan3A_743 : i32
      %add3A_1236 = arith.constant 1 : i32
      %add3A_1237 = arith.addi %mul3A_1235, %add3A_1236 : i32
      %dma_wait3A_1238 = arith.constant 0 : i32
      %dma_wait3A_1239 = tpu.memref_slice %arg13[%dma_wait3A_1238] : memref<256xi32, #tpu.memory_space<vmem>> -> memref<128xi32, #tpu.memory_space<vmem>>
      %dma_wait3A_1240 = arith.constant 0 : i32
      %dma_wait3A_1241 = tpu.memref_slice %arg8[%dma_wait3A_1240] : memref<400000xi32, #tpu.memory_space<hbm>> -> memref<128xi32, #tpu.memory_space<hbm>>
      %dma_wait3A_1242 = arith.constant 0 : i32
      %dma_wait3A_1243 = tpu.memref_slice %arg13[%dma_wait3A_1242] : memref<256xi32, #tpu.memory_space<vmem>> -> memref<128xi32, #tpu.memory_space<vmem>>
      %dma_wait3A_1244 = arith.constant 0 : i32
      %dma_wait3A_1245 = tpu.memref_slice %arg8[%dma_wait3A_1244] : memref<400000xi32, #tpu.memory_space<hbm>> -> memref<128xi32, #tpu.memory_space<hbm>>
      tpu.wait_dma2 semaphore(%arg36 : memref<!tpu.dma_semaphore, #tpu.memory_space<semaphore_mem>>) src(%dma_wait3A_1245 : memref<128xi32, #tpu.memory_space<hbm>>) dst(%dma_wait3A_1243 : memref<128xi32, #tpu.memory_space<vmem>>)
      %dma_wait3A_1246 = arith.constant 128 : i32
      %dma_wait3A_1247 = tpu.memref_slice %arg13[%dma_wait3A_1246] : memref<256xi32, #tpu.memory_space<vmem>> -> memref<128xi32, #tpu.memory_space<vmem>>
      %dma_wait3A_1248 = arith.constant 0 : i32
      %dma_wait3A_1249 = tpu.memref_slice %arg8[%dma_wait3A_1248] : memref<400000xi32, #tpu.memory_space<hbm>> -> memref<128xi32, #tpu.memory_space<hbm>>
      %dma_wait3A_1250 = arith.constant 128 : i32
      %dma_wait3A_1251 = tpu.memref_slice %arg13[%dma_wait3A_1250] : memref<256xi32, #tpu.memory_space<vmem>> -> memref<128xi32, #tpu.memory_space<vmem>>
      %dma_wait3A_1252 = arith.constant 0 : i32
      %dma_wait3A_1253 = tpu.memref_slice %arg8[%dma_wait3A_1252] : memref<400000xi32, #tpu.memory_space<hbm>> -> memref<128xi32, #tpu.memory_space<hbm>>
      tpu.wait_dma2 semaphore(%arg36 : memref<!tpu.dma_semaphore, #tpu.memory_space<semaphore_mem>>) src(%dma_wait3A_1253 : memref<128xi32, #tpu.memory_space<hbm>>) dst(%dma_wait3A_1251 : memref<128xi32, #tpu.memory_space<vmem>>)
      %dma_wait3A_1254 = arith.constant 0 : i32
      %dma_wait3A_1255 = tpu.memref_slice %arg15[%dma_wait3A_1254] : memref<256xi32, #tpu.memory_space<vmem>> -> memref<128xi32, #tpu.memory_space<vmem>>
      %dma_wait3A_1256 = arith.constant 0 : i32
      %dma_wait3A_1257 = tpu.memref_slice %arg8[%dma_wait3A_1256] : memref<400000xi32, #tpu.memory_space<hbm>> -> memref<128xi32, #tpu.memory_space<hbm>>
      %dma_wait3A_1258 = arith.constant 0 : i32
      %dma_wait3A_1259 = tpu.memref_slice %arg15[%dma_wait3A_1258] : memref<256xi32, #tpu.memory_space<vmem>> -> memref<128xi32, #tpu.memory_space<vmem>>
      %dma_wait3A_1260 = arith.constant 0 : i32
      %dma_wait3A_1261 = tpu.memref_slice %arg8[%dma_wait3A_1260] : memref<400000xi32, #tpu.memory_space<hbm>> -> memref<128xi32, #tpu.memory_space<hbm>>
      tpu.wait_dma2 semaphore(%arg36 : memref<!tpu.dma_semaphore, #tpu.memory_space<semaphore_mem>>) src(%dma_wait3A_1261 : memref<128xi32, #tpu.memory_space<hbm>>) dst(%dma_wait3A_1259 : memref<128xi32, #tpu.memory_space<vmem>>)
      %dma_wait3A_1262 = arith.constant 128 : i32
      %dma_wait3A_1263 = tpu.memref_slice %arg15[%dma_wait3A_1262] : memref<256xi32, #tpu.memory_space<vmem>> -> memref<128xi32, #tpu.memory_space<vmem>>
      %dma_wait3A_1264 = arith.constant 0 : i32
      %dma_wait3A_1265 = tpu.memref_slice %arg8[%dma_wait3A_1264] : memref<400000xi32, #tpu.memory_space<hbm>> -> memref<128xi32, #tpu.memory_space<hbm>>
      %dma_wait3A_1266 = arith.constant 128 : i32
      %dma_wait3A_1267 = tpu.memref_slice %arg15[%dma_wait3A_1266] : memref<256xi32, #tpu.memory_space<vmem>> -> memref<128xi32, #tpu.memory_space<vmem>>
      %dma_wait3A_1268 = arith.constant 0 : i32
      %dma_wait3A_1269 = tpu.memref_slice %arg8[%dma_wait3A_1268] : memref<400000xi32, #tpu.memory_space<hbm>> -> memref<128xi32, #tpu.memory_space<hbm>>
      tpu.wait_dma2 semaphore(%arg36 : memref<!tpu.dma_semaphore, #tpu.memory_space<semaphore_mem>>) src(%dma_wait3A_1269 : memref<128xi32, #tpu.memory_space<hbm>>) dst(%dma_wait3A_1267 : memref<128xi32, #tpu.memory_space<vmem>>)
      %get3A_1270 = arith.constant 0 : index
      %get3A_1271 = tpu.vector_load %arg15[%get3A_1270] {strides = array<i32>} : memref<256xi32, #tpu.memory_space<vmem>>, vector<16xi32>,
      %add3A_1272 = arith.addi %get3A_1271, %broadcast_in_dim3A : vector<16xi32>
      %swap3A_1273 = arith.constant 0 : index
      %swap3A_1274 = tpu.vector_load %arg17[%swap3A_1273] {strides = array<i32>} : memref<128xi32, #tpu.memory_space<vmem>>, vector<16xi32>,
      tpu.vector_store %arg17[%swap3A_1273], %add3A_1272 {strides = array<i32>} : memref<128xi32, #tpu.memory_space<vmem>>, vector<16xi32>,
      %get3A_1275 = arith.constant 0 : index
      %get3A_1276 = tpu.vector_load %arg13[%get3A_1275] {strides = array<i32>} : memref<256xi32, #tpu.memory_space<vmem>>, vector<16xi32>,
      %add3A_1277 = arith.addi %get3A_1276, %broadcast_in_dim3A : vector<16xi32>
      %swap3A_1278 = arith.constant 0 : index
      %swap3A_1279 = tpu.vector_load %arg21[%swap3A_1278] {strides = array<i32>} : memref<128xi32, #tpu.memory_space<vmem>>, vector<16xi32>,
      tpu.vector_store %arg21[%swap3A_1278], %add3A_1277 {strides = array<i32>} : memref<128xi32, #tpu.memory_space<vmem>>, vector<16xi32>,
      %get3A_1280 = arith.constant 16 : index
      %get3A_1281 = tpu.vector_load %arg15[%get3A_1280] {strides = array<i32>} : memref<256xi32, #tpu.memory_space<vmem>>, vector<16xi32>,
      %add3A_1282 = arith.addi %get3A_1281, %broadcast_in_dim3A : vector<16xi32>
      %swap3A_1283 = arith.constant 16 : index
      %swap3A_1284 = tpu.vector_load %arg17[%swap3A_1283] {strides = array<i32>} : memref<128xi32, #tpu.memory_space<vmem>>, vector<16xi32>,
      tpu.vector_store %arg17[%swap3A_1283], %add3A_1282 {strides = array<i32>} : memref<128xi32, #tpu.memory_space<vmem>>, vector<16xi32>,
      %get3A_1285 = arith.constant 16 : index
      %get3A_1286 = tpu.vector_load %arg13[%get3A_1285] {strides = array<i32>} : memref<256xi32, #tpu.memory_space<vmem>>, vector<16xi32>,
      %add3A_1287 = arith.addi %get3A_1286, %broadcast_in_dim3A : vector<16xi32>
      %swap3A_1288 = arith.constant 16 : index
      %swap3A_1289 = tpu.vector_load %arg21[%swap3A_1288] {strides = array<i32>} : memref<128xi32, #tpu.memory_space<vmem>>, vector<16xi32>,
      tpu.vector_store %arg21[%swap3A_1288], %add3A_1287 {strides = array<i32>} : memref<128xi32, #tpu.memory_space<vmem>>, vector<16xi32>,
      %get3A_1290 = arith.constant 32 : index
      %get3A_1291 = tpu.vector_load %arg15[%get3A_1290] {strides = array<i32>} : memref<256xi32, #tpu.memory_space<vmem>>, vector<16xi32>,
      %add3A_1292 = arith.addi %get3A_1291, %broadcast_in_dim3A : vector<16xi32>
      %swap3A_1293 = arith.constant 32 : index
      %swap3A_1294 = tpu.vector_load %arg17[%swap3A_1293] {strides = array<i32>} : memref<128xi32, #tpu.memory_space<vmem>>, vector<16xi32>,
      tpu.vector_store %arg17[%swap3A_1293], %add3A_1292 {strides = array<i32>} : memref<128xi32, #tpu.memory_space<vmem>>, vector<16xi32>,
      %get3A_1295 = arith.constant 32 : index
      %get3A_1296 = tpu.vector_load %arg13[%get3A_1295] {strides = array<i32>} : memref<256xi32, #tpu.memory_space<vmem>>, vector<16xi32>,
      %add3A_1297 = arith.addi %get3A_1296, %broadcast_in_dim3A : vector<16xi32>
      %swap3A_1298 = arith.constant 32 : index
      %swap3A_1299 = tpu.vector_load %arg21[%swap3A_1298] {strides = array<i32>} : memref<128xi32, #tpu.memory_space<vmem>>, vector<16xi32>,
      tpu.vector_store %arg21[%swap3A_1298], %add3A_1297 {strides = array<i32>} : memref<128xi32, #tpu.memory_space<vmem>>, vector<16xi32>,
      %get3A_1300 = arith.constant 48 : index
      %get3A_1301 = tpu.vector_load %arg15[%get3A_1300] {strides = array<i32>} : memref<256xi32, #tpu.memory_space<vmem>>, vector<16xi32>,
      %add3A_1302 = arith.addi %get3A_1301, %broadcast_in_dim3A : vector<16xi32>
      %swap3A_1303 = arith.constant 48 : index
      %swap3A_1304 = tpu.vector_load %arg17[%swap3A_1303] {strides = array<i32>} : memref<128xi32, #tpu.memory_space<vmem>>, vector<16xi32>,
      tpu.vector_store %arg17[%swap3A_1303], %add3A_1302 {strides = array<i32>} : memref<128xi32, #tpu.memory_space<vmem>>, vector<16xi32>,
      %get3A_1305 = arith.constant 48 : index
      %get3A_1306 = tpu.vector_load %arg13[%get3A_1305] {strides = array<i32>} : memref<256xi32, #tpu.memory_space<vmem>>, vector<16xi32>,
      %add3A_1307 = arith.addi %get3A_1306, %broadcast_in_dim3A : vector<16xi32>
      %swap3A_1308 = arith.constant 48 : index
      %swap3A_1309 = tpu.vector_load %arg21[%swap3A_1308] {strides = array<i32>} : memref<128xi32, #tpu.memory_space<vmem>>, vector<16xi32>,
      tpu.vector_store %arg21[%swap3A_1308], %add3A_1307 {strides = array<i32>} : memref<128xi32, #tpu.memory_space<vmem>>, vector<16xi32>,
      %get3A_1310 = arith.constant 64 : index
      %get3A_1311 = tpu.vector_load %arg15[%get3A_1310] {strides = array<i32>} : memref<256xi32, #tpu.memory_space<vmem>>, vector<16xi32>,
      %add3A_1312 = arith.addi %get3A_1311, %broadcast_in_dim3A : vector<16xi32>
      %swap3A_1313 = arith.constant 64 : index
      %swap3A_1314 = tpu.vector_load %arg17[%swap3A_1313] {strides = array<i32>} : memref<128xi32, #tpu.memory_space<vmem>>, vector<16xi32>,
      tpu.vector_store %arg17[%swap3A_1313], %add3A_1312 {strides = array<i32>} : memref<128xi32, #tpu.memory_space<vmem>>, vector<16xi32>,
      %get3A_1315 = arith.constant 64 : index
      %get3A_1316 = tpu.vector_load %arg13[%get3A_1315] {strides = array<i32>} : memref<256xi32, #tpu.memory_space<vmem>>, vector<16xi32>,
      %add3A_1317 = arith.addi %get3A_1316, %broadcast_in_dim3A : vector<16xi32>
      %swap3A_1318 = arith.constant 64 : index
      %swap3A_1319 = tpu.vector_load %arg21[%swap3A_1318] {strides = array<i32>} : memref<128xi32, #tpu.memory_space<vmem>>, vector<16xi32>,
      tpu.vector_store %arg21[%swap3A_1318], %add3A_1317 {strides = array<i32>} : memref<128xi32, #tpu.memory_space<vmem>>, vector<16xi32>,
      %get3A_1320 = arith.constant 80 : index
      %get3A_1321 = tpu.vector_load %arg15[%get3A_1320] {strides = array<i32>} : memref<256xi32, #tpu.memory_space<vmem>>, vector<16xi32>,
      %add3A_1322 = arith.addi %get3A_1321, %broadcast_in_dim3A : vector<16xi32>
      %swap3A_1323 = arith.constant 80 : index
      %swap3A_1324 = tpu.vector_load %arg17[%swap3A_1323] {strides = array<i32>} : memref<128xi32, #tpu.memory_space<vmem>>, vector<16xi32>,
      tpu.vector_store %arg17[%swap3A_1323], %add3A_1322 {strides = array<i32>} : memref<128xi32, #tpu.memory_space<vmem>>, vector<16xi32>,
      %get3A_1325 = arith.constant 80 : index
      %get3A_1326 = tpu.vector_load %arg13[%get3A_1325] {strides = array<i32>} : memref<256xi32, #tpu.memory_space<vmem>>, vector<16xi32>,
      %add3A_1327 = arith.addi %get3A_1326, %broadcast_in_dim3A : vector<16xi32>
      %swap3A_1328 = arith.constant 80 : index
      %swap3A_1329 = tpu.vector_load %arg21[%swap3A_1328] {strides = array<i32>} : memref<128xi32, #tpu.memory_space<vmem>>, vector<16xi32>,
      tpu.vector_store %arg21[%swap3A_1328], %add3A_1327 {strides = array<i32>} : memref<128xi32, #tpu.memory_space<vmem>>, vector<16xi32>,
      %get3A_1330 = arith.constant 96 : index
      %get3A_1331 = tpu.vector_load %arg15[%get3A_1330] {strides = array<i32>} : memref<256xi32, #tpu.memory_space<vmem>>, vector<16xi32>,
      %add3A_1332 = arith.addi %get3A_1331, %broadcast_in_dim3A : vector<16xi32>
      %swap3A_1333 = arith.constant 96 : index
      %swap3A_1334 = tpu.vector_load %arg17[%swap3A_1333] {strides = array<i32>} : memref<128xi32, #tpu.memory_space<vmem>>, vector<16xi32>,
      tpu.vector_store %arg17[%swap3A_1333], %add3A_1332 {strides = array<i32>} : memref<128xi32, #tpu.memory_space<vmem>>, vector<16xi32>,
      %get3A_1335 = arith.constant 96 : index
      %get3A_1336 = tpu.vector_load %arg13[%get3A_1335] {strides = array<i32>} : memref<256xi32, #tpu.memory_space<vmem>>, vector<16xi32>,
      %add3A_1337 = arith.addi %get3A_1336, %broadcast_in_dim3A : vector<16xi32>
      %swap3A_1338 = arith.constant 96 : index
      %swap3A_1339 = tpu.vector_load %arg21[%swap3A_1338] {strides = array<i32>} : memref<128xi32, #tpu.memory_space<vmem>>, vector<16xi32>,
      tpu.vector_store %arg21[%swap3A_1338], %add3A_1337 {strides = array<i32>} : memref<128xi32, #tpu.memory_space<vmem>>, vector<16xi32>,
      %get3A_1340 = arith.constant 112 : index
      %get3A_1341 = tpu.vector_load %arg15[%get3A_1340] {strides = array<i32>} : memref<256xi32, #tpu.memory_space<vmem>>, vector<16xi32>,
      %add3A_1342 = arith.addi %get3A_1341, %broadcast_in_dim3A : vector<16xi32>
      %swap3A_1343 = arith.constant 112 : index
      %swap3A_1344 = tpu.vector_load %arg17[%swap3A_1343] {strides = array<i32>} : memref<128xi32, #tpu.memory_space<vmem>>, vector<16xi32>,
      tpu.vector_store %arg17[%swap3A_1343], %add3A_1342 {strides = array<i32>} : memref<128xi32, #tpu.memory_space<vmem>>, vector<16xi32>,
      %get3A_1345 = arith.constant 112 : index
      %get3A_1346 = tpu.vector_load %arg13[%get3A_1345] {strides = array<i32>} : memref<256xi32, #tpu.memory_space<vmem>>, vector<16xi32>,
      %add3A_1347 = arith.addi %get3A_1346, %broadcast_in_dim3A : vector<16xi32>
      %swap3A_1348 = arith.constant 112 : index
      %swap3A_1349 = tpu.vector_load %arg21[%swap3A_1348] {strides = array<i32>} : memref<128xi32, #tpu.memory_space<vmem>>, vector<16xi32>,
      tpu.vector_store %arg21[%swap3A_1348], %add3A_1347 {strides = array<i32>} : memref<128xi32, #tpu.memory_space<vmem>>, vector<16xi32>,
      %get3A_1350 = arith.constant 128 : index
      %get3A_1351 = tpu.vector_load %arg15[%get3A_1350] {strides = array<i32>} : memref<256xi32, #tpu.memory_space<vmem>>, vector<16xi32>,
      %add3A_1352 = arith.addi %get3A_1351, %broadcast_in_dim3A : vector<16xi32>
      %swap3A_1353 = arith.constant 0 : index
      %swap3A_1354 = tpu.vector_load %arg19[%swap3A_1353] {strides = array<i32>} : memref<128xi32, #tpu.memory_space<vmem>>, vector<16xi32>,
      tpu.vector_store %arg19[%swap3A_1353], %add3A_1352 {strides = array<i32>} : memref<128xi32, #tpu.memory_space<vmem>>, vector<16xi32>,
      %get3A_1355 = arith.constant 128 : index
      %get3A_1356 = tpu.vector_load %arg13[%get3A_1355] {strides = array<i32>} : memref<256xi32, #tpu.memory_space<vmem>>, vector<16xi32>,
      %add3A_1357 = arith.addi %get3A_1356, %broadcast_in_dim3A : vector<16xi32>
      %swap3A_1358 = arith.constant 0 : index
      %swap3A_1359 = tpu.vector_load %arg23[%swap3A_1358] {strides = array<i32>} : memref<128xi32, #tpu.memory_space<vmem>>, vector<16xi32>,
      tpu.vector_store %arg23[%swap3A_1358], %add3A_1357 {strides = array<i32>} : memref<128xi32, #tpu.memory_space<vmem>>, vector<16xi32>,
      %get3A_1360 = arith.constant 144 : index
      %get3A_1361 = tpu.vector_load %arg15[%get3A_1360] {strides = array<i32>} : memref<256xi32, #tpu.memory_space<vmem>>, vector<16xi32>,
      %add3A_1362 = arith.addi %get3A_1361, %broadcast_in_dim3A : vector<16xi32>
      %swap3A_1363 = arith.constant 16 : index
      %swap3A_1364 = tpu.vector_load %arg19[%swap3A_1363] {strides = array<i32>} : memref<128xi32, #tpu.memory_space<vmem>>, vector<16xi32>,
      tpu.vector_store %arg19[%swap3A_1363], %add3A_1362 {strides = array<i32>} : memref<128xi32, #tpu.memory_space<vmem>>, vector<16xi32>,
      %get3A_1365 = arith.constant 144 : index
      %get3A_1366 = tpu.vector_load %arg13[%get3A_1365] {strides = array<i32>} : memref<256xi32, #tpu.memory_space<vmem>>, vector<16xi32>,
      %add3A_1367 = arith.addi %get3A_1366, %broadcast_in_dim3A : vector<16xi32>
      %swap3A_1368 = arith.constant 16 : index
      %swap3A_1369 = tpu.vector_load %arg23[%swap3A_1368] {strides = array<i32>} : memref<128xi32, #tpu.memory_space<vmem>>, vector<16xi32>,
      tpu.vector_store %arg23[%swap3A_1368], %add3A_1367 {strides = array<i32>} : memref<128xi32, #tpu.memory_space<vmem>>, vector<16xi32>,
      %get3A_1370 = arith.constant 160 : index
      %get3A_1371 = tpu.vector_load %arg15[%get3A_1370] {strides = array<i32>} : memref<256xi32, #tpu.memory_space<vmem>>, vector<16xi32>,
      %add3A_1372 = arith.addi %get3A_1371, %broadcast_in_dim3A : vector<16xi32>
      %swap3A_1373 = arith.constant 32 : index
      %swap3A_1374 = tpu.vector_load %arg19[%swap3A_1373] {strides = array<i32>} : memref<128xi32, #tpu.memory_space<vmem>>, vector<16xi32>,
      tpu.vector_store %arg19[%swap3A_1373], %add3A_1372 {strides = array<i32>} : memref<128xi32, #tpu.memory_space<vmem>>, vector<16xi32>,
      %get3A_1375 = arith.constant 160 : index
      %get3A_1376 = tpu.vector_load %arg13[%get3A_1375] {strides = array<i32>} : memref<256xi32, #tpu.memory_space<vmem>>, vector<16xi32>,
      %add3A_1377 = arith.addi %get3A_1376, %broadcast_in_dim3A : vector<16xi32>
      %swap3A_1378 = arith.constant 32 : index
      %swap3A_1379 = tpu.vector_load %arg23[%swap3A_1378] {strides = array<i32>} : memref<128xi32, #tpu.memory_space<vmem>>, vector<16xi32>,
      tpu.vector_store %arg23[%swap3A_1378], %add3A_1377 {strides = array<i32>} : memref<128xi32, #tpu.memory_space<vmem>>, vector<16xi32>,
      %get3A_1380 = arith.constant 176 : index
      %get3A_1381 = tpu.vector_load %arg15[%get3A_1380] {strides = array<i32>} : memref<256xi32, #tpu.memory_space<vmem>>, vector<16xi32>,
      %add3A_1382 = arith.addi %get3A_1381, %broadcast_in_dim3A : vector<16xi32>
      %swap3A_1383 = arith.constant 48 : index
      %swap3A_1384 = tpu.vector_load %arg19[%swap3A_1383] {strides = array<i32>} : memref<128xi32, #tpu.memory_space<vmem>>, vector<16xi32>,
      tpu.vector_store %arg19[%swap3A_1383], %add3A_1382 {strides = array<i32>} : memref<128xi32, #tpu.memory_space<vmem>>, vector<16xi32>,
      %get3A_1385 = arith.constant 176 : index
      %get3A_1386 = tpu.vector_load %arg13[%get3A_1385] {strides = array<i32>} : memref<256xi32, #tpu.memory_space<vmem>>, vector<16xi32>,
      %add3A_1387 = arith.addi %get3A_1386, %broadcast_in_dim3A : vector<16xi32>
      %swap3A_1388 = arith.constant 48 : index
      %swap3A_1389 = tpu.vector_load %arg23[%swap3A_1388] {strides = array<i32>} : memref<128xi32, #tpu.memory_space<vmem>>, vector<16xi32>,
      tpu.vector_store %arg23[%swap3A_1388], %add3A_1387 {strides = array<i32>} : memref<128xi32, #tpu.memory_space<vmem>>, vector<16xi32>,
      %get3A_1390 = arith.constant 192 : index
      %get3A_1391 = tpu.vector_load %arg15[%get3A_1390] {strides = array<i32>} : memref<256xi32, #tpu.memory_space<vmem>>, vector<16xi32>,
      %add3A_1392 = arith.addi %get3A_1391, %broadcast_in_dim3A : vector<16xi32>
      %swap3A_1393 = arith.constant 64 : index
      %swap3A_1394 = tpu.vector_load %arg19[%swap3A_1393] {strides = array<i32>} : memref<128xi32, #tpu.memory_space<vmem>>, vector<16xi32>,
      tpu.vector_store %arg19[%swap3A_1393], %add3A_1392 {strides = array<i32>} : memref<128xi32, #tpu.memory_space<vmem>>, vector<16xi32>,
      %get3A_1395 = arith.constant 192 : index
      %get3A_1396 = tpu.vector_load %arg13[%get3A_1395] {strides = array<i32>} : memref<256xi32, #tpu.memory_space<vmem>>, vector<16xi32>,
      %add3A_1397 = arith.addi %get3A_1396, %broadcast_in_dim3A : vector<16xi32>
      %swap3A_1398 = arith.constant 64 : index
      %swap3A_1399 = tpu.vector_load %arg23[%swap3A_1398] {strides = array<i32>} : memref<128xi32, #tpu.memory_space<vmem>>, vector<16xi32>,
      tpu.vector_store %arg23[%swap3A_1398], %add3A_1397 {strides = array<i32>} : memref<128xi32, #tpu.memory_space<vmem>>, vector<16xi32>,
      %get3A_1400 = arith.constant 208 : index
      %get3A_1401 = tpu.vector_load %arg15[%get3A_1400] {strides = array<i32>} : memref<256xi32, #tpu.memory_space<vmem>>, vector<16xi32>,
      %add3A_1402 = arith.addi %get3A_1401, %broadcast_in_dim3A : vector<16xi32>
      %swap3A_1403 = arith.constant 80 : index
      %swap3A_1404 = tpu.vector_load %arg19[%swap3A_1403] {strides = array<i32>} : memref<128xi32, #tpu.memory_space<vmem>>, vector<16xi32>,
      tpu.vector_store %arg19[%swap3A_1403], %add3A_1402 {strides = array<i32>} : memref<128xi32, #tpu.memory_space<vmem>>, vector<16xi32>,
      %get3A_1405 = arith.constant 208 : index
      %get3A_1406 = tpu.vector_load %arg13[%get3A_1405] {strides = array<i32>} : memref<256xi32, #tpu.memory_space<vmem>>, vector<16xi32>,
      %add3A_1407 = arith.addi %get3A_1406, %broadcast_in_dim3A : vector<16xi32>
      %swap3A_1408 = arith.constant 80 : index
      %swap3A_1409 = tpu.vector_load %arg23[%swap3A_1408] {strides = array<i32>} : memref<128xi32, #tpu.memory_space<vmem>>, vector<16xi32>,
      tpu.vector_store %arg23[%swap3A_1408], %add3A_1407 {strides = array<i32>} : memref<128xi32, #tpu.memory_space<vmem>>, vector<16xi32>,
      %get3A_1410 = arith.constant 224 : index
      %get3A_1411 = tpu.vector_load %arg15[%get3A_1410] {strides = array<i32>} : memref<256xi32, #tpu.memory_space<vmem>>, vector<16xi32>,
      %add3A_1412 = arith.addi %get3A_1411, %broadcast_in_dim3A : vector<16xi32>
      %swap3A_1413 = arith.constant 96 : index
      %swap3A_1414 = tpu.vector_load %arg19[%swap3A_1413] {strides = array<i32>} : memref<128xi32, #tpu.memory_space<vmem>>, vector<16xi32>,
      tpu.vector_store %arg19[%swap3A_1413], %add3A_1412 {strides = array<i32>} : memref<128xi32, #tpu.memory_space<vmem>>, vector<16xi32>,
      %get3A_1415 = arith.constant 224 : index
      %get3A_1416 = tpu.vector_load %arg13[%get3A_1415] {strides = array<i32>} : memref<256xi32, #tpu.memory_space<vmem>>, vector<16xi32>,
      %add3A_1417 = arith.addi %get3A_1416, %broadcast_in_dim3A : vector<16xi32>
      %swap3A_1418 = arith.constant 96 : index
      %swap3A_1419 = tpu.vector_load %arg23[%swap3A_1418] {strides = array<i32>} : memref<128xi32, #tpu.memory_space<vmem>>, vector<16xi32>,
      tpu.vector_store %arg23[%swap3A_1418], %add3A_1417 {strides = array<i32>} : memref<128xi32, #tpu.memory_space<vmem>>, vector<16xi32>,
      %get3A_1420 = arith.constant 240 : index
      %get3A_1421 = tpu.vector_load %arg15[%get3A_1420] {strides = array<i32>} : memref<256xi32, #tpu.memory_space<vmem>>, vector<16xi32>,
      %add3A_1422 = arith.addi %get3A_1421, %broadcast_in_dim3A : vector<16xi32>
      %swap3A_1423 = arith.constant 112 : index
      %swap3A_1424 = tpu.vector_load %arg19[%swap3A_1423] {strides = array<i32>} : memref<128xi32, #tpu.memory_space<vmem>>, vector<16xi32>,
      tpu.vector_store %arg19[%swap3A_1423], %add3A_1422 {strides = array<i32>} : memref<128xi32, #tpu.memory_space<vmem>>, vector<16xi32>,
      %get3A_1425 = arith.constant 240 : index
      %get3A_1426 = tpu.vector_load %arg13[%get3A_1425] {strides = array<i32>} : memref<256xi32, #tpu.memory_space<vmem>>, vector<16xi32>,
      %add3A_1427 = arith.addi %get3A_1426, %broadcast_in_dim3A : vector<16xi32>
      %swap3A_1428 = arith.constant 112 : index
      %swap3A_1429 = tpu.vector_load %arg23[%swap3A_1428] {strides = array<i32>} : memref<128xi32, #tpu.memory_space<vmem>>, vector<16xi32>,
      tpu.vector_store %arg23[%swap3A_1428], %add3A_1427 {strides = array<i32>} : memref<128xi32, #tpu.memory_space<vmem>>, vector<16xi32>,
      %dma_start3A_1430 = arith.constant 0 : i32
      %dma_start3A_1431 = arith.constant 0 : i32
      %dma_start3A_1432 = tpu.memref_slice %arg29[%dma_start3A_1430, %dma_start3A_1431] : memref<256x32xbf16, #tpu.memory_space<vmem>> -> memref<128x32xbf16, #tpu.memory_space<vmem>>
      %dma_start3A_1433 = arith.constant 0 : i32
      %dma_start3A_1434 = arith.constant 0 : i32
      %dma_start3A_1435 = tpu.memref_slice %arg6[%dma_start3A_1433, %dma_start3A_1434] : memref<50000x32xbf16, #tpu.memory_space<hbm>> -> memref<50000x32xbf16, #tpu.memory_space<hbm>>
      tpu.enqueue_indirect_dma source(%dma_start3A_1435 : memref<50000x32xbf16, #tpu.memory_space<hbm>>) target(%dma_start3A_1432 : memref<128x32xbf16, #tpu.memory_space<vmem>>) offsets(%arg17 : memref<128xi32, #tpu.memory_space<vmem>>) semaphore(%arg38 : memref<!tpu.dma_semaphore, #tpu.memory_space<semaphore_mem>>)
      %dma_start3A_1436 = arith.constant 128 : i32
      %dma_start3A_1437 = arith.constant 0 : i32
      %dma_start3A_1438 = tpu.memref_slice %arg29[%dma_start3A_1436, %dma_start3A_1437] : memref<256x32xbf16, #tpu.memory_space<vmem>> -> memref<128x32xbf16, #tpu.memory_space<vmem>>
      %dma_start3A_1439 = arith.constant 0 : i32
      %dma_start3A_1440 = arith.constant 0 : i32
      %dma_start3A_1441 = tpu.memref_slice %arg6[%dma_start3A_1439, %dma_start3A_1440] : memref<50000x32xbf16, #tpu.memory_space<hbm>> -> memref<50000x32xbf16, #tpu.memory_space<hbm>>
      tpu.enqueue_indirect_dma source(%dma_start3A_1441 : memref<50000x32xbf16, #tpu.memory_space<hbm>>) target(%dma_start3A_1438 : memref<128x32xbf16, #tpu.memory_space<vmem>>) offsets(%arg19 : memref<128xi32, #tpu.memory_space<vmem>>) semaphore(%arg38 : memref<!tpu.dma_semaphore, #tpu.memory_space<semaphore_mem>>)
      %dma_start3A_1442 = arith.constant 0 : i32
      %dma_start3A_1443 = arith.constant 0 : i32
      %dma_start3A_1444 = tpu.memref_slice %arg31[%dma_start3A_1442, %dma_start3A_1443] : memref<256x64xbf16, #tpu.memory_space<vmem>> -> memref<128x64xbf16, #tpu.memory_space<vmem>>
      %dma_start3A_1445 = arith.constant 0 : i32
      %dma_start3A_1446 = arith.constant 0 : i32
      %dma_start3A_1447 = tpu.memref_slice %arg7[%dma_start3A_1445, %dma_start3A_1446] : memref<50000x64xbf16, #tpu.memory_space<hbm>> -> memref<50000x64xbf16, #tpu.memory_space<hbm>>
      tpu.enqueue_indirect_dma source(%dma_start3A_1447 : memref<50000x64xbf16, #tpu.memory_space<hbm>>) target(%dma_start3A_1444 : memref<128x64xbf16, #tpu.memory_space<vmem>>) offsets(%arg21 : memref<128xi32, #tpu.memory_space<vmem>>) semaphore(%arg40 : memref<!tpu.dma_semaphore, #tpu.memory_space<semaphore_mem>>)
      %dma_start3A_1448 = arith.constant 128 : i32
      %dma_start3A_1449 = arith.constant 0 : i32
      %dma_start3A_1450 = tpu.memref_slice %arg31[%dma_start3A_1448, %dma_start3A_1449] : memref<256x64xbf16, #tpu.memory_space<vmem>> -> memref<128x64xbf16, #tpu.memory_space<vmem>>
      %dma_start3A_1451 = arith.constant 0 : i32
      %dma_start3A_1452 = arith.constant 0 : i32
      %dma_start3A_1453 = tpu.memref_slice %arg7[%dma_start3A_1451, %dma_start3A_1452] : memref<50000x64xbf16, #tpu.memory_space<hbm>> -> memref<50000x64xbf16, #tpu.memory_space<hbm>>
      tpu.enqueue_indirect_dma source(%dma_start3A_1453 : memref<50000x64xbf16, #tpu.memory_space<hbm>>) target(%dma_start3A_1450 : memref<128x64xbf16, #tpu.memory_space<vmem>>) offsets(%arg23 : memref<128xi32, #tpu.memory_space<vmem>>) semaphore(%arg40 : memref<!tpu.dma_semaphore, #tpu.memory_space<semaphore_mem>>)
      %ge3A_1454 = arith.constant 2 : i32
      %ge3A_1455 = arith.cmpi sge, %add3A_1237, %ge3A_1454 : i32
      %convert_element_type3A_1456 = arith.extui %ge3A_1455 : i1 to i32
      %cond3A_1457 = arith.constant 0 : i32
      %cond3A_1458 = arith.cmpi ne, %convert_element_type3A_1456, %cond3A_1457 : i32
      scf.if %cond3A_1458 {
        %dma_wait3A_1732 = arith.constant 0 : i32
        %dma_wait3A_1733 = arith.constant 0 : i32
        %dma_wait3A_1734 = tpu.memref_slice %arg34[%dma_wait3A_1732, %dma_wait3A_1733] : memref<256x40xf32, #tpu.memory_space<vmem>> -> memref<128x40xf32, #tpu.memory_space<vmem>>
        %dma_wait3A_1735 = arith.constant 0 : i32
        %dma_wait3A_1736 = arith.constant 0 : i32
        %dma_wait3A_1737 = tpu.memref_slice %arg35[%dma_wait3A_1735, %dma_wait3A_1736] : memref<25088x40xf32, #tpu.memory_space<vmem_shared>> -> memref<25088x40xf32, #tpu.memory_space<vmem_shared>>
        tpu.wait_indirect_dma semaphore(%arg43 : memref<!tpu.dma_semaphore, #tpu.memory_space<semaphore_mem>>) src(%dma_wait3A_1734 : memref<128x40xf32, #tpu.memory_space<vmem>>) dst(%dma_wait3A_1737 : memref<25088x40xf32, #tpu.memory_space<vmem_shared>>)
        %dma_wait3A_1738 = arith.constant 128 : i32
        %dma_wait3A_1739 = arith.constant 0 : i32
        %dma_wait3A_1740 = tpu.memref_slice %arg34[%dma_wait3A_1738, %dma_wait3A_1739] : memref<256x40xf32, #tpu.memory_space<vmem>> -> memref<128x40xf32, #tpu.memory_space<vmem>>
        %dma_wait3A_1741 = arith.constant 0 : i32
        %dma_wait3A_1742 = arith.constant 0 : i32
        %dma_wait3A_1743 = tpu.memref_slice %arg35[%dma_wait3A_1741, %dma_wait3A_1742] : memref<25088x40xf32, #tpu.memory_space<vmem_shared>> -> memref<25088x40xf32, #tpu.memory_space<vmem_shared>>
        tpu.wait_indirect_dma semaphore(%arg43 : memref<!tpu.dma_semaphore, #tpu.memory_space<semaphore_mem>>) src(%dma_wait3A_1740 : memref<128x40xf32, #tpu.memory_space<vmem>>) dst(%dma_wait3A_1743 : memref<25088x40xf32, #tpu.memory_space<vmem_shared>>)
      } else {
      }
      %mul3A_1459 = arith.constant 16 : i32
      %mul3A_1460 = arith.muli %add3A_1237, %mul3A_1459 : i32
      %add3A_1461 = arith.addi %arg1, %mul3A_1460 : i32
      %mul3A_1462 = arith.constant 256 : i32
      %mul3A_1463 = arith.muli %add3A_1461, %mul3A_1462 : i32
      %add3A_1464 = arith.constant 0 : i32
      %add3A_1465 = arith.addi %mul3A_1463, %add3A_1464 : i32
      %add3A_1466 = vector.broadcast %add3A_1465 : i32 to vector<16xi32>
      %add3A_1467 = arith.addi %iota3A, %add3A_1466 : vector<16xi32>
      %lt3A_1468 = arith.constant 400000 : i32
      %lt3A_1469 = vector.broadcast %lt3A_1468 : i32 to vector<16xi32>
      %lt3A_1470 = arith.cmpi slt, %add3A_1467, %lt3A_1469 : vector<16xi32>
      %get3A_1471 = arith.constant 0 : index
      %get3A_1472 = tpu.vector_load %arg16[%get3A_1471] {strides = array<i32>} : memref<256xi32, #tpu.memory_space<vmem>>, vector<16xi32>,
      %select_n3A_1473 = arith.select %lt3A_1470, %get3A_1472, %broadcast_in_dim3A_6 : vector<16xi1>, vector<16xi32>
      %swap3A_1474 = arith.constant 0 : index
      %swap3A_1475 = tpu.vector_load %arg26[%swap3A_1474] {strides = array<i32>} : memref<128xi32, #tpu.memory_space<vmem>>, vector<16xi32>,
      tpu.vector_store %arg26[%swap3A_1474], %select_n3A_1473 {strides = array<i32>} : memref<128xi32, #tpu.memory_space<vmem>>, vector<16xi32>,
      %add3A_1476 = arith.constant 16 : i32
      %add3A_1477 = arith.addi %mul3A_1463, %add3A_1476 : i32
      %add3A_1478 = vector.broadcast %add3A_1477 : i32 to vector<16xi32>
      %add3A_1479 = arith.addi %iota3A, %add3A_1478 : vector<16xi32>
      %lt3A_1480 = arith.constant 400000 : i32
      %lt3A_1481 = vector.broadcast %lt3A_1480 : i32 to vector<16xi32>
      %lt3A_1482 = arith.cmpi slt, %add3A_1479, %lt3A_1481 : vector<16xi32>
      %get3A_1483 = arith.constant 16 : index
      %get3A_1484 = tpu.vector_load %arg16[%get3A_1483] {strides = array<i32>} : memref<256xi32, #tpu.memory_space<vmem>>, vector<16xi32>,
      %select_n3A_1485 = arith.select %lt3A_1482, %get3A_1484, %broadcast_in_dim3A_6 : vector<16xi1>, vector<16xi32>
      %swap3A_1486 = arith.constant 16 : index
      %swap3A_1487 = tpu.vector_load %arg26[%swap3A_1486] {strides = array<i32>} : memref<128xi32, #tpu.memory_space<vmem>>, vector<16xi32>,
      tpu.vector_store %arg26[%swap3A_1486], %select_n3A_1485 {strides = array<i32>} : memref<128xi32, #tpu.memory_space<vmem>>, vector<16xi32>,
      %add3A_1488 = arith.constant 32 : i32
      %add3A_1489 = arith.addi %mul3A_1463, %add3A_1488 : i32
      %add3A_1490 = vector.broadcast %add3A_1489 : i32 to vector<16xi32>
      %add3A_1491 = arith.addi %iota3A, %add3A_1490 : vector<16xi32>
      %lt3A_1492 = arith.constant 400000 : i32
      %lt3A_1493 = vector.broadcast %lt3A_1492 : i32 to vector<16xi32>
      %lt3A_1494 = arith.cmpi slt, %add3A_1491, %lt3A_1493 : vector<16xi32>
      %get3A_1495 = arith.constant 32 : index
      %get3A_1496 = tpu.vector_load %arg16[%get3A_1495] {strides = array<i32>} : memref<256xi32, #tpu.memory_space<vmem>>, vector<16xi32>,
      %select_n3A_1497 = arith.select %lt3A_1494, %get3A_1496, %broadcast_in_dim3A_6 : vector<16xi1>, vector<16xi32>
      %swap3A_1498 = arith.constant 32 : index
      %swap3A_1499 = tpu.vector_load %arg26[%swap3A_1498] {strides = array<i32>} : memref<128xi32, #tpu.memory_space<vmem>>, vector<16xi32>,
      tpu.vector_store %arg26[%swap3A_1498], %select_n3A_1497 {strides = array<i32>} : memref<128xi32, #tpu.memory_space<vmem>>, vector<16xi32>,
      %add3A_1500 = arith.constant 48 : i32
      %add3A_1501 = arith.addi %mul3A_1463, %add3A_1500 : i32
      %add3A_1502 = vector.broadcast %add3A_1501 : i32 to vector<16xi32>
      %add3A_1503 = arith.addi %iota3A, %add3A_1502 : vector<16xi32>
      %lt3A_1504 = arith.constant 400000 : i32
      %lt3A_1505 = vector.broadcast %lt3A_1504 : i32 to vector<16xi32>
      %lt3A_1506 = arith.cmpi slt, %add3A_1503, %lt3A_1505 : vector<16xi32>
      %get3A_1507 = arith.constant 48 : index
      %get3A_1508 = tpu.vector_load %arg16[%get3A_1507] {strides = array<i32>} : memref<256xi32, #tpu.memory_space<vmem>>, vector<16xi32>,
      %select_n3A_1509 = arith.select %lt3A_1506, %get3A_1508, %broadcast_in_dim3A_6 : vector<16xi1>, vector<16xi32>
      %swap3A_1510 = arith.constant 48 : index
      %swap3A_1511 = tpu.vector_load %arg26[%swap3A_1510] {strides = array<i32>} : memref<128xi32, #tpu.memory_space<vmem>>, vector<16xi32>,
      tpu.vector_store %arg26[%swap3A_1510], %select_n3A_1509 {strides = array<i32>} : memref<128xi32, #tpu.memory_space<vmem>>, vector<16xi32>,
      %add3A_1512 = arith.constant 64 : i32
      %add3A_1513 = arith.addi %mul3A_1463, %add3A_1512 : i32
      %add3A_1514 = vector.broadcast %add3A_1513 : i32 to vector<16xi32>
      %add3A_1515 = arith.addi %iota3A, %add3A_1514 : vector<16xi32>
      %lt3A_1516 = arith.constant 400000 : i32
      %lt3A_1517 = vector.broadcast %lt3A_1516 : i32 to vector<16xi32>
      %lt3A_1518 = arith.cmpi slt, %add3A_1515, %lt3A_1517 : vector<16xi32>
      %get3A_1519 = arith.constant 64 : index
      %get3A_1520 = tpu.vector_load %arg16[%get3A_1519] {strides = array<i32>} : memref<256xi32, #tpu.memory_space<vmem>>, vector<16xi32>,
      %select_n3A_1521 = arith.select %lt3A_1518, %get3A_1520, %broadcast_in_dim3A_6 : vector<16xi1>, vector<16xi32>
      %swap3A_1522 = arith.constant 64 : index
      %swap3A_1523 = tpu.vector_load %arg26[%swap3A_1522] {strides = array<i32>} : memref<128xi32, #tpu.memory_space<vmem>>, vector<16xi32>,
      tpu.vector_store %arg26[%swap3A_1522], %select_n3A_1521 {strides = array<i32>} : memref<128xi32, #tpu.memory_space<vmem>>, vector<16xi32>,
      %add3A_1524 = arith.constant 80 : i32
      %add3A_1525 = arith.addi %mul3A_1463, %add3A_1524 : i32
      %add3A_1526 = vector.broadcast %add3A_1525 : i32 to vector<16xi32>
      %add3A_1527 = arith.addi %iota3A, %add3A_1526 : vector<16xi32>
      %lt3A_1528 = arith.constant 400000 : i32
      %lt3A_1529 = vector.broadcast %lt3A_1528 : i32 to vector<16xi32>
      %lt3A_1530 = arith.cmpi slt, %add3A_1527, %lt3A_1529 : vector<16xi32>
      %get3A_1531 = arith.constant 80 : index
      %get3A_1532 = tpu.vector_load %arg16[%get3A_1531] {strides = array<i32>} : memref<256xi32, #tpu.memory_space<vmem>>, vector<16xi32>,
      %select_n3A_1533 = arith.select %lt3A_1530, %get3A_1532, %broadcast_in_dim3A_6 : vector<16xi1>, vector<16xi32>
      %swap3A_1534 = arith.constant 80 : index
      %swap3A_1535 = tpu.vector_load %arg26[%swap3A_1534] {strides = array<i32>} : memref<128xi32, #tpu.memory_space<vmem>>, vector<16xi32>,
      tpu.vector_store %arg26[%swap3A_1534], %select_n3A_1533 {strides = array<i32>} : memref<128xi32, #tpu.memory_space<vmem>>, vector<16xi32>,
      %add3A_1536 = arith.constant 96 : i32
      %add3A_1537 = arith.addi %mul3A_1463, %add3A_1536 : i32
      %add3A_1538 = vector.broadcast %add3A_1537 : i32 to vector<16xi32>
      %add3A_1539 = arith.addi %iota3A, %add3A_1538 : vector<16xi32>
      %lt3A_1540 = arith.constant 400000 : i32
      %lt3A_1541 = vector.broadcast %lt3A_1540 : i32 to vector<16xi32>
      %lt3A_1542 = arith.cmpi slt, %add3A_1539, %lt3A_1541 : vector<16xi32>
      %get3A_1543 = arith.constant 96 : index
      %get3A_1544 = tpu.vector_load %arg16[%get3A_1543] {strides = array<i32>} : memref<256xi32, #tpu.memory_space<vmem>>, vector<16xi32>,
      %select_n3A_1545 = arith.select %lt3A_1542, %get3A_1544, %broadcast_in_dim3A_6 : vector<16xi1>, vector<16xi32>
      %swap3A_1546 = arith.constant 96 : index
      %swap3A_1547 = tpu.vector_load %arg26[%swap3A_1546] {strides = array<i32>} : memref<128xi32, #tpu.memory_space<vmem>>, vector<16xi32>,
      tpu.vector_store %arg26[%swap3A_1546], %select_n3A_1545 {strides = array<i32>} : memref<128xi32, #tpu.memory_space<vmem>>, vector<16xi32>,
      %add3A_1548 = arith.constant 112 : i32
      %add3A_1549 = arith.addi %mul3A_1463, %add3A_1548 : i32
      %add3A_1550 = vector.broadcast %add3A_1549 : i32 to vector<16xi32>
      %add3A_1551 = arith.addi %iota3A, %add3A_1550 : vector<16xi32>
      %lt3A_1552 = arith.constant 400000 : i32
      %lt3A_1553 = vector.broadcast %lt3A_1552 : i32 to vector<16xi32>
      %lt3A_1554 = arith.cmpi slt, %add3A_1551, %lt3A_1553 : vector<16xi32>
      %get3A_1555 = arith.constant 112 : index
      %get3A_1556 = tpu.vector_load %arg16[%get3A_1555] {strides = array<i32>} : memref<256xi32, #tpu.memory_space<vmem>>, vector<16xi32>,
      %select_n3A_1557 = arith.select %lt3A_1554, %get3A_1556, %broadcast_in_dim3A_6 : vector<16xi1>, vector<16xi32>
      %swap3A_1558 = arith.constant 112 : index
      %swap3A_1559 = tpu.vector_load %arg26[%swap3A_1558] {strides = array<i32>} : memref<128xi32, #tpu.memory_space<vmem>>, vector<16xi32>,
      tpu.vector_store %arg26[%swap3A_1558], %select_n3A_1557 {strides = array<i32>} : memref<128xi32, #tpu.memory_space<vmem>>, vector<16xi32>,
      %add3A_1560 = arith.constant 128 : i32
      %add3A_1561 = arith.addi %mul3A_1463, %add3A_1560 : i32
      %add3A_1562 = vector.broadcast %add3A_1561 : i32 to vector<16xi32>
      %add3A_1563 = arith.addi %iota3A, %add3A_1562 : vector<16xi32>
      %lt3A_1564 = arith.constant 400000 : i32
      %lt3A_1565 = vector.broadcast %lt3A_1564 : i32 to vector<16xi32>
      %lt3A_1566 = arith.cmpi slt, %add3A_1563, %lt3A_1565 : vector<16xi32>
      %get3A_1567 = arith.constant 128 : index
      %get3A_1568 = tpu.vector_load %arg16[%get3A_1567] {strides = array<i32>} : memref<256xi32, #tpu.memory_space<vmem>>, vector<16xi32>,
      %select_n3A_1569 = arith.select %lt3A_1566, %get3A_1568, %broadcast_in_dim3A_6 : vector<16xi1>, vector<16xi32>
      %swap3A_1570 = arith.constant 0 : index
      %swap3A_1571 = tpu.vector_load %arg28[%swap3A_1570] {strides = array<i32>} : memref<128xi32, #tpu.memory_space<vmem>>, vector<16xi32>,
      tpu.vector_store %arg28[%swap3A_1570], %select_n3A_1569 {strides = array<i32>} : memref<128xi32, #tpu.memory_space<vmem>>, vector<16xi32>,
      %add3A_1572 = arith.constant 144 : i32
      %add3A_1573 = arith.addi %mul3A_1463, %add3A_1572 : i32
      %add3A_1574 = vector.broadcast %add3A_1573 : i32 to vector<16xi32>
      %add3A_1575 = arith.addi %iota3A, %add3A_1574 : vector<16xi32>
      %lt3A_1576 = arith.constant 400000 : i32
      %lt3A_1577 = vector.broadcast %lt3A_1576 : i32 to vector<16xi32>
      %lt3A_1578 = arith.cmpi slt, %add3A_1575, %lt3A_1577 : vector<16xi32>
      %get3A_1579 = arith.constant 144 : index
      %get3A_1580 = tpu.vector_load %arg16[%get3A_1579] {strides = array<i32>} : memref<256xi32, #tpu.memory_space<vmem>>, vector<16xi32>,
      %select_n3A_1581 = arith.select %lt3A_1578, %get3A_1580, %broadcast_in_dim3A_6 : vector<16xi1>, vector<16xi32>
      %swap3A_1582 = arith.constant 16 : index
      %swap3A_1583 = tpu.vector_load %arg28[%swap3A_1582] {strides = array<i32>} : memref<128xi32, #tpu.memory_space<vmem>>, vector<16xi32>,
      tpu.vector_store %arg28[%swap3A_1582], %select_n3A_1581 {strides = array<i32>} : memref<128xi32, #tpu.memory_space<vmem>>, vector<16xi32>,
      %add3A_1584 = arith.constant 160 : i32
      %add3A_1585 = arith.addi %mul3A_1463, %add3A_1584 : i32
      %add3A_1586 = vector.broadcast %add3A_1585 : i32 to vector<16xi32>
      %add3A_1587 = arith.addi %iota3A, %add3A_1586 : vector<16xi32>
      %lt3A_1588 = arith.constant 400000 : i32
      %lt3A_1589 = vector.broadcast %lt3A_1588 : i32 to vector<16xi32>
      %lt3A_1590 = arith.cmpi slt, %add3A_1587, %lt3A_1589 : vector<16xi32>
      %get3A_1591 = arith.constant 160 : index
      %get3A_1592 = tpu.vector_load %arg16[%get3A_1591] {strides = array<i32>} : memref<256xi32, #tpu.memory_space<vmem>>, vector<16xi32>,
      %select_n3A_1593 = arith.select %lt3A_1590, %get3A_1592, %broadcast_in_dim3A_6 : vector<16xi1>, vector<16xi32>
      %swap3A_1594 = arith.constant 32 : index
      %swap3A_1595 = tpu.vector_load %arg28[%swap3A_1594] {strides = array<i32>} : memref<128xi32, #tpu.memory_space<vmem>>, vector<16xi32>,
      tpu.vector_store %arg28[%swap3A_1594], %select_n3A_1593 {strides = array<i32>} : memref<128xi32, #tpu.memory_space<vmem>>, vector<16xi32>,
      %add3A_1596 = arith.constant 176 : i32
      %add3A_1597 = arith.addi %mul3A_1463, %add3A_1596 : i32
      %add3A_1598 = vector.broadcast %add3A_1597 : i32 to vector<16xi32>
      %add3A_1599 = arith.addi %iota3A, %add3A_1598 : vector<16xi32>
      %lt3A_1600 = arith.constant 400000 : i32
      %lt3A_1601 = vector.broadcast %lt3A_1600 : i32 to vector<16xi32>
      %lt3A_1602 = arith.cmpi slt, %add3A_1599, %lt3A_1601 : vector<16xi32>
      %get3A_1603 = arith.constant 176 : index
      %get3A_1604 = tpu.vector_load %arg16[%get3A_1603] {strides = array<i32>} : memref<256xi32, #tpu.memory_space<vmem>>, vector<16xi32>,
      %select_n3A_1605 = arith.select %lt3A_1602, %get3A_1604, %broadcast_in_dim3A_6 : vector<16xi1>, vector<16xi32>
      %swap3A_1606 = arith.constant 48 : index
      %swap3A_1607 = tpu.vector_load %arg28[%swap3A_1606] {strides = array<i32>} : memref<128xi32, #tpu.memory_space<vmem>>, vector<16xi32>,
      tpu.vector_store %arg28[%swap3A_1606], %select_n3A_1605 {strides = array<i32>} : memref<128xi32, #tpu.memory_space<vmem>>, vector<16xi32>,
      %add3A_1608 = arith.constant 192 : i32
      %add3A_1609 = arith.addi %mul3A_1463, %add3A_1608 : i32
      %add3A_1610 = vector.broadcast %add3A_1609 : i32 to vector<16xi32>
      %add3A_1611 = arith.addi %iota3A, %add3A_1610 : vector<16xi32>
      %lt3A_1612 = arith.constant 400000 : i32
      %lt3A_1613 = vector.broadcast %lt3A_1612 : i32 to vector<16xi32>
      %lt3A_1614 = arith.cmpi slt, %add3A_1611, %lt3A_1613 : vector<16xi32>
      %get3A_1615 = arith.constant 192 : index
      %get3A_1616 = tpu.vector_load %arg16[%get3A_1615] {strides = array<i32>} : memref<256xi32, #tpu.memory_space<vmem>>, vector<16xi32>,
      %select_n3A_1617 = arith.select %lt3A_1614, %get3A_1616, %broadcast_in_dim3A_6 : vector<16xi1>, vector<16xi32>
      %swap3A_1618 = arith.constant 64 : index
      %swap3A_1619 = tpu.vector_load %arg28[%swap3A_1618] {strides = array<i32>} : memref<128xi32, #tpu.memory_space<vmem>>, vector<16xi32>,
      tpu.vector_store %arg28[%swap3A_1618], %select_n3A_1617 {strides = array<i32>} : memref<128xi32, #tpu.memory_space<vmem>>, vector<16xi32>,
      %add3A_1620 = arith.constant 208 : i32
      %add3A_1621 = arith.addi %mul3A_1463, %add3A_1620 : i32
      %add3A_1622 = vector.broadcast %add3A_1621 : i32 to vector<16xi32>
      %add3A_1623 = arith.addi %iota3A, %add3A_1622 : vector<16xi32>
      %lt3A_1624 = arith.constant 400000 : i32
      %lt3A_1625 = vector.broadcast %lt3A_1624 : i32 to vector<16xi32>
      %lt3A_1626 = arith.cmpi slt, %add3A_1623, %lt3A_1625 : vector<16xi32>
      %get3A_1627 = arith.constant 208 : index
      %get3A_1628 = tpu.vector_load %arg16[%get3A_1627] {strides = array<i32>} : memref<256xi32, #tpu.memory_space<vmem>>, vector<16xi32>,
      %select_n3A_1629 = arith.select %lt3A_1626, %get3A_1628, %broadcast_in_dim3A_6 : vector<16xi1>, vector<16xi32>
      %swap3A_1630 = arith.constant 80 : index
      %swap3A_1631 = tpu.vector_load %arg28[%swap3A_1630] {strides = array<i32>} : memref<128xi32, #tpu.memory_space<vmem>>, vector<16xi32>,
      tpu.vector_store %arg28[%swap3A_1630], %select_n3A_1629 {strides = array<i32>} : memref<128xi32, #tpu.memory_space<vmem>>, vector<16xi32>,
      %add3A_1632 = arith.constant 224 : i32
      %add3A_1633 = arith.addi %mul3A_1463, %add3A_1632 : i32
      %add3A_1634 = vector.broadcast %add3A_1633 : i32 to vector<16xi32>
      %add3A_1635 = arith.addi %iota3A, %add3A_1634 : vector<16xi32>
      %lt3A_1636 = arith.constant 400000 : i32
      %lt3A_1637 = vector.broadcast %lt3A_1636 : i32 to vector<16xi32>
      %lt3A_1638 = arith.cmpi slt, %add3A_1635, %lt3A_1637 : vector<16xi32>
      %get3A_1639 = arith.constant 224 : index
      %get3A_1640 = tpu.vector_load %arg16[%get3A_1639] {strides = array<i32>} : memref<256xi32, #tpu.memory_space<vmem>>, vector<16xi32>,
      %select_n3A_1641 = arith.select %lt3A_1638, %get3A_1640, %broadcast_in_dim3A_6 : vector<16xi1>, vector<16xi32>
      %swap3A_1642 = arith.constant 96 : index
      %swap3A_1643 = tpu.vector_load %arg28[%swap3A_1642] {strides = array<i32>} : memref<128xi32, #tpu.memory_space<vmem>>, vector<16xi32>,
      tpu.vector_store %arg28[%swap3A_1642], %select_n3A_1641 {strides = array<i32>} : memref<128xi32, #tpu.memory_space<vmem>>, vector<16xi32>,
      %add3A_1644 = arith.constant 240 : i32
      %add3A_1645 = arith.addi %mul3A_1463, %add3A_1644 : i32
      %add3A_1646 = vector.broadcast %add3A_1645 : i32 to vector<16xi32>
      %add3A_1647 = arith.addi %iota3A, %add3A_1646 : vector<16xi32>
      %lt3A_1648 = arith.constant 400000 : i32
      %lt3A_1649 = vector.broadcast %lt3A_1648 : i32 to vector<16xi32>
      %lt3A_1650 = arith.cmpi slt, %add3A_1647, %lt3A_1649 : vector<16xi32>
      %get3A_1651 = arith.constant 240 : index
      %get3A_1652 = tpu.vector_load %arg16[%get3A_1651] {strides = array<i32>} : memref<256xi32, #tpu.memory_space<vmem>>, vector<16xi32>,
      %select_n3A_1653 = arith.select %lt3A_1650, %get3A_1652, %broadcast_in_dim3A_6 : vector<16xi1>, vector<16xi32>
      %swap3A_1654 = arith.constant 112 : index
      %swap3A_1655 = tpu.vector_load %arg28[%swap3A_1654] {strides = array<i32>} : memref<128xi32, #tpu.memory_space<vmem>>, vector<16xi32>,
      tpu.vector_store %arg28[%swap3A_1654], %select_n3A_1653 {strides = array<i32>} : memref<128xi32, #tpu.memory_space<vmem>>, vector<16xi32>,
      %add3A_1656 = arith.constant 2 : i32
      %add3A_1657 = arith.addi %add3A_1237, %add3A_1656 : i32
      %mul3A_1658 = arith.constant 16 : i32
      %mul3A_1659 = arith.muli %add3A_1657, %mul3A_1658 : i32
      %add3A_1660 = arith.addi %arg1, %mul3A_1659 : i32
      %min3A_1661 = arith.constant 1562 : i32
      %min3A_1662 = arith.minsi %add3A_1660, %min3A_1661 : i32
      %mul3A_1663 = arith.constant 256 : i32
      %mul3A_1664 = arith.muli %min3A_1662, %mul3A_1663 : i32
      %add3A_1665 = arith.constant 128 : i32
      %add3A_1666 = arith.addi %mul3A_1664, %add3A_1665 : i32
      %min3A_1667 = arith.constant 399872 : i32
      %min3A_1668 = arith.minsi %add3A_1666, %min3A_1667 : i32
      %dma_start3A_1669 = arith.constant 0 : i32
      %dma_start3A_1670 = tpu.memref_slice %arg14[%dma_start3A_1669] : memref<256xi32, #tpu.memory_space<vmem>> -> memref<128xi32, #tpu.memory_space<vmem>>
      %dma_start3A_1671 = tpu.memref_slice %arg8[%mul3A_1664] : memref<400000xi32, #tpu.memory_space<hbm>> -> memref<128xi32, #tpu.memory_space<hbm>>
      %dma_start3A_1672 = arith.constant 0 : i32
      %dma_start3A_1673 = tpu.memref_slice %arg14[%dma_start3A_1672] : memref<256xi32, #tpu.memory_space<vmem>> -> memref<128xi32, #tpu.memory_space<vmem>>
      %dma_start3A_1674 = tpu.memref_slice %arg8[%mul3A_1664] : memref<400000xi32, #tpu.memory_space<hbm>> -> memref<128xi32, #tpu.memory_space<hbm>>
      tpu.enqueue_dma source(%dma_start3A_1674 : memref<128xi32, #tpu.memory_space<hbm>>) target(%dma_start3A_1673 : memref<128xi32, #tpu.memory_space<vmem>>) target_semaphore(%arg37 : memref<!tpu.dma_semaphore, #tpu.memory_space<semaphore_mem>>)
      %dma_start3A_1675 = arith.constant 128 : i32
      %dma_start3A_1676 = tpu.memref_slice %arg14[%dma_start3A_1675] : memref<256xi32, #tpu.memory_space<vmem>> -> memref<128xi32, #tpu.memory_space<vmem>>
      %dma_start3A_1677 = tpu.memref_slice %arg8[%min3A_1668] : memref<400000xi32, #tpu.memory_space<hbm>> -> memref<128xi32, #tpu.memory_space<hbm>>
      %dma_start3A_1678 = arith.constant 128 : i32
      %dma_start3A_1679 = tpu.memref_slice %arg14[%dma_start3A_1678] : memref<256xi32, #tpu.memory_space<vmem>> -> memref<128xi32, #tpu.memory_space<vmem>>
      %dma_start3A_1680 = tpu.memref_slice %arg8[%min3A_1668] : memref<400000xi32, #tpu.memory_space<hbm>> -> memref<128xi32, #tpu.memory_space<hbm>>
      tpu.enqueue_dma source(%dma_start3A_1680 : memref<128xi32, #tpu.memory_space<hbm>>) target(%dma_start3A_1679 : memref<128xi32, #tpu.memory_space<vmem>>) target_semaphore(%arg37 : memref<!tpu.dma_semaphore, #tpu.memory_space<semaphore_mem>>)
      %dma_start3A_1681 = arith.constant 0 : i32
      %dma_start3A_1682 = tpu.memref_slice %arg16[%dma_start3A_1681] : memref<256xi32, #tpu.memory_space<vmem>> -> memref<128xi32, #tpu.memory_space<vmem>>
      %dma_start3A_1683 = tpu.memref_slice %arg9[%mul3A_1664] : memref<400000xi32, #tpu.memory_space<hbm>> -> memref<128xi32, #tpu.memory_space<hbm>>
      %dma_start3A_1684 = arith.constant 0 : i32
      %dma_start3A_1685 = tpu.memref_slice %arg16[%dma_start3A_1684] : memref<256xi32, #tpu.memory_space<vmem>> -> memref<128xi32, #tpu.memory_space<vmem>>
      %dma_start3A_1686 = tpu.memref_slice %arg9[%mul3A_1664] : memref<400000xi32, #tpu.memory_space<hbm>> -> memref<128xi32, #tpu.memory_space<hbm>>
      tpu.enqueue_dma source(%dma_start3A_1686 : memref<128xi32, #tpu.memory_space<hbm>>) target(%dma_start3A_1685 : memref<128xi32, #tpu.memory_space<vmem>>) target_semaphore(%arg37 : memref<!tpu.dma_semaphore, #tpu.memory_space<semaphore_mem>>)
      %dma_start3A_1687 = arith.constant 128 : i32
      %dma_start3A_1688 = tpu.memref_slice %arg16[%dma_start3A_1687] : memref<256xi32, #tpu.memory_space<vmem>> -> memref<128xi32, #tpu.memory_space<vmem>>
      %dma_start3A_1689 = tpu.memref_slice %arg9[%min3A_1668] : memref<400000xi32, #tpu.memory_space<hbm>> -> memref<128xi32, #tpu.memory_space<hbm>>
      %dma_start3A_1690 = arith.constant 128 : i32
      %dma_start3A_1691 = tpu.memref_slice %arg16[%dma_start3A_1690] : memref<256xi32, #tpu.memory_space<vmem>> -> memref<128xi32, #tpu.memory_space<vmem>>
      %dma_start3A_1692 = tpu.memref_slice %arg9[%min3A_1668] : memref<400000xi32, #tpu.memory_space<hbm>> -> memref<128xi32, #tpu.memory_space<hbm>>
      tpu.enqueue_dma source(%dma_start3A_1692 : memref<128xi32, #tpu.memory_space<hbm>>) target(%dma_start3A_1691 : memref<128xi32, #tpu.memory_space<vmem>>) target_semaphore(%arg37 : memref<!tpu.dma_semaphore, #tpu.memory_space<semaphore_mem>>)
      %dma_wait3A_1693 = arith.constant 0 : i32
      %dma_wait3A_1694 = arith.constant 0 : i32
      %dma_wait3A_1695 = tpu.memref_slice %arg30[%dma_wait3A_1693, %dma_wait3A_1694] : memref<256x32xbf16, #tpu.memory_space<vmem>> -> memref<128x32xbf16, #tpu.memory_space<vmem>>
      %dma_wait3A_1696 = arith.constant 0 : i32
      %dma_wait3A_1697 = arith.constant 0 : i32
      %dma_wait3A_1698 = tpu.memref_slice %arg6[%dma_wait3A_1696, %dma_wait3A_1697] : memref<50000x32xbf16, #tpu.memory_space<hbm>> -> memref<50000x32xbf16, #tpu.memory_space<hbm>>
      tpu.wait_indirect_dma semaphore(%arg39 : memref<!tpu.dma_semaphore, #tpu.memory_space<semaphore_mem>>) src(%dma_wait3A_1698 : memref<50000x32xbf16, #tpu.memory_space<hbm>>) dst(%dma_wait3A_1695 : memref<128x32xbf16, #tpu.memory_space<vmem>>)
      %dma_wait3A_1699 = arith.constant 128 : i32
      %dma_wait3A_1700 = arith.constant 0 : i32
      %dma_wait3A_1701 = tpu.memref_slice %arg30[%dma_wait3A_1699, %dma_wait3A_1700] : memref<256x32xbf16, #tpu.memory_space<vmem>> -> memref<128x32xbf16, #tpu.memory_space<vmem>>
      %dma_wait3A_1702 = arith.constant 0 : i32
      %dma_wait3A_1703 = arith.constant 0 : i32
      %dma_wait3A_1704 = tpu.memref_slice %arg6[%dma_wait3A_1702, %dma_wait3A_1703] : memref<50000x32xbf16, #tpu.memory_space<hbm>> -> memref<50000x32xbf16, #tpu.memory_space<hbm>>
      tpu.wait_indirect_dma semaphore(%arg39 : memref<!tpu.dma_semaphore, #tpu.memory_space<semaphore_mem>>) src(%dma_wait3A_1704 : memref<50000x32xbf16, #tpu.memory_space<hbm>>) dst(%dma_wait3A_1701 : memref<128x32xbf16, #tpu.memory_space<vmem>>)
      %dma_wait3A_1705 = arith.constant 0 : i32
      %dma_wait3A_1706 = arith.constant 0 : i32
      %dma_wait3A_1707 = tpu.memref_slice %arg32[%dma_wait3A_1705, %dma_wait3A_1706] : memref<256x64xbf16, #tpu.memory_space<vmem>> -> memref<128x64xbf16, #tpu.memory_space<vmem>>
      %dma_wait3A_1708 = arith.constant 0 : i32
      %dma_wait3A_1709 = arith.constant 0 : i32
      %dma_wait3A_1710 = tpu.memref_slice %arg7[%dma_wait3A_1708, %dma_wait3A_1709] : memref<50000x64xbf16, #tpu.memory_space<hbm>> -> memref<50000x64xbf16, #tpu.memory_space<hbm>>
      tpu.wait_indirect_dma semaphore(%arg41 : memref<!tpu.dma_semaphore, #tpu.memory_space<semaphore_mem>>) src(%dma_wait3A_1710 : memref<50000x64xbf16, #tpu.memory_space<hbm>>) dst(%dma_wait3A_1707 : memref<128x64xbf16, #tpu.memory_space<vmem>>)
      %dma_wait3A_1711 = arith.constant 128 : i32
      %dma_wait3A_1712 = arith.constant 0 : i32
      %dma_wait3A_1713 = tpu.memref_slice %arg32[%dma_wait3A_1711, %dma_wait3A_1712] : memref<256x64xbf16, #tpu.memory_space<vmem>> -> memref<128x64xbf16, #tpu.memory_space<vmem>>
      %dma_wait3A_1714 = arith.constant 0 : i32
      %dma_wait3A_1715 = arith.constant 0 : i32
      %dma_wait3A_1716 = tpu.memref_slice %arg7[%dma_wait3A_1714, %dma_wait3A_1715] : memref<50000x64xbf16, #tpu.memory_space<hbm>> -> memref<50000x64xbf16, #tpu.memory_space<hbm>>
      tpu.wait_indirect_dma semaphore(%arg41 : memref<!tpu.dma_semaphore, #tpu.memory_space<semaphore_mem>>) src(%dma_wait3A_1716 : memref<50000x64xbf16, #tpu.memory_space<hbm>>) dst(%dma_wait3A_1713 : memref<128x64xbf16, #tpu.memory_space<vmem>>)
      %parallel_loop3A_1717 = arith.constant 0 : i32
      %parallel_loop3A_1718 = arith.constant 256 : i32
      %parallel_loop3A_1719 = arith.constant 1 : i32
      scf.for %parallel_loop3A_1732 = %parallel_loop3A_1717 to %parallel_loop3A_1718 step %parallel_loop3A_1719  : i32 {
        %parallel_loop3A_1733 = arith.index_cast %parallel_loop3A_1732 : i32 to index
        %parallel_loop3A_1734 = arith.constant 0 : index
        %parallel_loop3A_1735 = tpu.vector_load %arg30[%parallel_loop3A_1733, %parallel_loop3A_1734] {strides = array<i32>} : memref<256x32xbf16, #tpu.memory_space<vmem>>, vector<32xbf16>,
        %parallel_loop3A_1736 = tpu.unpack_subelements %parallel_loop3A_1735, 0 {pack_format = #tpu.pack_format<interleaved>} : vector<32xbf16> -> vector<16xf32>
        %parallel_loop3A_1737 = tpu.unpack_subelements %parallel_loop3A_1735, 1 {pack_format = #tpu.pack_format<interleaved>} : vector<32xbf16> -> vector<16xf32>
        %parallel_loop3A_1738 = arith.index_cast %parallel_loop3A_1732 : i32 to index
        %parallel_loop3A_1739 = arith.constant 0 : index
        %parallel_loop3A_1740 = tpu.vector_load %arg32[%parallel_loop3A_1738, %parallel_loop3A_1739] {strides = array<i32>} : memref<256x64xbf16, #tpu.memory_space<vmem>>, vector<32xbf16>,
        %parallel_loop3A_1741 = tpu.unpack_subelements %parallel_loop3A_1740, 0 {pack_format = #tpu.pack_format<interleaved>} : vector<32xbf16> -> vector<16xf32>
        %parallel_loop3A_1742 = tpu.unpack_subelements %parallel_loop3A_1740, 1 {pack_format = #tpu.pack_format<interleaved>} : vector<32xbf16> -> vector<16xf32>
        %parallel_loop3A_1743 = arith.mulf %parallel_loop3A_1736, %parallel_loop3A_1741 : vector<16xf32>
        %parallel_loop3A_1744 = arith.mulf %parallel_loop3A_1737, %parallel_loop3A_1742 : vector<16xf32>
        %parallel_loop3A_1745 = arith.addf %parallel_loop3A_1743, %parallel_loop3A_1744 : vector<16xf32>
        %parallel_loop3A_1746 = arith.constant true
        %parallel_loop3A_1747 = vector.broadcast %parallel_loop3A_1746 : i1 to vector<16xi1>
        %parallel_loop3A_1748 = tpu.scan <sum>, %parallel_loop3A_1745 masked %parallel_loop3A_1747 : vector<16xf32>, vector<16xi1> -> vector<16xf32>
        %parallel_loop3A_1749 = vector.extract %parallel_loop3A_1748[15] : f32 from vector<16xf32>
        %parallel_loop3A_1750 = vector.broadcast %parallel_loop3A_1749 : f32 to vector<16xf32>
        %parallel_loop3A_1751 = math.exp %parallel_loop3A_1750 : vector<16xf32>
        %parallel_loop3A_1752 = arith.index_cast %parallel_loop3A_1732 : i32 to index
        %parallel_loop3A_1753 = arith.constant 32 : index
        %parallel_loop3A_1754 = tpu.vector_load %arg32[%parallel_loop3A_1752, %parallel_loop3A_1753] {strides = array<i32>} : memref<256x64xbf16, #tpu.memory_space<vmem>>, vector<32xbf16>,
        %parallel_loop3A_1755 = tpu.unpack_subelements %parallel_loop3A_1754, 0 {pack_format = #tpu.pack_format<interleaved>} : vector<32xbf16> -> vector<16xf32>
        %parallel_loop3A_1756 = tpu.unpack_subelements %parallel_loop3A_1754, 1 {pack_format = #tpu.pack_format<interleaved>} : vector<32xbf16> -> vector<16xf32>
        %parallel_loop3A_1757 = arith.mulf %parallel_loop3A_1756, %parallel_loop3A_1751 : vector<16xf32>
        %parallel_loop3A_1758 = arith.mulf %parallel_loop3A_1755, %parallel_loop3A_1751 : vector<16xf32>
        %parallel_loop3A_1759 = arith.index_cast %parallel_loop3A_1732 : i32 to index
        %parallel_loop3A_1760 = arith.constant 0 : index
        %parallel_loop3A_1761 = tpu.vector_load %arg34[%parallel_loop3A_1759, %parallel_loop3A_1760] {strides = array<i32>} : memref<256x40xf32, #tpu.memory_space<vmem>>, vector<16xf32>,
        tpu.vector_store %arg34[%parallel_loop3A_1759, %parallel_loop3A_1760], %parallel_loop3A_1758 {strides = array<i32>} : memref<256x40xf32, #tpu.memory_space<vmem>>, vector<16xf32>,
        %parallel_loop3A_1762 = arith.index_cast %parallel_loop3A_1732 : i32 to index
        %parallel_loop3A_1763 = arith.constant 16 : index
        %parallel_loop3A_1764 = tpu.vector_load %arg34[%parallel_loop3A_1762, %parallel_loop3A_1763] {strides = array<i32>} : memref<256x40xf32, #tpu.memory_space<vmem>>, vector<16xf32>,
        tpu.vector_store %arg34[%parallel_loop3A_1762, %parallel_loop3A_1763], %parallel_loop3A_1757 {strides = array<i32>} : memref<256x40xf32, #tpu.memory_space<vmem>>, vector<16xf32>,
        %parallel_loop3A_1765 = arith.constant 8 : i32
        %parallel_loop3A_1766 = vector.broadcast %parallel_loop3A_1765 : i32 to vector<16xi32>
        %parallel_loop3A_1767 = arith.cmpi slt, %iota3A, %parallel_loop3A_1766 : vector<16xi32>
        %parallel_loop3A_1768 = arith.constant 15 : i32
        %parallel_loop3A_1769 = vector.broadcast %parallel_loop3A_1768 : i32 to vector<16xi32>
        %parallel_loop3A_1770 = tpu.iota {dimensions = array<i32: 0>} : vector<16xi32>
        %parallel_loop3A_1771 = arith.subi %parallel_loop3A_1769, %parallel_loop3A_1770 : vector<16xi32>
        %parallel_loop3A_1772 = tpu.dynamic_gather %parallel_loop3A_1757[%parallel_loop3A_1771] in [0] : vector<16xf32>, vector<16xi32> -> vector<16xf32>
        %parallel_loop3A_1773 = arith.constant 9 : i32
        %parallel_loop3A_1774 = vector.broadcast %parallel_loop3A_1773 : i32 to vector<16xi32>
        %parallel_loop3A_1775 = arith.cmpi slt, %iota3A, %parallel_loop3A_1774 : vector<16xi32>
        %parallel_loop3A_1776 = arith.select %parallel_loop3A_1775, %parallel_loop3A_1751, %broadcast_in_dim3A_4 : vector<16xi1>, vector<16xf32>
        %parallel_loop3A_1777 = arith.select %parallel_loop3A_1767, %parallel_loop3A_1772, %parallel_loop3A_1776 : vector<16xi1>, vector<16xf32>
        %parallel_loop3A_1778 = arith.index_cast %parallel_loop3A_1732 : i32 to index
        %parallel_loop3A_1779 = arith.constant 24 : index
        %parallel_loop3A_1780 = tpu.vector_load %arg34[%parallel_loop3A_1778, %parallel_loop3A_1779] {strides = array<i32>} : memref<256x40xf32, #tpu.memory_space<vmem>>, vector<16xf32>,
        tpu.vector_store %arg34[%parallel_loop3A_1778, %parallel_loop3A_1779], %parallel_loop3A_1777 {strides = array<i32>} : memref<256x40xf32, #tpu.memory_space<vmem>>, vector<16xf32>,
      } {sc.loop_unroll_factor = 4 : i64, sc.parallel_access}
      %dma_start3A_1720 = arith.constant 0 : i32
      %dma_start3A_1721 = arith.constant 0 : i32
      %dma_start3A_1722 = tpu.memref_slice %arg34[%dma_start3A_1720, %dma_start3A_1721] : memref<256x40xf32, #tpu.memory_space<vmem>> -> memref<128x40xf32, #tpu.memory_space<vmem>>
      %dma_start3A_1723 = arith.constant 0 : i32
      %dma_start3A_1724 = arith.constant 0 : i32
      %dma_start3A_1725 = tpu.memref_slice %arg35[%dma_start3A_1723, %dma_start3A_1724] : memref<25088x40xf32, #tpu.memory_space<vmem_shared>> -> memref<25088x40xf32, #tpu.memory_space<vmem_shared>>
      tpu.enqueue_indirect_dma source(%dma_start3A_1722 : memref<128x40xf32, #tpu.memory_space<vmem>>) target(%dma_start3A_1725 : memref<25088x40xf32, #tpu.memory_space<vmem_shared>>) offsets(%arg26 : memref<128xi32, #tpu.memory_space<vmem>>) semaphore(%arg43 : memref<!tpu.dma_semaphore, #tpu.memory_space<semaphore_mem>>) {add = true}
      %dma_start3A_1726 = arith.constant 128 : i32
      %dma_start3A_1727 = arith.constant 0 : i32
      %dma_start3A_1728 = tpu.memref_slice %arg34[%dma_start3A_1726, %dma_start3A_1727] : memref<256x40xf32, #tpu.memory_space<vmem>> -> memref<128x40xf32, #tpu.memory_space<vmem>>
      %dma_start3A_1729 = arith.constant 0 : i32
      %dma_start3A_1730 = arith.constant 0 : i32
      %dma_start3A_1731 = tpu.memref_slice %arg35[%dma_start3A_1729, %dma_start3A_1730] : memref<25088x40xf32, #tpu.memory_space<vmem_shared>> -> memref<25088x40xf32, #tpu.memory_space<vmem_shared>>
      tpu.enqueue_indirect_dma source(%dma_start3A_1728 : memref<128x40xf32, #tpu.memory_space<vmem>>) target(%dma_start3A_1731 : memref<25088x40xf32, #tpu.memory_space<vmem_shared>>) offsets(%arg28 : memref<128xi32, #tpu.memory_space<vmem>>) semaphore(%arg43 : memref<!tpu.dma_semaphore, #tpu.memory_space<semaphore_mem>>) {add = true}
    }
    %scan3A_661 = arith.constant 49 : i32
    %dma_wait3A_662 = arith.constant 0 : i32
    %dma_wait3A_663 = arith.constant 0 : i32
    %dma_wait3A_664 = tpu.memref_slice %arg33[%dma_wait3A_662, %dma_wait3A_663] : memref<256x40xf32, #tpu.memory_space<vmem>> -> memref<128x40xf32, #tpu.memory_space<vmem>>
    %dma_wait3A_665 = arith.constant 0 : i32
    %dma_wait3A_666 = arith.constant 0 : i32
    %dma_wait3A_667 = tpu.memref_slice %arg35[%dma_wait3A_665, %dma_wait3A_666] : memref<25088x40xf32, #tpu.memory_space<vmem_shared>> -> memref<25088x40xf32, #tpu.memory_space<vmem_shared>>
    tpu.wait_indirect_dma semaphore(%arg42 : memref<!tpu.dma_semaphore, #tpu.memory_space<semaphore_mem>>) src(%dma_wait3A_664 : memref<128x40xf32, #tpu.memory_space<vmem>>) dst(%dma_wait3A_667 : memref<25088x40xf32, #tpu.memory_space<vmem_shared>>)
    %dma_wait3A_668 = arith.constant 128 : i32
    %dma_wait3A_669 = arith.constant 0 : i32
    %dma_wait3A_670 = tpu.memref_slice %arg33[%dma_wait3A_668, %dma_wait3A_669] : memref<256x40xf32, #tpu.memory_space<vmem>> -> memref<128x40xf32, #tpu.memory_space<vmem>>
    %dma_wait3A_671 = arith.constant 0 : i32
    %dma_wait3A_672 = arith.constant 0 : i32
    %dma_wait3A_673 = tpu.memref_slice %arg35[%dma_wait3A_671, %dma_wait3A_672] : memref<25088x40xf32, #tpu.memory_space<vmem_shared>> -> memref<25088x40xf32, #tpu.memory_space<vmem_shared>>
    tpu.wait_indirect_dma semaphore(%arg42 : memref<!tpu.dma_semaphore, #tpu.memory_space<semaphore_mem>>) src(%dma_wait3A_670 : memref<128x40xf32, #tpu.memory_space<vmem>>) dst(%dma_wait3A_673 : memref<25088x40xf32, #tpu.memory_space<vmem_shared>>)
    %dma_wait3A_674 = arith.constant 0 : i32
    %dma_wait3A_675 = arith.constant 0 : i32
    %dma_wait3A_676 = tpu.memref_slice %arg34[%dma_wait3A_674, %dma_wait3A_675] : memref<256x40xf32, #tpu.memory_space<vmem>> -> memref<128x40xf32, #tpu.memory_space<vmem>>
    %dma_wait3A_677 = arith.constant 0 : i32
    %dma_wait3A_678 = arith.constant 0 : i32
    %dma_wait3A_679 = tpu.memref_slice %arg35[%dma_wait3A_677, %dma_wait3A_678] : memref<25088x40xf32, #tpu.memory_space<vmem_shared>> -> memref<25088x40xf32, #tpu.memory_space<vmem_shared>>
    tpu.wait_indirect_dma semaphore(%arg43 : memref<!tpu.dma_semaphore, #tpu.memory_space<semaphore_mem>>) src(%dma_wait3A_676 : memref<128x40xf32, #tpu.memory_space<vmem>>) dst(%dma_wait3A_679 : memref<25088x40xf32, #tpu.memory_space<vmem_shared>>)
    %dma_wait3A_680 = arith.constant 128 : i32
    %dma_wait3A_681 = arith.constant 0 : i32
    %dma_wait3A_682 = tpu.memref_slice %arg34[%dma_wait3A_680, %dma_wait3A_681] : memref<256x40xf32, #tpu.memory_space<vmem>> -> memref<128x40xf32, #tpu.memory_space<vmem>>
    %dma_wait3A_683 = arith.constant 0 : i32
    %dma_wait3A_684 = arith.constant 0 : i32
    %dma_wait3A_685 = tpu.memref_slice %arg35[%dma_wait3A_683, %dma_wait3A_684] : memref<25088x40xf32, #tpu.memory_space<vmem_shared>> -> memref<25088x40xf32, #tpu.memory_space<vmem_shared>>
    tpu.wait_indirect_dma semaphore(%arg43 : memref<!tpu.dma_semaphore, #tpu.memory_space<semaphore_mem>>) src(%dma_wait3A_682 : memref<128x40xf32, #tpu.memory_space<vmem>>) dst(%dma_wait3A_685 : memref<25088x40xf32, #tpu.memory_space<vmem_shared>>)
    %dma_wait3A_686 = arith.constant 0 : i32
    %dma_wait3A_687 = arith.constant 0 : i32
    %dma_wait3A_688 = tpu.memref_slice %arg29[%dma_wait3A_686, %dma_wait3A_687] : memref<256x32xbf16, #tpu.memory_space<vmem>> -> memref<128x32xbf16, #tpu.memory_space<vmem>>
    %dma_wait3A_689 = arith.constant 0 : i32
    %dma_wait3A_690 = arith.constant 0 : i32
    %dma_wait3A_691 = tpu.memref_slice %arg6[%dma_wait3A_689, %dma_wait3A_690] : memref<50000x32xbf16, #tpu.memory_space<hbm>> -> memref<50000x32xbf16, #tpu.memory_space<hbm>>
    tpu.wait_indirect_dma semaphore(%arg38 : memref<!tpu.dma_semaphore, #tpu.memory_space<semaphore_mem>>) src(%dma_wait3A_691 : memref<50000x32xbf16, #tpu.memory_space<hbm>>) dst(%dma_wait3A_688 : memref<128x32xbf16, #tpu.memory_space<vmem>>)
    %dma_wait3A_692 = arith.constant 128 : i32
    %dma_wait3A_693 = arith.constant 0 : i32
    %dma_wait3A_694 = tpu.memref_slice %arg29[%dma_wait3A_692, %dma_wait3A_693] : memref<256x32xbf16, #tpu.memory_space<vmem>> -> memref<128x32xbf16, #tpu.memory_space<vmem>>
    %dma_wait3A_695 = arith.constant 0 : i32
    %dma_wait3A_696 = arith.constant 0 : i32
    %dma_wait3A_697 = tpu.memref_slice %arg6[%dma_wait3A_695, %dma_wait3A_696] : memref<50000x32xbf16, #tpu.memory_space<hbm>> -> memref<50000x32xbf16, #tpu.memory_space<hbm>>
    tpu.wait_indirect_dma semaphore(%arg38 : memref<!tpu.dma_semaphore, #tpu.memory_space<semaphore_mem>>) src(%dma_wait3A_697 : memref<50000x32xbf16, #tpu.memory_space<hbm>>) dst(%dma_wait3A_694 : memref<128x32xbf16, #tpu.memory_space<vmem>>)
    %dma_wait3A_698 = arith.constant 0 : i32
    %dma_wait3A_699 = arith.constant 0 : i32
    %dma_wait3A_700 = tpu.memref_slice %arg31[%dma_wait3A_698, %dma_wait3A_699] : memref<256x64xbf16, #tpu.memory_space<vmem>> -> memref<128x64xbf16, #tpu.memory_space<vmem>>
    %dma_wait3A_701 = arith.constant 0 : i32
    %dma_wait3A_702 = arith.constant 0 : i32
    %dma_wait3A_703 = tpu.memref_slice %arg7[%dma_wait3A_701, %dma_wait3A_702] : memref<50000x64xbf16, #tpu.memory_space<hbm>> -> memref<50000x64xbf16, #tpu.memory_space<hbm>>
    tpu.wait_indirect_dma semaphore(%arg40 : memref<!tpu.dma_semaphore, #tpu.memory_space<semaphore_mem>>) src(%dma_wait3A_703 : memref<50000x64xbf16, #tpu.memory_space<hbm>>) dst(%dma_wait3A_700 : memref<128x64xbf16, #tpu.memory_space<vmem>>)
    %dma_wait3A_704 = arith.constant 128 : i32
    %dma_wait3A_705 = arith.constant 0 : i32
    %dma_wait3A_706 = tpu.memref_slice %arg31[%dma_wait3A_704, %dma_wait3A_705] : memref<256x64xbf16, #tpu.memory_space<vmem>> -> memref<128x64xbf16, #tpu.memory_space<vmem>>
    %dma_wait3A_707 = arith.constant 0 : i32
    %dma_wait3A_708 = arith.constant 0 : i32
    %dma_wait3A_709 = tpu.memref_slice %arg7[%dma_wait3A_707, %dma_wait3A_708] : memref<50000x64xbf16, #tpu.memory_space<hbm>> -> memref<50000x64xbf16, #tpu.memory_space<hbm>>
    tpu.wait_indirect_dma semaphore(%arg40 : memref<!tpu.dma_semaphore, #tpu.memory_space<semaphore_mem>>) src(%dma_wait3A_709 : memref<50000x64xbf16, #tpu.memory_space<hbm>>) dst(%dma_wait3A_706 : memref<128x64xbf16, #tpu.memory_space<vmem>>)
    %dma_wait3A_710 = arith.constant 0 : i32
    %dma_wait3A_711 = tpu.memref_slice %arg14[%dma_wait3A_710] : memref<256xi32, #tpu.memory_space<vmem>> -> memref<128xi32, #tpu.memory_space<vmem>>
    %dma_wait3A_712 = arith.constant 0 : i32
    %dma_wait3A_713 = tpu.memref_slice %arg8[%dma_wait3A_712] : memref<400000xi32, #tpu.memory_space<hbm>> -> memref<128xi32, #tpu.memory_space<hbm>>
    %dma_wait3A_714 = arith.constant 0 : i32
    %dma_wait3A_715 = tpu.memref_slice %arg14[%dma_wait3A_714] : memref<256xi32, #tpu.memory_space<vmem>> -> memref<128xi32, #tpu.memory_space<vmem>>
    %dma_wait3A_716 = arith.constant 0 : i32
    %dma_wait3A_717 = tpu.memref_slice %arg8[%dma_wait3A_716] : memref<400000xi32, #tpu.memory_space<hbm>> -> memref<128xi32, #tpu.memory_space<hbm>>
    tpu.wait_dma2 semaphore(%arg37 : memref<!tpu.dma_semaphore, #tpu.memory_space<semaphore_mem>>) src(%dma_wait3A_717 : memref<128xi32, #tpu.memory_space<hbm>>) dst(%dma_wait3A_715 : memref<128xi32, #tpu.memory_space<vmem>>)
    %dma_wait3A_718 = arith.constant 128 : i32
    %dma_wait3A_719 = tpu.memref_slice %arg14[%dma_wait3A_718] : memref<256xi32, #tpu.memory_space<vmem>> -> memref<128xi32, #tpu.memory_space<vmem>>
    %dma_wait3A_720 = arith.constant 0 : i32
    %dma_wait3A_721 = tpu.memref_slice %arg8[%dma_wait3A_720] : memref<400000xi32, #tpu.memory_space<hbm>> -> memref<128xi32, #tpu.memory_space<hbm>>
    %dma_wait3A_722 = arith.constant 128 : i32
    %dma_wait3A_723 = tpu.memref_slice %arg14[%dma_wait3A_722] : memref<256xi32, #tpu.memory_space<vmem>> -> memref<128xi32, #tpu.memory_space<vmem>>
    %dma_wait3A_724 = arith.constant 0 : i32
    %dma_wait3A_725 = tpu.memref_slice %arg8[%dma_wait3A_724] : memref<400000xi32, #tpu.memory_space<hbm>> -> memref<128xi32, #tpu.memory_space<hbm>>
    tpu.wait_dma2 semaphore(%arg37 : memref<!tpu.dma_semaphore, #tpu.memory_space<semaphore_mem>>) src(%dma_wait3A_725 : memref<128xi32, #tpu.memory_space<hbm>>) dst(%dma_wait3A_723 : memref<128xi32, #tpu.memory_space<vmem>>)
    %dma_wait3A_726 = arith.constant 0 : i32
    %dma_wait3A_727 = tpu.memref_slice %arg16[%dma_wait3A_726] : memref<256xi32, #tpu.memory_space<vmem>> -> memref<128xi32, #tpu.memory_space<vmem>>
    %dma_wait3A_728 = arith.constant 0 : i32
    %dma_wait3A_729 = tpu.memref_slice %arg8[%dma_wait3A_728] : memref<400000xi32, #tpu.memory_space<hbm>> -> memref<128xi32, #tpu.memory_space<hbm>>
    %dma_wait3A_730 = arith.constant 0 : i32
    %dma_wait3A_731 = tpu.memref_slice %arg16[%dma_wait3A_730] : memref<256xi32, #tpu.memory_space<vmem>> -> memref<128xi32, #tpu.memory_space<vmem>>
    %dma_wait3A_732 = arith.constant 0 : i32
    %dma_wait3A_733 = tpu.memref_slice %arg8[%dma_wait3A_732] : memref<400000xi32, #tpu.memory_space<hbm>> -> memref<128xi32, #tpu.memory_space<hbm>>
    tpu.wait_dma2 semaphore(%arg37 : memref<!tpu.dma_semaphore, #tpu.memory_space<semaphore_mem>>) src(%dma_wait3A_733 : memref<128xi32, #tpu.memory_space<hbm>>) dst(%dma_wait3A_731 : memref<128xi32, #tpu.memory_space<vmem>>)
    %dma_wait3A_734 = arith.constant 128 : i32
    %dma_wait3A_735 = tpu.memref_slice %arg16[%dma_wait3A_734] : memref<256xi32, #tpu.memory_space<vmem>> -> memref<128xi32, #tpu.memory_space<vmem>>
    %dma_wait3A_736 = arith.constant 0 : i32
    %dma_wait3A_737 = tpu.memref_slice %arg8[%dma_wait3A_736] : memref<400000xi32, #tpu.memory_space<hbm>> -> memref<128xi32, #tpu.memory_space<hbm>>
    %dma_wait3A_738 = arith.constant 128 : i32
    %dma_wait3A_739 = tpu.memref_slice %arg16[%dma_wait3A_738] : memref<256xi32, #tpu.memory_space<vmem>> -> memref<128xi32, #tpu.memory_space<vmem>>
    %dma_wait3A_740 = arith.constant 0 : i32
    %dma_wait3A_741 = tpu.memref_slice %arg8[%dma_wait3A_740] : memref<400000xi32, #tpu.memory_space<hbm>> -> memref<128xi32, #tpu.memory_space<hbm>>
    tpu.wait_dma2 semaphore(%arg37 : memref<!tpu.dma_semaphore, #tpu.memory_space<semaphore_mem>>) src(%dma_wait3A_741 : memref<128xi32, #tpu.memory_space<hbm>>) dst(%dma_wait3A_739 : memref<128xi32, #tpu.memory_space<vmem>>)
    %barrier3A_742 = arith.constant 0 : index
    tpu.barrier barrier_id(%barrier3A_742)
    "tpu.region"() ({
      %run_scoped3A = tpu.sem_alloc : memref<!tpu.dma_semaphore, #tpu.memory_space<semaphore_mem>>
      %dma_start3A_743 = arith.constant 0 : i32
      %dma_start3A_744 = tpu.memref_slice %arg12[%arg0, %mul3A_0, %dma_start3A_743] : memref<2x25088x40xf32, #tpu.memory_space<hbm>> -> memref<1x1568x40xf32, #tpu.memory_space<hbm>>
      %dma_start3A_745 = tpu.memref_squeeze %dma_start3A_744 : memref<1x1568x40xf32, #tpu.memory_space<hbm>> -> memref<1568x40xf32, #tpu.memory_space<hbm>>
      %dma_start3A_746 = arith.constant 0 : i32
      %dma_start3A_747 = tpu.memref_slice %arg35[%mul3A_0, %dma_start3A_746] : memref<25088x40xf32, #tpu.memory_space<vmem_shared>> -> memref<1568x40xf32, #tpu.memory_space<vmem_shared>>
      tpu.enqueue_dma source(%dma_start3A_747 : memref<1568x40xf32, #tpu.memory_space<vmem_shared>>) target(%dma_start3A_745 : memref<1568x40xf32, #tpu.memory_space<hbm>>) target_semaphore(%run_scoped3A : memref<!tpu.dma_semaphore, #tpu.memory_space<semaphore_mem>>)
      %dma_wait3A_748 = arith.constant 0 : i32
      %dma_wait3A_749 = tpu.memref_slice %arg12[%arg0, %mul3A_0, %dma_wait3A_748] : memref<2x25088x40xf32, #tpu.memory_space<hbm>> -> memref<1x1568x40xf32, #tpu.memory_space<hbm>>
      %dma_wait3A_750 = tpu.memref_squeeze %dma_wait3A_749 : memref<1x1568x40xf32, #tpu.memory_space<hbm>> -> memref<1568x40xf32, #tpu.memory_space<hbm>>
      %dma_wait3A_751 = arith.constant 0 : i32
      %dma_wait3A_752 = tpu.memref_slice %arg35[%mul3A_0, %dma_wait3A_751] : memref<25088x40xf32, #tpu.memory_space<vmem_shared>> -> memref<1568x40xf32, #tpu.memory_space<vmem_shared>>
      tpu.wait_dma2 semaphore(%run_scoped3A : memref<!tpu.dma_semaphore, #tpu.memory_space<semaphore_mem>>) src(%dma_wait3A_752 : memref<1568x40xf32, #tpu.memory_space<vmem_shared>>) dst(%dma_wait3A_750 : memref<1568x40xf32, #tpu.memory_space<hbm>>)
      tpu.yield
    }) : () -> ()
    return
  }
}

module attributes {stable_mosaic.version = 14 : i64} {
  func.func @_pre_body(%arg0: i32, %arg1: i32, %arg2: memref<1000x128xf32, #tpu.memory_space<vmem>>, %arg3: memref<128x64xf32, #tpu.memory_space<vmem>>, %arg4: memref<3x64xf32, #tpu.memory_space<vmem>>, %arg5: memref<1x64x96xf32, #tpu.memory_space<vmem>>, %arg6: memref<1x1x96xf32, #tpu.memory_space<vmem>>, %arg7: memref<1000x64xf32, #tpu.memory_space<vmem>>, %arg8: memref<1000x32xbf16, #tpu.memory_space<vmem>>, %arg9: memref<1000x64xbf16, #tpu.memory_space<vmem>>) attributes {dimension_semantics = [#tpu.dimension_semantics<arbitrary>, #tpu.dimension_semantics<arbitrary>], iteration_bounds = array<i64: 2, 25>, scalar_prefetch = 0 : i64, scratch_operands = 0 : i64, tpu.core_type = #tpu.core_type<tc>, window_params = [{transform_indices = @transform_0, window_bounds = array<i64: 1000, 128>}, {pipeline_mode = #tpu.pipeline_mode<synchronous>, transform_indices = @transform_1, window_bounds = array<i64: 128, 64>}, {pipeline_mode = #tpu.pipeline_mode<synchronous>, transform_indices = @transform_2, window_bounds = array<i64: 3, 64>}, {transform_indices = @transform_3, window_bounds = array<i64: 1, 64, 96>}, {transform_indices = @transform_4, window_bounds = array<i64: 1, 1, 96>}, {transform_indices = @transform_5, window_bounds = array<i64: 1000, 64>}, {transform_indices = @transform_6, window_bounds = array<i64: 1000, 32>}, {transform_indices = @transform_7, window_bounds = array<i64: 1000, 64>}]} {
    %get3A = arith.constant 0 : index
    %get3A_0 = arith.constant 0 : index
    %get3A_1 = vector.load %arg2[%get3A, %get3A_0] : memref<1000x128xf32, #tpu.memory_space<vmem>>, vector<1000x128xf32>
    %get3A_2 = arith.constant 0 : index
    %get3A_3 = arith.constant 0 : index
    %get3A_4 = vector.load %arg3[%get3A_2, %get3A_3] : memref<128x64xf32, #tpu.memory_space<vmem>>, vector<128x64xf32>
    %dot_general3A = arith.constant dense<0.000000e+00> : vector<1000x64xf32>
    %dot_general3A_5 = tpu.matmul %get3A_1, %get3A_4, %dot_general3A {dimension_numbers = #tpu.dot_dimension_numbers<[1], [0], [0], [1], [0, 0, 1, 1], [], []>, transpose_lhs_hint = false} : vector<1000x128xf32>, vector<128x64xf32>, vector<1000x64xf32> -> vector<1000x64xf32>
    %get3A_6 = arith.constant 0 : index
    %get3A_7 = arith.constant 0 : index
    %get3A_8 = vector.load %arg4[%get3A_6, %get3A_7] : memref<3x64xf32, #tpu.memory_space<vmem>>, vector<1x64xf32>
    %add3A = vector.broadcast %get3A_8 : vector<1x64xf32> to vector<1000x64xf32>
    %add3A_9 = arith.addf %dot_general3A_5, %add3A : vector<1000x64xf32>
    %reduce_sum3A = arith.constant dense<0.000000e+00> : vector<1000xf32>
    %reduce_sum3A_10 = vector.multi_reduction <add>, %add3A_9, %reduce_sum3A [1] : vector<1000x64xf32> to vector<1000xf32>
    %broadcast_in_dim3A = vector.shape_cast %reduce_sum3A_10 : vector<1000xf32> to vector<1000x1xf32>
    %div3A = arith.constant 6.400000e+01 : f32
    %div3A_11 = vector.broadcast %div3A : f32 to vector<1000x1xf32>
    %div3A_12 = arith.divf %broadcast_in_dim3A, %div3A_11 : vector<1000x1xf32>
    %sub3A = vector.broadcast %div3A_12 : vector<1000x1xf32> to vector<1000x64xf32>
    %sub3A_13 = arith.subf %add3A_9, %sub3A : vector<1000x64xf32>
    %sub3A_14 = vector.broadcast %div3A_12 : vector<1000x1xf32> to vector<1000x64xf32>
    %sub3A_15 = arith.subf %add3A_9, %sub3A_14 : vector<1000x64xf32>
    %mul3A = arith.mulf %sub3A_13, %sub3A_15 : vector<1000x64xf32>
    %reduce_sum3A_16 = arith.constant dense<0.000000e+00> : vector<1000xf32>
    %reduce_sum3A_17 = vector.multi_reduction <add>, %mul3A, %reduce_sum3A_16 [1] : vector<1000x64xf32> to vector<1000xf32>
    %broadcast_in_dim3A_18 = vector.shape_cast %reduce_sum3A_17 : vector<1000xf32> to vector<1000x1xf32>
    %div3A_19 = arith.constant 6.400000e+01 : f32
    %div3A_20 = vector.broadcast %div3A_19 : f32 to vector<1000x1xf32>
    %div3A_21 = arith.divf %broadcast_in_dim3A_18, %div3A_20 : vector<1000x1xf32>
    %sub3A_22 = vector.broadcast %div3A_12 : vector<1000x1xf32> to vector<1000x64xf32>
    %sub3A_23 = arith.subf %add3A_9, %sub3A_22 : vector<1000x64xf32>
    %add3A_24 = arith.constant 9.99999974E-6 : f32
    %add3A_25 = vector.broadcast %add3A_24 : f32 to vector<1000x1xf32>
    %add3A_26 = arith.addf %div3A_21, %add3A_25 : vector<1000x1xf32>
    %sqrt3A = math.sqrt %add3A_26 : vector<1000x1xf32>
    %div3A_27 = vector.broadcast %sqrt3A : vector<1000x1xf32> to vector<1000x64xf32>
    %div3A_28 = arith.divf %sub3A_23, %div3A_27 : vector<1000x64xf32>
    %get3A_29 = arith.constant 1 : index
    %get3A_30 = arith.constant 0 : index
    %get3A_31 = vector.load %arg4[%get3A_29, %get3A_30] : memref<3x64xf32, #tpu.memory_space<vmem>>, vector<1x64xf32>
    %mul3A_32 = vector.broadcast %get3A_31 : vector<1x64xf32> to vector<1000x64xf32>
    %mul3A_33 = arith.mulf %div3A_28, %mul3A_32 : vector<1000x64xf32>
    %get3A_34 = arith.constant 2 : index
    %get3A_35 = arith.constant 0 : index
    %get3A_36 = vector.load %arg4[%get3A_34, %get3A_35] : memref<3x64xf32, #tpu.memory_space<vmem>>, vector<1x64xf32>
    %add3A_37 = vector.broadcast %get3A_36 : vector<1x64xf32> to vector<1000x64xf32>
    %add3A_38 = arith.addf %mul3A_33, %add3A_37 : vector<1000x64xf32>
    %max3A = arith.constant 0.000000e+00 : f32
    %max3A_39 = vector.broadcast %max3A : f32 to vector<1000x64xf32>
    %max3A_40 = arith.maximumf %add3A_38, %max3A_39 : vector<1000x64xf32>
    %get3A_41 = arith.constant 0 : index
    %get3A_42 = arith.constant 0 : index
    %get3A_43 = arith.constant 0 : index
    %get3A_44 = vector.load %arg5[%get3A_41, %get3A_42, %get3A_43] : memref<1x64x96xf32, #tpu.memory_space<vmem>>, vector<1x64x96xf32>
    %get3A_45 = vector.shape_cast %get3A_44 : vector<1x64x96xf32> to vector<64x96xf32>
    %dot_general3A_46 = arith.constant dense<0.000000e+00> : vector<1000x96xf32>
    %dot_general3A_47 = tpu.matmul %max3A_40, %get3A_45, %dot_general3A_46 {dimension_numbers = #tpu.dot_dimension_numbers<[1], [0], [0], [1], [0, 0, 1, 1], [], []>, transpose_lhs_hint = false} : vector<1000x64xf32>, vector<64x96xf32>, vector<1000x96xf32> -> vector<1000x96xf32>
    %get3A_48 = arith.constant 0 : index
    %get3A_49 = arith.constant 0 : index
    %get3A_50 = arith.constant 0 : index
    %get3A_51 = vector.load %arg6[%get3A_48, %get3A_49, %get3A_50] : memref<1x1x96xf32, #tpu.memory_space<vmem>>, vector<1x1x96xf32>
    %get3A_52 = vector.shape_cast %get3A_51 : vector<1x1x96xf32> to vector<1x96xf32>
    %add3A_53 = vector.broadcast %get3A_52 : vector<1x96xf32> to vector<1000x96xf32>
    %add3A_54 = arith.addf %dot_general3A_47, %add3A_53 : vector<1000x96xf32>
    %swap3A = arith.constant 0 : index
    %swap3A_55 = arith.constant 0 : index
    %swap3A_56 = vector.load %arg7[%swap3A, %swap3A_55] : memref<1000x64xf32, #tpu.memory_space<vmem>>, vector<1000x64xf32>
    tpu.vector_store %arg7[%swap3A, %swap3A_55], %max3A_40 {strides = array<i32>} : memref<1000x64xf32, #tpu.memory_space<vmem>>, vector<1000x64xf32>,
    %slice3A = vector.extract_strided_slice %add3A_54 {offsets = [0, 0], sizes = [1000, 32], strides = [1, 1]} : vector<1000x96xf32> to vector<1000x32xf32>
    %convert_element_type3A = arith.truncf %slice3A : vector<1000x32xf32> to vector<1000x32xbf16>
    %swap3A_57 = arith.constant 0 : index
    %swap3A_58 = arith.constant 0 : index
    %swap3A_59 = vector.load %arg8[%swap3A_57, %swap3A_58] : memref<1000x32xbf16, #tpu.memory_space<vmem>>, vector<1000x32xbf16>
    tpu.vector_store %arg8[%swap3A_57, %swap3A_58], %convert_element_type3A {strides = array<i32>} : memref<1000x32xbf16, #tpu.memory_space<vmem>>, vector<1000x32xbf16>,
    %slice3A_60 = vector.extract_strided_slice %add3A_54 {offsets = [0, 32], sizes = [1000, 64], strides = [1, 1]} : vector<1000x96xf32> to vector<1000x64xf32>
    %convert_element_type3A_61 = arith.truncf %slice3A_60 : vector<1000x64xf32> to vector<1000x64xbf16>
    %swap3A_62 = arith.constant 0 : index
    %swap3A_63 = arith.constant 0 : index
    %swap3A_64 = vector.load %arg9[%swap3A_62, %swap3A_63] : memref<1000x64xbf16, #tpu.memory_space<vmem>>, vector<1000x64xbf16>
    tpu.vector_store %arg9[%swap3A_62, %swap3A_63], %convert_element_type3A_61 {strides = array<i32>} : memref<1000x64xbf16, #tpu.memory_space<vmem>>, vector<1000x64xbf16>,
    return
  }
  func.func @transform_0(%arg0: i32, %arg1: i32) -> (i32, i32) {
    %c0_i32 = arith.constant 0 : i32
    %c0_i32_0 = arith.constant 0 : i32
    return %arg1, %c0_i32 : i32, i32
  }
  func.func @transform_1(%arg0: i32, %arg1: i32) -> (i32, i32) {
    %c0_i32 = arith.constant 0 : i32
    %c0_i32_0 = arith.constant 0 : i32
    %c0_i32_1 = arith.constant 0 : i32
    return %c0_i32, %c0_i32_0 : i32, i32
  }
  func.func @transform_2(%arg0: i32, %arg1: i32) -> (i32, i32) {
    %c0_i32 = arith.constant 0 : i32
    %c0_i32_0 = arith.constant 0 : i32
    %c0_i32_1 = arith.constant 0 : i32
    return %c0_i32, %c0_i32_0 : i32, i32
  }
  func.func @transform_3(%arg0: i32, %arg1: i32) -> (i32, i32, i32) {
    %c0_i32 = arith.constant 0 : i32
    %c0_i32_0 = arith.constant 0 : i32
    %c0_i32_1 = arith.constant 0 : i32
    return %arg0, %c0_i32, %c0_i32_0 : i32, i32, i32
  }
  func.func @transform_4(%arg0: i32, %arg1: i32) -> (i32, i32, i32) {
    %c0_i32 = arith.constant 0 : i32
    %c0_i32_0 = arith.constant 0 : i32
    %c0_i32_1 = arith.constant 0 : i32
    return %arg0, %c0_i32, %c0_i32_0 : i32, i32, i32
  }
  func.func @transform_5(%arg0: i32, %arg1: i32) -> (i32, i32) {
    %c0_i32 = arith.constant 0 : i32
    %c0_i32_0 = arith.constant 0 : i32
    return %arg1, %c0_i32 : i32, i32
  }
  func.func @transform_6(%arg0: i32, %arg1: i32) -> (i32, i32) {
    %mul3A = arith.constant 25 : i32
    %mul3A_0 = arith.muli %arg0, %mul3A : i32
    %add3A = arith.addi %mul3A_0, %arg1 : i32
    %c0_i32 = arith.constant 0 : i32
    %c0_i32_1 = arith.constant 0 : i32
    return %add3A, %c0_i32 : i32, i32
  }
  func.func @transform_7(%arg0: i32, %arg1: i32) -> (i32, i32) {
    %mul3A = arith.constant 25 : i32
    %mul3A_0 = arith.muli %arg0, %mul3A : i32
    %add3A = arith.addi %mul3A_0, %arg1 : i32
    %c0_i32 = arith.constant 0 : i32
    %c0_i32_1 = arith.constant 0 : i32
    return %add3A, %c0_i32 : i32, i32
  }
}

module attributes {stable_mosaic.version = 14 : i64} {
  func.func @_post_body(%arg0: i32, %arg1: memref<2x1000x40xf32, #tpu.memory_space<vmem>>, %arg2: memref<1000x64xf32, #tpu.memory_space<vmem>>, %arg3: memref<64x64xf32, #tpu.memory_space<vmem>>, %arg4: memref<4x64xf32, #tpu.memory_space<vmem>>, %arg5: memref<1000x64xf32, #tpu.memory_space<vmem>>) attributes {dimension_semantics = [#tpu.dimension_semantics<arbitrary>], iteration_bounds = array<i64: 25>, scalar_prefetch = 0 : i64, scratch_operands = 0 : i64, tpu.core_type = #tpu.core_type<tc>, window_params = [{transform_indices = @transform_0, window_bounds = array<i64: 2, 1000, 40>}, {transform_indices = @transform_1, window_bounds = array<i64: 1000, 64>}, {pipeline_mode = #tpu.pipeline_mode<synchronous>, transform_indices = @transform_2, window_bounds = array<i64: 64, 64>}, {pipeline_mode = #tpu.pipeline_mode<synchronous>, transform_indices = @transform_3, window_bounds = array<i64: 4, 64>}, {transform_indices = @transform_4, window_bounds = array<i64: 1000, 64>}]} {
    %get3A = arith.constant 0 : index
    %get3A_0 = arith.constant 0 : index
    %get3A_1 = arith.constant 0 : index
    %get3A_2 = vector.load %arg1[%get3A, %get3A_0, %get3A_1] : memref<2x1000x40xf32, #tpu.memory_space<vmem>>, vector<1x1000x32xf32>
    %get3A_3 = vector.shape_cast %get3A_2 : vector<1x1000x32xf32> to vector<1000x32xf32>
    %get3A_4 = arith.constant 1 : index
    %get3A_5 = arith.constant 0 : index
    %get3A_6 = arith.constant 0 : index
    %get3A_7 = vector.load %arg1[%get3A_4, %get3A_5, %get3A_6] : memref<2x1000x40xf32, #tpu.memory_space<vmem>>, vector<1x1000x32xf32>
    %get3A_8 = vector.shape_cast %get3A_7 : vector<1x1000x32xf32> to vector<1000x32xf32>
    %get3A_9 = arith.constant 0 : index
    %get3A_10 = arith.constant 0 : index
    %get3A_11 = arith.constant 32 : index
    %get3A_12 = vector.load %arg1[%get3A_9, %get3A_10, %get3A_11] : memref<2x1000x40xf32, #tpu.memory_space<vmem>>, vector<1x1000x1xf32>
    %get3A_13 = vector.shape_cast %get3A_12 : vector<1x1000x1xf32> to vector<1000x1xf32>
    %get3A_14 = arith.constant 1 : index
    %get3A_15 = arith.constant 0 : index
    %get3A_16 = arith.constant 32 : index
    %get3A_17 = vector.load %arg1[%get3A_14, %get3A_15, %get3A_16] : memref<2x1000x40xf32, #tpu.memory_space<vmem>>, vector<1x1000x1xf32>
    %get3A_18 = vector.shape_cast %get3A_17 : vector<1x1000x1xf32> to vector<1000x1xf32>
    %add3A = arith.constant 1.000000e-16 : f32
    %add3A_19 = vector.broadcast %add3A : f32 to vector<1000x1xf32>
    %add3A_20 = arith.addf %get3A_13, %add3A_19 : vector<1000x1xf32>
    %div3A = vector.broadcast %add3A_20 : vector<1000x1xf32> to vector<1000x32xf32>
    %div3A_21 = arith.divf %get3A_3, %div3A : vector<1000x32xf32>
    %add3A_22 = arith.constant 1.000000e-16 : f32
    %add3A_23 = vector.broadcast %add3A_22 : f32 to vector<1000x1xf32>
    %add3A_24 = arith.addf %get3A_18, %add3A_23 : vector<1000x1xf32>
    %div3A_25 = vector.broadcast %add3A_24 : vector<1000x1xf32> to vector<1000x32xf32>
    %div3A_26 = arith.divf %get3A_8, %div3A_25 : vector<1000x32xf32>
    %concatenate3A = tpu.concatenate %div3A_21, %div3A_26 in 1 : vector<1000x32xf32>, vector<1000x32xf32> -> vector<1000x64xf32>
    %integer_pow3A = arith.mulf %concatenate3A, %concatenate3A : vector<1000x64xf32>
    %integer_pow3A_27 = arith.mulf %concatenate3A, %integer_pow3A : vector<1000x64xf32>
    %mul3A = arith.constant 4.471500e-02 : f32
    %mul3A_28 = vector.broadcast %mul3A : f32 to vector<1000x64xf32>
    %mul3A_29 = arith.mulf %mul3A_28, %integer_pow3A_27 : vector<1000x64xf32>
    %add3A_30 = arith.addf %concatenate3A, %mul3A_29 : vector<1000x64xf32>
    %mul3A_31 = arith.constant 0.797884583 : f32
    %mul3A_32 = vector.broadcast %mul3A_31 : f32 to vector<1000x64xf32>
    %mul3A_33 = arith.mulf %mul3A_32, %add3A_30 : vector<1000x64xf32>
    %tanh3A = math.tanh %mul3A_33 : vector<1000x64xf32>
    %add3A_34 = arith.constant 1.000000e+00 : f32
    %add3A_35 = vector.broadcast %add3A_34 : f32 to vector<1000x64xf32>
    %add3A_36 = arith.addf %add3A_35, %tanh3A : vector<1000x64xf32>
    %mul3A_37 = arith.constant 5.000000e-01 : f32
    %mul3A_38 = vector.broadcast %mul3A_37 : f32 to vector<1000x64xf32>
    %mul3A_39 = arith.mulf %mul3A_38, %add3A_36 : vector<1000x64xf32>
    %mul3A_40 = arith.mulf %concatenate3A, %mul3A_39 : vector<1000x64xf32>
    %get3A_41 = arith.constant 0 : index
    %get3A_42 = arith.constant 0 : index
    %get3A_43 = vector.load %arg3[%get3A_41, %get3A_42] : memref<64x64xf32, #tpu.memory_space<vmem>>, vector<64x64xf32>
    %dot_general3A = arith.constant dense<0.000000e+00> : vector<1000x64xf32>
    %dot_general3A_44 = tpu.matmul %mul3A_40, %get3A_43, %dot_general3A {dimension_numbers = #tpu.dot_dimension_numbers<[1], [0], [0], [1], [0, 0, 1, 1], [], []>, transpose_lhs_hint = false} : vector<1000x64xf32>, vector<64x64xf32>, vector<1000x64xf32> -> vector<1000x64xf32>
    %get3A_45 = arith.constant 0 : index
    %get3A_46 = arith.constant 0 : index
    %get3A_47 = vector.load %arg4[%get3A_45, %get3A_46] : memref<4x64xf32, #tpu.memory_space<vmem>>, vector<1x64xf32>
    %add3A_48 = vector.broadcast %get3A_47 : vector<1x64xf32> to vector<1000x64xf32>
    %add3A_49 = arith.addf %dot_general3A_44, %add3A_48 : vector<1000x64xf32>
    %get3A_50 = arith.constant 0 : index
    %get3A_51 = arith.constant 0 : index
    %get3A_52 = vector.load %arg2[%get3A_50, %get3A_51] : memref<1000x64xf32, #tpu.memory_space<vmem>>, vector<1000x64xf32>
    %get3A_53 = arith.constant 1 : index
    %get3A_54 = arith.constant 0 : index
    %get3A_55 = vector.load %arg4[%get3A_53, %get3A_54] : memref<4x64xf32, #tpu.memory_space<vmem>>, vector<1x64xf32>
    %mul3A_56 = vector.broadcast %get3A_55 : vector<1x64xf32> to vector<1000x64xf32>
    %mul3A_57 = arith.mulf %mul3A_56, %add3A_49 : vector<1000x64xf32>
    %sub3A = arith.constant 1.000000e+00 : f32
    %sub3A_58 = vector.broadcast %sub3A : f32 to vector<1x64xf32>
    %sub3A_59 = arith.subf %sub3A_58, %get3A_55 : vector<1x64xf32>
    %mul3A_60 = vector.broadcast %sub3A_59 : vector<1x64xf32> to vector<1000x64xf32>
    %mul3A_61 = arith.mulf %mul3A_60, %get3A_52 : vector<1000x64xf32>
    %add3A_62 = arith.addf %mul3A_57, %mul3A_61 : vector<1000x64xf32>
    %add3A_63 = arith.addf %add3A_62, %get3A_52 : vector<1000x64xf32>
    %reduce_sum3A = arith.constant dense<0.000000e+00> : vector<1000xf32>
    %reduce_sum3A_64 = vector.multi_reduction <add>, %add3A_63, %reduce_sum3A [1] : vector<1000x64xf32> to vector<1000xf32>
    %broadcast_in_dim3A = vector.shape_cast %reduce_sum3A_64 : vector<1000xf32> to vector<1000x1xf32>
    %div3A_65 = arith.constant 6.400000e+01 : f32
    %div3A_66 = vector.broadcast %div3A_65 : f32 to vector<1000x1xf32>
    %div3A_67 = arith.divf %broadcast_in_dim3A, %div3A_66 : vector<1000x1xf32>
    %sub3A_68 = vector.broadcast %div3A_67 : vector<1000x1xf32> to vector<1000x64xf32>
    %sub3A_69 = arith.subf %add3A_63, %sub3A_68 : vector<1000x64xf32>
    %sub3A_70 = vector.broadcast %div3A_67 : vector<1000x1xf32> to vector<1000x64xf32>
    %sub3A_71 = arith.subf %add3A_63, %sub3A_70 : vector<1000x64xf32>
    %mul3A_72 = arith.mulf %sub3A_69, %sub3A_71 : vector<1000x64xf32>
    %reduce_sum3A_73 = arith.constant dense<0.000000e+00> : vector<1000xf32>
    %reduce_sum3A_74 = vector.multi_reduction <add>, %mul3A_72, %reduce_sum3A_73 [1] : vector<1000x64xf32> to vector<1000xf32>
    %broadcast_in_dim3A_75 = vector.shape_cast %reduce_sum3A_74 : vector<1000xf32> to vector<1000x1xf32>
    %div3A_76 = arith.constant 6.400000e+01 : f32
    %div3A_77 = vector.broadcast %div3A_76 : f32 to vector<1000x1xf32>
    %div3A_78 = arith.divf %broadcast_in_dim3A_75, %div3A_77 : vector<1000x1xf32>
    %sub3A_79 = vector.broadcast %div3A_67 : vector<1000x1xf32> to vector<1000x64xf32>
    %sub3A_80 = arith.subf %add3A_63, %sub3A_79 : vector<1000x64xf32>
    %add3A_81 = arith.constant 9.99999974E-6 : f32
    %add3A_82 = vector.broadcast %add3A_81 : f32 to vector<1000x1xf32>
    %add3A_83 = arith.addf %div3A_78, %add3A_82 : vector<1000x1xf32>
    %sqrt3A = math.sqrt %add3A_83 : vector<1000x1xf32>
    %div3A_84 = vector.broadcast %sqrt3A : vector<1000x1xf32> to vector<1000x64xf32>
    %div3A_85 = arith.divf %sub3A_80, %div3A_84 : vector<1000x64xf32>
    %get3A_86 = arith.constant 2 : index
    %get3A_87 = arith.constant 0 : index
    %get3A_88 = vector.load %arg4[%get3A_86, %get3A_87] : memref<4x64xf32, #tpu.memory_space<vmem>>, vector<1x64xf32>
    %mul3A_89 = vector.broadcast %get3A_88 : vector<1x64xf32> to vector<1000x64xf32>
    %mul3A_90 = arith.mulf %div3A_85, %mul3A_89 : vector<1000x64xf32>
    %get3A_91 = arith.constant 3 : index
    %get3A_92 = arith.constant 0 : index
    %get3A_93 = vector.load %arg4[%get3A_91, %get3A_92] : memref<4x64xf32, #tpu.memory_space<vmem>>, vector<1x64xf32>
    %add3A_94 = vector.broadcast %get3A_93 : vector<1x64xf32> to vector<1000x64xf32>
    %add3A_95 = arith.addf %mul3A_90, %add3A_94 : vector<1000x64xf32>
    %swap3A = arith.constant 0 : index
    %swap3A_96 = arith.constant 0 : index
    %swap3A_97 = vector.load %arg5[%swap3A, %swap3A_96] : memref<1000x64xf32, #tpu.memory_space<vmem>>, vector<1000x64xf32>
    tpu.vector_store %arg5[%swap3A, %swap3A_96], %add3A_95 {strides = array<i32>} : memref<1000x64xf32, #tpu.memory_space<vmem>>, vector<1000x64xf32>,
    return
  }
  func.func @transform_0(%arg0: i32) -> (i32, i32, i32) {
    %c0_i32 = arith.constant 0 : i32
    %c0_i32_0 = arith.constant 0 : i32
    %c0_i32_1 = arith.constant 0 : i32
    return %c0_i32, %arg0, %c0_i32_0 : i32, i32, i32
  }
  func.func @transform_1(%arg0: i32) -> (i32, i32) {
    %c0_i32 = arith.constant 0 : i32
    %c0_i32_0 = arith.constant 0 : i32
    return %arg0, %c0_i32 : i32, i32
  }
  func.func @transform_2(%arg0: i32) -> (i32, i32) {
    %c0_i32 = arith.constant 0 : i32
    %c0_i32_0 = arith.constant 0 : i32
    %c0_i32_1 = arith.constant 0 : i32
    return %c0_i32, %c0_i32_0 : i32, i32
  }
  func.func @transform_3(%arg0: i32) -> (i32, i32) {
    %c0_i32 = arith.constant 0 : i32
    %c0_i32_0 = arith.constant 0 : i32
    %c0_i32_1 = arith.constant 0 : i32
    return %c0_i32, %c0_i32_0 : i32, i32
  }
  func.func @transform_4(%arg0: i32) -> (i32, i32) {
    %c0_i32 = arith.constant 0 : i32
    %c0_i32_0 = arith.constant 0 : i32
    return %arg0, %c0_i32 : i32, i32
  }
}

</mosaic_0001>

<sc_bundles>
// kernel: kernel.7.cloned.1.call-start
scs
__scs_entry_jumppad:
0x0: {  	(pc) =	sbr.rel $0x88, $3  }
0x1: {  	(tag) =	ssettag $0x0;
	lr =	simm.s32 $0x1  }
0x2: {  	[smem:$0x3F79] =	sst lr;
	_ =	strace $0xD0000000  }
0x3: {  	_ = 	snop  }
0x4: {  	_ = 	snop  }
0x5: {  	_ = 	snop  }
0x6: {  	_ = 	snop  }
0x7: {  	_ = 	snop  }
__scs_overlays_trampoline_lowered:
0x8: {  	[smem:$0x3F88] =	sst s0  }
0x9: {  	[smem:$0x3F89] =	sst s1  }
0xa: {  	[smem:$0x3F8A] =	sst s2  }
0xb: {  	[smem:$0x3F8B] =	sst s3  }
0xc: {  	[smem:$0x3F8C] =	sst s4  }
0xd: {  	[smem:$0x3F8D] =	sst s5  }
0xe: {  	[smem:$0x3F8E] =	sst s6  }
0xf: {  	[smem:$0x3F8F] =	sst s7  }
0x10: {  	[smem:$0x3F90] =	sst s8  }
0x11: {  	[smem:$0x3F91] =	sst s9;
	s0 =	simm.s32 @!p0 $0x0  }
0x12: {  	s1 =	sld [smem:$0x3F77];
	s0 =	simm.s32 @p0 $0x1  }
0x13: {  	[smem:$0x3F92] =	sst s0;
	s0 =	simm.s32 @!p1 $0x0  }
0x14: {  	s2 =	sld [smem:$0x3F76];
	s0 =	simm.s32 @p1 $0x1  }
0x15: {  	[smem:$0x3F93] =	sst s0;
	s0 =	simm.s32 @!p2 $0x0  }
0x16: {  	s3 =	sld [smem:$0x3FDB];
	s0 =	simm.s32 @p2 $0x1  }
0x17: {  	s4 =	simm.s32 $0x1BF5;
	[smem:$0x3F95] =	sst s0  }
0x18: {  	s0 =	sld [smem:$0x3F78];
	_ =	swait.ge [sflag:s4], $0x0  }
0x19: {  	s7 =	sld [smem:$0x3F79]  }
0x1a: {  	s8 =	sadd.s32 $0xFFFFE003, lr  }
0x1b: {  	s9 =	sadd.s32 $0xFFFFFEF7, lr;
	s5 =	simm.s32 $0xFFFFFFFF;
	p2 =	slt.u32 s8, $0xFFFFF086  }
0x1c: {  	p1 =	slt.u32 s9, $0xF7A;
	s5 =	simm.s32 @!p2 $0x0  }
0x1d: {  	s5 =	simm.s32 @p1 $0x1;
	p0 =	seq.s32 s7, s2  }
0x1e: {  	s7 =	smul.u32 @!p0 $0xF7A, s2;
	p2 =	seq.s32 @!p0 s5, $0x0  }
0x1f: {  	s9 =	smul.u32 $0xF7A, s1;
	s8 =	simm.s32 @!p0 $0x1BF5;
	p2 =	por !p2, p0  }
0x20: {  	[sflag:s8] =	ssyncset.s32 @!p0 $0xFFFFF086;
	s6 =	sadd.s32 @!p0 s3, s7;
	s7 =	simm.s32 @!p0 $0x108  }
0x21: {  	s3 =	sadd.s32 s3, s9;
	s6 =	sadd.s32 @!p0 $0x88, s6;
	s7 =	simm.s32 @p2 $0x1082  }
0x22: {  	[simem:s7], [sflag:s8] =	dma.local @!p0 [hbm:s6], $0xF7A  }
0x23: {  	s9 =	sor.u32 $0xD0000000, s2;
	s6 =	simm.s32 $0x108;
	_ =	swait.ge @!p0 [sflag:s8], $0x0  }
0x24: {  	s3 =	sadd.s32 $0x88, s3;
	s6 =	simm.s32 @!p1 $0x1082;
	[sflag:s4] =	ssyncset.s32 $0xFFFFF086  }
0x25: {  	[simem:s6], [sflag:s4] =	dma.local [hbm:s3], $0xF7A  }
0x26: {  	[smem:$0x3F79] =	sst s1;
	(tag) =	ssettag s2;
	_ =	strace s9  }
0x27: {  	s1 =	sld [smem:$0x3F89]  }
0x28: {  	s2 =	sld [smem:$0x3F8A]  }
0x29: {  	s4 =	sld [smem:$0x3F8C]  }
0x2a: {  	p0 =	seq.s32 s5, $0x0;
	s5 =	sld [smem:$0x3F8D]  }
0x2b: {  	s6 =	sld [smem:$0x3F8E]  }
0x2c: {  	s7 =	sld [smem:$0x3F8F]  }
0x2d: {  	s3 =	simm.s32 $0x108;
	s8 =	sld [smem:$0x3F90]  }
0x2e: {  	s3 =	simm.s32 @!p0 $0x1082;
	s9 =	sld [smem:$0x3F91]  }
0x2f: {  	lr =	sadd.s32 s0, s3;
	s0 =	sld [smem:$0x3F88]  }
0x30: {  	s3 =	sld [smem:$0x3F8B]  }
0x31: {  	[smem:$0x3F94] =	sst s10  }
0x32: {  	s10 =	sld [smem:$0x3F92];
	_ =	sdelay $0x3  }
0x33: {  	p0 =	seq.s32 s10, $0x1;
	s10 =	sld [smem:$0x3F94];
	_ =	sdelay $0x3  }
0x34: {  	[smem:$0x3F94] =	sst s10  }
0x35: {  	s10 =	sld [smem:$0x3F93];
	_ =	sdelay $0x3  }
0x36: {  	p1 =	seq.s32 s10, $0x1;
	s10 =	sld [smem:$0x3F94];
	_ =	sdelay $0x3  }
0x37: {  	[smem:$0x3F94] =	sst s10  }
0x38: {  	s10 =	sld [smem:$0x3F95]  }
0x39: {  	_ = 	snop;
	(pc) =	sbr.ind lr, $3  }
0x3a: {  	_ = 	snop  }
0x3b: {  	_ = 	snop  }
0x3c: {  	p2 =	seq.s32 s10, $0x1;
	s10 =	sld [smem:$0x3F94]  }
0x3d: {  	_ =	shalt  }
0x3e: {  	_ =	shalt  }
0x3f: {  	_ =	shalt  }
0x40: {  	_ =	shalt  }
0x41: {  	_ =	shalt  }
0x42: {  	_ =	shalt  }
0x43: {  	_ =	shalt  }
0x44: {  	_ =	shalt  }
0x45: {  	_ =	shalt  }
0x46: {  	_ =	shalt  }
0x47: {  	_ =	shalt  }
0x48: {  	_ =	shalt  }
0x49: {  	_ =	shalt  }
0x4a: {  	_ =	shalt  }
0x4b: {  	_ =	shalt  }
0x4c: {  	_ =	shalt  }
0x4d: {  	_ =	shalt  }
0x4e: {  	_ =	shalt  }
0x4f: {  	_ =	shalt  }
0x50: {  	_ =	shalt  }
0x51: {  	_ =	shalt  }
0x52: {  	_ =	shalt  }
0x53: {  	_ =	shalt  }
0x54: {  	_ =	shalt  }
0x55: {  	_ =	shalt  }
0x56: {  	_ =	shalt  }
0x57: {  	_ =	shalt  }
0x58: {  	_ =	shalt  }
0x59: {  	_ =	shalt  }
0x5a: {  	_ =	shalt  }
0x5b: {  	_ =	shalt  }
0x5c: {  	_ =	shalt  }
0x5d: {  	_ =	shalt  }
0x5e: {  	_ =	shalt  }
0x5f: {  	_ =	shalt  }
0x60: {  	_ =	shalt  }
0x61: {  	_ =	shalt  }
0x62: {  	_ =	shalt  }
0x63: {  	_ =	shalt  }
0x64: {  	_ =	shalt  }
0x65: {  	_ =	shalt  }
0x66: {  	_ =	shalt  }
0x67: {  	_ =	shalt  }
0x68: {  	_ =	shalt  }
0x69: {  	_ =	shalt  }
0x6a: {  	_ =	shalt  }
0x6b: {  	_ =	shalt  }
0x6c: {  	_ =	shalt  }
0x6d: {  	_ =	shalt  }
0x6e: {  	_ =	shalt  }
0x6f: {  	_ =	shalt  }
0x70: {  	_ =	shalt  }
0x71: {  	_ =	shalt  }
0x72: {  	_ =	shalt  }
0x73: {  	_ =	shalt  }
0x74: {  	_ =	shalt  }
0x75: {  	_ =	shalt  }
0x76: {  	_ =	shalt  }
0x77: {  	_ =	shalt  }
0x78: {  	_ =	shalt  }
0x79: {  	_ =	shalt  }
0x7a: {  	_ =	shalt  }
0x7b: {  	_ =	shalt  }
0x7c: {  	_ =	shalt  }
0x7d: {  	_ =	shalt  }
0x7e: {  	_ =	shalt  }
0x7f: {  	_ =	shalt  }
0x80: {  	_ =	shalt  }
0x81: {  	_ =	shalt  }
0x82: {  	_ =	shalt  }
0x83: {  	_ =	shalt  }
0x84: {  	_ =	shalt  }
0x85: {  	_ =	shalt  }
0x86: {  	_ =	shalt  }
0x87: {  	_ =	shalt  }
.Lfunc_end0:
.L_simem_size_0:
called_computation_lowered:
.L_overlay_start_0:
0x88: {  	s2 =	sld [smem:$0x3FD9]  }
0x89: {  	s3 =	sld [smem:$0x3FFE];
	_ =	sdelay $0x1  }
0x8a: {  	s1 =	srdreg.scid  }
0x8b: {  	s0 =	sand.u32 $0x1, s1  }
0x8c: {  	s14 =	sshll.u32 s0, $0xA;
	s2 =	sadd.s32 s3, s2  }
0x8d: {  	s2 =	sadd.s32 s2, s14  }
0x8e: {  	[smem:$0x3FA0] =	sst s2  }
0x8f: {  	_ = 	snop  }
0x90: {  	s2 =	sld [smem:$0x3FD0];
	_ =	sdelay $0x2  }
0x91: {  	s15 =	simm.s32 $0xA;
	s4 =	simm.s32 $0x10  }
0x92: {  	[smem:s4], [sflag:s15] =	dma.local [hbm:s2], $0x1  }
0x93: {  	_ =	swait.eq [sflag:s15], $0x1  }
0x94: {  	[sflag:s15] =	ssyncset.done $0x0  }
0x95: {  	s16 =	sld [smem:$0x10];
	[sflag:s15] =	ssyncadd.s32 $0xFFFFFFFF  }
0x96: {  	s17 =	sld [smem:$0x11];
	(tm) =	ssettm $0x1  }
0x97: {  	s18 =	sld [smem:$0x3FFB];
	_ =	sdelay $0x3  }
0x98: {  	_ =	strace s18  }
0x99: {  	s4 =	sld [smem:$0x3FFC];
	_ =	sdelay $0x3  }
0x9a: {  	_ =	strace s4  }
0x9b: {  	s4 =	sld [smem:$0x3FFD];
	_ =	sdelay $0x3  }
0x9c: {  	_ =	strace s4  }
0x9d: {  	_ =	strace $0x8FFFFFFF  }
0x9e: {  	s19 =	sld [smem:$0x3FDB];
	_ =	sdelay $0x1  }
0x9f: {  	s5 =	simm.s32 $_scs_section_size  }
0xa0: {  	s6 =	simm.s32 $_size__tile_overlayer_lowered;
	s7 =	simm.s32 $_tile_overlayer_lowered  }
0xa1: {  	s22 =	simm.s32 $0x1BFF;
	s21 =	sshll.u32 s7, $0x1;
	s4 =	sadd.s32 s5, s19  }
0xa2: {  	s8 =	simm.s32 $0x0;
	s20 =	sshll.u32 s6, $0x1;
	s6 =	sadd.s32 s21, s4  }
0xa3: {  	[timem:s8], [sflag:s22] =	dma.local [hbm:s6], s20  }
0xa4: {  	_ =	swait.ge [sflag:s22], s20  }
0xa5: {  	s5 =	ssub.s32 $0x0, s20;
	[sflag:s22] =	ssyncset.done $0x0  }
0xa6: {  	[sflag:s22] =	ssyncadd.s32 s5;
	_ =	sdelay $0x1  }
0xa7: {  	s23 =	simm.s32 $0x1B8B  }
0xa8: {  	_ =	swait.ge [sflag:s23], $0x1  }
0xa9: {  	[sflag:s23] =	ssyncset.done $0x0  }
0xaa: {  	s25 =	simm.s32 $0x1B8E;
	s24 =	sld [smem:$0x3FFE];
	[sflag:s23] =	ssyncadd.s32 $0xFFFFFFFF  }
0xab: {  	s26 =	simm.s32 $execute0_lowered;
	[smem:$0x3FD2] =	sst s25  }
0xac: {  	s6 =	sshll.u32 s26, $0x1;
	_ =	strace $0x80000046;
	[dreg:$0x1] =	wrdreg $0xFFFFFFFF  }
0xad: {  	s28 =	simm.s32 $_size_execute0_lowered;
	s4 =	sadd.s32 s4, s6;
	[dreg:$0x0] =	wrdreg $0x0  }
0xae: {  	s6 =	sshll.u32 s28, $0x1;
	[dreg:$0x2] =	wrdreg s4  }
0xaf: {  	[dreg:$0x3] =	wrdreg s6  }
0xb0: {  	[dreg:$0x4] =	wrdreg $0xC0  }
0xb1: {  	_ =	task [dreg:s8], $0x5FFFF  }
0xb2: {  	[dreg:$0x1] =	wrdreg $0xFFFFFFFF  }
0xb3: {  	[dreg:$0x0] =	wrdreg $0x60  }
0xb4: {  	[dreg:$0x2] =	wrdreg s24  }
0xb5: {  	[dreg:$0x3] =	wrdreg s16  }
0xb6: {  	[dreg:$0x4] =	wrdreg s17  }
0xb7: {  	[dreg:$0x5] =	wrdreg $0xBA000  }
0xb8: {  	[dreg:$0x6] =	wrdreg $0x9  }
0xb9: {  	_ =	task.clear_ibuf [dreg:s8], $0x7FFFF;
	_ =	strace $0x90000046  }
0xba: {  	s29 =	simm.s32 $0x9;
	_ =	strace $0x80000048  }
0xbb: {  	_ =	swait.ge [sflag:s29], $0x1  }
0xbc: {  	[sflag:s29] =	ssyncadd.s32 $0xFFFFFFFF  }
0xbd: {  	_ =	strace $0x90000048  }
0xbe: {  	_ =	sfence  }
0xbf: {  	s30 =	sld [smem:$0x0];
	_ =	sdelay $0x2  }
0xc0: {  	s31 =	sshll.u32 s1, $0xD;
	s1 =	sshrl.u32 s1, $0x2  }
0xc1: {  	s3 =	sand.u32 $0x4000, s31;
	s1 =	sadd.s32 s1, s30  }
0xc2: {  	s0 =	sor.u32 s3, s0;
	s1 =	sshll.u32 s1, $0x11  }
0xc3: {  	s0 =	sor.u32 s1, s0  }
0xc4: {  	s0 =	sadd.s32 $0x8F2B, s0  }
0xc5: {  	[sflag:s0] =	ssyncadd.remote.s32 $0x1  }
0xc6: {  	_ =	sfence.sel $0xFFFF  }
0xc7: {  	[dreg:$0x0] =	wrdreg $0xFFFFFFFF;
	(pc) =	sbr.abs _section_cstart, $3  }
0xc8: {  	[dreg:$0x1] =	wrdreg $0xFFFFFFFF  }
0xc9: {  	_ =	task.clear_ibuf [dreg:s8], $0x2FFFF;
	_ =	strace $0x9FFFFFFF  }
0xca: {  	(tm) =	ssettm $0x7FFFFFFF  }
0xcb: {  	_ =	shalt  }
tec
execute0_lowered:
.L_overlay_start_1:
0x0: {  	(tag) =	ssettag $0x1  }
0x1: {  	s0 =	rddreg [dreg:$0x0]  }
0x2: {  	s1 =	rddreg [dreg:$0x1]  }
0x3: {  	s2 =	rddreg [dreg:$0x2]  }
0x4: {  	s4 =	rddreg [dreg:$0x3];
	s5 =	simm.s32 $0x0;
	s3 =	srdreg.scid  }
0x5: {  	s18 =	stileid.u32;
	[smem:$0x7FF] =	sst s5  }
0x6: {  	s3 =	sand.u32 $0x1, s3;
	s12 =	smul.u32 $0xF500, s18;
	s6 =	sadd.s32 $0x50800, s0  }
0x7: {  	s7 =	sadd.s32 $0x13400, s0;
	s8 =	sadd.s32 $0x7000, s0;
	s9 =	sadd.s32 $0x38000, s0  }
0x8: {  	s10 =	sadd.s32 $0x2BC00, s0;
	s15 =	sadd.s32 $0x15D400, s0;
	s21 =	sshll.u32 s18, $0x5  }
0x9: {  	s22 =	sshll.u32 s18, $0x6;
	_ =	strace $0x80000047;
	s11 =	smul.u32 $0xF5000, s3  }
0xa: {  	s14 =	ssub.s32 $0x2, s3;
	[dreg:$0x5] =	wrdreg s15;
	s24 =	sadd.s32 s7, s21  }
0xb: {  	s23 =	sor.u32 $0x10, s21;
	s28 =	sadd.s32 s8, s21;
	[dreg:$0x8] =	wrdreg s24  }
0xc: {  	s25 =	sor.u32 $0x1C09, s22;
	s17 =	sadd.s32 s10, s21;
	[dreg:$0xa] =	wrdreg s28  }
0xd: {  	s29 =	sor.u32 $0x200, s21;
	s16 =	sor.u32 $0x210, s21;
	[dreg:$0xb] =	wrdreg s17  }
0xe: {  	s15 =	simm.s32 $0x180;
	s26 =	sadd.s32 s7, s23;
	[dreg:$0x7] =	wrdreg s25  }
0xf: {  	s20 =	sshrl.u32 s14, $0x1;
	s30 =	sadd.s32 s8, s23;
	[dreg:$0x9] =	wrdreg s26  }
0x10: {  	s31 =	sadd.s32 s10, s23;
	s19 =	sadd.s32 s7, s29;
	[dreg:$0xd] =	wrdreg s30  }
0x11: {  	s24 =	sadd.s32 s8, s16;
	s13 =	sadd.s32 s12, s11;
	[dreg:$0xe] =	wrdreg s31  }
0x12: {  	s11 =	sadd.s32 $0x1F800, s0;
	s14 =	ssub.s32 s14, s20;
	[dreg:$0x10] =	wrdreg s19  }
0x13: {  	s12 =	sadd.s32 s12, s4;
	s20 =	sadd.s32 s8, s29;
	[dreg:$0x15] =	wrdreg s24  }
0x14: {  	s26 =	sadd.s32 s10, s16;
	s19 =	simm.s32 $0x2;
	s24 =	simm.s32 $0x6  }
0x15: {  	s13 =	sshrl.u32 s13, $0x3;
	[dreg:$0x6] =	wrdreg s12;
	s17 =	sadd.s32 s11, s23  }
0x16: {  	[dreg:$0x11] =	wrdreg s20;
	s22 =	sadd.s32 s11, s29;
	s23 =	sadd.s32 s7, s16  }
0x17: {  	[dreg:$0x16] =	wrdreg s26;
	s28 =	sadd.s32 s11, s16;
	s31 =	smax.u32 s14, $0x1  }
0x18: {  	s16 =	sshll.u32 s18, $0x8;
	s20 =	simm.s32 $0x80;
	[dreg:$0xf] =	wrdreg s17  }
0x19: {  	s12 =	simm.s32 $0x300;
	s14 =	simm.s32 $0x380;
	[dreg:$0x13] =	wrdreg s22  }
0x1a: {  	s26 =	simm.s32 $0x0;
	s13 =	sadd.s32 s13, s0;
	[dreg:$0x14] =	wrdreg s23  }
0x1b: {  	s0 =	smul.u32 $0x61A8, s3;
	s3 =	sadd.s32 s11, s21;
	[dreg:$0x17] =	wrdreg s28  }
0x1c: {  	s21 =	sadd.s32 s10, s29;
	[dreg:$0x1a] =	wrdreg s31;
	s17 =	sor.u32 $0x20, s18  }
0x1d: {  	v0 =	vlaneseq.u32;
	s18 =	sor.u32 $0x30, s18;
	s23 =	simm.s32 $0x1;
	[dreg:$0xc] =	wrdreg s3  }
0x1e: {  	v1 =	vmul.u32 $0xFFFFFFFF, v0;
	s22 =	simm.s32 $0x4;
	[dreg:$0x12] =	wrdreg s21;
	s29 =	sadd.s32 $0x15F400, s13  }
0x1f: {  	vm0 =	vcmask $0x2320;
	s30 =	sadd.s32 $0x69000, s13;
	s13 =	simm.s32 $0x9;
	[dreg:$0x18] =	wrdreg s29  }
0x20: {  	vm1 =	vmmov $0xff;
	v1 =	vadd.s32 $0xF, v1;
	s3 =	simm.s32 $0x3;
	s21 =	simm.s32 $0x5;
	[dreg:$0x19] =	wrdreg s30;
	v0 =	vmov s0  }
.LBB2_1:
0x21: {  	[dreg:$0x1b] =	wrdreg s26  }
0x22: {  	s0 =	rddreg [dreg:$0x6]  }
0x23: {  	s31 =	rddreg [dreg:$0x5];
	s30 =	sshrl.u32 s0, $0x3  }
0x24: {  	[dreg:$0x1c] =	wrdreg s30  }
0x25: {  	[spmem:s30], [sflag:s25] =	dma.local [hbm:s31], $0x1EA0  }
0x26: {  	_ =	swait.ge [sflag:s13], $0x1EA0  }
0x27: {  	[sflag:s13] =	ssyncset.done $0x0  }
0x28: {  	s25 =	rddreg [dreg:$0x8];
	[sflag:s13] =	ssyncadd.s32 $0xFFFFE160  }
0x29: {  	[tilespmem:s5], [sflag:$0x1] =	stream.linear.gather [hbm4b:s25+s5], $0x80, $0x38;
	[tilespmem:$0x1AF00] =	vst v63  }
0x2a: {  	s26 =	rddreg [dreg:$0x9]  }
0x2b: {  	[tilespmem:s20], [sflag:$0x1] =	stream.linear.gather [hbm4b:s26+s5], $0x80, $0x38;
	[tilespmem:$0x1AF00] =	vst v63  }
0x2c: {  	s29 =	simm.s32 $0x200;
	s28 =	rddreg [dreg:$0xa]  }
0x2d: {  	[tilespmem:s29], [sflag:$0x1] =	stream.linear.gather [hbm4b:s28+s5], $0x80, $0x38;
	[tilespmem:$0x1AF00] =	vst v63  }
0x2e: {  	s31 =	simm.s32 $0x280;
	s30 =	rddreg [dreg:$0xd]  }
0x2f: {  	[tilespmem:s31], [sflag:$0x1] =	stream.linear.gather [hbm4b:s30+s5], $0x80, $0x38;
	[tilespmem:$0x1AF00] =	vst v63  }
0x30: {  	_ =	swait.ge [sflag:s23], $0x80  }
0x31: {  	[sflag:s23] =	ssyncset.done $0x0  }
0x32: {  	[sflag:s23] =	ssyncadd.s32 $0xFFFFFF80  }
0x33: {  	_ =	swait.ge [sflag:s23], $0x80  }
0x34: {  	[sflag:s23] =	ssyncset.done $0x0  }
0x35: {  	[sflag:s23] =	ssyncadd.s32 $0xFFFFFF80  }
0x36: {  	_ =	swait.ge [sflag:s23], $0x80  }
0x37: {  	[sflag:s23] =	ssyncset.done $0x0  }
0x38: {  	[sflag:s23] =	ssyncadd.s32 $0xFFFFFF80  }
0x39: {  	_ =	swait.ge [sflag:s23], $0x80  }
0x3a: {  	[sflag:s23] =	ssyncset.done $0x0  }
0x3b: {  	[sflag:s23] =	ssyncadd.s32 $0xFFFFFF80  }
0x3c: {  	v2 =	vld [tilespmem:$0x200]  }
0x3d: {  	v3 =	vld [tilespmem:$0x0]  }
0x3e: {  	v4 =	vld [tilespmem:$0x210]  }
0x3f: {  	v5 =	vld [tilespmem:$0x10]  }
0x40: {  	v6 =	vld [tilespmem:$0x220]  }
0x41: {  	v7 =	vld [tilespmem:$0x20];
	v2 =	vadd.s32 v0, v2  }
0x42: {  	[tilespmem:$0x400] =	vst v2;
	v2 =	vadd.s32 v0, v3;
	v3 =	vld [tilespmem:$0x230]  }
0x43: {  	v44 =	vld [tilespmem:$0x30];
	[tilespmem:$0x600] =	vst v2;
	v2 =	vadd.s32 v0, v4  }
0x44: {  	v45 =	vld [tilespmem:$0x240];
	[tilespmem:$0x410] =	vst v2;
	v2 =	vadd.s32 v0, v5  }
0x45: {  	v46 =	vld [tilespmem:$0x40];
	[tilespmem:$0x610] =	vst v2;
	v2 =	vadd.s32 v0, v6  }
0x46: {  	v47 =	vld [tilespmem:$0x250];
	[tilespmem:$0x420] =	vst v2;
	v2 =	vadd.s32 v0, v7  }
0x47: {  	[tilespmem:$0x620] =	vst v2;
	v2 =	vadd.s32 v0, v3;
	v3 =	vld [tilespmem:$0x50]  }
0x48: {  	v48 =	vld [tilespmem:$0x260];
	[tilespmem:$0x430] =	vst v2;
	v2 =	vadd.s32 v0, v44  }
0x49: {  	v49 =	vld [tilespmem:$0x60];
	[tilespmem:$0x630] =	vst v2;
	v2 =	vadd.s32 v0, v45  }
0x4a: {  	v50 =	vld [tilespmem:$0x270];
	[tilespmem:$0x440] =	vst v2;
	v2 =	vadd.s32 v0, v46  }
0x4b: {  	v51 =	vld [tilespmem:$0x70];
	[tilespmem:$0x640] =	vst v2;
	v2 =	vadd.s32 v0, v47  }
0x4c: {  	[tilespmem:$0x450] =	vst v2;
	v2 =	vadd.s32 v0, v3;
	v3 =	vld [tilespmem:$0x280]  }
0x4d: {  	v52 =	vld [tilespmem:$0x80];
	[tilespmem:$0x650] =	vst v2;
	v2 =	vadd.s32 v0, v48  }
0x4e: {  	v53 =	vld [tilespmem:$0x290];
	[tilespmem:$0x460] =	vst v2;
	v2 =	vadd.s32 v0, v49  }
0x4f: {  	v54 =	vld [tilespmem:$0x90];
	[tilespmem:$0x660] =	vst v2;
	v2 =	vadd.s32 v0, v50  }
0x50: {  	v55 =	vld [tilespmem:$0x2A0];
	[tilespmem:$0x470] =	vst v2;
	v2 =	vadd.s32 v0, v51  }
0x51: {  	[tilespmem:$0x670] =	vst v2;
	v2 =	vadd.s32 v0, v3;
	v3 =	vld [tilespmem:$0xA0]  }
0x52: {  	v56 =	vld [tilespmem:$0x2B0];
	[tilespmem:$0x500] =	vst v2;
	v2 =	vadd.s32 v0, v52  }
0x53: {  	v57 =	vld [tilespmem:$0xB0];
	[tilespmem:$0x700] =	vst v2;
	v2 =	vadd.s32 v0, v53  }
0x54: {  	v58 =	vld [tilespmem:$0x2C0];
	[tilespmem:$0x510] =	vst v2;
	v2 =	vadd.s32 v0, v54  }
0x55: {  	v59 =	vld [tilespmem:$0xC0];
	[tilespmem:$0x710] =	vst v2;
	v2 =	vadd.s32 v0, v55  }
0x56: {  	[tilespmem:$0x520] =	vst v2;
	v2 =	vadd.s32 v0, v3;
	v3 =	vld [tilespmem:$0x2D0]  }
0x57: {  	v60 =	vld [tilespmem:$0xD0];
	[tilespmem:$0x720] =	vst v2;
	v2 =	vadd.s32 v0, v56  }
0x58: {  	v61 =	vld [tilespmem:$0x2E0];
	[tilespmem:$0x530] =	vst v2;
	v2 =	vadd.s32 v0, v57  }
0x59: {  	v62 =	vld [tilespmem:$0xE0];
	[tilespmem:$0x730] =	vst v2;
	v2 =	vadd.s32 v0, v58  }
0x5a: {  	v63 =	vld [tilespmem:$0x2F0];
	[tilespmem:$0x540] =	vst v2;
	v2 =	vadd.s32 v0, v59  }
0x5b: {  	[tilespmem:$0x740] =	vst v2;
	v2 =	vadd.s32 v0, v3;
	v3 =	vld [tilespmem:$0xF0]  }
0x5c: {  	[tilespmem:$0x550] =	vst v2;
	v2 =	vadd.s32 v0, v60  }
0x5d: {  	[tilespmem:$0x750] =	vst v2;
	v2 =	vadd.s32 v0, v61  }
0x5e: {  	[tilespmem:$0x560] =	vst v2;
	v2 =	vadd.s32 v0, v62  }
0x5f: {  	[tilespmem:$0x760] =	vst v2;
	v2 =	vadd.s32 v0, v63  }
0x60: {  	[tilespmem:$0x570] =	vst v2;
	v2 =	vadd.s32 v0, v3  }
0x61: {  	s25 =	simm.s32 $0x400;
	s26 =	simm.s32 $0xA00;
	[tilespmem:$0x770] =	vst v2  }
0x62: {  	[tilespmem:s26], [sflag:$0x3] =	stream.indirect.gather [hbm4b:s6+s20], $0x10, s25, s20, $0xb8;
	[tilespmem:$0x1AF00] =	vst v63  }
0x63: {  	s28 =	simm.s32 $0x500;
	s29 =	simm.s32 $0x1200  }
0x64: {  	[tilespmem:s29], [sflag:$0x3] =	stream.indirect.gather [hbm4b:s6+s20], $0x10, s28, s20, $0xb8;
	[tilespmem:$0x1AF00] =	vst v63  }
0x65: {  	s30 =	simm.s32 $0x600;
	s31 =	simm.s32 $0x2A00  }
0x66: {  	[tilespmem:s31], [sflag:$0x5] =	stream.indirect.gather [hbm4b:s1+s20], $0x20, s30, s20, $0xb8;
	[tilespmem:$0x1AF00] =	vst v63  }
0x67: {  	s13 =	simm.s32 $0x700;
	s25 =	simm.s32 $0x3A00  }
0x68: {  	[tilespmem:s25], [sflag:$0x5] =	stream.indirect.gather [hbm4b:s1+s20], $0x20, s13, s20, $0xb8;
	[tilespmem:$0x1AF00] =	vst v63  }
0x69: {  	s26 =	rddreg [dreg:$0x10];
	s28 =	simm.s32 $0x100  }
0x6a: {  	[tilespmem:s28], [sflag:$0x2] =	stream.linear.gather [hbm4b:s26+s5], $0x80, $0x38;
	[tilespmem:$0x1AF00] =	vst v63  }
0x6b: {  	s29 =	rddreg [dreg:$0x14]  }
0x6c: {  	[tilespmem:s15], [sflag:$0x2] =	stream.linear.gather [hbm4b:s29+s5], $0x80, $0x38;
	[tilespmem:$0x1AF00] =	vst v63  }
0x6d: {  	s30 =	rddreg [dreg:$0x11]  }
0x6e: {  	[tilespmem:s12], [sflag:$0x2] =	stream.linear.gather [hbm4b:s30+s5], $0x80, $0x38;
	[tilespmem:$0x1AF00] =	vst v63  }
0x6f: {  	s31 =	rddreg [dreg:$0x15]  }
0x70: {  	[tilespmem:s14], [sflag:$0x2] =	stream.linear.gather [hbm4b:s31+s5], $0x80, $0x38;
	[tilespmem:$0x1AF00] =	vst v63  }
0x71: {  	s25 =	simm.s32 $0x0;
	[bflag:$0x0] =	sbarrier.arrive $0xFFFF  }
.LBB2_2:
0x72: {  	_ =	swait.ge [sflag:s19], $0x80  }
0x73: {  	[sflag:s19] =	ssyncset.done $0x0  }
0x74: {  	[sflag:s19] =	ssyncadd.s32 $0xFFFFFF80  }
0x75: {  	_ =	swait.ge [sflag:s19], $0x80  }
0x76: {  	[sflag:s19] =	ssyncset.done $0x0  }
0x77: {  	[sflag:s19] =	ssyncadd.s32 $0xFFFFFF80  }
0x78: {  	_ =	swait.ge [sflag:s19], $0x80  }
0x79: {  	[sflag:s19] =	ssyncset.done $0x0  }
0x7a: {  	[sflag:s19] =	ssyncadd.s32 $0xFFFFFF80  }
0x7b: {  	_ =	swait.ge [sflag:s19], $0x80  }
0x7c: {  	[sflag:s19] =	ssyncset.done $0x0  }
0x7d: {  	[sflag:s19] =	ssyncadd.s32 $0xFFFFFF80  }
0x7e: {  	v2 =	vld [tilespmem:$0x300]  }
0x7f: {  	v3 =	vld [tilespmem:$0x100]  }
0x80: {  	v4 =	vld [tilespmem:$0x310]  }
0x81: {  	v5 =	vld [tilespmem:$0x110]  }
0x82: {  	v6 =	vld [tilespmem:$0x320]  }
0x83: {  	v7 =	vld [tilespmem:$0x120];
	v2 =	vadd.s32 v0, v2  }
0x84: {  	[tilespmem:$0x480] =	vst v2;
	v2 =	vadd.s32 v0, v3;
	v3 =	vld [tilespmem:$0x330]  }
0x85: {  	[tilespmem:$0x680] =	vst v2;
	v2 =	vadd.s32 v0, v4;
	v4 =	vld [tilespmem:$0x130]  }
0x86: {  	[tilespmem:$0x490] =	vst v2;
	v2 =	vadd.s32 v0, v5;
	v5 =	vld [tilespmem:$0x340]  }
0x87: {  	[tilespmem:$0x690] =	vst v2;
	v2 =	vadd.s32 v0, v6;
	v6 =	vld [tilespmem:$0x140]  }
0x88: {  	[tilespmem:$0x4A0] =	vst v2;
	v2 =	vadd.s32 v0, v7;
	v7 =	vld [tilespmem:$0x350]  }
0x89: {  	[tilespmem:$0x6A0] =	vst v2;
	v2 =	vadd.s32 v0, v3;
	v3 =	vld [tilespmem:$0x150]  }
0x8a: {  	[tilespmem:$0x4B0] =	vst v2;
	v2 =	vadd.s32 v0, v4;
	v4 =	vld [tilespmem:$0x360]  }
0x8b: {  	[tilespmem:$0x6B0] =	vst v2;
	v2 =	vadd.s32 v0, v5;
	v5 =	vld [tilespmem:$0x160]  }
0x8c: {  	[tilespmem:$0x4C0] =	vst v2;
	v2 =	vadd.s32 v0, v6;
	v6 =	vld [tilespmem:$0x370]  }
0x8d: {  	[tilespmem:$0x6C0] =	vst v2;
	v2 =	vadd.s32 v0, v7;
	v7 =	vld [tilespmem:$0x170]  }
0x8e: {  	[tilespmem:$0x4D0] =	vst v2;
	v2 =	vadd.s32 v0, v3;
	v3 =	vld [tilespmem:$0x380]  }
0x8f: {  	[tilespmem:$0x6D0] =	vst v2;
	v2 =	vadd.s32 v0, v4;
	v4 =	vld [tilespmem:$0x180]  }
0x90: {  	[tilespmem:$0x4E0] =	vst v2;
	v2 =	vadd.s32 v0, v5;
	v5 =	vld [tilespmem:$0x390]  }
0x91: {  	[tilespmem:$0x6E0] =	vst v2;
	v2 =	vadd.s32 v0, v6;
	v6 =	vld [tilespmem:$0x190]  }
0x92: {  	[tilespmem:$0x4F0] =	vst v2;
	v2 =	vadd.s32 v0, v7;
	v7 =	vld [tilespmem:$0x3A0]  }
0x93: {  	[tilespmem:$0x6F0] =	vst v2;
	v2 =	vadd.s32 v0, v3;
	v3 =	vld [tilespmem:$0x1A0]  }
0x94: {  	[tilespmem:$0x580] =	vst v2;
	v2 =	vadd.s32 v0, v4;
	v4 =	vld [tilespmem:$0x3B0]  }
0x95: {  	[tilespmem:$0x780] =	vst v2;
	v2 =	vadd.s32 v0, v5;
	v5 =	vld [tilespmem:$0x1B0]  }
0x96: {  	[tilespmem:$0x590] =	vst v2;
	v2 =	vadd.s32 v0, v6;
	v6 =	vld [tilespmem:$0x3C0]  }
0x97: {  	[tilespmem:$0x790] =	vst v2;
	v2 =	vadd.s32 v0, v7;
	v7 =	vld [tilespmem:$0x1C0]  }
0x98: {  	[tilespmem:$0x5A0] =	vst v2;
	v2 =	vadd.s32 v0, v3;
	v3 =	vld [tilespmem:$0x3D0]  }
0x99: {  	[tilespmem:$0x7A0] =	vst v2;
	v2 =	vadd.s32 v0, v4;
	v4 =	vld [tilespmem:$0x1D0]  }
0x9a: {  	[tilespmem:$0x5B0] =	vst v2;
	v2 =	vadd.s32 v0, v5;
	v5 =	vld [tilespmem:$0x3E0]  }
0x9b: {  	[tilespmem:$0x7B0] =	vst v2;
	v2 =	vadd.s32 v0, v6;
	v6 =	vld [tilespmem:$0x1E0]  }
0x9c: {  	[tilespmem:$0x5C0] =	vst v2;
	v2 =	vadd.s32 v0, v7;
	v7 =	vld [tilespmem:$0x3F0]  }
0x9d: {  	[tilespmem:$0x7C0] =	vst v2;
	v2 =	vadd.s32 v0, v3;
	v3 =	vld [tilespmem:$0x1F0]  }
0x9e: {  	[tilespmem:$0x5D0] =	vst v2;
	v2 =	vadd.s32 v0, v4  }
0x9f: {  	[tilespmem:$0x7D0] =	vst v2;
	v2 =	vadd.s32 v0, v5  }
0xa0: {  	[tilespmem:$0x5E0] =	vst v2;
	v2 =	vadd.s32 v0, v6  }
0xa1: {  	[tilespmem:$0x7E0] =	vst v2;
	v2 =	vadd.s32 v0, v7  }
0xa2: {  	[tilespmem:$0x5F0] =	vst v2;
	v2 =	vadd.s32 v0, v3  }
0xa3: {  	s0 =	simm.s32 $0x480;
	s13 =	simm.s32 $0x1A00;
	[tilespmem:$0x7F0] =	vst v2  }
0xa4: {  	[tilespmem:s13], [sflag:$0x4] =	stream.indirect.gather [hbm4b:s6+s20], $0x10, s0, s20, $0xb8;
	[tilespmem:$0x1AF00] =	vst v63  }
0xa5: {  	s26 =	simm.s32 $0x2200;
	s13 =	simm.s32 $0x580  }
0xa6: {  	[tilespmem:s26], [sflag:$0x4] =	stream.indirect.gather [hbm4b:s6+s20], $0x10, s13, s20, $0xb8;
	[tilespmem:$0x1AF00] =	vst v63  }
0xa7: {  	p0 =	seq.s32 s25, $0x0;
	s13 =	simm.s32 $0x680;
	s26 =	simm.s32 $0x4A00  }
0xa8: {  	[tilespmem:s26], [sflag:$0x6] =	stream.indirect.gather [hbm4b:s1+s20], $0x20, s13, s20, $0xb8;
	[tilespmem:$0x1AF00] =	vst v63  }
0xa9: {  	s0 =	simm.s32 @!p0 $0x7;
	s13 =	simm.s32 $0x780;
	s26 =	simm.s32 $0x5A00  }
0xaa: {  	[tilespmem:s26], [sflag:$0x6] =	stream.indirect.gather [hbm4b:s1+s20], $0x20, s13, s20, $0xb8;
	[tilespmem:$0x1AF00] =	vst v63  }
0xab: {  	_ =	swait.ge @!p0 [sflag:s0], $0x1400  }
0xac: {  	[sflag:s0] =	ssyncset.done @!p0 $0x0  }
0xad: {  	[sflag:s0] =	ssyncadd.s32 @!p0 $0xFFFFEC00  }
0xae: {  	_ =	swait.ge @!p0 [sflag:s0], $0x1400  }
0xaf: {  	[sflag:s0] =	ssyncset.done @!p0 $0x0  }
0xb0: {  	[sflag:s0] =	ssyncadd.s32 @!p0 $0xFFFFEC00  }
0xb1: {  	v2 =	vld [tilespmem:$0x200]  }
0xb2: {  	s13 =	sshll.u32 s25, $0xD;
	v3 =	vld [tilespmem:$0x210]  }
0xb3: {  	s0 =	sor.u32 s16, s13;
	v4 =	vld [tilespmem:$0x220]  }
0xb4: {  	v5 =	vld [tilespmem:$0x230];
	s26 =	sor.u32 $0x10, s0  }
0xb5: {  	p1 =	slt.u32 s0, $0x61A80;
	v6 =	vld [tilespmem:$0x240];
	p2 =	slt.u32 s26, $0x61A80;
	s26 =	sor.u32 $0x20, s0  }
0xb6: {  	v7 =	vld [tilespmem:$0x250];
	p3 =	slt.u32 s26, $0x61A80;
	s26 =	sor.u32 $0x30, s0;
	v2 =	vpsel !p1, $0x61F8, v2  }
0xb7: {  	p4 =	slt.u32 s26, $0x61A80;
	s26 =	sor.u32 $0x40, s0;
	[tilespmem:$0x800] =	vst v2;
	v2 =	vpsel !p2, $0x61F8, v3;
	v3 =	vld [tilespmem:$0x260]  }
0xb8: {  	p5 =	slt.u32 s26, $0x61A80;
	s26 =	sor.u32 $0x50, s0;
	[tilespmem:$0x810] =	vst v2;
	v2 =	vpsel !p3, $0x61F8, v4;
	v4 =	vld [tilespmem:$0x270]  }
0xb9: {  	p6 =	slt.u32 s26, $0x61A80;
	s26 =	sor.u32 $0x60, s0;
	[tilespmem:$0x820] =	vst v2;
	v2 =	vpsel !p4, $0x61F8, v5;
	v5 =	vld [tilespmem:$0x280]  }
0xba: {  	p2 =	slt.u32 s26, $0x61A80;
	s26 =	sor.u32 $0x70, s0;
	[tilespmem:$0x830] =	vst v2;
	v2 =	vpsel !p5, $0x61F8, v6;
	v6 =	vld [tilespmem:$0x290]  }
0xbb: {  	p3 =	slt.u32 s26, $0x61A80;
	s26 =	sor.u32 $0x80, s0;
	[tilespmem:$0x840] =	vst v2;
	v2 =	vpsel !p6, $0x61F8, v7;
	v7 =	vld [tilespmem:$0x2A0]  }
0xbc: {  	p4 =	slt.u32 s26, $0x61A80;
	s26 =	sor.u32 $0x90, s0;
	[tilespmem:$0x850] =	vst v2;
	v2 =	vpsel !p2, $0x61F8, v3;
	v3 =	vld [tilespmem:$0x2B0]  }
0xbd: {  	p5 =	slt.u32 s26, $0x61A80;
	s26 =	sor.u32 $0xA0, s0;
	[tilespmem:$0x860] =	vst v2;
	v2 =	vpsel !p3, $0x61F8, v4;
	v4 =	vld [tilespmem:$0x2C0]  }
0xbe: {  	p6 =	slt.u32 s26, $0x61A80;
	s26 =	sor.u32 $0xB0, s0;
	[tilespmem:$0x870] =	vst v2;
	v2 =	vpsel !p4, $0x61F8, v5;
	v5 =	vld [tilespmem:$0x2D0]  }
0xbf: {  	p2 =	slt.u32 s26, $0x61A80;
	s26 =	sor.u32 $0xC0, s0;
	[tilespmem:$0x900] =	vst v2;
	v2 =	vpsel !p5, $0x61F8, v6;
	v6 =	vld [tilespmem:$0x2E0]  }
0xc0: {  	s13 =	sor.u32 $0xD0, s0;
	p3 =	slt.u32 s26, $0x61A80;
	s26 =	sshll.u32 s25, $0x5;
	[tilespmem:$0x910] =	vst v2;
	v2 =	vpsel !p6, $0x61F8, v7;
	v7 =	vld [tilespmem:$0x2F0]  }
0xc1: {  	p4 =	slt.u32 s13, $0x61A80;
	s13 =	sor.u32 $0xE0, s0;
	s28 =	sadd.s32 s17, s26;
	[tilespmem:$0x920] =	vst v2;
	v2 =	vpsel !p2, $0x61F8, v3  }
0xc2: {  	s0 =	sor.u32 $0xF0, s0;
	p5 =	slt.u32 s13, $0x61A80;
	s13 =	smin.u32 s28, $0x61A;
	[tilespmem:$0x930] =	vst v2;
	v2 =	vpsel !p3, $0x61F8, v4  }
0xc3: {  	p6 =	slt.u32 s0, $0x61A80;
	s0 =	sshll.u32 s13, $0x8;
	[tilespmem:$0x940] =	vst v2;
	v2 =	vpsel !p4, $0x61F8, v5  }
0xc4: {  	s0 =	sor.u32 $0x80, s0;
	[tilespmem:$0x950] =	vst v2;
	v2 =	vpsel !p5, $0x61F8, v6  }
0xc5: {  	s13 =	sshll.u32 s13, $0x5;
	s0 =	smin.u32 s0, $0x61A00;
	[tilespmem:$0x960] =	vst v2;
	v2 =	vpsel !p6, $0x61F8, v7  }
0xc6: {  	s28 =	sadd.s32 s7, s13;
	s0 =	sshrl.u32 s0, $0x3;
	[tilespmem:$0x970] =	vst v2  }
0xc7: {  	[tilespmem:s5], [sflag:$0x1] =	stream.linear.gather [hbm4b:s28+s5], $0x80, $0x38;
	[tilespmem:$0x1AF00] =	vst v63  }
0xc8: {  	s28 =	sadd.s32 s7, s0  }
0xc9: {  	[tilespmem:s20], [sflag:$0x1] =	stream.linear.gather [hbm4b:s28+s5], $0x80, $0x38;
	[tilespmem:$0x1AF00] =	vst v63  }
0xca: {  	s13 =	sadd.s32 s8, s13;
	s28 =	simm.s32 $0x200  }
0xcb: {  	[tilespmem:s28], [sflag:$0x1] =	stream.linear.gather [hbm4b:s13+s5], $0x80, $0x38;
	[tilespmem:$0x1AF00] =	vst v63  }
0xcc: {  	s0 =	sadd.s32 s8, s0;
	s13 =	simm.s32 $0x280  }
0xcd: {  	[tilespmem:s13], [sflag:$0x1] =	stream.linear.gather [hbm4b:s0+s5], $0x80, $0x38;
	[tilespmem:$0x1AF00] =	vst v63  }
0xce: {  	_ =	swait.ge [sflag:s3], $0x800  }
0xcf: {  	[sflag:s3] =	ssyncset.done $0x0  }
0xd0: {  	[sflag:s3] =	ssyncadd.s32 $0xFFFFF800  }
0xd1: {  	_ =	swait.ge [sflag:s3], $0x800  }
0xd2: {  	[sflag:s3] =	ssyncset.done $0x0  }
0xd3: {  	[sflag:s3] =	ssyncadd.s32 $0xFFFFF800  }
0xd4: {  	_ =	swait.ge [sflag:s21], $0x1000  }
0xd5: {  	[sflag:s21] =	ssyncset.done $0x0  }
0xd6: {  	[sflag:s21] =	ssyncadd.s32 $0xFFFFF000  }
0xd7: {  	_ =	swait.ge [sflag:s21], $0x1000  }
0xd8: {  	[sflag:s21] =	ssyncset.done $0x0  }
0xd9: {  	s0 =	simm.s32 $0xA20;
	[sflag:s21] =	ssyncadd.s32 $0xFFFFF000  }
0xda: {  	s13 =	simm.s32 $0x2A40;
	v2 =	vld [tilespmem:s0+$0x10]  }
0xdb: {  	v3 =	vld [tilespmem:s13+$0x20];
	_ =	sdelay $0x3  }
0xdc: {  	v4 =	vunpack.i.u.bf16.f32 v2  }
0xdd: {  	v2 =	vunpack.i.l.bf16.f32 v2;
	v5 =	vunpack.i.u.bf16.f32 v3;
	v3 =	vunpack.i.l.bf16.f32 v3  }
0xde: {  	v2 =	vmul.f32 v3, v2;
	v3 =	vmul.f32 v5, v4;
	_ =	sdelay $0x1  }
0xdf: {  	v7 =	vld [tilespmem:s13+$0x0];
	v2 =	vadd.f32 v2, v3  }
0xe0: {  	v4 =	vld [tilespmem:s13+$0xFFFFFFE0]  }
0xe1: {  	v3 =	vld [tilespmem:s13+$0xFFFFFFC0];
	(xrf2) =	vadd.scan.msk.f32 $0xffff, v2  }
0xe2: {  	v2 =	vld [tilespmem:s0+$0xFFFFFFF0]  }
0xe3: {  	v6 =	vld [tilespmem:s0+$0xFFFFFFE0];
	_ =	sdelay $0x1  }
0xe4: {  	v13 =	vunpack.i.u.bf16.f32 v7;
	v5 =	vld [tilespmem:s0+$0x0]  }
0xe5: {  	v7 =	vunpack.i.l.bf16.f32 v7;
	v10 =	vunpack.i.l.bf16.f32 v4;
	v4 =	vunpack.i.u.bf16.f32 v4  }
0xe6: {  	s0 =	simm.s32 $0x2AC0;
	v8 =	vunpack.i.u.bf16.f32 v3;
	v3 =	vunpack.i.l.bf16.f32 v3;
	v9 =	vunpack.i.u.bf16.f32 v2  }
0xe7: {  	s28 =	simm.s32 $0xA60;
	v12 =	vld [tilespmem:s0+$0x20];
	v4 =	vmul.f32 v4, v9;
	v9 =	vunpack.i.l.bf16.f32 v6;
	v6 =	vunpack.i.u.bf16.f32 v6  }
0xe8: {  	v11 =	vld [tilespmem:s28+$0x10];
	v2 =	vunpack.i.l.bf16.f32 v2;
	v3 =	vmul.f32 v3, v9;
	v6 =	vmul.f32 v8, v6  }
0xe9: {  	v15 =	vld [tilespmem:s13+$0xFFFFFFD0];
	v2 =	vmul.f32 v10, v2;
	v10 =	vunpack.i.u.bf16.f32 v5;
	v5 =	vunpack.i.l.bf16.f32 v5  }
0xea: {  	v16 =	vld [tilespmem:s0+$0xFFFFFFC0];
	v5 =	vmul.f32 v7, v5;
	v7 =	vmul.f32 v13, v10;
	v3 =	vadd.f32 v3, v6;
	v9, _, _ =	vpop (xrf2)  }
0xeb: {  	v10 =	vld [tilespmem:s13+$0x10];
	v2 =	vadd.f32 v2, v4;
	v8 =	vmul.f32 $1.442695020e+00, v9  }
0xec: {  	v13 =	vunpack.i.u.bf16.f32 v12;
	v12 =	vunpack.i.l.bf16.f32 v12;
	v4 =	vld [tilespmem:s28+$0xFFFFFFF0];
	v5 =	vadd.f32 v5, v7;
	(xrf2) =	vadd.scan.msk.f32 $0xffff, v3  }
0xed: {  	v9 =	vld [tilespmem:s13+$0xFFFFFFF0];
	(xrf2) =	vadd.scan.msk.f32 $0xffff, v2;
	v6 =	vbroadcast v8, $0xF;
	v8 =	vunpack.i.u.bf16.f32 v11;
	v11 =	vunpack.i.l.bf16.f32 v11  }
0xee: {  	(xrf2) =	vadd.scan.msk.f32 $0xffff, v5;
	v5 =	vld [tilespmem:s0+$0x0];
	v11 =	vmul.f32 v12, v11  }
0xef: {  	v8 =	vmul.f32 v13, v8;
	(erf) = vpow2.f32 v6;
	v6 =	vld [tilespmem:s0+$0xFFFFFFE0]  }
0xf0: {  	v14 =	vunpack.i.u.bf16.f32 v15  }
0xf1: {  	v7 =	vld [tilespmem:s28+$0x0];
	v3 =	vunpack.i.l.bf16.f32 v15;
	v21 =	vunpack.i.u.bf16.f32 v10;
	v2 =	vadd.f32 v11, v8  }
0xf2: {  	v15 =	vunpack.i.l.bf16.f32 v4;
	v4 =	vunpack.i.u.bf16.f32 v4;
	v12 =	vunpack.i.l.bf16.f32 v16;
	v11 =	vld [tilespmem:s13+$0x30]  }
0xf3: {  	v13 =	vunpack.i.u.bf16.f32 v9;
	v8 =	vunpack.i.l.bf16.f32 v10;
	v10 =	vld [tilespmem:s28+$0xFFFFFFE0];
	(xrf2) =	vadd.scan.msk.f32 $0xffff, v2;
	v2 =	vunpack.i.l.bf16.f32 v9  }
0xf4: {  	v9 =	vunpack.i.u.bf16.f32 v16;
	v17 =	vunpack.i.l.bf16.f32 v5;
	v16 =	vunpack.i.l.bf16.f32 v6  }
0xf5: {  	v5 =	vunpack.i.u.bf16.f32 v5;
	v6 =	vunpack.i.u.bf16.f32 v6;
	v15 =	vmul.f32 v16, v15  }
0xf6: {  	v16 =	vunpack.i.u.bf16.f32 v7;
	v7 =	vunpack.i.l.bf16.f32 v7;
	v4 =	vmul.f32 v6, v4  }
0xf7: {  	v6 =	vmul.f32 v17, v7;
	v5 =	vmul.f32 v5, v16  }
0xf8: {  	v18, _, _ =	vpop (xrf2);
	v7 =	vunpack.i.u.bf16.f32 v11;
	v17 =	vunpack.i.l.bf16.f32 v10;
	v10 =	vunpack.i.u.bf16.f32 v10  }
0xf9: {  	v9 =	vmul.f32 v9, v10;
	v10 =	vadd.f32 v15, v4;
	v4 =	vmul.f32 $1.442695020e+00, v18;
	v16 =	vpop (erf)  }
0xfa: {  	v19 =	vld [tilespmem:s0+$0xFFFFFFD0];
	v20 =	vmul.f32 v16, v7  }
0xfb: {  	s29 =	simm.s32 $0x2B40;
	v11 =	vunpack.i.l.bf16.f32 v11;
	v7 =	vmul.f32 v12, v17;
	v12, _, _ =	vpop (xrf2);
	v17 =	vld [tilespmem:s0+$0xFFFFFFF0];
	v4 =	vbroadcast v4, $0xF  }
0xfc: {  	v25 =	vld [tilespmem:s29+$0x20];
	s13 =	simm.s32 $0xAA0;
	v18 =	vadd.f32 v6, v5;
	v15, _, _ =	vpop (xrf2);
	v6 =	vmul.f32 $1.442695020e+00, v12;
	v5 =	vperm.xlane v20, v1  }
0xfd: {  	v23 =	vld [tilespmem:s13+$0x10];
	v9 =	vadd.f32 v7, v9;
	v7 =	vmul.f32 $1.442695020e+00, v15;
	(erf) = vpow2.f32 v4;
	v12, _, _ =	vpop (xrf2)  }
0xfe: {  	v15 =	vnsel vm0, $0x0, v16;
	v6 =	vbroadcast v6, $0xF;
	v12 =	vmul.f32 $1.442695020e+00, v12  }
0xff: {  	v26 =	vld [tilespmem:s29+$0xFFFFFFC0];
	v24 =	vsel vm1, v5, v15;
	v15 =	vbroadcast v7, $0xF;
	v5 =	vunpack.i.u.bf16.f32 v19  }
0x100: {  	v22 =	vld [tilespmem:s0+$0x10];
	(xrf2) =	vadd.scan.msk.f32 $0xffff, v9;
	(erf) = vpow2.f32 v6;
	v7 =	vunpack.i.u.bf16.f32 v17;
	v6 =	vunpack.i.l.bf16.f32 v19  }
0x101: {  	v9 =	vunpack.i.l.bf16.f32 v17;
	v12 =	vbroadcast v12, $0xF;
	(erf) = vpow2.f32 v15;
	v15 =	vld [tilespmem:s13+$0xFFFFFFF0]  }
0x102: {  	(xrf2) =	vadd.scan.msk.f32 $0xffff, v10;
	v10 =	vmul.f32 v16, v11;
	v16 =	vunpack.i.u.bf16.f32 v23;
	v17 =	vld [tilespmem:s29+$0x0];
	v19 =	vunpack.i.u.bf16.f32 v25  }
0x103: {  	(xrf2) =	vadd.scan.msk.f32 $0xffff, v18;
	v18 =	vunpack.i.l.bf16.f32 v23;
	v23 =	vunpack.i.l.bf16.f32 v25;
	(erf) = vpow2.f32 v12;
	v12 =	vld [tilespmem:s29+$0xFFFFFFE0]  }
0x104: {  	v16 =	vmul.f32 v19, v16;
	v23 =	vmul.f32 v23, v18;
	v18 =	vld [tilespmem:s0+$0x30]  }
0x105: {  	v11 =	vld [tilespmem:s13+$0x0]  }
0x106: {  	v27 =	vld [tilespmem:s13+$0xFFFFFFE0];
	v19 =	vunpack.i.u.bf16.f32 v15;
	v15 =	vunpack.i.l.bf16.f32 v15  }
0x107: {  	v4 =	vunpack.i.u.bf16.f32 v22;
	v25 =	vunpack.i.u.bf16.f32 v26;
	v26 =	vunpack.i.l.bf16.f32 v26  }
0x108: {  	v23 =	vadd.f32 v23, v16;
	v16 =	vpop (erf);
	v28 =	vunpack.i.u.bf16.f32 v12;
	v12 =	vunpack.i.l.bf16.f32 v12  }
0x109: {  	v30 =	vunpack.i.l.bf16.f32 v17;
	v32 =	vunpack.i.u.bf16.f32 v18;
	v29 =	vmul.f32 v12, v15;
	v15 =	vpop (erf)  }
0x10a: {  	(xrf2) =	vadd.scan.msk.f32 $0xffff, v23;
	v12 =	vunpack.i.u.bf16.f32 v11;
	v28 =	vmul.f32 v28, v19;
	v19 =	vunpack.i.u.bf16.f32 v17;
	v33, _, _ =	vpop (xrf2)  }
0x10b: {  	s30 =	simm.s32 $0x6A50;
	v31 =	vld [tilespmem:s29+$0xFFFFFFD0];
	v11 =	vunpack.i.l.bf16.f32 v11;
	v17 =	vpop (erf);
	v23 =	vmul.f32 v19, v12;
	v12 =	vunpack.i.l.bf16.f32 v27  }
0x10c: {  	[tilespmem:s30+$0x38] =	vst v20;
	v11 =	vmul.f32 v30, v11;
	v30 =	vld [tilespmem:s29+$0xFFFFFFF0];
	v27 =	vunpack.i.u.bf16.f32 v27;
	v20, _, _ =	vpop (xrf2);
	v26 =	vmul.f32 v26, v12  }
0x10d: {  	v12 =	vunpack.i.l.bf16.f32 v22;
	v25 =	vmul.f32 v25, v27;
	v28 =	vadd.f32 v29, v28;
	v19 =	vpop (erf)  }
0x10e: {  	v34 =	vld [tilespmem:s29+$0x10];
	[tilespmem:s30+$0x40] =	vst v24;
	v24, _, _ =	vpop (xrf2);
	v23 =	vadd.f32 v11, v23;
	v11 =	vmul.f32 $1.442695020e+00, v33;
	v22 =	vmul.f32 v19, v32  }
0x10f: {  	v20 =	vmul.f32 $1.442695020e+00, v20;
	v24 =	vmul.f32 $1.442695020e+00, v24;
	v25 =	vadd.f32 v26, v25  }
0x110: {  	[tilespmem:s30+$0x28] =	vst v10;
	v10 =	vnsel vm0, $0x0, v19;
	v26 =	vbroadcast v11, $0xF;
	v27 =	vperm.xlane v22, v1  }
0x111: {  	s28 =	simm.s32 $0x6AF0;
	v29 =	vbroadcast v20, $0xF;
	v20 =	vunpack.i.l.bf16.f32 v31;
	(xrf2) =	vadd.scan.msk.f32 $0xffff, v25;
	v11 =	vunpack.i.u.bf16.f32 v30  }
0x112: {  	[tilespmem:s28+$0x38] =	vst v22;
	v25 =	vbroadcast v24, $0xF;
	v24 =	vmul.f32 v15, v13;
	v27 =	vsel vm1, v27, v10  }
0x113: {  	v22 =	vunpack.i.u.bf16.f32 v34;
	(erf) = vpow2.f32 v26;
	[tilespmem:s28+$0x40] =	vst v27;
	v27 =	vmul.f32 v16, v14  }
0x114: {  	v13 =	vunpack.i.l.bf16.f32 v34;
	(xrf2) =	vadd.scan.msk.f32 $0xffff, v28;
	v10 =	vunpack.i.u.bf16.f32 v31;
	(erf) = vpow2.f32 v29;
	v26, _, _ =	vpop (xrf2)  }
0x115: {  	s31 =	simm.s32 $0x8;
	s13 =	simm.s32 $0xAE0;
	s0 =	simm.s32 $0x2B40;
	v14 =	vunpack.i.l.bf16.f32 v30;
	v28 =	vmul.f32 $1.442695020e+00, v26;
	v26 =	vmul.f32 v17, v21;
	[tilespmem:s30+$0xFFFFFFC0] =	vst v27  }
.LBB2_3:
0x116: {  	v29 =	vld [tilespmem:s13+$0x10];
	s29 =	sadd.s32 $0x80, s29;
	v18 =	vunpack.i.l.bf16.f32 v18;
	(erf) = vpow2.f32 v25;
	v25 =	vperm.xlane v27, v1;
	[tilespmem:s30+$0xFFFFFFE8] =	vst v24;
	v21 =	vmovc v4;
	v4 =	vmovc v22  }
0x117: {  	s31 =	sadd.s32 $0x4, s31;
	v24 =	vperm.xlane v24, v1;
	v22 =	vld [tilespmem:s29+$0x20];
	v27 =	vbroadcast v28, $0xF;
	(xrf2) =	vadd.scan.msk.f32 $0xffff, v23;
	v23 =	vnsel vm0, $0x0, v16  }
0x118: {  	v30 =	vnsel vm0, $0x0, v15;
	p1 =	slt.u32 s31, $0xFC;
	v16 =	vmul.f32 v16, v3;
	v3 =	vmovc v6;
	v28 =	vld [tilespmem:s29+$0xFFFFFFC0];
	[tilespmem:s30+$0x10] =	vst v26;
	v26 =	vperm.xlane v26, v1  }
0x119: {  	v6 =	vmovc v20;
	v31 =	vld [tilespmem:s13+$0xFFFFFFF0];
	(erf) = vpow2.f32 v27;
	v27 =	vmul.f32 v15, v2;
	v15 =	vnsel vm0, $0x0, v17;
	v2 =	vmovc v9  }
0x11a: {  	v8 =	vmul.f32 v17, v8;
	v19 =	vmul.f32 v19, v18;
	v32 =	vsel vm1, v25, v23;
	v9 =	vld [tilespmem:s29+$0xFFFFFFE0];
	[tilespmem:s30+$0xFFFFFFB0] =	vst v16  }
0x11b: {  	v18 =	vsel vm1, v24, v30;
	v23 =	vsel vm1, v26, v15;
	v20 =	vld [tilespmem:s13+$0x0];
	v17 =	vunpack.i.u.bf16.f32 v29;
	v25, _, _ =	vpop (xrf2);
	[tilespmem:s30+$0xFFFFFFC8] =	vst v32  }
0x11c: {  	v30 =	vunpack.i.l.bf16.f32 v29;
	v24 =	vld [tilespmem:s29+$0x0];
	v26 =	vunpack.i.u.bf16.f32 v22;
	v22 =	vunpack.i.l.bf16.f32 v22;
	v16 =	vpop (erf);
	[tilespmem:s30+$0xFFFFFFF0] =	vst v18  }
0x11d: {  	v29 =	vunpack.i.u.bf16.f32 v28;
	v22 =	vmul.f32 v22, v30;
	v33 =	vmul.f32 v26, v17;
	v18 =	vld [tilespmem:s0+$0x30];
	v15 =	vpop (erf);
	[tilespmem:s30+$0x18] =	vst v23;
	s0 =	smov.u32 s29  }
0x11e: {  	v26 =	vunpack.i.l.bf16.f32 v28;
	v23 =	vld [tilespmem:s13+$0xFFFFFFE0];
	v28 =	vunpack.i.u.bf16.f32 v31;
	v30 =	vunpack.i.l.bf16.f32 v31;
	v31, _, _ =	vpop (xrf2);
	[tilespmem:s30+$0xFFFFFFD8] =	vst v27  }
0x11f: {  	v27 =	vld [tilespmem:s29+$0xFFFFFFD0];
	v32 =	vunpack.i.u.bf16.f32 v9;
	v35 =	vunpack.i.l.bf16.f32 v9;
	v36 =	vadd.f32 v22, v33;
	v17 =	vpop (erf);
	[tilespmem:s30+$0x0] =	vst v8;
	s30 =	smov.u32 s28  }
0x120: {  	v9 =	vmovc v14;
	v8 =	vmovc v12;
	v30 =	vmul.f32 v35, v30;
	v33 =	vld [tilespmem:s29+$0xFFFFFFF0];
	v34 =	vunpack.i.u.bf16.f32 v20;
	v20 =	vunpack.i.l.bf16.f32 v20;
	[tilespmem:s28+$0x28] =	vst v19  }
0x121: {  	v14 =	vmul.f32 v32, v28;
	v37 =	vunpack.i.u.bf16.f32 v24;
	v32 =	vunpack.i.l.bf16.f32 v24;
	v28 =	vld [tilespmem:s29+$0x10];
	(xrf2) =	vadd.scan.msk.f32 $0xffff, v36;
	v22, _, _ =	vpop (xrf2)  }
0x122: {  	v20 =	vmul.f32 v32, v20;
	v24 =	vmul.f32 v37, v34;
	v35 =	vunpack.i.u.bf16.f32 v18;
	v19 =	vpop (erf)  }
0x123: {  	v12 =	vmovc v13;
	v32 =	vunpack.i.u.bf16.f32 v23;
	v23 =	vunpack.i.l.bf16.f32 v23;
	v34 =	vmul.f32 v19, v35  }
0x124: {  	v13 =	vmul.f32 v26, v23;
	v26 =	vmul.f32 v29, v32;
	v29 =	vadd.f32 v30, v14  }
0x125: {  	v23 =	vadd.f32 v20, v24;
	v14 =	vmul.f32 $1.442695020e+00, v25;
	v20 =	vperm.xlane v34, v1  }
0x126: {  	s28 =	sadd.s32 $0xA0, s28;
	v24 =	vmul.f32 $1.442695020e+00, v31;
	v25 =	vnsel vm0, $0x0, v19;
	v13 =	vadd.f32 v13, v26  }
0x127: {  	v14 =	vbroadcast v14, $0xF;
	v26 =	vmul.f32 $1.442695020e+00, v22;
	[tilespmem:s28+$0x38] =	vst v34;
	v20 =	vsel vm1, v20, v25  }
.Ltmp0:
0x128: {  	v30 =	vunpack.i.u.bf16.f32 v27;
	(xrf2) =	vadd.scan.msk.f32 $0xffff, v13;
	v13 =	vbroadcast v24, $0xF;
	[tilespmem:s28+$0x40] =	vst v20;
	(pc) =	sbr.rel @p1 .LBB2_3-.Ltmp0, $4  }
0x129: {  	v31 =	vunpack.i.u.bf16.f32 v33;
	v22 =	vunpack.i.u.bf16.f32 v28;
	v25 =	vbroadcast v26, $0xF  }
0x12a: {  	v20 =	vunpack.i.l.bf16.f32 v27;
	v27 =	vmul.f32 v16, v5;
	v5 =	vmovc v10;
	v10 =	vmovc v30;
	(erf) = vpow2.f32 v14  }
0x12b: {  	v24 =	vmul.f32 v15, v7;
	v14 =	vunpack.i.l.bf16.f32 v33;
	(xrf2) =	vadd.scan.msk.f32 $0xffff, v29;
	v26, _, _ =	vpop (xrf2);
	(erf) = vpow2.f32 v13  }
0x12c: {  	s13 =	sadd.s32 $0x40, s13;
	v7 =	vmovc v11;
	v11 =	vmovc v31;
	v13 =	vunpack.i.l.bf16.f32 v28;
	v28 =	vmul.f32 $1.442695020e+00, v26;
	[tilespmem:s30+$0xFFFFFFC0] =	vst v27;
	v26 =	vmul.f32 v17, v21  }
0x12d: {  	(xrf2) =	vadd.scan.msk.f32 $0xffff, v23  }
0x12e: {  	v21 =	vbroadcast v28, $0xF  }
0x12f: {  	(erf) = vpow2.f32 v25  }
0x130: {  	(erf) = vpow2.f32 v21  }
0x131: {  	v25 =	vperm.xlane v27, v1;
	v3 =	vmul.f32 v16, v3  }
0x132: {  	v16 =	vnsel vm0, $0x0, v16;
	[tilespmem:s30+$0x10] =	vst v26;
	v26 =	vperm.xlane v26, v1  }
0x133: {  	[tilespmem:s30+$0xFFFFFFB0] =	vst v3;
	v3 =	vsel vm1, v25, v16;
	v16 =	vnsel vm0, $0x0, v17;
	v21, _, _ =	vpop (xrf2)  }
0x134: {  	v23 =	vld [tilespmem:s0+$0x30];
	v2 =	vmul.f32 v15, v2;
	v16 =	vsel vm1, v26, v16;
	v27 =	vpop (erf)  }
0x135: {  	v18 =	vunpack.i.l.bf16.f32 v18;
	[tilespmem:s30+$0xFFFFFFE8] =	vst v24;
	v24 =	vperm.xlane v24, v1;
	v29 =	vpop (erf)  }
0x136: {  	v8 =	vmul.f32 v17, v8;
	v28 =	vnsel vm0, $0x0, v15;
	[tilespmem:s30+$0xFFFFFFD8] =	vst v2;
	v21 =	vmul.f32 $1.442695020e+00, v21;
	v15, _, _ =	vpop (xrf2)  }
0x137: {  	v18 =	vmul.f32 v19, v18;
	[tilespmem:s30+$0x18] =	vst v16;
	v2 =	vmul.f32 $1.442695020e+00, v15;
	v16, _, _ =	vpop (xrf2)  }
0x138: {  	[tilespmem:s30+$0xFFFFFFC8] =	vst v3;
	v3 =	vsel vm1, v24, v28;
	v19 =	vpop (erf);
	v15 =	vmul.f32 $1.442695020e+00, v16;
	v16 =	vbroadcast v21, $0xF  }
0x139: {  	[tilespmem:s30+$0xFFFFFFF0] =	vst v3;
	v3 =	vunpack.i.u.bf16.f32 v23;
	v5 =	vmul.f32 v27, v5;
	v2 =	vbroadcast v2, $0xF;
	v17 =	vpop (erf)  }
0x13a: {  	[tilespmem:s30+$0x0] =	vst v8;
	v3 =	vmul.f32 v17, v3;
	(erf) = vpow2.f32 v16  }
0x13b: {  	[tilespmem:s28+$0x28] =	vst v18;
	(erf) = vpow2.f32 v2;
	v2 =	vmul.f32 v29, v7  }
0x13c: {  	[tilespmem:s28+$0xFFFFFFC0] =	vst v5;
	v8 =	vperm.xlane v3, v1  }
0x13d: {  	s13 =	sadd.s32 $0xA0, s28;
	v18 =	vnsel vm0, $0x0, v17;
	v15 =	vbroadcast v15, $0xF;
	[tilespmem:s28+$0xFFFFFFE8] =	vst v2;
	v2 =	vperm.xlane v2, v1  }
0x13e: {  	v7 =	vnsel vm0, $0x0, v29;
	[tilespmem:s13+$0x38] =	vst v3;
	v3 =	vsel vm1, v8, v18  }
0x13f: {  	(erf) = vpow2.f32 v15;
	[tilespmem:s13+$0x40] =	vst v3;
	v3 =	vmul.f32 v19, v4;
	v2 =	vsel vm1, v2, v7  }
0x140: {  	v4 =	vperm.xlane v5, v1;
	v5 =	vmul.f32 v27, v6;
	[tilespmem:s28+$0xFFFFFFF0] =	vst v2  }
0x141: {  	[tilespmem:s28+$0x10] =	vst v3;
	v3 =	vperm.xlane v3, v1  }
0x142: {  	v6 =	vnsel vm0, $0x0, v27;
	v2 =	vunpack.i.l.bf16.f32 v23;
	[tilespmem:s28+$0xFFFFFFB0] =	vst v5;
	v5 =	vnsel vm0, $0x0, v19  }
0x143: {  	v4 =	vsel vm1, v4, v6;
	v2 =	vmul.f32 v17, v2;
	v3 =	vsel vm1, v3, v5  }
0x144: {  	[tilespmem:s28+$0xFFFFFFC8] =	vst v4;
	v4 =	vmul.f32 v29, v9  }
0x145: {  	v5 =	vmul.f32 v19, v12;
	[tilespmem:s13+$0x28] =	vst v2  }
0x146: {  	[tilespmem:s28+$0x18] =	vst v3;
	v3 =	vpop (erf)  }
0x147: {  	[tilespmem:s28+$0x0] =	vst v5;
	v5 =	vmul.f32 v3, v10  }
0x148: {  	[tilespmem:s28+$0xFFFFFFD8] =	vst v4;
	v4 =	vpop (erf);
	v8 =	vmul.f32 v3, v20  }
0x149: {  	v6 =	vpop (erf);
	v2 =	vmul.f32 v4, v11;
	[tilespmem:s13+$0xFFFFFFC0] =	vst v5  }
0x14a: {  	v7 =	vmul.f32 v6, v22;
	v5 =	vperm.xlane v5, v1;
	[tilespmem:s13+$0xFFFFFFB0] =	vst v8  }
0x14b: {  	v3 =	vnsel vm0, $0x0, v3;
	[tilespmem:s13+$0xFFFFFFE8] =	vst v2;
	v2 =	vperm.xlane v2, v1  }
0x14c: {  	v9 =	vnsel vm0, $0x0, v4;
	[tilespmem:s13+$0x10] =	vst v7;
	v7 =	vperm.xlane v7, v1;
	v3 =	vsel vm1, v5, v3  }
0x14d: {  	v5 =	vnsel vm0, $0x0, v6;
	[tilespmem:s13+$0xFFFFFFC8] =	vst v3;
	v2 =	vsel vm1, v2, v9  }
0x14e: {  	v3 =	vmul.f32 v4, v14;
	v4 =	vsel vm1, v7, v5;
	[tilespmem:s13+$0xFFFFFFF0] =	vst v2  }
0x14f: {  	v2 =	vmul.f32 v6, v13;
	[tilespmem:s13+$0x18] =	vst v4  }
0x150: {  	[tilespmem:s13+$0xFFFFFFD8] =	vst v3  }
0x151: {  	s0 =	simm.s32 $0x800;
	[tilespmem:s13+$0x0] =	vst v2;
	s13 =	simm.s32 $0x6A00  }
0x152: {  	[spmem:s4] =	stream.indirect.scatter.add.f32 [tilespmem:s13], [sflag:$0x7], $0x28, s0, s20, $0xb8;
	[tilespmem:$0x1AF00] =	vst v63  }
0x153: {  	s0 =	simm.s32 $0x900;
	s13 =	simm.s32 $0x7E00  }
0x154: {  	[spmem:s4] =	stream.indirect.scatter.add.f32 [tilespmem:s13], [sflag:$0x7], $0x28, s0, s20, $0xb8;
	[tilespmem:$0x1AF00] =	vst v63  }
0x155: {  	_ =	swait.ge [sflag:s23], $0x80  }
0x156: {  	[sflag:s23] =	ssyncset.done $0x0  }
0x157: {  	[sflag:s23] =	ssyncadd.s32 $0xFFFFFF80  }
0x158: {  	_ =	swait.ge [sflag:s23], $0x80  }
0x159: {  	[sflag:s23] =	ssyncset.done $0x0  }
0x15a: {  	[sflag:s23] =	ssyncadd.s32 $0xFFFFFF80  }
0x15b: {  	_ =	swait.ge [sflag:s23], $0x80  }
0x15c: {  	[sflag:s23] =	ssyncset.done $0x0  }
0x15d: {  	[sflag:s23] =	ssyncadd.s32 $0xFFFFFF80  }
0x15e: {  	_ =	swait.ge [sflag:s23], $0x80  }
0x15f: {  	[sflag:s23] =	ssyncset.done $0x0  }
0x160: {  	[sflag:s23] =	ssyncadd.s32 $0xFFFFFF80  }
0x161: {  	v2 =	vld [tilespmem:$0x200]  }
0x162: {  	v3 =	vld [tilespmem:$0x0]  }
0x163: {  	v4 =	vld [tilespmem:$0x210]  }
0x164: {  	v5 =	vld [tilespmem:$0x10]  }
0x165: {  	v6 =	vld [tilespmem:$0x220]  }
0x166: {  	v7 =	vld [tilespmem:$0x20];
	v2 =	vadd.s32 v0, v2  }
0x167: {  	[tilespmem:$0x400] =	vst v2;
	v2 =	vadd.s32 v0, v3;
	v3 =	vld [tilespmem:$0x230]  }
0x168: {  	[tilespmem:$0x600] =	vst v2;
	v2 =	vadd.s32 v0, v4;
	v4 =	vld [tilespmem:$0x30]  }
0x169: {  	[tilespmem:$0x410] =	vst v2;
	v2 =	vadd.s32 v0, v5;
	v5 =	vld [tilespmem:$0x240]  }
0x16a: {  	[tilespmem:$0x610] =	vst v2;
	v2 =	vadd.s32 v0, v6;
	v6 =	vld [tilespmem:$0x40]  }
0x16b: {  	[tilespmem:$0x420] =	vst v2;
	v2 =	vadd.s32 v0, v7;
	v7 =	vld [tilespmem:$0x250]  }
0x16c: {  	[tilespmem:$0x620] =	vst v2;
	v2 =	vadd.s32 v0, v3;
	v3 =	vld [tilespmem:$0x50]  }
0x16d: {  	[tilespmem:$0x430] =	vst v2;
	v2 =	vadd.s32 v0, v4;
	v4 =	vld [tilespmem:$0x260]  }
0x16e: {  	[tilespmem:$0x630] =	vst v2;
	v2 =	vadd.s32 v0, v5;
	v5 =	vld [tilespmem:$0x60]  }
0x16f: {  	[tilespmem:$0x440] =	vst v2;
	v2 =	vadd.s32 v0, v6;
	v6 =	vld [tilespmem:$0x270]  }
0x170: {  	[tilespmem:$0x640] =	vst v2;
	v2 =	vadd.s32 v0, v7;
	v7 =	vld [tilespmem:$0x70]  }
0x171: {  	[tilespmem:$0x450] =	vst v2;
	v2 =	vadd.s32 v0, v3;
	v3 =	vld [tilespmem:$0x280]  }
0x172: {  	[tilespmem:$0x650] =	vst v2;
	v2 =	vadd.s32 v0, v4;
	v4 =	vld [tilespmem:$0x80]  }
0x173: {  	[tilespmem:$0x460] =	vst v2;
	v2 =	vadd.s32 v0, v5;
	v5 =	vld [tilespmem:$0x290]  }
0x174: {  	[tilespmem:$0x660] =	vst v2;
	v2 =	vadd.s32 v0, v6;
	v6 =	vld [tilespmem:$0x90]  }
0x175: {  	[tilespmem:$0x470] =	vst v2;
	v2 =	vadd.s32 v0, v7;
	v7 =	vld [tilespmem:$0x2A0]  }
0x176: {  	[tilespmem:$0x670] =	vst v2;
	v2 =	vadd.s32 v0, v3;
	v3 =	vld [tilespmem:$0xA0]  }
0x177: {  	[tilespmem:$0x500] =	vst v2;
	v2 =	vadd.s32 v0, v4;
	v4 =	vld [tilespmem:$0x2B0]  }
0x178: {  	[tilespmem:$0x700] =	vst v2;
	v2 =	vadd.s32 v0, v5;
	v5 =	vld [tilespmem:$0xB0]  }
0x179: {  	[tilespmem:$0x510] =	vst v2;
	v2 =	vadd.s32 v0, v6;
	v6 =	vld [tilespmem:$0x2C0]  }
0x17a: {  	[tilespmem:$0x710] =	vst v2;
	v2 =	vadd.s32 v0, v7;
	v7 =	vld [tilespmem:$0xC0]  }
0x17b: {  	[tilespmem:$0x520] =	vst v2;
	v2 =	vadd.s32 v0, v3;
	v3 =	vld [tilespmem:$0x2D0]  }
0x17c: {  	[tilespmem:$0x720] =	vst v2;
	v2 =	vadd.s32 v0, v4;
	v4 =	vld [tilespmem:$0xD0]  }
0x17d: {  	[tilespmem:$0x530] =	vst v2;
	v2 =	vadd.s32 v0, v5;
	v5 =	vld [tilespmem:$0x2E0]  }
0x17e: {  	[tilespmem:$0x730] =	vst v2;
	v2 =	vadd.s32 v0, v6;
	v6 =	vld [tilespmem:$0xE0]  }
0x17f: {  	[tilespmem:$0x540] =	vst v2;
	v2 =	vadd.s32 v0, v7;
	v7 =	vld [tilespmem:$0x2F0]  }
0x180: {  	[tilespmem:$0x740] =	vst v2;
	v2 =	vadd.s32 v0, v3;
	v3 =	vld [tilespmem:$0xF0]  }
0x181: {  	[tilespmem:$0x550] =	vst v2;
	v2 =	vadd.s32 v0, v4  }
0x182: {  	[tilespmem:$0x750] =	vst v2;
	v2 =	vadd.s32 v0, v5  }
0x183: {  	[tilespmem:$0x560] =	vst v2;
	v2 =	vadd.s32 v0, v6  }
0x184: {  	[tilespmem:$0x760] =	vst v2;
	v2 =	vadd.s32 v0, v7  }
0x185: {  	[tilespmem:$0x570] =	vst v2;
	v2 =	vadd.s32 v0, v3  }
0x186: {  	s0 =	simm.s32 $0x400;
	s13 =	simm.s32 $0xA00;
	[tilespmem:$0x770] =	vst v2  }
0x187: {  	[tilespmem:s13], [sflag:$0x3] =	stream.indirect.gather [hbm4b:s6+s20], $0x10, s0, s20, $0xb8;
	[tilespmem:$0x1AF00] =	vst v63  }
0x188: {  	s0 =	simm.s32 $0x500;
	s13 =	simm.s32 $0x1200  }
0x189: {  	[tilespmem:s13], [sflag:$0x3] =	stream.indirect.gather [hbm4b:s6+s20], $0x10, s0, s20, $0xb8;
	[tilespmem:$0x1AF00] =	vst v63  }
0x18a: {  	s0 =	simm.s32 $0x600;
	s13 =	simm.s32 $0x2A00  }
0x18b: {  	[tilespmem:s13], [sflag:$0x5] =	stream.indirect.gather [hbm4b:s1+s20], $0x20, s0, s20, $0xb8;
	[tilespmem:$0x1AF00] =	vst v63  }
0x18c: {  	s0 =	simm.s32 $0x700;
	s13 =	simm.s32 $0x3A00  }
0x18d: {  	[tilespmem:s13], [sflag:$0x5] =	stream.indirect.gather [hbm4b:s1+s20], $0x20, s0, s20, $0xb8;
	[tilespmem:$0x1AF00] =	vst v63  }
0x18e: {  	s0 =	simm.s32 @!p0 $0x8  }
0x18f: {  	_ =	swait.ge @!p0 [sflag:s0], $0x1400  }
0x190: {  	[sflag:s0] =	ssyncset.done @!p0 $0x0  }
0x191: {  	[sflag:s0] =	ssyncadd.s32 @!p0 $0xFFFFEC00  }
0x192: {  	_ =	swait.ge @!p0 [sflag:s0], $0x1400  }
0x193: {  	[sflag:s0] =	ssyncset.done @!p0 $0x0  }
0x194: {  	s13 =	stileid.u32;
	[sflag:s0] =	ssyncadd.s32 @!p0 $0xFFFFEC00  }
0x195: {  	s0 =	sor.u32 s26, s13;
	v2 =	vld [tilespmem:$0x300]  }
0x196: {  	v3 =	vld [tilespmem:$0x310];
	s0 =	sshll.u32 s0, $0x8  }
0x197: {  	v4 =	vld [tilespmem:$0x320];
	s13 =	sor.u32 $0x1000, s0  }
0x198: {  	v5 =	vld [tilespmem:$0x330];
	p3 =	slt.u32 s13, $0x61A80;
	s13 =	sor.u32 $0x1010, s0  }
0x199: {  	v6 =	vld [tilespmem:$0x340];
	p4 =	slt.u32 s13, $0x61A80;
	s13 =	sor.u32 $0x1020, s0  }
0x19a: {  	v7 =	vld [tilespmem:$0x350];
	p5 =	slt.u32 s13, $0x61A80;
	s13 =	sor.u32 $0x1030, s0;
	v2 =	vpsel !p3, $0x61F8, v2  }
0x19b: {  	p6 =	slt.u32 s13, $0x61A80;
	s13 =	sor.u32 $0x1040, s0;
	[tilespmem:$0x880] =	vst v2;
	v2 =	vpsel !p4, $0x61F8, v3;
	v3 =	vld [tilespmem:$0x360]  }
0x19c: {  	p1 =	slt.u32 s13, $0x61A80;
	s13 =	sor.u32 $0x1050, s0;
	[tilespmem:$0x890] =	vst v2;
	v2 =	vpsel !p5, $0x61F8, v4;
	v4 =	vld [tilespmem:$0x370]  }
0x19d: {  	p2 =	slt.u32 s13, $0x61A80;
	s13 =	sor.u32 $0x1060, s0;
	[tilespmem:$0x8A0] =	vst v2;
	v2 =	vpsel !p6, $0x61F8, v5;
	v5 =	vld [tilespmem:$0x380]  }
0x19e: {  	p3 =	slt.u32 s13, $0x61A80;
	s13 =	sor.u32 $0x1070, s0;
	[tilespmem:$0x8B0] =	vst v2;
	v2 =	vpsel !p1, $0x61F8, v6;
	v6 =	vld [tilespmem:$0x390]  }
0x19f: {  	p4 =	slt.u32 s13, $0x61A80;
	s13 =	sor.u32 $0x1080, s0;
	[tilespmem:$0x8C0] =	vst v2;
	v2 =	vpsel !p2, $0x61F8, v7;
	v7 =	vld [tilespmem:$0x3A0]  }
0x1a0: {  	p5 =	slt.u32 s13, $0x61A80;
	s13 =	sor.u32 $0x1090, s0;
	[tilespmem:$0x8D0] =	vst v2;
	v2 =	vpsel !p3, $0x61F8, v3;
	v3 =	vld [tilespmem:$0x3B0]  }
0x1a1: {  	p6 =	slt.u32 s13, $0x61A80;
	s13 =	sor.u32 $0x10A0, s0;
	[tilespmem:$0x8E0] =	vst v2;
	v2 =	vpsel !p4, $0x61F8, v4;
	v4 =	vld [tilespmem:$0x3C0]  }
0x1a2: {  	p1 =	slt.u32 s13, $0x61A80;
	s13 =	sor.u32 $0x10B0, s0;
	[tilespmem:$0x8F0] =	vst v2;
	v2 =	vpsel !p5, $0x61F8, v5;
	v5 =	vld [tilespmem:$0x3D0]  }
0x1a3: {  	p2 =	slt.u32 s13, $0x61A80;
	s13 =	sor.u32 $0x10C0, s0;
	[tilespmem:$0x980] =	vst v2;
	v2 =	vpsel !p6, $0x61F8, v6;
	v6 =	vld [tilespmem:$0x3E0]  }
0x1a4: {  	p3 =	slt.u32 s13, $0x61A80;
	s13 =	sor.u32 $0x10D0, s0;
	[tilespmem:$0x990] =	vst v2;
	v2 =	vpsel !p1, $0x61F8, v7;
	v7 =	vld [tilespmem:$0x3F0]  }
0x1a5: {  	s26 =	sadd.s32 s18, s26;
	p4 =	slt.u32 s13, $0x61A80;
	s13 =	sor.u32 $0x10E0, s0;
	[tilespmem:$0x9A0] =	vst v2;
	v2 =	vpsel !p2, $0x61F8, v3  }
0x1a6: {  	p5 =	slt.u32 s13, $0x61A80;
	s13 =	smin.u32 s26, $0x61A;
	[tilespmem:$0x9B0] =	vst v2;
	v2 =	vpsel !p3, $0x61F8, v4  }
0x1a7: {  	s0 =	sor.u32 $0x10F0, s0;
	s26 =	sshll.u32 s13, $0x8;
	[tilespmem:$0x9C0] =	vst v2;
	v2 =	vpsel !p4, $0x61F8, v5  }
0x1a8: {  	p6 =	slt.u32 s0, $0x61A80;
	s0 =	sor.u32 $0x80, s26;
	[tilespmem:$0x9D0] =	vst v2;
	v2 =	vpsel !p5, $0x61F8, v6  }
0x1a9: {  	s13 =	sshll.u32 s13, $0x5;
	s0 =	smin.u32 s0, $0x61A00;
	[tilespmem:$0x9E0] =	vst v2;
	v2 =	vpsel !p6, $0x61F8, v7  }
0x1aa: {  	s28 =	simm.s32 $0x100;
	s26 =	sadd.s32 s7, s13;
	s0 =	sshrl.u32 s0, $0x3;
	[tilespmem:$0x9F0] =	vst v2  }
0x1ab: {  	[tilespmem:s28], [sflag:$0x2] =	stream.linear.gather [hbm4b:s26+s5], $0x80, $0x38;
	[tilespmem:$0x1AF00] =	vst v63  }
0x1ac: {  	s26 =	sadd.s32 s7, s0  }
0x1ad: {  	[tilespmem:s15], [sflag:$0x2] =	stream.linear.gather [hbm4b:s26+s5], $0x80, $0x38;
	[tilespmem:$0x1AF00] =	vst v63  }
0x1ae: {  	s13 =	sadd.s32 s8, s13  }
0x1af: {  	[tilespmem:s12], [sflag:$0x2] =	stream.linear.gather [hbm4b:s13+s5], $0x80, $0x38;
	[tilespmem:$0x1AF00] =	vst v63  }
0x1b0: {  	s0 =	sadd.s32 s8, s0  }
0x1b1: {  	[tilespmem:s14], [sflag:$0x2] =	stream.linear.gather [hbm4b:s0+s5], $0x80, $0x38;
	[tilespmem:$0x1AF00] =	vst v63  }
0x1b2: {  	_ =	swait.ge [sflag:s22], $0x800  }
0x1b3: {  	[sflag:s22] =	ssyncset.done $0x0  }
0x1b4: {  	[sflag:s22] =	ssyncadd.s32 $0xFFFFF800  }
0x1b5: {  	_ =	swait.ge [sflag:s22], $0x800  }
0x1b6: {  	[sflag:s22] =	ssyncset.done $0x0  }
0x1b7: {  	[sflag:s22] =	ssyncadd.s32 $0xFFFFF800  }
0x1b8: {  	_ =	swait.ge [sflag:s24], $0x1000  }
0x1b9: {  	[sflag:s24] =	ssyncset.done $0x0  }
0x1ba: {  	[sflag:s24] =	ssyncadd.s32 $0xFFFFF000  }
0x1bb: {  	_ =	swait.ge [sflag:s24], $0x1000  }
0x1bc: {  	[sflag:s24] =	ssyncset.done $0x0  }
0x1bd: {  	s26 =	simm.s32 $0x1A20;
	[sflag:s24] =	ssyncadd.s32 $0xFFFFF000  }
0x1be: {  	s13 =	simm.s32 $0x4A40;
	v2 =	vld [tilespmem:s26+$0x10]  }
0x1bf: {  	v3 =	vld [tilespmem:s13+$0x20];
	_ =	sdelay $0x3  }
0x1c0: {  	v4 =	vunpack.i.u.bf16.f32 v2  }
0x1c1: {  	v2 =	vunpack.i.l.bf16.f32 v2;
	v5 =	vunpack.i.u.bf16.f32 v3;
	v3 =	vunpack.i.l.bf16.f32 v3  }
0x1c2: {  	v2 =	vmul.f32 v3, v2;
	v3 =	vmul.f32 v5, v4;
	_ =	sdelay $0x1  }
0x1c3: {  	v7 =	vld [tilespmem:s13+$0x0];
	v2 =	vadd.f32 v2, v3  }
0x1c4: {  	v4 =	vld [tilespmem:s13+$0xFFFFFFE0]  }
0x1c5: {  	v3 =	vld [tilespmem:s13+$0xFFFFFFC0];
	(xrf2) =	vadd.scan.msk.f32 $0xffff, v2  }
0x1c6: {  	v2 =	vld [tilespmem:s26+$0xFFFFFFF0]  }
0x1c7: {  	v6 =	vld [tilespmem:s26+$0xFFFFFFE0];
	_ =	sdelay $0x1  }
0x1c8: {  	v13 =	vunpack.i.u.bf16.f32 v7;
	v5 =	vld [tilespmem:s26+$0x0]  }
0x1c9: {  	v7 =	vunpack.i.l.bf16.f32 v7;
	v10 =	vunpack.i.l.bf16.f32 v4;
	v4 =	vunpack.i.u.bf16.f32 v4  }
0x1ca: {  	s0 =	simm.s32 $0x4AC0;
	v8 =	vunpack.i.u.bf16.f32 v3;
	v3 =	vunpack.i.l.bf16.f32 v3;
	v9 =	vunpack.i.u.bf16.f32 v2  }
0x1cb: {  	v12 =	vld [tilespmem:s0+$0x20];
	s26 =	simm.s32 $0x1A60;
	v4 =	vmul.f32 v4, v9;
	v9 =	vunpack.i.l.bf16.f32 v6;
	v6 =	vunpack.i.u.bf16.f32 v6  }
0x1cc: {  	v11 =	vld [tilespmem:s26+$0x10];
	v2 =	vunpack.i.l.bf16.f32 v2;
	v3 =	vmul.f32 v3, v9;
	v6 =	vmul.f32 v8, v6  }
0x1cd: {  	v15 =	vld [tilespmem:s13+$0xFFFFFFD0];
	v2 =	vmul.f32 v10, v2;
	v10 =	vunpack.i.u.bf16.f32 v5;
	v5 =	vunpack.i.l.bf16.f32 v5  }
0x1ce: {  	v16 =	vld [tilespmem:s0+$0xFFFFFFC0];
	v5 =	vmul.f32 v7, v5;
	v7 =	vmul.f32 v13, v10;
	v3 =	vadd.f32 v3, v6;
	v9, _, _ =	vpop (xrf2)  }
0x1cf: {  	v10 =	vld [tilespmem:s13+$0x10];
	v2 =	vadd.f32 v2, v4;
	v8 =	vmul.f32 $1.442695020e+00, v9  }
0x1d0: {  	v13 =	vunpack.i.u.bf16.f32 v12;
	v12 =	vunpack.i.l.bf16.f32 v12;
	v4 =	vld [tilespmem:s26+$0xFFFFFFF0];
	v5 =	vadd.f32 v5, v7;
	(xrf2) =	vadd.scan.msk.f32 $0xffff, v3  }
0x1d1: {  	v9 =	vld [tilespmem:s13+$0xFFFFFFF0];
	(xrf2) =	vadd.scan.msk.f32 $0xffff, v2;
	v6 =	vbroadcast v8, $0xF;
	v8 =	vunpack.i.u.bf16.f32 v11;
	v11 =	vunpack.i.l.bf16.f32 v11  }
0x1d2: {  	(xrf2) =	vadd.scan.msk.f32 $0xffff, v5;
	v5 =	vld [tilespmem:s0+$0x0];
	v11 =	vmul.f32 v12, v11  }
0x1d3: {  	v8 =	vmul.f32 v13, v8;
	(erf) = vpow2.f32 v6;
	v6 =	vld [tilespmem:s0+$0xFFFFFFE0]  }
0x1d4: {  	v14 =	vunpack.i.u.bf16.f32 v15  }
0x1d5: {  	v7 =	vld [tilespmem:s26+$0x0];
	v3 =	vunpack.i.l.bf16.f32 v15;
	v21 =	vunpack.i.u.bf16.f32 v10;
	v2 =	vadd.f32 v11, v8  }
0x1d6: {  	v15 =	vunpack.i.l.bf16.f32 v4;
	v4 =	vunpack.i.u.bf16.f32 v4;
	v12 =	vunpack.i.l.bf16.f32 v16;
	v11 =	vld [tilespmem:s13+$0x30]  }
0x1d7: {  	v13 =	vunpack.i.u.bf16.f32 v9;
	v8 =	vunpack.i.l.bf16.f32 v10;
	v10 =	vld [tilespmem:s26+$0xFFFFFFE0];
	(xrf2) =	vadd.scan.msk.f32 $0xffff, v2;
	v2 =	vunpack.i.l.bf16.f32 v9  }
0x1d8: {  	v9 =	vunpack.i.u.bf16.f32 v16;
	v17 =	vunpack.i.l.bf16.f32 v5;
	v16 =	vunpack.i.l.bf16.f32 v6  }
0x1d9: {  	v5 =	vunpack.i.u.bf16.f32 v5;
	v6 =	vunpack.i.u.bf16.f32 v6;
	v15 =	vmul.f32 v16, v15  }
0x1da: {  	v16 =	vunpack.i.u.bf16.f32 v7;
	v7 =	vunpack.i.l.bf16.f32 v7;
	v4 =	vmul.f32 v6, v4  }
0x1db: {  	v6 =	vmul.f32 v17, v7;
	v5 =	vmul.f32 v5, v16  }
0x1dc: {  	v18, _, _ =	vpop (xrf2);
	v7 =	vunpack.i.u.bf16.f32 v11;
	v17 =	vunpack.i.l.bf16.f32 v10;
	v10 =	vunpack.i.u.bf16.f32 v10  }
0x1dd: {  	v9 =	vmul.f32 v9, v10;
	v10 =	vadd.f32 v15, v4;
	v4 =	vmul.f32 $1.442695020e+00, v18;
	v16 =	vpop (erf)  }
0x1de: {  	v19 =	vld [tilespmem:s0+$0xFFFFFFD0];
	v20 =	vmul.f32 v16, v7  }
0x1df: {  	s28 =	simm.s32 $0x4B40;
	v11 =	vunpack.i.l.bf16.f32 v11;
	v7 =	vmul.f32 v12, v17;
	v12, _, _ =	vpop (xrf2);
	v17 =	vld [tilespmem:s0+$0xFFFFFFF0];
	v4 =	vbroadcast v4, $0xF  }
0x1e0: {  	v25 =	vld [tilespmem:s28+$0x20];
	s26 =	simm.s32 $0x1AA0;
	v18 =	vadd.f32 v6, v5;
	v15, _, _ =	vpop (xrf2);
	v6 =	vmul.f32 $1.442695020e+00, v12;
	v5 =	vperm.xlane v20, v1  }
0x1e1: {  	v23 =	vld [tilespmem:s26+$0x10];
	v9 =	vadd.f32 v7, v9;
	v7 =	vmul.f32 $1.442695020e+00, v15;
	(erf) = vpow2.f32 v4;
	v12, _, _ =	vpop (xrf2)  }
0x1e2: {  	v15 =	vnsel vm0, $0x0, v16;
	v6 =	vbroadcast v6, $0xF;
	v12 =	vmul.f32 $1.442695020e+00, v12  }
0x1e3: {  	v22 =	vld [tilespmem:s0+$0x10];
	v24 =	vsel vm1, v5, v15;
	v15 =	vbroadcast v7, $0xF;
	v5 =	vunpack.i.u.bf16.f32 v19  }
0x1e4: {  	v26 =	vld [tilespmem:s28+$0xFFFFFFC0];
	(xrf2) =	vadd.scan.msk.f32 $0xffff, v9;
	(erf) = vpow2.f32 v6;
	v7 =	vunpack.i.u.bf16.f32 v17;
	v6 =	vunpack.i.l.bf16.f32 v19  }
0x1e5: {  	v9 =	vunpack.i.l.bf16.f32 v17;
	v12 =	vbroadcast v12, $0xF;
	(erf) = vpow2.f32 v15;
	v15 =	vld [tilespmem:s26+$0xFFFFFFF0]  }
0x1e6: {  	(xrf2) =	vadd.scan.msk.f32 $0xffff, v10;
	v10 =	vmul.f32 v16, v11;
	v16 =	vunpack.i.u.bf16.f32 v23;
	v17 =	vld [tilespmem:s28+$0x0];
	v19 =	vunpack.i.u.bf16.f32 v25  }
0x1e7: {  	(xrf2) =	vadd.scan.msk.f32 $0xffff, v18;
	v18 =	vunpack.i.l.bf16.f32 v23;
	v23 =	vunpack.i.l.bf16.f32 v25;
	(erf) = vpow2.f32 v12;
	v12 =	vld [tilespmem:s28+$0xFFFFFFE0]  }
0x1e8: {  	v16 =	vmul.f32 v19, v16;
	v23 =	vmul.f32 v23, v18;
	v18 =	vld [tilespmem:s0+$0x30]  }
0x1e9: {  	v11 =	vld [tilespmem:s26+$0x0]  }
0x1ea: {  	v27 =	vld [tilespmem:s26+$0xFFFFFFE0];
	v19 =	vunpack.i.u.bf16.f32 v15;
	v15 =	vunpack.i.l.bf16.f32 v15  }
0x1eb: {  	v4 =	vunpack.i.u.bf16.f32 v22;
	v25 =	vunpack.i.u.bf16.f32 v26;
	v26 =	vunpack.i.l.bf16.f32 v26  }
0x1ec: {  	v23 =	vadd.f32 v23, v16;
	v16 =	vpop (erf);
	v28 =	vunpack.i.u.bf16.f32 v12;
	v12 =	vunpack.i.l.bf16.f32 v12  }
0x1ed: {  	v30 =	vunpack.i.l.bf16.f32 v17;
	v32 =	vunpack.i.u.bf16.f32 v18;
	v29 =	vmul.f32 v12, v15;
	v15 =	vpop (erf)  }
0x1ee: {  	(xrf2) =	vadd.scan.msk.f32 $0xffff, v23;
	v12 =	vunpack.i.u.bf16.f32 v11;
	v28 =	vmul.f32 v28, v19;
	v19 =	vunpack.i.u.bf16.f32 v17;
	v33, _, _ =	vpop (xrf2)  }
0x1ef: {  	s29 =	simm.s32 $0x9250;
	v11 =	vunpack.i.l.bf16.f32 v11;
	v17 =	vpop (erf);
	v23 =	vmul.f32 v19, v12;
	v12 =	vunpack.i.l.bf16.f32 v27  }
0x1f0: {  	v31 =	vld [tilespmem:s28+$0xFFFFFFD0];
	[tilespmem:s29+$0x38] =	vst v20;
	v11 =	vmul.f32 v30, v11;
	v27 =	vunpack.i.u.bf16.f32 v27;
	v20, _, _ =	vpop (xrf2);
	v26 =	vmul.f32 v26, v12  }
0x1f1: {  	v30 =	vld [tilespmem:s28+$0xFFFFFFF0];
	v12 =	vunpack.i.l.bf16.f32 v22;
	v25 =	vmul.f32 v25, v27;
	v28 =	vadd.f32 v29, v28;
	v19 =	vpop (erf)  }
0x1f2: {  	v34 =	vld [tilespmem:s28+$0x10];
	[tilespmem:s29+$0x40] =	vst v24;
	v24, _, _ =	vpop (xrf2);
	v20 =	vmul.f32 $1.442695020e+00, v20;
	v23 =	vadd.f32 v11, v23;
	v22 =	vmul.f32 v19, v32  }
0x1f3: {  	v11 =	vmul.f32 $1.442695020e+00, v33;
	v24 =	vmul.f32 $1.442695020e+00, v24;
	v25 =	vadd.f32 v26, v25  }
0x1f4: {  	[tilespmem:s29+$0x28] =	vst v10;
	v10 =	vnsel vm0, $0x0, v19;
	v63 =	vbroadcast v20, $0xF;
	v27 =	vperm.xlane v22, v1  }
0x1f5: {  	s26 =	simm.s32 $0x92F0;
	v20 =	vunpack.i.l.bf16.f32 v31;
	v29 =	vbroadcast v11, $0xF;
	v26 =	vbroadcast v24, $0xF;
	(xrf2) =	vadd.scan.msk.f32 $0xffff, v25  }
0x1f6: {  	[tilespmem:s26+$0x38] =	vst v22;
	v11 =	vunpack.i.u.bf16.f32 v30;
	v25 =	vmul.f32 v15, v13;
	v27 =	vsel vm1, v27, v10  }
0x1f7: {  	v22 =	vunpack.i.u.bf16.f32 v34;
	(erf) = vpow2.f32 v29;
	[tilespmem:s26+$0x40] =	vst v27;
	v27 =	vmul.f32 v16, v14  }
0x1f8: {  	v13 =	vunpack.i.l.bf16.f32 v34;
	(xrf2) =	vadd.scan.msk.f32 $0xffff, v28;
	v24, _, _ =	vpop (xrf2);
	v10 =	vunpack.i.u.bf16.f32 v31;
	(erf) = vpow2.f32 v63  }
0x1f9: {  	s31 =	simm.s32 $0x4B40;
	s30 =	simm.s32 $0x8;
	s0 =	simm.s32 $0x1AE0;
	v28 =	vmul.f32 $1.442695020e+00, v24;
	v24 =	vmul.f32 v17, v21;
	v14 =	vunpack.i.l.bf16.f32 v30;
	[tilespmem:s29+$0xFFFFFFC0] =	vst v27  }
.LBB2_5:
0x1fa: {  	v29 =	vld [tilespmem:s0+$0x10];
	s28 =	sadd.s32 $0x80, s28;
	v18 =	vunpack.i.l.bf16.f32 v18;
	(erf) = vpow2.f32 v26;
	v26 =	vperm.xlane v27, v1;
	[tilespmem:s29+$0xFFFFFFE8] =	vst v25;
	v21 =	vmovc v4;
	v4 =	vmovc v22  }
0x1fb: {  	s30 =	sadd.s32 $0x4, s30;
	v25 =	vperm.xlane v25, v1;
	v22 =	vld [tilespmem:s28+$0x20];
	v27 =	vbroadcast v28, $0xF;
	(xrf2) =	vadd.scan.msk.f32 $0xffff, v23;
	v23 =	vnsel vm0, $0x0, v16  }
0x1fc: {  	v30 =	vnsel vm0, $0x0, v15;
	p0 =	slt.u32 s30, $0xFC;
	v16 =	vmul.f32 v16, v3;
	v3 =	vmovc v6;
	v28 =	vld [tilespmem:s28+$0xFFFFFFC0];
	[tilespmem:s29+$0x10] =	vst v24;
	v24 =	vperm.xlane v24, v1  }
0x1fd: {  	v6 =	vmovc v20;
	v31 =	vld [tilespmem:s0+$0xFFFFFFF0];
	(erf) = vpow2.f32 v27;
	v27 =	vmul.f32 v15, v2;
	v15 =	vnsel vm0, $0x0, v17;
	v2 =	vmovc v9  }
0x1fe: {  	v8 =	vmul.f32 v17, v8;
	v19 =	vmul.f32 v19, v18;
	v32 =	vsel vm1, v26, v23;
	v9 =	vld [tilespmem:s28+$0xFFFFFFE0];
	[tilespmem:s29+$0xFFFFFFB0] =	vst v16  }
0x1ff: {  	v18 =	vsel vm1, v25, v30;
	v23 =	vsel vm1, v24, v15;
	v20 =	vld [tilespmem:s0+$0x0];
	v17 =	vunpack.i.u.bf16.f32 v29;
	v26, _, _ =	vpop (xrf2);
	[tilespmem:s29+$0xFFFFFFC8] =	vst v32  }
0x200: {  	v30 =	vunpack.i.l.bf16.f32 v29;
	v24 =	vld [tilespmem:s28+$0x0];
	v25 =	vunpack.i.u.bf16.f32 v22;
	v22 =	vunpack.i.l.bf16.f32 v22;
	v16 =	vpop (erf);
	[tilespmem:s29+$0xFFFFFFF0] =	vst v18  }
0x201: {  	v29 =	vunpack.i.u.bf16.f32 v28;
	v22 =	vmul.f32 v22, v30;
	v33 =	vmul.f32 v25, v17;
	v18 =	vld [tilespmem:s31+$0x30];
	v15 =	vpop (erf);
	[tilespmem:s29+$0x18] =	vst v23;
	s31 =	smov.u32 s28  }
0x202: {  	v25 =	vunpack.i.l.bf16.f32 v28;
	v23 =	vld [tilespmem:s0+$0xFFFFFFE0];
	v28 =	vunpack.i.u.bf16.f32 v31;
	v30 =	vunpack.i.l.bf16.f32 v31;
	v31, _, _ =	vpop (xrf2);
	[tilespmem:s29+$0xFFFFFFD8] =	vst v27  }
0x203: {  	v27 =	vld [tilespmem:s28+$0xFFFFFFD0];
	v32 =	vunpack.i.u.bf16.f32 v9;
	v35 =	vunpack.i.l.bf16.f32 v9;
	v36 =	vadd.f32 v22, v33;
	v17 =	vpop (erf);
	[tilespmem:s29+$0x0] =	vst v8;
	s29 =	smov.u32 s26  }
0x204: {  	v9 =	vmovc v14;
	v8 =	vmovc v12;
	v30 =	vmul.f32 v35, v30;
	v33 =	vld [tilespmem:s28+$0xFFFFFFF0];
	v34 =	vunpack.i.u.bf16.f32 v20;
	v20 =	vunpack.i.l.bf16.f32 v20;
	[tilespmem:s26+$0x28] =	vst v19  }
0x205: {  	v14 =	vmul.f32 v32, v28;
	v37 =	vunpack.i.u.bf16.f32 v24;
	v32 =	vunpack.i.l.bf16.f32 v24;
	v24 =	vld [tilespmem:s28+$0x10];
	(xrf2) =	vadd.scan.msk.f32 $0xffff, v36;
	v22, _, _ =	vpop (xrf2)  }
0x206: {  	v20 =	vmul.f32 v32, v20;
	v28 =	vmul.f32 v37, v34;
	v35 =	vunpack.i.u.bf16.f32 v18;
	v19 =	vpop (erf)  }
0x207: {  	v12 =	vmovc v13;
	v32 =	vunpack.i.u.bf16.f32 v23;
	v23 =	vunpack.i.l.bf16.f32 v23;
	v34 =	vmul.f32 v19, v35  }
0x208: {  	v13 =	vmul.f32 v25, v23;
	v25 =	vmul.f32 v29, v32;
	v29 =	vadd.f32 v30, v14  }
0x209: {  	v23 =	vadd.f32 v20, v28;
	v14 =	vmul.f32 $1.442695020e+00, v26;
	v20 =	vperm.xlane v34, v1  }
0x20a: {  	s26 =	sadd.s32 $0xA0, s26;
	v26 =	vnsel vm0, $0x0, v19;
	v13 =	vadd.f32 v13, v25;
	v25 =	vmul.f32 $1.442695020e+00, v31  }
0x20b: {  	v28 =	vmul.f32 $1.442695020e+00, v22;
	v14 =	vbroadcast v14, $0xF;
	[tilespmem:s26+$0x38] =	vst v34;
	v20 =	vsel vm1, v20, v26  }
.Ltmp1:
0x20c: {  	v30 =	vunpack.i.u.bf16.f32 v27;
	(xrf2) =	vadd.scan.msk.f32 $0xffff, v13;
	v13 =	vbroadcast v25, $0xF;
	[tilespmem:s26+$0x40] =	vst v20;
	(pc) =	sbr.rel @p0 .LBB2_5-.Ltmp1, $4  }
0x20d: {  	v31 =	vunpack.i.u.bf16.f32 v33;
	v22 =	vunpack.i.u.bf16.f32 v24;
	v26 =	vbroadcast v28, $0xF  }
0x20e: {  	v20 =	vunpack.i.l.bf16.f32 v27;
	v27 =	vmul.f32 v16, v5;
	v5 =	vmovc v10;
	v10 =	vmovc v30;
	(erf) = vpow2.f32 v14  }
0x20f: {  	v25 =	vmul.f32 v15, v7;
	v14 =	vunpack.i.l.bf16.f32 v33;
	(xrf2) =	vadd.scan.msk.f32 $0xffff, v29;
	v28, _, _ =	vpop (xrf2);
	(erf) = vpow2.f32 v13  }
0x210: {  	s0 =	sadd.s32 $0x40, s0;
	v7 =	vmovc v11;
	v11 =	vmovc v31;
	v13 =	vunpack.i.l.bf16.f32 v24;
	v24 =	vmul.f32 v17, v21;
	v28 =	vmul.f32 $1.442695020e+00, v28;
	[tilespmem:s29+$0xFFFFFFC0] =	vst v27  }
0x211: {  	(erf) = vpow2.f32 v26;
	(xrf2) =	vadd.scan.msk.f32 $0xffff, v23;
	_ =	sdelay $0x1  }
0x212: {  	v3 =	vmul.f32 v16, v3;
	[tilespmem:s29+$0xFFFFFFE8] =	vst v25  }
0x213: {  	v18 =	vunpack.i.l.bf16.f32 v18;
	v2 =	vmul.f32 v15, v2;
	v21 =	vbroadcast v28, $0xF;
	[tilespmem:s29+$0x10] =	vst v24  }
0x214: {  	v37 =	vperm.xlane v27, v1;
	v39 =	vnsel vm0, $0x0, v16;
	v8 =	vmul.f32 v17, v8;
	[tilespmem:s29+$0xFFFFFFB0] =	vst v3  }
0x215: {  	v40 =	vperm.xlane v25, v1;
	v41 =	vnsel vm0, $0x0, v15;
	[tilespmem:s29+$0xFFFFFFD8] =	vst v2;
	(erf) = vpow2.f32 v21;
	v35, _, _ =	vpop (xrf2)  }
0x216: {  	v42 =	vperm.xlane v24, v1;
	v16 =	vsel vm1, v37, v39;
	[tilespmem:s29+$0x0] =	vst v8;
	v38 =	vpop (erf);
	v21 =	vmul.f32 $1.442695020e+00, v35  }
0x217: {  	v18 =	vmul.f32 v19, v18;
	v15 =	vsel vm1, v40, v41;
	[tilespmem:s29+$0xFFFFFFC8] =	vst v16;
	v3 =	vpop (erf);
	v5 =	vmul.f32 v38, v5  }
0x218: {  	[tilespmem:s29+$0xFFFFFFF0] =	vst v15;
	v6 =	vmul.f32 v38, v6;
	v43, _, _ =	vpop (xrf2);
	v21 =	vbroadcast v21, $0xF  }
0x219: {  	v36 =	vld [tilespmem:s31+$0x30];
	v44 =	vnsel vm0, $0x0, v17;
	v45 =	vpop (erf);
	v2 =	vmul.f32 $1.442695020e+00, v43;
	[tilespmem:s26+$0xFFFFFFC0] =	vst v5;
	v5 =	vperm.xlane v5, v1  }
0x21a: {  	v46 =	vsel vm1, v42, v44;
	[tilespmem:s26+$0x28] =	vst v18;
	v49, _, _ =	vpop (xrf2);
	(erf) = vpow2.f32 v21;
	v4 =	vmul.f32 v45, v4  }
0x21b: {  	[tilespmem:s29+$0x18] =	vst v46;
	v17 =	vmul.f32 $1.442695020e+00, v49;
	v2 =	vbroadcast v2, $0xF  }
0x21c: {  	v52 =	vnsel vm0, $0x0, v38;
	[tilespmem:s26+$0xFFFFFFB0] =	vst v6;
	v55 =	vmul.f32 v45, v12  }
0x21d: {  	v5 =	vsel vm1, v5, v52;
	[tilespmem:s26+$0x10] =	vst v4;
	v17 =	vbroadcast v17, $0xF;
	(erf) = vpow2.f32 v2  }
0x21e: {  	v47 =	vunpack.i.u.bf16.f32 v36;
	v48 =	vpop (erf);
	v4 =	vperm.xlane v4, v1;
	[tilespmem:s26+$0xFFFFFFC8] =	vst v5;
	v2 =	vmul.f32 v3, v7  }
0x21f: {  	[tilespmem:s26+$0x0] =	vst v55;
	v15 =	vmul.f32 v48, v47;
	(erf) = vpow2.f32 v17  }
0x220: {  	s0 =	sadd.s32 $0xA0, s26;
	v54 =	vnsel vm0, $0x0, v45;
	[tilespmem:s26+$0xFFFFFFE8] =	vst v2;
	v2 =	vperm.xlane v2, v1  }
0x221: {  	v53 =	vnsel vm0, $0x0, v3;
	v4 =	vsel vm1, v4, v54;
	[tilespmem:s0+$0x38] =	vst v15  }
0x222: {  	v3 =	vmul.f32 v3, v9;
	v50 =	vperm.xlane v15, v1;
	[tilespmem:s26+$0x18] =	vst v4;
	v2 =	vsel vm1, v2, v53  }
0x223: {  	v51 =	vnsel vm0, $0x0, v48;
	[tilespmem:s26+$0xFFFFFFF0] =	vst v2;
	v2 =	vunpack.i.l.bf16.f32 v36  }
0x224: {  	[tilespmem:s26+$0xFFFFFFD8] =	vst v3;
	v8 =	vsel vm1, v50, v51;
	v2 =	vmul.f32 v48, v2;
	v56 =	vpop (erf)  }
0x225: {  	[tilespmem:s0+$0x40] =	vst v8;
	v57 =	vmul.f32 v56, v10  }
0x226: {  	v60 =	vmul.f32 v56, v20;
	[tilespmem:s0+$0x28] =	vst v2;
	v3 =	vpop (erf)  }
0x227: {  	[tilespmem:s0+$0xFFFFFFC0] =	vst v57;
	v5 =	vperm.xlane v57, v1;
	v2 =	vmul.f32 v3, v11  }
0x228: {  	v4 =	vnsel vm0, $0x0, v56;
	[tilespmem:s0+$0xFFFFFFB0] =	vst v60;
	v61 =	vnsel vm0, $0x0, v3;
	v58 =	vpop (erf)  }
0x229: {  	v3 =	vmul.f32 v3, v14;
	v4 =	vsel vm1, v5, v4;
	v59 =	vmul.f32 v58, v22;
	[tilespmem:s0+$0xFFFFFFE8] =	vst v2  }
0x22a: {  	v2 =	vperm.xlane v2, v1;
	[tilespmem:s0+$0xFFFFFFC8] =	vst v4  }
0x22b: {  	[tilespmem:s0+$0xFFFFFFD8] =	vst v3;
	v7 =	vperm.xlane v59, v1  }
0x22c: {  	s25 =	sadd.s32 $0x1, s25;
	v62 =	vnsel vm0, $0x0, v58;
	[tilespmem:s0+$0x10] =	vst v59;
	v2 =	vsel vm1, v2, v61  }
0x22d: {  	p0 =	sne.s32 s25, $0x31;
	[tilespmem:s0+$0xFFFFFFF0] =	vst v2;
	v2 =	vmul.f32 v58, v13;
	v63 =	vsel vm1, v7, v62  }
.Ltmp2:
0x22e: {  	[tilespmem:s0+$0x18] =	vst v63;
	(pc) =	sbr.rel @p0 .LBB2_2-.Ltmp2, $4  }
0x22f: {  	s13 =	simm.s32 $0x9200;
	s29 =	simm.s32 $0x880;
	[tilespmem:s0+$0x0] =	vst v2  }
0x230: {  	[spmem:s4] =	stream.indirect.scatter.add.f32 [tilespmem:s13], [sflag:$0x8], $0x28, s29, s20, $0xb8;
	[tilespmem:$0x1AF00] =	vst v63  }
0x231: {  	s30 =	simm.s32 $0x980;
	s31 =	simm.s32 $0xA600  }
0x232: {  	[spmem:s4] =	stream.indirect.scatter.add.f32 [tilespmem:s31], [sflag:$0x8], $0x28, s30, s20, $0xb8;
	[tilespmem:$0x1AF00] =	vst v63  }
0x233: {  	s0 =	simm.s32 $0x7  }
0x234: {  	_ =	swait.ge [sflag:s0], $0x1400  }
0x235: {  	[sflag:s0] =	ssyncset.done $0x0  }
0x236: {  	[sflag:s0] =	ssyncadd.s32 $0xFFFFEC00  }
0x237: {  	_ =	swait.ge [sflag:s0], $0x1400  }
0x238: {  	[sflag:s0] =	ssyncset.done $0x0  }
0x239: {  	s26 =	simm.s32 $0x8;
	[sflag:s0] =	ssyncadd.s32 $0xFFFFEC00  }
0x23a: {  	_ =	swait.ge [sflag:s26], $0x1400  }
0x23b: {  	[sflag:s26] =	ssyncset.done $0x0  }
0x23c: {  	[sflag:s26] =	ssyncadd.s32 $0xFFFFEC00  }
0x23d: {  	_ =	swait.ge [sflag:s26], $0x1400  }
0x23e: {  	[sflag:s26] =	ssyncset.done $0x0  }
0x23f: {  	[sflag:s26] =	ssyncadd.s32 $0xFFFFEC00  }
0x240: {  	_ =	swait.ge [sflag:s3], $0x800  }
0x241: {  	[sflag:s3] =	ssyncset.done $0x0  }
0x242: {  	[sflag:s3] =	ssyncadd.s32 $0xFFFFF800  }
0x243: {  	_ =	swait.ge [sflag:s3], $0x800  }
0x244: {  	[sflag:s3] =	ssyncset.done $0x0  }
0x245: {  	[sflag:s3] =	ssyncadd.s32 $0xFFFFF800  }
0x246: {  	_ =	swait.ge [sflag:s21], $0x1000  }
0x247: {  	[sflag:s21] =	ssyncset.done $0x0  }
0x248: {  	[sflag:s21] =	ssyncadd.s32 $0xFFFFF000  }
0x249: {  	_ =	swait.ge [sflag:s21], $0x1000  }
0x24a: {  	[sflag:s21] =	ssyncset.done $0x0  }
0x24b: {  	[sflag:s21] =	ssyncadd.s32 $0xFFFFF000  }
0x24c: {  	_ =	swait.ge [sflag:s19], $0x80  }
0x24d: {  	[sflag:s19] =	ssyncset.done $0x0  }
0x24e: {  	[sflag:s19] =	ssyncadd.s32 $0xFFFFFF80  }
0x24f: {  	_ =	swait.ge [sflag:s19], $0x80  }
0x250: {  	[sflag:s19] =	ssyncset.done $0x0  }
0x251: {  	[sflag:s19] =	ssyncadd.s32 $0xFFFFFF80  }
0x252: {  	_ =	swait.ge [sflag:s19], $0x80  }
0x253: {  	[sflag:s19] =	ssyncset.done $0x0  }
0x254: {  	[sflag:s19] =	ssyncadd.s32 $0xFFFFFF80  }
0x255: {  	_ =	swait.ge [sflag:s19], $0x80  }
0x256: {  	[sflag:s19] =	ssyncset.done $0x0  }
0x257: {  	[sflag:s19] =	ssyncadd.s32 $0xFFFFFF80  }
0x258: {  	[bflag:$0x0] =	sbarrier.arrive $0xFFFF  }
0x259: {  	s13 =	rddreg [dreg:$0x7]  }
0x25a: {  	s28 =	rddreg [dreg:$0x18]  }
0x25b: {  	s25 =	simm.s32 $0x9;
	s26 =	rddreg [dreg:$0x1c]  }
0x25c: {  	[hbm:s28], [sflag:s13] =	dma.local [spmem:s26], $0x1EA0  }
0x25d: {  	_ =	swait.ge [sflag:s25], $0x1EA0  }
0x25e: {  	[sflag:s25] =	ssyncset.done $0x0  }
0x25f: {  	s29 =	rddreg [dreg:$0x5];
	[sflag:s25] =	ssyncadd.s32 $0xFFFFE160  }
0x260: {  	[spmem:s26], [sflag:s13] =	dma.local [hbm:s29], $0x1EA0  }
0x261: {  	_ =	swait.ge [sflag:s25], $0x1EA0  }
0x262: {  	[sflag:s25] =	ssyncset.done $0x0  }
0x263: {  	s30 =	rddreg [dreg:$0xb];
	[sflag:s25] =	ssyncadd.s32 $0xFFFFE160;
	s25 =	simm.s32 $0x0  }
0x264: {  	[tilespmem:s25], [sflag:$0x1] =	stream.linear.gather [hbm4b:s30+s25], $0x80, $0x38;
	[tilespmem:$0x1AF00] =	vst v63  }
0x265: {  	s31 =	rddreg [dreg:$0xe]  }
0x266: {  	[tilespmem:s20], [sflag:$0x1] =	stream.linear.gather [hbm4b:s31+s25], $0x80, $0x38;
	[tilespmem:$0x1AF00] =	vst v63  }
0x267: {  	s26 =	simm.s32 $0x200;
	s13 =	rddreg [dreg:$0xc]  }
0x268: {  	[tilespmem:s26], [sflag:$0x1] =	stream.linear.gather [hbm4b:s13+s25], $0x80, $0x38;
	[tilespmem:$0x1AF00] =	vst v63  }
0x269: {  	s29 =	simm.s32 $0x280;
	s28 =	rddreg [dreg:$0xf]  }
0x26a: {  	[tilespmem:s29], [sflag:$0x1] =	stream.linear.gather [hbm4b:s28+s25], $0x80, $0x38;
	[tilespmem:$0x1AF00] =	vst v63  }
0x26b: {  	_ =	swait.ge [sflag:s23], $0x80  }
0x26c: {  	[sflag:s23] =	ssyncset.done $0x0  }
0x26d: {  	[sflag:s23] =	ssyncadd.s32 $0xFFFFFF80  }
0x26e: {  	_ =	swait.ge [sflag:s23], $0x80  }
0x26f: {  	[sflag:s23] =	ssyncset.done $0x0  }
0x270: {  	[sflag:s23] =	ssyncadd.s32 $0xFFFFFF80  }
0x271: {  	_ =	swait.ge [sflag:s23], $0x80  }
0x272: {  	[sflag:s23] =	ssyncset.done $0x0  }
0x273: {  	[sflag:s23] =	ssyncadd.s32 $0xFFFFFF80  }
0x274: {  	_ =	swait.ge [sflag:s23], $0x80  }
0x275: {  	[sflag:s23] =	ssyncset.done $0x0  }
0x276: {  	[sflag:s23] =	ssyncadd.s32 $0xFFFFFF80  }
0x277: {  	v2 =	vld [tilespmem:$0x200]  }
0x278: {  	v3 =	vld [tilespmem:$0x0]  }
0x279: {  	v4 =	vld [tilespmem:$0x210]  }
0x27a: {  	v5 =	vld [tilespmem:$0x10]  }
0x27b: {  	v6 =	vld [tilespmem:$0x220]  }
0x27c: {  	v7 =	vld [tilespmem:$0x20];
	v2 =	vadd.s32 v0, v2  }
0x27d: {  	[tilespmem:$0x400] =	vst v2;
	v2 =	vadd.s32 v0, v3;
	v3 =	vld [tilespmem:$0x230]  }
0x27e: {  	v44 =	vld [tilespmem:$0x30];
	[tilespmem:$0x600] =	vst v2;
	v2 =	vadd.s32 v0, v4  }
0x27f: {  	v45 =	vld [tilespmem:$0x240];
	[tilespmem:$0x410] =	vst v2;
	v2 =	vadd.s32 v0, v5  }
0x280: {  	v46 =	vld [tilespmem:$0x40];
	[tilespmem:$0x610] =	vst v2;
	v2 =	vadd.s32 v0, v6  }
0x281: {  	v47 =	vld [tilespmem:$0x250];
	[tilespmem:$0x420] =	vst v2;
	v2 =	vadd.s32 v0, v7  }
0x282: {  	[tilespmem:$0x620] =	vst v2;
	v2 =	vadd.s32 v0, v3;
	v3 =	vld [tilespmem:$0x50]  }
0x283: {  	v48 =	vld [tilespmem:$0x260];
	[tilespmem:$0x430] =	vst v2;
	v2 =	vadd.s32 v0, v44  }
0x284: {  	v49 =	vld [tilespmem:$0x60];
	[tilespmem:$0x630] =	vst v2;
	v2 =	vadd.s32 v0, v45  }
0x285: {  	v50 =	vld [tilespmem:$0x270];
	[tilespmem:$0x440] =	vst v2;
	v2 =	vadd.s32 v0, v46  }
0x286: {  	v51 =	vld [tilespmem:$0x70];
	[tilespmem:$0x640] =	vst v2;
	v2 =	vadd.s32 v0, v47  }
0x287: {  	[tilespmem:$0x450] =	vst v2;
	v2 =	vadd.s32 v0, v3;
	v3 =	vld [tilespmem:$0x280]  }
0x288: {  	v52 =	vld [tilespmem:$0x80];
	[tilespmem:$0x650] =	vst v2;
	v2 =	vadd.s32 v0, v48  }
0x289: {  	v53 =	vld [tilespmem:$0x290];
	[tilespmem:$0x460] =	vst v2;
	v2 =	vadd.s32 v0, v49  }
0x28a: {  	v54 =	vld [tilespmem:$0x90];
	[tilespmem:$0x660] =	vst v2;
	v2 =	vadd.s32 v0, v50  }
0x28b: {  	v55 =	vld [tilespmem:$0x2A0];
	[tilespmem:$0x470] =	vst v2;
	v2 =	vadd.s32 v0, v51  }
0x28c: {  	[tilespmem:$0x670] =	vst v2;
	v2 =	vadd.s32 v0, v3;
	v3 =	vld [tilespmem:$0xA0]  }
0x28d: {  	v56 =	vld [tilespmem:$0x2B0];
	[tilespmem:$0x500] =	vst v2;
	v2 =	vadd.s32 v0, v52  }
0x28e: {  	v57 =	vld [tilespmem:$0xB0];
	[tilespmem:$0x700] =	vst v2;
	v2 =	vadd.s32 v0, v53  }
0x28f: {  	v58 =	vld [tilespmem:$0x2C0];
	[tilespmem:$0x510] =	vst v2;
	v2 =	vadd.s32 v0, v54  }
0x290: {  	v59 =	vld [tilespmem:$0xC0];
	[tilespmem:$0x710] =	vst v2;
	v2 =	vadd.s32 v0, v55  }
0x291: {  	[tilespmem:$0x520] =	vst v2;
	v2 =	vadd.s32 v0, v3;
	v3 =	vld [tilespmem:$0x2D0]  }
0x292: {  	v60 =	vld [tilespmem:$0xD0];
	[tilespmem:$0x720] =	vst v2;
	v2 =	vadd.s32 v0, v56  }
0x293: {  	v61 =	vld [tilespmem:$0x2E0];
	[tilespmem:$0x530] =	vst v2;
	v2 =	vadd.s32 v0, v57  }
0x294: {  	v62 =	vld [tilespmem:$0xE0];
	[tilespmem:$0x730] =	vst v2;
	v2 =	vadd.s32 v0, v58  }
0x295: {  	v63 =	vld [tilespmem:$0x2F0];
	[tilespmem:$0x540] =	vst v2;
	v2 =	vadd.s32 v0, v59  }
0x296: {  	[tilespmem:$0x740] =	vst v2;
	v2 =	vadd.s32 v0, v3;
	v3 =	vld [tilespmem:$0xF0]  }
0x297: {  	[tilespmem:$0x550] =	vst v2;
	v2 =	vadd.s32 v0, v60  }
0x298: {  	[tilespmem:$0x750] =	vst v2;
	v2 =	vadd.s32 v0, v61  }
0x299: {  	[tilespmem:$0x560] =	vst v2;
	v2 =	vadd.s32 v0, v62  }
0x29a: {  	[tilespmem:$0x760] =	vst v2;
	v2 =	vadd.s32 v0, v63  }
0x29b: {  	[tilespmem:$0x570] =	vst v2;
	v2 =	vadd.s32 v0, v3  }
0x29c: {  	s30 =	simm.s32 $0x400;
	s31 =	simm.s32 $0xA00;
	[tilespmem:$0x770] =	vst v2  }
0x29d: {  	[tilespmem:s31], [sflag:$0x3] =	stream.indirect.gather [hbm4b:s9+s20], $0x10, s30, s20, $0xb8;
	[tilespmem:$0x1AF00] =	vst v63  }
0x29e: {  	s13 =	simm.s32 $0x500;
	s26 =	simm.s32 $0x1200  }
0x29f: {  	[tilespmem:s26], [sflag:$0x3] =	stream.indirect.gather [hbm4b:s9+s20], $0x10, s13, s20, $0xb8;
	[tilespmem:$0x1AF00] =	vst v63  }
0x2a0: {  	s28 =	simm.s32 $0x600;
	s29 =	simm.s32 $0x2A00  }
0x2a1: {  	[tilespmem:s29], [sflag:$0x5] =	stream.indirect.gather [hbm4b:s2+s20], $0x20, s28, s20, $0xb8;
	[tilespmem:$0x1AF00] =	vst v63  }
0x2a2: {  	s30 =	simm.s32 $0x700;
	s31 =	simm.s32 $0x3A00  }
0x2a3: {  	[tilespmem:s31], [sflag:$0x5] =	stream.indirect.gather [hbm4b:s2+s20], $0x20, s30, s20, $0xb8;
	[tilespmem:$0x1AF00] =	vst v63  }
0x2a4: {  	s26 =	rddreg [dreg:$0x12];
	s28 =	simm.s32 $0x100  }
0x2a5: {  	[tilespmem:s28], [sflag:$0x2] =	stream.linear.gather [hbm4b:s26+s25], $0x80, $0x38;
	[tilespmem:$0x1AF00] =	vst v63  }
0x2a6: {  	s29 =	rddreg [dreg:$0x16]  }
0x2a7: {  	[tilespmem:s15], [sflag:$0x2] =	stream.linear.gather [hbm4b:s29+s25], $0x80, $0x38;
	[tilespmem:$0x1AF00] =	vst v63  }
0x2a8: {  	s30 =	rddreg [dreg:$0x13]  }
0x2a9: {  	[tilespmem:s12], [sflag:$0x2] =	stream.linear.gather [hbm4b:s30+s25], $0x80, $0x38;
	[tilespmem:$0x1AF00] =	vst v63  }
0x2aa: {  	s31 =	rddreg [dreg:$0x17]  }
0x2ab: {  	[tilespmem:s14], [sflag:$0x2] =	stream.linear.gather [hbm4b:s31+s25], $0x80, $0x38;
	[tilespmem:$0x1AF00] =	vst v63  }
0x2ac: {  	[bflag:$0x0] =	sbarrier.arrive $0xFFFF  }
.LBB2_8:
0x2ad: {  	_ =	swait.ge [sflag:s19], $0x80  }
0x2ae: {  	[sflag:s19] =	ssyncset.done $0x0  }
0x2af: {  	[sflag:s19] =	ssyncadd.s32 $0xFFFFFF80  }
0x2b0: {  	_ =	swait.ge [sflag:s19], $0x80  }
0x2b1: {  	[sflag:s19] =	ssyncset.done $0x0  }
0x2b2: {  	[sflag:s19] =	ssyncadd.s32 $0xFFFFFF80  }
0x2b3: {  	_ =	swait.ge [sflag:s19], $0x80  }
0x2b4: {  	[sflag:s19] =	ssyncset.done $0x0  }
0x2b5: {  	[sflag:s19] =	ssyncadd.s32 $0xFFFFFF80  }
0x2b6: {  	_ =	swait.ge [sflag:s19], $0x80  }
0x2b7: {  	[sflag:s19] =	ssyncset.done $0x0  }
0x2b8: {  	[sflag:s19] =	ssyncadd.s32 $0xFFFFFF80  }
0x2b9: {  	v2 =	vld [tilespmem:$0x300]  }
0x2ba: {  	v3 =	vld [tilespmem:$0x100]  }
0x2bb: {  	v4 =	vld [tilespmem:$0x310]  }
0x2bc: {  	v5 =	vld [tilespmem:$0x110]  }
0x2bd: {  	v6 =	vld [tilespmem:$0x320]  }
0x2be: {  	v7 =	vld [tilespmem:$0x120];
	v2 =	vadd.s32 v0, v2  }
0x2bf: {  	[tilespmem:$0x480] =	vst v2;
	v2 =	vadd.s32 v0, v3;
	v3 =	vld [tilespmem:$0x330]  }
0x2c0: {  	[tilespmem:$0x680] =	vst v2;
	v2 =	vadd.s32 v0, v4;
	v4 =	vld [tilespmem:$0x130]  }
0x2c1: {  	[tilespmem:$0x490] =	vst v2;
	v2 =	vadd.s32 v0, v5;
	v5 =	vld [tilespmem:$0x340]  }
0x2c2: {  	[tilespmem:$0x690] =	vst v2;
	v2 =	vadd.s32 v0, v6;
	v6 =	vld [tilespmem:$0x140]  }
0x2c3: {  	[tilespmem:$0x4A0] =	vst v2;
	v2 =	vadd.s32 v0, v7;
	v7 =	vld [tilespmem:$0x350]  }
0x2c4: {  	[tilespmem:$0x6A0] =	vst v2;
	v2 =	vadd.s32 v0, v3;
	v3 =	vld [tilespmem:$0x150]  }
0x2c5: {  	[tilespmem:$0x4B0] =	vst v2;
	v2 =	vadd.s32 v0, v4;
	v4 =	vld [tilespmem:$0x360]  }
0x2c6: {  	[tilespmem:$0x6B0] =	vst v2;
	v2 =	vadd.s32 v0, v5;
	v5 =	vld [tilespmem:$0x160]  }
0x2c7: {  	[tilespmem:$0x4C0] =	vst v2;
	v2 =	vadd.s32 v0, v6;
	v6 =	vld [tilespmem:$0x370]  }
0x2c8: {  	[tilespmem:$0x6C0] =	vst v2;
	v2 =	vadd.s32 v0, v7;
	v7 =	vld [tilespmem:$0x170]  }
0x2c9: {  	[tilespmem:$0x4D0] =	vst v2;
	v2 =	vadd.s32 v0, v3;
	v3 =	vld [tilespmem:$0x380]  }
0x2ca: {  	[tilespmem:$0x6D0] =	vst v2;
	v2 =	vadd.s32 v0, v4;
	v4 =	vld [tilespmem:$0x180]  }
0x2cb: {  	[tilespmem:$0x4E0] =	vst v2;
	v2 =	vadd.s32 v0, v5;
	v5 =	vld [tilespmem:$0x390]  }
0x2cc: {  	[tilespmem:$0x6E0] =	vst v2;
	v2 =	vadd.s32 v0, v6;
	v6 =	vld [tilespmem:$0x190]  }
0x2cd: {  	[tilespmem:$0x4F0] =	vst v2;
	v2 =	vadd.s32 v0, v7;
	v7 =	vld [tilespmem:$0x3A0]  }
0x2ce: {  	[tilespmem:$0x6F0] =	vst v2;
	v2 =	vadd.s32 v0, v3;
	v3 =	vld [tilespmem:$0x1A0]  }
0x2cf: {  	[tilespmem:$0x580] =	vst v2;
	v2 =	vadd.s32 v0, v4;
	v4 =	vld [tilespmem:$0x3B0]  }
0x2d0: {  	[tilespmem:$0x780] =	vst v2;
	v2 =	vadd.s32 v0, v5;
	v5 =	vld [tilespmem:$0x1B0]  }
0x2d1: {  	[tilespmem:$0x590] =	vst v2;
	v2 =	vadd.s32 v0, v6;
	v6 =	vld [tilespmem:$0x3C0]  }
0x2d2: {  	[tilespmem:$0x790] =	vst v2;
	v2 =	vadd.s32 v0, v7;
	v7 =	vld [tilespmem:$0x1C0]  }
0x2d3: {  	[tilespmem:$0x5A0] =	vst v2;
	v2 =	vadd.s32 v0, v3;
	v3 =	vld [tilespmem:$0x3D0]  }
0x2d4: {  	[tilespmem:$0x7A0] =	vst v2;
	v2 =	vadd.s32 v0, v4;
	v4 =	vld [tilespmem:$0x1D0]  }
0x2d5: {  	[tilespmem:$0x5B0] =	vst v2;
	v2 =	vadd.s32 v0, v5;
	v5 =	vld [tilespmem:$0x3E0]  }
0x2d6: {  	[tilespmem:$0x7B0] =	vst v2;
	v2 =	vadd.s32 v0, v6;
	v6 =	vld [tilespmem:$0x1E0]  }
0x2d7: {  	[tilespmem:$0x5C0] =	vst v2;
	v2 =	vadd.s32 v0, v7;
	v7 =	vld [tilespmem:$0x3F0]  }
0x2d8: {  	[tilespmem:$0x7C0] =	vst v2;
	v2 =	vadd.s32 v0, v3;
	v3 =	vld [tilespmem:$0x1F0]  }
0x2d9: {  	[tilespmem:$0x5D0] =	vst v2;
	v2 =	vadd.s32 v0, v4  }
0x2da: {  	[tilespmem:$0x7D0] =	vst v2;
	v2 =	vadd.s32 v0, v5  }
0x2db: {  	[tilespmem:$0x5E0] =	vst v2;
	v2 =	vadd.s32 v0, v6  }
0x2dc: {  	[tilespmem:$0x7E0] =	vst v2;
	v2 =	vadd.s32 v0, v7  }
0x2dd: {  	[tilespmem:$0x5F0] =	vst v2;
	v2 =	vadd.s32 v0, v3  }
0x2de: {  	s0 =	simm.s32 $0x480;
	s13 =	simm.s32 $0x1A00;
	[tilespmem:$0x7F0] =	vst v2  }
0x2df: {  	[tilespmem:s13], [sflag:$0x4] =	stream.indirect.gather [hbm4b:s9+s20], $0x10, s0, s20, $0xb8;
	[tilespmem:$0x1AF00] =	vst v63  }
0x2e0: {  	s26 =	simm.s32 $0x2200;
	s13 =	simm.s32 $0x580  }
0x2e1: {  	[tilespmem:s26], [sflag:$0x4] =	stream.indirect.gather [hbm4b:s9+s20], $0x10, s13, s20, $0xb8;
	[tilespmem:$0x1AF00] =	vst v63  }
0x2e2: {  	p0 =	seq.s32 s25, $0x0;
	s13 =	simm.s32 $0x680;
	s26 =	simm.s32 $0x4A00  }
0x2e3: {  	[tilespmem:s26], [sflag:$0x6] =	stream.indirect.gather [hbm4b:s2+s20], $0x20, s13, s20, $0xb8;
	[tilespmem:$0x1AF00] =	vst v63  }
0x2e4: {  	s0 =	simm.s32 @!p0 $0x7;
	s13 =	simm.s32 $0x780;
	s26 =	simm.s32 $0x5A00  }
0x2e5: {  	[tilespmem:s26], [sflag:$0x6] =	stream.indirect.gather [hbm4b:s2+s20], $0x20, s13, s20, $0xb8;
	[tilespmem:$0x1AF00] =	vst v63  }
0x2e6: {  	_ =	swait.ge @!p0 [sflag:s0], $0x1400  }
0x2e7: {  	[sflag:s0] =	ssyncset.done @!p0 $0x0  }
0x2e8: {  	[sflag:s0] =	ssyncadd.s32 @!p0 $0xFFFFEC00  }
0x2e9: {  	_ =	swait.ge @!p0 [sflag:s0], $0x1400  }
0x2ea: {  	[sflag:s0] =	ssyncset.done @!p0 $0x0  }
0x2eb: {  	[sflag:s0] =	ssyncadd.s32 @!p0 $0xFFFFEC00  }
0x2ec: {  	v2 =	vld [tilespmem:$0x200]  }
0x2ed: {  	s13 =	sshll.u32 s25, $0xD;
	v3 =	vld [tilespmem:$0x210]  }
0x2ee: {  	s0 =	sor.u32 s16, s13;
	v4 =	vld [tilespmem:$0x220]  }
0x2ef: {  	v5 =	vld [tilespmem:$0x230];
	s26 =	sor.u32 $0x10, s0  }
0x2f0: {  	p1 =	slt.u32 s0, $0x61A80;
	v6 =	vld [tilespmem:$0x240];
	p2 =	slt.u32 s26, $0x61A80;
	s26 =	sor.u32 $0x20, s0  }
0x2f1: {  	v7 =	vld [tilespmem:$0x250];
	p3 =	slt.u32 s26, $0x61A80;
	s26 =	sor.u32 $0x30, s0;
	v2 =	vpsel !p1, $0x61F8, v2  }
0x2f2: {  	p4 =	slt.u32 s26, $0x61A80;
	s26 =	sor.u32 $0x40, s0;
	[tilespmem:$0x800] =	vst v2;
	v2 =	vpsel !p2, $0x61F8, v3;
	v3 =	vld [tilespmem:$0x260]  }
0x2f3: {  	p5 =	slt.u32 s26, $0x61A80;
	s26 =	sor.u32 $0x50, s0;
	[tilespmem:$0x810] =	vst v2;
	v2 =	vpsel !p3, $0x61F8, v4;
	v4 =	vld [tilespmem:$0x270]  }
0x2f4: {  	p6 =	slt.u32 s26, $0x61A80;
	s26 =	sor.u32 $0x60, s0;
	[tilespmem:$0x820] =	vst v2;
	v2 =	vpsel !p4, $0x61F8, v5;
	v5 =	vld [tilespmem:$0x280]  }
0x2f5: {  	p2 =	slt.u32 s26, $0x61A80;
	s26 =	sor.u32 $0x70, s0;
	[tilespmem:$0x830] =	vst v2;
	v2 =	vpsel !p5, $0x61F8, v6;
	v6 =	vld [tilespmem:$0x290]  }
0x2f6: {  	p3 =	slt.u32 s26, $0x61A80;
	s26 =	sor.u32 $0x80, s0;
	[tilespmem:$0x840] =	vst v2;
	v2 =	vpsel !p6, $0x61F8, v7;
	v7 =	vld [tilespmem:$0x2A0]  }
0x2f7: {  	p4 =	slt.u32 s26, $0x61A80;
	s26 =	sor.u32 $0x90, s0;
	[tilespmem:$0x850] =	vst v2;
	v2 =	vpsel !p2, $0x61F8, v3;
	v3 =	vld [tilespmem:$0x2B0]  }
0x2f8: {  	p5 =	slt.u32 s26, $0x61A80;
	s26 =	sor.u32 $0xA0, s0;
	[tilespmem:$0x860] =	vst v2;
	v2 =	vpsel !p3, $0x61F8, v4;
	v4 =	vld [tilespmem:$0x2C0]  }
0x2f9: {  	p6 =	slt.u32 s26, $0x61A80;
	s26 =	sor.u32 $0xB0, s0;
	[tilespmem:$0x870] =	vst v2;
	v2 =	vpsel !p4, $0x61F8, v5;
	v5 =	vld [tilespmem:$0x2D0]  }
0x2fa: {  	p2 =	slt.u32 s26, $0x61A80;
	s26 =	sor.u32 $0xC0, s0;
	[tilespmem:$0x900] =	vst v2;
	v2 =	vpsel !p5, $0x61F8, v6;
	v6 =	vld [tilespmem:$0x2E0]  }
0x2fb: {  	s13 =	sor.u32 $0xD0, s0;
	p3 =	slt.u32 s26, $0x61A80;
	s26 =	sshll.u32 s25, $0x5;
	[tilespmem:$0x910] =	vst v2;
	v2 =	vpsel !p6, $0x61F8, v7;
	v7 =	vld [tilespmem:$0x2F0]  }
0x2fc: {  	p4 =	slt.u32 s13, $0x61A80;
	s13 =	sor.u32 $0xE0, s0;
	s28 =	sadd.s32 s17, s26;
	[tilespmem:$0x920] =	vst v2;
	v2 =	vpsel !p2, $0x61F8, v3  }
0x2fd: {  	s0 =	sor.u32 $0xF0, s0;
	p5 =	slt.u32 s13, $0x61A80;
	s13 =	smin.u32 s28, $0x61A;
	[tilespmem:$0x930] =	vst v2;
	v2 =	vpsel !p3, $0x61F8, v4  }
0x2fe: {  	p6 =	slt.u32 s0, $0x61A80;
	s0 =	sshll.u32 s13, $0x8;
	[tilespmem:$0x940] =	vst v2;
	v2 =	vpsel !p4, $0x61F8, v5  }
0x2ff: {  	s0 =	sor.u32 $0x80, s0;
	[tilespmem:$0x950] =	vst v2;
	v2 =	vpsel !p5, $0x61F8, v6  }
0x300: {  	s13 =	sshll.u32 s13, $0x5;
	s0 =	smin.u32 s0, $0x61A00;
	[tilespmem:$0x960] =	vst v2;
	v2 =	vpsel !p6, $0x61F8, v7  }
0x301: {  	s28 =	sadd.s32 s10, s13;
	s0 =	sshrl.u32 s0, $0x3;
	[tilespmem:$0x970] =	vst v2  }
0x302: {  	[tilespmem:s5], [sflag:$0x1] =	stream.linear.gather [hbm4b:s28+s5], $0x80, $0x38;
	[tilespmem:$0x1AF00] =	vst v63  }
0x303: {  	s28 =	sadd.s32 s10, s0  }
0x304: {  	[tilespmem:s20], [sflag:$0x1] =	stream.linear.gather [hbm4b:s28+s5], $0x80, $0x38;
	[tilespmem:$0x1AF00] =	vst v63  }
0x305: {  	s13 =	sadd.s32 s11, s13;
	s28 =	simm.s32 $0x200  }
0x306: {  	[tilespmem:s28], [sflag:$0x1] =	stream.linear.gather [hbm4b:s13+s5], $0x80, $0x38;
	[tilespmem:$0x1AF00] =	vst v63  }
0x307: {  	s0 =	sadd.s32 s11, s0;
	s13 =	simm.s32 $0x280  }
0x308: {  	[tilespmem:s13], [sflag:$0x1] =	stream.linear.gather [hbm4b:s0+s5], $0x80, $0x38;
	[tilespmem:$0x1AF00] =	vst v63  }
0x309: {  	_ =	swait.ge [sflag:s3], $0x800  }
0x30a: {  	[sflag:s3] =	ssyncset.done $0x0  }
0x30b: {  	[sflag:s3] =	ssyncadd.s32 $0xFFFFF800  }
0x30c: {  	_ =	swait.ge [sflag:s3], $0x800  }
0x30d: {  	[sflag:s3] =	ssyncset.done $0x0  }
0x30e: {  	[sflag:s3] =	ssyncadd.s32 $0xFFFFF800  }
0x30f: {  	_ =	swait.ge [sflag:s21], $0x1000  }
0x310: {  	[sflag:s21] =	ssyncset.done $0x0  }
0x311: {  	[sflag:s21] =	ssyncadd.s32 $0xFFFFF000  }
0x312: {  	_ =	swait.ge [sflag:s21], $0x1000  }
0x313: {  	[sflag:s21] =	ssyncset.done $0x0  }
0x314: {  	s0 =	simm.s32 $0xA20;
	[sflag:s21] =	ssyncadd.s32 $0xFFFFF000  }
0x315: {  	s13 =	simm.s32 $0x2A40;
	v2 =	vld [tilespmem:s0+$0x10]  }
0x316: {  	v3 =	vld [tilespmem:s13+$0x20];
	_ =	sdelay $0x3  }
0x317: {  	v4 =	vunpack.i.u.bf16.f32 v2  }
0x318: {  	v2 =	vunpack.i.l.bf16.f32 v2;
	v5 =	vunpack.i.u.bf16.f32 v3;
	v3 =	vunpack.i.l.bf16.f32 v3  }
0x319: {  	v2 =	vmul.f32 v3, v2;
	v3 =	vmul.f32 v5, v4;
	_ =	sdelay $0x1  }
0x31a: {  	v7 =	vld [tilespmem:s13+$0x0];
	v2 =	vadd.f32 v2, v3  }
0x31b: {  	v4 =	vld [tilespmem:s13+$0xFFFFFFE0]  }
0x31c: {  	v3 =	vld [tilespmem:s13+$0xFFFFFFC0];
	(xrf2) =	vadd.scan.msk.f32 $0xffff, v2  }
0x31d: {  	v2 =	vld [tilespmem:s0+$0xFFFFFFF0]  }
0x31e: {  	v6 =	vld [tilespmem:s0+$0xFFFFFFE0];
	_ =	sdelay $0x1  }
0x31f: {  	v13 =	vunpack.i.u.bf16.f32 v7;
	v5 =	vld [tilespmem:s0+$0x0]  }
0x320: {  	v7 =	vunpack.i.l.bf16.f32 v7;
	v10 =	vunpack.i.l.bf16.f32 v4;
	v4 =	vunpack.i.u.bf16.f32 v4  }
0x321: {  	s0 =	simm.s32 $0x2AC0;
	v8 =	vunpack.i.u.bf16.f32 v3;
	v3 =	vunpack.i.l.bf16.f32 v3;
	v9 =	vunpack.i.u.bf16.f32 v2  }
0x322: {  	s28 =	simm.s32 $0xA60;
	v12 =	vld [tilespmem:s0+$0x20];
	v4 =	vmul.f32 v4, v9;
	v9 =	vunpack.i.l.bf16.f32 v6;
	v6 =	vunpack.i.u.bf16.f32 v6  }
0x323: {  	v11 =	vld [tilespmem:s28+$0x10];
	v2 =	vunpack.i.l.bf16.f32 v2;
	v3 =	vmul.f32 v3, v9;
	v6 =	vmul.f32 v8, v6  }
0x324: {  	v15 =	vld [tilespmem:s13+$0xFFFFFFD0];
	v2 =	vmul.f32 v10, v2;
	v10 =	vunpack.i.u.bf16.f32 v5;
	v5 =	vunpack.i.l.bf16.f32 v5  }
0x325: {  	v16 =	vld [tilespmem:s0+$0xFFFFFFC0];
	v5 =	vmul.f32 v7, v5;
	v7 =	vmul.f32 v13, v10;
	v3 =	vadd.f32 v3, v6;
	v9, _, _ =	vpop (xrf2)  }
0x326: {  	v10 =	vld [tilespmem:s13+$0x10];
	v2 =	vadd.f32 v2, v4;
	v8 =	vmul.f32 $1.442695020e+00, v9  }
0x327: {  	v13 =	vunpack.i.u.bf16.f32 v12;
	v12 =	vunpack.i.l.bf16.f32 v12;
	v4 =	vld [tilespmem:s28+$0xFFFFFFF0];
	v5 =	vadd.f32 v5, v7;
	(xrf2) =	vadd.scan.msk.f32 $0xffff, v3  }
0x328: {  	v9 =	vld [tilespmem:s13+$0xFFFFFFF0];
	(xrf2) =	vadd.scan.msk.f32 $0xffff, v2;
	v6 =	vbroadcast v8, $0xF;
	v8 =	vunpack.i.u.bf16.f32 v11;
	v11 =	vunpack.i.l.bf16.f32 v11  }
0x329: {  	(xrf2) =	vadd.scan.msk.f32 $0xffff, v5;
	v5 =	vld [tilespmem:s0+$0x0];
	v11 =	vmul.f32 v12, v11  }
0x32a: {  	v8 =	vmul.f32 v13, v8;
	(erf) = vpow2.f32 v6;
	v6 =	vld [tilespmem:s0+$0xFFFFFFE0]  }
0x32b: {  	v14 =	vunpack.i.u.bf16.f32 v15  }
0x32c: {  	v7 =	vld [tilespmem:s28+$0x0];
	v3 =	vunpack.i.l.bf16.f32 v15;
	v21 =	vunpack.i.u.bf16.f32 v10;
	v2 =	vadd.f32 v11, v8  }
0x32d: {  	v15 =	vunpack.i.l.bf16.f32 v4;
	v4 =	vunpack.i.u.bf16.f32 v4;
	v12 =	vunpack.i.l.bf16.f32 v16;
	v11 =	vld [tilespmem:s13+$0x30]  }
0x32e: {  	v13 =	vunpack.i.u.bf16.f32 v9;
	v8 =	vunpack.i.l.bf16.f32 v10;
	v10 =	vld [tilespmem:s28+$0xFFFFFFE0];
	(xrf2) =	vadd.scan.msk.f32 $0xffff, v2;
	v2 =	vunpack.i.l.bf16.f32 v9  }
0x32f: {  	v9 =	vunpack.i.u.bf16.f32 v16;
	v17 =	vunpack.i.l.bf16.f32 v5;
	v16 =	vunpack.i.l.bf16.f32 v6  }
0x330: {  	v5 =	vunpack.i.u.bf16.f32 v5;
	v6 =	vunpack.i.u.bf16.f32 v6;
	v15 =	vmul.f32 v16, v15  }
0x331: {  	v16 =	vunpack.i.u.bf16.f32 v7;
	v7 =	vunpack.i.l.bf16.f32 v7;
	v4 =	vmul.f32 v6, v4  }
0x332: {  	v6 =	vmul.f32 v17, v7;
	v5 =	vmul.f32 v5, v16  }
0x333: {  	v18, _, _ =	vpop (xrf2);
	v7 =	vunpack.i.u.bf16.f32 v11;
	v17 =	vunpack.i.l.bf16.f32 v10;
	v10 =	vunpack.i.u.bf16.f32 v10  }
0x334: {  	v9 =	vmul.f32 v9, v10;
	v10 =	vadd.f32 v15, v4;
	v4 =	vmul.f32 $1.442695020e+00, v18;
	v16 =	vpop (erf)  }
0x335: {  	v19 =	vld [tilespmem:s0+$0xFFFFFFD0];
	v20 =	vmul.f32 v16, v7  }
0x336: {  	s29 =	simm.s32 $0x2B40;
	v11 =	vunpack.i.l.bf16.f32 v11;
	v7 =	vmul.f32 v12, v17;
	v12, _, _ =	vpop (xrf2);
	v17 =	vld [tilespmem:s0+$0xFFFFFFF0];
	v4 =	vbroadcast v4, $0xF  }
0x337: {  	v25 =	vld [tilespmem:s29+$0x20];
	s13 =	simm.s32 $0xAA0;
	v18 =	vadd.f32 v6, v5;
	v15, _, _ =	vpop (xrf2);
	v6 =	vmul.f32 $1.442695020e+00, v12;
	v5 =	vperm.xlane v20, v1  }
0x338: {  	v23 =	vld [tilespmem:s13+$0x10];
	v9 =	vadd.f32 v7, v9;
	v7 =	vmul.f32 $1.442695020e+00, v15;
	(erf) = vpow2.f32 v4;
	v12, _, _ =	vpop (xrf2)  }
0x339: {  	v15 =	vnsel vm0, $0x0, v16;
	v6 =	vbroadcast v6, $0xF;
	v12 =	vmul.f32 $1.442695020e+00, v12  }
0x33a: {  	v26 =	vld [tilespmem:s29+$0xFFFFFFC0];
	v24 =	vsel vm1, v5, v15;
	v15 =	vbroadcast v7, $0xF;
	v5 =	vunpack.i.u.bf16.f32 v19  }
0x33b: {  	v22 =	vld [tilespmem:s0+$0x10];
	(xrf2) =	vadd.scan.msk.f32 $0xffff, v9;
	(erf) = vpow2.f32 v6;
	v7 =	vunpack.i.u.bf16.f32 v17;
	v6 =	vunpack.i.l.bf16.f32 v19  }
0x33c: {  	v9 =	vunpack.i.l.bf16.f32 v17;
	v12 =	vbroadcast v12, $0xF;
	(erf) = vpow2.f32 v15;
	v15 =	vld [tilespmem:s13+$0xFFFFFFF0]  }
0x33d: {  	(xrf2) =	vadd.scan.msk.f32 $0xffff, v10;
	v10 =	vmul.f32 v16, v11;
	v16 =	vunpack.i.u.bf16.f32 v23;
	v17 =	vld [tilespmem:s29+$0x0];
	v19 =	vunpack.i.u.bf16.f32 v25  }
0x33e: {  	(xrf2) =	vadd.scan.msk.f32 $0xffff, v18;
	v18 =	vunpack.i.l.bf16.f32 v23;
	v23 =	vunpack.i.l.bf16.f32 v25;
	(erf) = vpow2.f32 v12;
	v12 =	vld [tilespmem:s29+$0xFFFFFFE0]  }
0x33f: {  	v16 =	vmul.f32 v19, v16;
	v23 =	vmul.f32 v23, v18;
	v18 =	vld [tilespmem:s0+$0x30]  }
0x340: {  	v11 =	vld [tilespmem:s13+$0x0]  }
0x341: {  	v27 =	vld [tilespmem:s13+$0xFFFFFFE0];
	v19 =	vunpack.i.u.bf16.f32 v15;
	v15 =	vunpack.i.l.bf16.f32 v15  }
0x342: {  	v4 =	vunpack.i.u.bf16.f32 v22;
	v25 =	vunpack.i.u.bf16.f32 v26;
	v26 =	vunpack.i.l.bf16.f32 v26  }
0x343: {  	v23 =	vadd.f32 v23, v16;
	v16 =	vpop (erf);
	v28 =	vunpack.i.u.bf16.f32 v12;
	v12 =	vunpack.i.l.bf16.f32 v12  }
0x344: {  	v30 =	vunpack.i.l.bf16.f32 v17;
	v32 =	vunpack.i.u.bf16.f32 v18;
	v29 =	vmul.f32 v12, v15;
	v15 =	vpop (erf)  }
0x345: {  	(xrf2) =	vadd.scan.msk.f32 $0xffff, v23;
	v12 =	vunpack.i.u.bf16.f32 v11;
	v28 =	vmul.f32 v28, v19;
	v19 =	vunpack.i.u.bf16.f32 v17;
	v33, _, _ =	vpop (xrf2)  }
0x346: {  	s30 =	simm.s32 $0x6A50;
	v31 =	vld [tilespmem:s29+$0xFFFFFFD0];
	v11 =	vunpack.i.l.bf16.f32 v11;
	v17 =	vpop (erf);
	v23 =	vmul.f32 v19, v12;
	v12 =	vunpack.i.l.bf16.f32 v27  }
0x347: {  	[tilespmem:s30+$0x38] =	vst v20;
	v11 =	vmul.f32 v30, v11;
	v30 =	vld [tilespmem:s29+$0xFFFFFFF0];
	v27 =	vunpack.i.u.bf16.f32 v27;
	v20, _, _ =	vpop (xrf2);
	v26 =	vmul.f32 v26, v12  }
0x348: {  	v12 =	vunpack.i.l.bf16.f32 v22;
	v25 =	vmul.f32 v25, v27;
	v28 =	vadd.f32 v29, v28;
	v19 =	vpop (erf)  }
0x349: {  	v34 =	vld [tilespmem:s29+$0x10];
	[tilespmem:s30+$0x40] =	vst v24;
	v24, _, _ =	vpop (xrf2);
	v23 =	vadd.f32 v11, v23;
	v11 =	vmul.f32 $1.442695020e+00, v33;
	v22 =	vmul.f32 v19, v32  }
0x34a: {  	v20 =	vmul.f32 $1.442695020e+00, v20;
	v24 =	vmul.f32 $1.442695020e+00, v24;
	v25 =	vadd.f32 v26, v25  }
0x34b: {  	[tilespmem:s30+$0x28] =	vst v10;
	v10 =	vnsel vm0, $0x0, v19;
	v26 =	vbroadcast v11, $0xF;
	v27 =	vperm.xlane v22, v1  }
0x34c: {  	s28 =	simm.s32 $0x6AF0;
	v29 =	vbroadcast v20, $0xF;
	v20 =	vunpack.i.l.bf16.f32 v31;
	(xrf2) =	vadd.scan.msk.f32 $0xffff, v25;
	v11 =	vunpack.i.u.bf16.f32 v30  }
0x34d: {  	[tilespmem:s28+$0x38] =	vst v22;
	v25 =	vbroadcast v24, $0xF;
	v24 =	vmul.f32 v15, v13;
	v27 =	vsel vm1, v27, v10  }
0x34e: {  	v22 =	vunpack.i.u.bf16.f32 v34;
	(erf) = vpow2.f32 v26;
	[tilespmem:s28+$0x40] =	vst v27;
	v27 =	vmul.f32 v16, v14  }
0x34f: {  	v13 =	vunpack.i.l.bf16.f32 v34;
	(xrf2) =	vadd.scan.msk.f32 $0xffff, v28;
	v10 =	vunpack.i.u.bf16.f32 v31;
	(erf) = vpow2.f32 v29;
	v26, _, _ =	vpop (xrf2)  }
0x350: {  	s31 =	simm.s32 $0x8;
	s13 =	simm.s32 $0xAE0;
	s0 =	simm.s32 $0x2B40;
	v14 =	vunpack.i.l.bf16.f32 v30;
	v28 =	vmul.f32 $1.442695020e+00, v26;
	v26 =	vmul.f32 v17, v21;
	[tilespmem:s30+$0xFFFFFFC0] =	vst v27  }
.LBB2_9:
0x351: {  	v29 =	vld [tilespmem:s13+$0x10];
	s29 =	sadd.s32 $0x80, s29;
	v18 =	vunpack.i.l.bf16.f32 v18;
	(erf) = vpow2.f32 v25;
	v25 =	vperm.xlane v27, v1;
	[tilespmem:s30+$0xFFFFFFE8] =	vst v24;
	v21 =	vmovc v4;
	v4 =	vmovc v22  }
0x352: {  	s31 =	sadd.s32 $0x4, s31;
	v24 =	vperm.xlane v24, v1;
	v22 =	vld [tilespmem:s29+$0x20];
	v27 =	vbroadcast v28, $0xF;
	(xrf2) =	vadd.scan.msk.f32 $0xffff, v23;
	v23 =	vnsel vm0, $0x0, v16  }
0x353: {  	v30 =	vnsel vm0, $0x0, v15;
	p1 =	slt.u32 s31, $0xFC;
	v16 =	vmul.f32 v16, v3;
	v3 =	vmovc v6;
	v28 =	vld [tilespmem:s29+$0xFFFFFFC0];
	[tilespmem:s30+$0x10] =	vst v26;
	v26 =	vperm.xlane v26, v1  }
0x354: {  	v6 =	vmovc v20;
	v31 =	vld [tilespmem:s13+$0xFFFFFFF0];
	(erf) = vpow2.f32 v27;
	v27 =	vmul.f32 v15, v2;
	v15 =	vnsel vm0, $0x0, v17;
	v2 =	vmovc v9  }
0x355: {  	v8 =	vmul.f32 v17, v8;
	v19 =	vmul.f32 v19, v18;
	v32 =	vsel vm1, v25, v23;
	v9 =	vld [tilespmem:s29+$0xFFFFFFE0];
	[tilespmem:s30+$0xFFFFFFB0] =	vst v16  }
0x356: {  	v18 =	vsel vm1, v24, v30;
	v23 =	vsel vm1, v26, v15;
	v20 =	vld [tilespmem:s13+$0x0];
	v17 =	vunpack.i.u.bf16.f32 v29;
	v25, _, _ =	vpop (xrf2);
	[tilespmem:s30+$0xFFFFFFC8] =	vst v32  }
0x357: {  	v30 =	vunpack.i.l.bf16.f32 v29;
	v24 =	vld [tilespmem:s29+$0x0];
	v26 =	vunpack.i.u.bf16.f32 v22;
	v22 =	vunpack.i.l.bf16.f32 v22;
	v16 =	vpop (erf);
	[tilespmem:s30+$0xFFFFFFF0] =	vst v18  }
0x358: {  	v29 =	vunpack.i.u.bf16.f32 v28;
	v22 =	vmul.f32 v22, v30;
	v33 =	vmul.f32 v26, v17;
	v18 =	vld [tilespmem:s0+$0x30];
	v15 =	vpop (erf);
	[tilespmem:s30+$0x18] =	vst v23;
	s0 =	smov.u32 s29  }
0x359: {  	v26 =	vunpack.i.l.bf16.f32 v28;
	v23 =	vld [tilespmem:s13+$0xFFFFFFE0];
	v28 =	vunpack.i.u.bf16.f32 v31;
	v30 =	vunpack.i.l.bf16.f32 v31;
	v31, _, _ =	vpop (xrf2);
	[tilespmem:s30+$0xFFFFFFD8] =	vst v27  }
0x35a: {  	v27 =	vld [tilespmem:s29+$0xFFFFFFD0];
	v32 =	vunpack.i.u.bf16.f32 v9;
	v35 =	vunpack.i.l.bf16.f32 v9;
	v36 =	vadd.f32 v22, v33;
	v17 =	vpop (erf);
	[tilespmem:s30+$0x0] =	vst v8;
	s30 =	smov.u32 s28  }
0x35b: {  	v9 =	vmovc v14;
	v8 =	vmovc v12;
	v30 =	vmul.f32 v35, v30;
	v33 =	vld [tilespmem:s29+$0xFFFFFFF0];
	v34 =	vunpack.i.u.bf16.f32 v20;
	v20 =	vunpack.i.l.bf16.f32 v20;
	[tilespmem:s28+$0x28] =	vst v19  }
0x35c: {  	v14 =	vmul.f32 v32, v28;
	v37 =	vunpack.i.u.bf16.f32 v24;
	v32 =	vunpack.i.l.bf16.f32 v24;
	v28 =	vld [tilespmem:s29+$0x10];
	(xrf2) =	vadd.scan.msk.f32 $0xffff, v36;
	v22, _, _ =	vpop (xrf2)  }
0x35d: {  	v20 =	vmul.f32 v32, v20;
	v24 =	vmul.f32 v37, v34;
	v35 =	vunpack.i.u.bf16.f32 v18;
	v19 =	vpop (erf)  }
0x35e: {  	v12 =	vmovc v13;
	v32 =	vunpack.i.u.bf16.f32 v23;
	v23 =	vunpack.i.l.bf16.f32 v23;
	v34 =	vmul.f32 v19, v35  }
0x35f: {  	v13 =	vmul.f32 v26, v23;
	v26 =	vmul.f32 v29, v32;
	v29 =	vadd.f32 v30, v14  }
0x360: {  	v23 =	vadd.f32 v20, v24;
	v14 =	vmul.f32 $1.442695020e+00, v25;
	v20 =	vperm.xlane v34, v1  }
0x361: {  	s28 =	sadd.s32 $0xA0, s28;
	v24 =	vmul.f32 $1.442695020e+00, v31;
	v25 =	vnsel vm0, $0x0, v19;
	v13 =	vadd.f32 v13, v26  }
0x362: {  	v14 =	vbroadcast v14, $0xF;
	v26 =	vmul.f32 $1.442695020e+00, v22;
	[tilespmem:s28+$0x38] =	vst v34;
	v20 =	vsel vm1, v20, v25  }
.Ltmp3:
0x363: {  	v30 =	vunpack.i.u.bf16.f32 v27;
	(xrf2) =	vadd.scan.msk.f32 $0xffff, v13;
	v13 =	vbroadcast v24, $0xF;
	[tilespmem:s28+$0x40] =	vst v20;
	(pc) =	sbr.rel @p1 .LBB2_9-.Ltmp3, $4  }
0x364: {  	v31 =	vunpack.i.u.bf16.f32 v33;
	v22 =	vunpack.i.u.bf16.f32 v28;
	v25 =	vbroadcast v26, $0xF  }
0x365: {  	v20 =	vunpack.i.l.bf16.f32 v27;
	v27 =	vmul.f32 v16, v5;
	v5 =	vmovc v10;
	v10 =	vmovc v30;
	(erf) = vpow2.f32 v14  }
0x366: {  	v24 =	vmul.f32 v15, v7;
	v14 =	vunpack.i.l.bf16.f32 v33;
	(xrf2) =	vadd.scan.msk.f32 $0xffff, v29;
	v26, _, _ =	vpop (xrf2);
	(erf) = vpow2.f32 v13  }
0x367: {  	s13 =	sadd.s32 $0x40, s13;
	v7 =	vmovc v11;
	v11 =	vmovc v31;
	v13 =	vunpack.i.l.bf16.f32 v28;
	v28 =	vmul.f32 $1.442695020e+00, v26;
	[tilespmem:s30+$0xFFFFFFC0] =	vst v27;
	v26 =	vmul.f32 v17, v21  }
0x368: {  	(xrf2) =	vadd.scan.msk.f32 $0xffff, v23  }
0x369: {  	v21 =	vbroadcast v28, $0xF  }
0x36a: {  	(erf) = vpow2.f32 v25  }
0x36b: {  	(erf) = vpow2.f32 v21  }
0x36c: {  	v25 =	vperm.xlane v27, v1;
	v3 =	vmul.f32 v16, v3  }
0x36d: {  	v16 =	vnsel vm0, $0x0, v16;
	[tilespmem:s30+$0x10] =	vst v26;
	v26 =	vperm.xlane v26, v1  }
0x36e: {  	[tilespmem:s30+$0xFFFFFFB0] =	vst v3;
	v3 =	vsel vm1, v25, v16;
	v16 =	vnsel vm0, $0x0, v17;
	v21, _, _ =	vpop (xrf2)  }
0x36f: {  	v23 =	vld [tilespmem:s0+$0x30];
	v2 =	vmul.f32 v15, v2;
	v16 =	vsel vm1, v26, v16;
	v27 =	vpop (erf)  }
0x370: {  	v18 =	vunpack.i.l.bf16.f32 v18;
	[tilespmem:s30+$0xFFFFFFE8] =	vst v24;
	v24 =	vperm.xlane v24, v1;
	v29 =	vpop (erf)  }
0x371: {  	v8 =	vmul.f32 v17, v8;
	v28 =	vnsel vm0, $0x0, v15;
	[tilespmem:s30+$0xFFFFFFD8] =	vst v2;
	v21 =	vmul.f32 $1.442695020e+00, v21;
	v15, _, _ =	vpop (xrf2)  }
0x372: {  	v18 =	vmul.f32 v19, v18;
	[tilespmem:s30+$0x18] =	vst v16;
	v2 =	vmul.f32 $1.442695020e+00, v15;
	v16, _, _ =	vpop (xrf2)  }
0x373: {  	[tilespmem:s30+$0xFFFFFFC8] =	vst v3;
	v3 =	vsel vm1, v24, v28;
	v19 =	vpop (erf);
	v15 =	vmul.f32 $1.442695020e+00, v16;
	v16 =	vbroadcast v21, $0xF  }
0x374: {  	[tilespmem:s30+$0xFFFFFFF0] =	vst v3;
	v3 =	vunpack.i.u.bf16.f32 v23;
	v5 =	vmul.f32 v27, v5;
	v2 =	vbroadcast v2, $0xF;
	v17 =	vpop (erf)  }
0x375: {  	[tilespmem:s30+$0x0] =	vst v8;
	v3 =	vmul.f32 v17, v3;
	(erf) = vpow2.f32 v16  }
0x376: {  	[tilespmem:s28+$0x28] =	vst v18;
	(erf) = vpow2.f32 v2;
	v2 =	vmul.f32 v29, v7  }
0x377: {  	[tilespmem:s28+$0xFFFFFFC0] =	vst v5;
	v8 =	vperm.xlane v3, v1  }
0x378: {  	s13 =	sadd.s32 $0xA0, s28;
	v18 =	vnsel vm0, $0x0, v17;
	v15 =	vbroadcast v15, $0xF;
	[tilespmem:s28+$0xFFFFFFE8] =	vst v2;
	v2 =	vperm.xlane v2, v1  }
0x379: {  	v7 =	vnsel vm0, $0x0, v29;
	[tilespmem:s13+$0x38] =	vst v3;
	v3 =	vsel vm1, v8, v18  }
0x37a: {  	(erf) = vpow2.f32 v15;
	[tilespmem:s13+$0x40] =	vst v3;
	v3 =	vmul.f32 v19, v4;
	v2 =	vsel vm1, v2, v7  }
0x37b: {  	v4 =	vperm.xlane v5, v1;
	v5 =	vmul.f32 v27, v6;
	[tilespmem:s28+$0xFFFFFFF0] =	vst v2  }
0x37c: {  	[tilespmem:s28+$0x10] =	vst v3;
	v3 =	vperm.xlane v3, v1  }
0x37d: {  	v6 =	vnsel vm0, $0x0, v27;
	v2 =	vunpack.i.l.bf16.f32 v23;
	[tilespmem:s28+$0xFFFFFFB0] =	vst v5;
	v5 =	vnsel vm0, $0x0, v19  }
0x37e: {  	v4 =	vsel vm1, v4, v6;
	v2 =	vmul.f32 v17, v2;
	v3 =	vsel vm1, v3, v5  }
0x37f: {  	[tilespmem:s28+$0xFFFFFFC8] =	vst v4;
	v4 =	vmul.f32 v29, v9  }
0x380: {  	v5 =	vmul.f32 v19, v12;
	[tilespmem:s13+$0x28] =	vst v2  }
0x381: {  	[tilespmem:s28+$0x18] =	vst v3;
	v3 =	vpop (erf)  }
0x382: {  	[tilespmem:s28+$0x0] =	vst v5;
	v5 =	vmul.f32 v3, v10  }
0x383: {  	[tilespmem:s28+$0xFFFFFFD8] =	vst v4;
	v4 =	vpop (erf);
	v8 =	vmul.f32 v3, v20  }
0x384: {  	v6 =	vpop (erf);
	v2 =	vmul.f32 v4, v11;
	[tilespmem:s13+$0xFFFFFFC0] =	vst v5  }
0x385: {  	v7 =	vmul.f32 v6, v22;
	v5 =	vperm.xlane v5, v1;
	[tilespmem:s13+$0xFFFFFFB0] =	vst v8  }
0x386: {  	v3 =	vnsel vm0, $0x0, v3;
	[tilespmem:s13+$0xFFFFFFE8] =	vst v2;
	v2 =	vperm.xlane v2, v1  }
0x387: {  	v9 =	vnsel vm0, $0x0, v4;
	[tilespmem:s13+$0x10] =	vst v7;
	v7 =	vperm.xlane v7, v1;
	v3 =	vsel vm1, v5, v3  }
0x388: {  	v5 =	vnsel vm0, $0x0, v6;
	[tilespmem:s13+$0xFFFFFFC8] =	vst v3;
	v2 =	vsel vm1, v2, v9  }
0x389: {  	v3 =	vmul.f32 v4, v14;
	v4 =	vsel vm1, v7, v5;
	[tilespmem:s13+$0xFFFFFFF0] =	vst v2  }
0x38a: {  	v2 =	vmul.f32 v6, v13;
	[tilespmem:s13+$0x18] =	vst v4  }
0x38b: {  	[tilespmem:s13+$0xFFFFFFD8] =	vst v3  }
0x38c: {  	s0 =	simm.s32 $0x800;
	[tilespmem:s13+$0x0] =	vst v2;
	s13 =	simm.s32 $0x6A00  }
0x38d: {  	[spmem:s4] =	stream.indirect.scatter.add.f32 [tilespmem:s13], [sflag:$0x7], $0x28, s0, s20, $0xb8;
	[tilespmem:$0x1AF00] =	vst v63  }
0x38e: {  	s0 =	simm.s32 $0x900;
	s13 =	simm.s32 $0x7E00  }
0x38f: {  	[spmem:s4] =	stream.indirect.scatter.add.f32 [tilespmem:s13], [sflag:$0x7], $0x28, s0, s20, $0xb8;
	[tilespmem:$0x1AF00] =	vst v63  }
0x390: {  	_ =	swait.ge [sflag:s23], $0x80  }
0x391: {  	[sflag:s23] =	ssyncset.done $0x0  }
0x392: {  	[sflag:s23] =	ssyncadd.s32 $0xFFFFFF80  }
0x393: {  	_ =	swait.ge [sflag:s23], $0x80  }
0x394: {  	[sflag:s23] =	ssyncset.done $0x0  }
0x395: {  	[sflag:s23] =	ssyncadd.s32 $0xFFFFFF80  }
0x396: {  	_ =	swait.ge [sflag:s23], $0x80  }
0x397: {  	[sflag:s23] =	ssyncset.done $0x0  }
0x398: {  	[sflag:s23] =	ssyncadd.s32 $0xFFFFFF80  }
0x399: {  	_ =	swait.ge [sflag:s23], $0x80  }
0x39a: {  	[sflag:s23] =	ssyncset.done $0x0  }
0x39b: {  	[sflag:s23] =	ssyncadd.s32 $0xFFFFFF80  }
0x39c: {  	v2 =	vld [tilespmem:$0x200]  }
0x39d: {  	v3 =	vld [tilespmem:$0x0]  }
0x39e: {  	v4 =	vld [tilespmem:$0x210]  }
0x39f: {  	v5 =	vld [tilespmem:$0x10]  }
0x3a0: {  	v6 =	vld [tilespmem:$0x220]  }
0x3a1: {  	v7 =	vld [tilespmem:$0x20];
	v2 =	vadd.s32 v0, v2  }
0x3a2: {  	[tilespmem:$0x400] =	vst v2;
	v2 =	vadd.s32 v0, v3;
	v3 =	vld [tilespmem:$0x230]  }
0x3a3: {  	[tilespmem:$0x600] =	vst v2;
	v2 =	vadd.s32 v0, v4;
	v4 =	vld [tilespmem:$0x30]  }
0x3a4: {  	[tilespmem:$0x410] =	vst v2;
	v2 =	vadd.s32 v0, v5;
	v5 =	vld [tilespmem:$0x240]  }
0x3a5: {  	[tilespmem:$0x610] =	vst v2;
	v2 =	vadd.s32 v0, v6;
	v6 =	vld [tilespmem:$0x40]  }
0x3a6: {  	[tilespmem:$0x420] =	vst v2;
	v2 =	vadd.s32 v0, v7;
	v7 =	vld [tilespmem:$0x250]  }
0x3a7: {  	[tilespmem:$0x620] =	vst v2;
	v2 =	vadd.s32 v0, v3;
	v3 =	vld [tilespmem:$0x50]  }
0x3a8: {  	[tilespmem:$0x430] =	vst v2;
	v2 =	vadd.s32 v0, v4;
	v4 =	vld [tilespmem:$0x260]  }
0x3a9: {  	[tilespmem:$0x630] =	vst v2;
	v2 =	vadd.s32 v0, v5;
	v5 =	vld [tilespmem:$0x60]  }
0x3aa: {  	[tilespmem:$0x440] =	vst v2;
	v2 =	vadd.s32 v0, v6;
	v6 =	vld [tilespmem:$0x270]  }
0x3ab: {  	[tilespmem:$0x640] =	vst v2;
	v2 =	vadd.s32 v0, v7;
	v7 =	vld [tilespmem:$0x70]  }
0x3ac: {  	[tilespmem:$0x450] =	vst v2;
	v2 =	vadd.s32 v0, v3;
	v3 =	vld [tilespmem:$0x280]  }
0x3ad: {  	[tilespmem:$0x650] =	vst v2;
	v2 =	vadd.s32 v0, v4;
	v4 =	vld [tilespmem:$0x80]  }
0x3ae: {  	[tilespmem:$0x460] =	vst v2;
	v2 =	vadd.s32 v0, v5;
	v5 =	vld [tilespmem:$0x290]  }
0x3af: {  	[tilespmem:$0x660] =	vst v2;
	v2 =	vadd.s32 v0, v6;
	v6 =	vld [tilespmem:$0x90]  }
0x3b0: {  	[tilespmem:$0x470] =	vst v2;
	v2 =	vadd.s32 v0, v7;
	v7 =	vld [tilespmem:$0x2A0]  }
0x3b1: {  	[tilespmem:$0x670] =	vst v2;
	v2 =	vadd.s32 v0, v3;
	v3 =	vld [tilespmem:$0xA0]  }
0x3b2: {  	[tilespmem:$0x500] =	vst v2;
	v2 =	vadd.s32 v0, v4;
	v4 =	vld [tilespmem:$0x2B0]  }
0x3b3: {  	[tilespmem:$0x700] =	vst v2;
	v2 =	vadd.s32 v0, v5;
	v5 =	vld [tilespmem:$0xB0]  }
0x3b4: {  	[tilespmem:$0x510] =	vst v2;
	v2 =	vadd.s32 v0, v6;
	v6 =	vld [tilespmem:$0x2C0]  }
0x3b5: {  	[tilespmem:$0x710] =	vst v2;
	v2 =	vadd.s32 v0, v7;
	v7 =	vld [tilespmem:$0xC0]  }
0x3b6: {  	[tilespmem:$0x520] =	vst v2;
	v2 =	vadd.s32 v0, v3;
	v3 =	vld [tilespmem:$0x2D0]  }
0x3b7: {  	[tilespmem:$0x720] =	vst v2;
	v2 =	vadd.s32 v0, v4;
	v4 =	vld [tilespmem:$0xD0]  }
0x3b8: {  	[tilespmem:$0x530] =	vst v2;
	v2 =	vadd.s32 v0, v5;
	v5 =	vld [tilespmem:$0x2E0]  }
0x3b9: {  	[tilespmem:$0x730] =	vst v2;
	v2 =	vadd.s32 v0, v6;
	v6 =	vld [tilespmem:$0xE0]  }
0x3ba: {  	[tilespmem:$0x540] =	vst v2;
	v2 =	vadd.s32 v0, v7;
	v7 =	vld [tilespmem:$0x2F0]  }
0x3bb: {  	[tilespmem:$0x740] =	vst v2;
	v2 =	vadd.s32 v0, v3;
	v3 =	vld [tilespmem:$0xF0]  }
0x3bc: {  	[tilespmem:$0x550] =	vst v2;
	v2 =	vadd.s32 v0, v4  }
0x3bd: {  	[tilespmem:$0x750] =	vst v2;
	v2 =	vadd.s32 v0, v5  }
0x3be: {  	[tilespmem:$0x560] =	vst v2;
	v2 =	vadd.s32 v0, v6  }
0x3bf: {  	[tilespmem:$0x760] =	vst v2;
	v2 =	vadd.s32 v0, v7  }
0x3c0: {  	[tilespmem:$0x570] =	vst v2;
	v2 =	vadd.s32 v0, v3  }
0x3c1: {  	s0 =	simm.s32 $0x400;
	s13 =	simm.s32 $0xA00;
	[tilespmem:$0x770] =	vst v2  }
0x3c2: {  	[tilespmem:s13], [sflag:$0x3] =	stream.indirect.gather [hbm4b:s9+s20], $0x10, s0, s20, $0xb8;
	[tilespmem:$0x1AF00] =	vst v63  }
0x3c3: {  	s0 =	simm.s32 $0x500;
	s13 =	simm.s32 $0x1200  }
0x3c4: {  	[tilespmem:s13], [sflag:$0x3] =	stream.indirect.gather [hbm4b:s9+s20], $0x10, s0, s20, $0xb8;
	[tilespmem:$0x1AF00] =	vst v63  }
0x3c5: {  	s0 =	simm.s32 $0x600;
	s13 =	simm.s32 $0x2A00  }
0x3c6: {  	[tilespmem:s13], [sflag:$0x5] =	stream.indirect.gather [hbm4b:s2+s20], $0x20, s0, s20, $0xb8;
	[tilespmem:$0x1AF00] =	vst v63  }
0x3c7: {  	s0 =	simm.s32 $0x700;
	s13 =	simm.s32 $0x3A00  }
0x3c8: {  	[tilespmem:s13], [sflag:$0x5] =	stream.indirect.gather [hbm4b:s2+s20], $0x20, s0, s20, $0xb8;
	[tilespmem:$0x1AF00] =	vst v63  }
0x3c9: {  	s0 =	simm.s32 @!p0 $0x8  }
0x3ca: {  	_ =	swait.ge @!p0 [sflag:s0], $0x1400  }
0x3cb: {  	[sflag:s0] =	ssyncset.done @!p0 $0x0  }
0x3cc: {  	[sflag:s0] =	ssyncadd.s32 @!p0 $0xFFFFEC00  }
0x3cd: {  	_ =	swait.ge @!p0 [sflag:s0], $0x1400  }
0x3ce: {  	[sflag:s0] =	ssyncset.done @!p0 $0x0  }
0x3cf: {  	s13 =	stileid.u32;
	[sflag:s0] =	ssyncadd.s32 @!p0 $0xFFFFEC00  }
0x3d0: {  	s0 =	sor.u32 s26, s13;
	v2 =	vld [tilespmem:$0x300]  }
0x3d1: {  	v3 =	vld [tilespmem:$0x310];
	s0 =	sshll.u32 s0, $0x8  }
0x3d2: {  	v4 =	vld [tilespmem:$0x320];
	s13 =	sor.u32 $0x1000, s0  }
0x3d3: {  	v5 =	vld [tilespmem:$0x330];
	p3 =	slt.u32 s13, $0x61A80;
	s13 =	sor.u32 $0x1010, s0  }
0x3d4: {  	v6 =	vld [tilespmem:$0x340];
	p4 =	slt.u32 s13, $0x61A80;
	s13 =	sor.u32 $0x1020, s0  }
0x3d5: {  	v7 =	vld [tilespmem:$0x350];
	p5 =	slt.u32 s13, $0x61A80;
	s13 =	sor.u32 $0x1030, s0;
	v2 =	vpsel !p3, $0x61F8, v2  }
0x3d6: {  	p6 =	slt.u32 s13, $0x61A80;
	s13 =	sor.u32 $0x1040, s0;
	[tilespmem:$0x880] =	vst v2;
	v2 =	vpsel !p4, $0x61F8, v3;
	v3 =	vld [tilespmem:$0x360]  }
0x3d7: {  	p1 =	slt.u32 s13, $0x61A80;
	s13 =	sor.u32 $0x1050, s0;
	[tilespmem:$0x890] =	vst v2;
	v2 =	vpsel !p5, $0x61F8, v4;
	v4 =	vld [tilespmem:$0x370]  }
0x3d8: {  	p2 =	slt.u32 s13, $0x61A80;
	s13 =	sor.u32 $0x1060, s0;
	[tilespmem:$0x8A0] =	vst v2;
	v2 =	vpsel !p6, $0x61F8, v5;
	v5 =	vld [tilespmem:$0x380]  }
0x3d9: {  	p3 =	slt.u32 s13, $0x61A80;
	s13 =	sor.u32 $0x1070, s0;
	[tilespmem:$0x8B0] =	vst v2;
	v2 =	vpsel !p1, $0x61F8, v6;
	v6 =	vld [tilespmem:$0x390]  }
0x3da: {  	p4 =	slt.u32 s13, $0x61A80;
	s13 =	sor.u32 $0x1080, s0;
	[tilespmem:$0x8C0] =	vst v2;
	v2 =	vpsel !p2, $0x61F8, v7;
	v7 =	vld [tilespmem:$0x3A0]  }
0x3db: {  	p5 =	slt.u32 s13, $0x61A80;
	s13 =	sor.u32 $0x1090, s0;
	[tilespmem:$0x8D0] =	vst v2;
	v2 =	vpsel !p3, $0x61F8, v3;
	v3 =	vld [tilespmem:$0x3B0]  }
0x3dc: {  	p6 =	slt.u32 s13, $0x61A80;
	s13 =	sor.u32 $0x10A0, s0;
	[tilespmem:$0x8E0] =	vst v2;
	v2 =	vpsel !p4, $0x61F8, v4;
	v4 =	vld [tilespmem:$0x3C0]  }
0x3dd: {  	p1 =	slt.u32 s13, $0x61A80;
	s13 =	sor.u32 $0x10B0, s0;
	[tilespmem:$0x8F0] =	vst v2;
	v2 =	vpsel !p5, $0x61F8, v5;
	v5 =	vld [tilespmem:$0x3D0]  }
0x3de: {  	p2 =	slt.u32 s13, $0x61A80;
	s13 =	sor.u32 $0x10C0, s0;
	[tilespmem:$0x980] =	vst v2;
	v2 =	vpsel !p6, $0x61F8, v6;
	v6 =	vld [tilespmem:$0x3E0]  }
0x3df: {  	p3 =	slt.u32 s13, $0x61A80;
	s13 =	sor.u32 $0x10D0, s0;
	[tilespmem:$0x990] =	vst v2;
	v2 =	vpsel !p1, $0x61F8, v7;
	v7 =	vld [tilespmem:$0x3F0]  }
0x3e0: {  	s26 =	sadd.s32 s18, s26;
	p4 =	slt.u32 s13, $0x61A80;
	s13 =	sor.u32 $0x10E0, s0;
	[tilespmem:$0x9A0] =	vst v2;
	v2 =	vpsel !p2, $0x61F8, v3  }
0x3e1: {  	p5 =	slt.u32 s13, $0x61A80;
	s13 =	smin.u32 s26, $0x61A;
	[tilespmem:$0x9B0] =	vst v2;
	v2 =	vpsel !p3, $0x61F8, v4  }
0x3e2: {  	s0 =	sor.u32 $0x10F0, s0;
	s26 =	sshll.u32 s13, $0x8;
	[tilespmem:$0x9C0] =	vst v2;
	v2 =	vpsel !p4, $0x61F8, v5  }
0x3e3: {  	p6 =	slt.u32 s0, $0x61A80;
	s0 =	sor.u32 $0x80, s26;
	[tilespmem:$0x9D0] =	vst v2;
	v2 =	vpsel !p5, $0x61F8, v6  }
0x3e4: {  	s13 =	sshll.u32 s13, $0x5;
	s0 =	smin.u32 s0, $0x61A00;
	[tilespmem:$0x9E0] =	vst v2;
	v2 =	vpsel !p6, $0x61F8, v7  }
0x3e5: {  	s28 =	simm.s32 $0x100;
	s26 =	sadd.s32 s10, s13;
	s0 =	sshrl.u32 s0, $0x3;
	[tilespmem:$0x9F0] =	vst v2  }
0x3e6: {  	[tilespmem:s28], [sflag:$0x2] =	stream.linear.gather [hbm4b:s26+s5], $0x80, $0x38;
	[tilespmem:$0x1AF00] =	vst v63  }
0x3e7: {  	s26 =	sadd.s32 s10, s0  }
0x3e8: {  	[tilespmem:s15], [sflag:$0x2] =	stream.linear.gather [hbm4b:s26+s5], $0x80, $0x38;
	[tilespmem:$0x1AF00] =	vst v63  }
0x3e9: {  	s13 =	sadd.s32 s11, s13  }
0x3ea: {  	[tilespmem:s12], [sflag:$0x2] =	stream.linear.gather [hbm4b:s13+s5], $0x80, $0x38;
	[tilespmem:$0x1AF00] =	vst v63  }
0x3eb: {  	s0 =	sadd.s32 s11, s0  }
0x3ec: {  	[tilespmem:s14], [sflag:$0x2] =	stream.linear.gather [hbm4b:s0+s5], $0x80, $0x38;
	[tilespmem:$0x1AF00] =	vst v63  }
0x3ed: {  	_ =	swait.ge [sflag:s22], $0x800  }
0x3ee: {  	[sflag:s22] =	ssyncset.done $0x0  }
0x3ef: {  	[sflag:s22] =	ssyncadd.s32 $0xFFFFF800  }
0x3f0: {  	_ =	swait.ge [sflag:s22], $0x800  }
0x3f1: {  	[sflag:s22] =	ssyncset.done $0x0  }
0x3f2: {  	[sflag:s22] =	ssyncadd.s32 $0xFFFFF800  }
0x3f3: {  	_ =	swait.ge [sflag:s24], $0x1000  }
0x3f4: {  	[sflag:s24] =	ssyncset.done $0x0  }
0x3f5: {  	[sflag:s24] =	ssyncadd.s32 $0xFFFFF000  }
0x3f6: {  	_ =	swait.ge [sflag:s24], $0x1000  }
0x3f7: {  	[sflag:s24] =	ssyncset.done $0x0  }
0x3f8: {  	s26 =	simm.s32 $0x1A20;
	[sflag:s24] =	ssyncadd.s32 $0xFFFFF000  }
0x3f9: {  	s13 =	simm.s32 $0x4A40;
	v2 =	vld [tilespmem:s26+$0x10]  }
0x3fa: {  	v3 =	vld [tilespmem:s13+$0x20];
	_ =	sdelay $0x3  }
0x3fb: {  	v4 =	vunpack.i.u.bf16.f32 v2  }
0x3fc: {  	v2 =	vunpack.i.l.bf16.f32 v2;
	v5 =	vunpack.i.u.bf16.f32 v3;
	v3 =	vunpack.i.l.bf16.f32 v3  }
0x3fd: {  	v2 =	vmul.f32 v3, v2;
	v3 =	vmul.f32 v5, v4;
	_ =	sdelay $0x1  }
0x3fe: {  	v7 =	vld [tilespmem:s13+$0x0];
	v2 =	vadd.f32 v2, v3  }
0x3ff: {  	v4 =	vld [tilespmem:s13+$0xFFFFFFE0]  }
0x400: {  	v3 =	vld [tilespmem:s13+$0xFFFFFFC0];
	(xrf2) =	vadd.scan.msk.f32 $0xffff, v2  }
0x401: {  	v2 =	vld [tilespmem:s26+$0xFFFFFFF0]  }
0x402: {  	v6 =	vld [tilespmem:s26+$0xFFFFFFE0];
	_ =	sdelay $0x1  }
0x403: {  	v13 =	vunpack.i.u.bf16.f32 v7;
	v5 =	vld [tilespmem:s26+$0x0]  }
0x404: {  	v7 =	vunpack.i.l.bf16.f32 v7;
	v10 =	vunpack.i.l.bf16.f32 v4;
	v4 =	vunpack.i.u.bf16.f32 v4  }
0x405: {  	s0 =	simm.s32 $0x4AC0;
	v8 =	vunpack.i.u.bf16.f32 v3;
	v3 =	vunpack.i.l.bf16.f32 v3;
	v9 =	vunpack.i.u.bf16.f32 v2  }
0x406: {  	v12 =	vld [tilespmem:s0+$0x20];
	s26 =	simm.s32 $0x1A60;
	v4 =	vmul.f32 v4, v9;
	v9 =	vunpack.i.l.bf16.f32 v6;
	v6 =	vunpack.i.u.bf16.f32 v6  }
0x407: {  	v11 =	vld [tilespmem:s26+$0x10];
	v2 =	vunpack.i.l.bf16.f32 v2;
	v3 =	vmul.f32 v3, v9;
	v6 =	vmul.f32 v8, v6  }
0x408: {  	v15 =	vld [tilespmem:s13+$0xFFFFFFD0];
	v2 =	vmul.f32 v10, v2;
	v10 =	vunpack.i.u.bf16.f32 v5;
	v5 =	vunpack.i.l.bf16.f32 v5  }
0x409: {  	v16 =	vld [tilespmem:s0+$0xFFFFFFC0];
	v5 =	vmul.f32 v7, v5;
	v7 =	vmul.f32 v13, v10;
	v3 =	vadd.f32 v3, v6;
	v9, _, _ =	vpop (xrf2)  }
0x40a: {  	v10 =	vld [tilespmem:s13+$0x10];
	v2 =	vadd.f32 v2, v4;
	v8 =	vmul.f32 $1.442695020e+00, v9  }
0x40b: {  	v13 =	vunpack.i.u.bf16.f32 v12;
	v12 =	vunpack.i.l.bf16.f32 v12;
	v4 =	vld [tilespmem:s26+$0xFFFFFFF0];
	v5 =	vadd.f32 v5, v7;
	(xrf2) =	vadd.scan.msk.f32 $0xffff, v3  }
0x40c: {  	v9 =	vld [tilespmem:s13+$0xFFFFFFF0];
	(xrf2) =	vadd.scan.msk.f32 $0xffff, v2;
	v6 =	vbroadcast v8, $0xF;
	v8 =	vunpack.i.u.bf16.f32 v11;
	v11 =	vunpack.i.l.bf16.f32 v11  }
0x40d: {  	(xrf2) =	vadd.scan.msk.f32 $0xffff, v5;
	v5 =	vld [tilespmem:s0+$0x0];
	v11 =	vmul.f32 v12, v11  }
0x40e: {  	v8 =	vmul.f32 v13, v8;
	(erf) = vpow2.f32 v6;
	v6 =	vld [tilespmem:s0+$0xFFFFFFE0]  }
0x40f: {  	v14 =	vunpack.i.u.bf16.f32 v15  }
0x410: {  	v7 =	vld [tilespmem:s26+$0x0];
	v3 =	vunpack.i.l.bf16.f32 v15;
	v21 =	vunpack.i.u.bf16.f32 v10;
	v2 =	vadd.f32 v11, v8  }
0x411: {  	v15 =	vunpack.i.l.bf16.f32 v4;
	v4 =	vunpack.i.u.bf16.f32 v4;
	v12 =	vunpack.i.l.bf16.f32 v16;
	v11 =	vld [tilespmem:s13+$0x30]  }
0x412: {  	v13 =	vunpack.i.u.bf16.f32 v9;
	v8 =	vunpack.i.l.bf16.f32 v10;
	v10 =	vld [tilespmem:s26+$0xFFFFFFE0];
	(xrf2) =	vadd.scan.msk.f32 $0xffff, v2;
	v2 =	vunpack.i.l.bf16.f32 v9  }
0x413: {  	v9 =	vunpack.i.u.bf16.f32 v16;
	v17 =	vunpack.i.l.bf16.f32 v5;
	v16 =	vunpack.i.l.bf16.f32 v6  }
0x414: {  	v5 =	vunpack.i.u.bf16.f32 v5;
	v6 =	vunpack.i.u.bf16.f32 v6;
	v15 =	vmul.f32 v16, v15  }
0x415: {  	v16 =	vunpack.i.u.bf16.f32 v7;
	v7 =	vunpack.i.l.bf16.f32 v7;
	v4 =	vmul.f32 v6, v4  }
0x416: {  	v6 =	vmul.f32 v17, v7;
	v5 =	vmul.f32 v5, v16  }
0x417: {  	v18, _, _ =	vpop (xrf2);
	v7 =	vunpack.i.u.bf16.f32 v11;
	v17 =	vunpack.i.l.bf16.f32 v10;
	v10 =	vunpack.i.u.bf16.f32 v10  }
0x418: {  	v9 =	vmul.f32 v9, v10;
	v10 =	vadd.f32 v15, v4;
	v4 =	vmul.f32 $1.442695020e+00, v18;
	v16 =	vpop (erf)  }
0x419: {  	v19 =	vld [tilespmem:s0+$0xFFFFFFD0];
	v20 =	vmul.f32 v16, v7  }
0x41a: {  	s28 =	simm.s32 $0x4B40;
	v11 =	vunpack.i.l.bf16.f32 v11;
	v7 =	vmul.f32 v12, v17;
	v12, _, _ =	vpop (xrf2);
	v17 =	vld [tilespmem:s0+$0xFFFFFFF0];
	v4 =	vbroadcast v4, $0xF  }
0x41b: {  	v25 =	vld [tilespmem:s28+$0x20];
	s26 =	simm.s32 $0x1AA0;
	v18 =	vadd.f32 v6, v5;
	v15, _, _ =	vpop (xrf2);
	v6 =	vmul.f32 $1.442695020e+00, v12;
	v5 =	vperm.xlane v20, v1  }
0x41c: {  	v23 =	vld [tilespmem:s26+$0x10];
	v9 =	vadd.f32 v7, v9;
	v7 =	vmul.f32 $1.442695020e+00, v15;
	(erf) = vpow2.f32 v4;
	v12, _, _ =	vpop (xrf2)  }
0x41d: {  	v15 =	vnsel vm0, $0x0, v16;
	v6 =	vbroadcast v6, $0xF;
	v12 =	vmul.f32 $1.442695020e+00, v12  }
0x41e: {  	v22 =	vld [tilespmem:s0+$0x10];
	v24 =	vsel vm1, v5, v15;
	v15 =	vbroadcast v7, $0xF;
	v5 =	vunpack.i.u.bf16.f32 v19  }
0x41f: {  	v26 =	vld [tilespmem:s28+$0xFFFFFFC0];
	(xrf2) =	vadd.scan.msk.f32 $0xffff, v9;
	(erf) = vpow2.f32 v6;
	v7 =	vunpack.i.u.bf16.f32 v17;
	v6 =	vunpack.i.l.bf16.f32 v19  }
0x420: {  	v9 =	vunpack.i.l.bf16.f32 v17;
	v12 =	vbroadcast v12, $0xF;
	(erf) = vpow2.f32 v15;
	v15 =	vld [tilespmem:s26+$0xFFFFFFF0]  }
0x421: {  	(xrf2) =	vadd.scan.msk.f32 $0xffff, v10;
	v10 =	vmul.f32 v16, v11;
	v16 =	vunpack.i.u.bf16.f32 v23;
	v17 =	vld [tilespmem:s28+$0x0];
	v19 =	vunpack.i.u.bf16.f32 v25  }
0x422: {  	(xrf2) =	vadd.scan.msk.f32 $0xffff, v18;
	v18 =	vunpack.i.l.bf16.f32 v23;
	v23 =	vunpack.i.l.bf16.f32 v25;
	(erf) = vpow2.f32 v12;
	v12 =	vld [tilespmem:s28+$0xFFFFFFE0]  }
0x423: {  	v16 =	vmul.f32 v19, v16;
	v23 =	vmul.f32 v23, v18;
	v18 =	vld [tilespmem:s0+$0x30]  }
0x424: {  	v11 =	vld [tilespmem:s26+$0x0]  }
0x425: {  	v27 =	vld [tilespmem:s26+$0xFFFFFFE0];
	v19 =	vunpack.i.u.bf16.f32 v15;
	v15 =	vunpack.i.l.bf16.f32 v15  }
0x426: {  	v4 =	vunpack.i.u.bf16.f32 v22;
	v25 =	vunpack.i.u.bf16.f32 v26;
	v26 =	vunpack.i.l.bf16.f32 v26  }
0x427: {  	v23 =	vadd.f32 v23, v16;
	v16 =	vpop (erf);
	v28 =	vunpack.i.u.bf16.f32 v12;
	v12 =	vunpack.i.l.bf16.f32 v12  }
0x428: {  	v30 =	vunpack.i.l.bf16.f32 v17;
	v32 =	vunpack.i.u.bf16.f32 v18;
	v29 =	vmul.f32 v12, v15;
	v15 =	vpop (erf)  }
0x429: {  	(xrf2) =	vadd.scan.msk.f32 $0xffff, v23;
	v12 =	vunpack.i.u.bf16.f32 v11;
	v28 =	vmul.f32 v28, v19;
	v19 =	vunpack.i.u.bf16.f32 v17;
	v33, _, _ =	vpop (xrf2)  }
0x42a: {  	s29 =	simm.s32 $0x9250;
	v11 =	vunpack.i.l.bf16.f32 v11;
	v17 =	vpop (erf);
	v23 =	vmul.f32 v19, v12;
	v12 =	vunpack.i.l.bf16.f32 v27  }
0x42b: {  	v31 =	vld [tilespmem:s28+$0xFFFFFFD0];
	[tilespmem:s29+$0x38] =	vst v20;
	v11 =	vmul.f32 v30, v11;
	v27 =	vunpack.i.u.bf16.f32 v27;
	v20, _, _ =	vpop (xrf2);
	v26 =	vmul.f32 v26, v12  }
0x42c: {  	v30 =	vld [tilespmem:s28+$0xFFFFFFF0];
	v12 =	vunpack.i.l.bf16.f32 v22;
	v25 =	vmul.f32 v25, v27;
	v28 =	vadd.f32 v29, v28;
	v19 =	vpop (erf)  }
0x42d: {  	v34 =	vld [tilespmem:s28+$0x10];
	[tilespmem:s29+$0x40] =	vst v24;
	v24, _, _ =	vpop (xrf2);
	v20 =	vmul.f32 $1.442695020e+00, v20;
	v23 =	vadd.f32 v11, v23;
	v22 =	vmul.f32 v19, v32  }
0x42e: {  	v11 =	vmul.f32 $1.442695020e+00, v33;
	v24 =	vmul.f32 $1.442695020e+00, v24;
	v25 =	vadd.f32 v26, v25  }
0x42f: {  	[tilespmem:s29+$0x28] =	vst v10;
	v10 =	vnsel vm0, $0x0, v19;
	v63 =	vbroadcast v20, $0xF;
	v27 =	vperm.xlane v22, v1  }
0x430: {  	s26 =	simm.s32 $0x92F0;
	v20 =	vunpack.i.l.bf16.f32 v31;
	v29 =	vbroadcast v11, $0xF;
	v26 =	vbroadcast v24, $0xF;
	(xrf2) =	vadd.scan.msk.f32 $0xffff, v25  }
0x431: {  	[tilespmem:s26+$0x38] =	vst v22;
	v11 =	vunpack.i.u.bf16.f32 v30;
	v25 =	vmul.f32 v15, v13;
	v27 =	vsel vm1, v27, v10  }
0x432: {  	v22 =	vunpack.i.u.bf16.f32 v34;
	(erf) = vpow2.f32 v29;
	[tilespmem:s26+$0x40] =	vst v27;
	v27 =	vmul.f32 v16, v14  }
0x433: {  	v13 =	vunpack.i.l.bf16.f32 v34;
	(xrf2) =	vadd.scan.msk.f32 $0xffff, v28;
	v24, _, _ =	vpop (xrf2);
	v10 =	vunpack.i.u.bf16.f32 v31;
	(erf) = vpow2.f32 v63  }
0x434: {  	s31 =	simm.s32 $0x4B40;
	s30 =	simm.s32 $0x8;
	s0 =	simm.s32 $0x1AE0;
	v28 =	vmul.f32 $1.442695020e+00, v24;
	v24 =	vmul.f32 v17, v21;
	v14 =	vunpack.i.l.bf16.f32 v30;
	[tilespmem:s29+$0xFFFFFFC0] =	vst v27  }
.LBB2_11:
0x435: {  	v29 =	vld [tilespmem:s0+$0x10];
	s28 =	sadd.s32 $0x80, s28;
	v18 =	vunpack.i.l.bf16.f32 v18;
	(erf) = vpow2.f32 v26;
	v26 =	vperm.xlane v27, v1;
	[tilespmem:s29+$0xFFFFFFE8] =	vst v25;
	v21 =	vmovc v4;
	v4 =	vmovc v22  }
0x436: {  	s30 =	sadd.s32 $0x4, s30;
	v25 =	vperm.xlane v25, v1;
	v22 =	vld [tilespmem:s28+$0x20];
	v27 =	vbroadcast v28, $0xF;
	(xrf2) =	vadd.scan.msk.f32 $0xffff, v23;
	v23 =	vnsel vm0, $0x0, v16  }
0x437: {  	v30 =	vnsel vm0, $0x0, v15;
	p0 =	slt.u32 s30, $0xFC;
	v16 =	vmul.f32 v16, v3;
	v3 =	vmovc v6;
	v28 =	vld [tilespmem:s28+$0xFFFFFFC0];
	[tilespmem:s29+$0x10] =	vst v24;
	v24 =	vperm.xlane v24, v1  }
0x438: {  	v6 =	vmovc v20;
	v31 =	vld [tilespmem:s0+$0xFFFFFFF0];
	(erf) = vpow2.f32 v27;
	v27 =	vmul.f32 v15, v2;
	v15 =	vnsel vm0, $0x0, v17;
	v2 =	vmovc v9  }
0x439: {  	v8 =	vmul.f32 v17, v8;
	v19 =	vmul.f32 v19, v18;
	v32 =	vsel vm1, v26, v23;
	v9 =	vld [tilespmem:s28+$0xFFFFFFE0];
	[tilespmem:s29+$0xFFFFFFB0] =	vst v16  }
0x43a: {  	v18 =	vsel vm1, v25, v30;
	v23 =	vsel vm1, v24, v15;
	v20 =	vld [tilespmem:s0+$0x0];
	v17 =	vunpack.i.u.bf16.f32 v29;
	v26, _, _ =	vpop (xrf2);
	[tilespmem:s29+$0xFFFFFFC8] =	vst v32  }
0x43b: {  	v30 =	vunpack.i.l.bf16.f32 v29;
	v24 =	vld [tilespmem:s28+$0x0];
	v25 =	vunpack.i.u.bf16.f32 v22;
	v22 =	vunpack.i.l.bf16.f32 v22;
	v16 =	vpop (erf);
	[tilespmem:s29+$0xFFFFFFF0] =	vst v18  }
0x43c: {  	v29 =	vunpack.i.u.bf16.f32 v28;
	v22 =	vmul.f32 v22, v30;
	v33 =	vmul.f32 v25, v17;
	v18 =	vld [tilespmem:s31+$0x30];
	v15 =	vpop (erf);
	[tilespmem:s29+$0x18] =	vst v23;
	s31 =	smov.u32 s28  }
0x43d: {  	v25 =	vunpack.i.l.bf16.f32 v28;
	v23 =	vld [tilespmem:s0+$0xFFFFFFE0];
	v28 =	vunpack.i.u.bf16.f32 v31;
	v30 =	vunpack.i.l.bf16.f32 v31;
	v31, _, _ =	vpop (xrf2);
	[tilespmem:s29+$0xFFFFFFD8] =	vst v27  }
0x43e: {  	v27 =	vld [tilespmem:s28+$0xFFFFFFD0];
	v32 =	vunpack.i.u.bf16.f32 v9;
	v35 =	vunpack.i.l.bf16.f32 v9;
	v36 =	vadd.f32 v22, v33;
	v17 =	vpop (erf);
	[tilespmem:s29+$0x0] =	vst v8;
	s29 =	smov.u32 s26  }
0x43f: {  	v9 =	vmovc v14;
	v8 =	vmovc v12;
	v30 =	vmul.f32 v35, v30;
	v33 =	vld [tilespmem:s28+$0xFFFFFFF0];
	v34 =	vunpack.i.u.bf16.f32 v20;
	v20 =	vunpack.i.l.bf16.f32 v20;
	[tilespmem:s26+$0x28] =	vst v19  }
0x440: {  	v14 =	vmul.f32 v32, v28;
	v37 =	vunpack.i.u.bf16.f32 v24;
	v32 =	vunpack.i.l.bf16.f32 v24;
	v24 =	vld [tilespmem:s28+$0x10];
	(xrf2) =	vadd.scan.msk.f32 $0xffff, v36;
	v22, _, _ =	vpop (xrf2)  }
0x441: {  	v20 =	vmul.f32 v32, v20;
	v28 =	vmul.f32 v37, v34;
	v35 =	vunpack.i.u.bf16.f32 v18;
	v19 =	vpop (erf)  }
0x442: {  	v12 =	vmovc v13;
	v32 =	vunpack.i.u.bf16.f32 v23;
	v23 =	vunpack.i.l.bf16.f32 v23;
	v34 =	vmul.f32 v19, v35  }
0x443: {  	v13 =	vmul.f32 v25, v23;
	v25 =	vmul.f32 v29, v32;
	v29 =	vadd.f32 v30, v14  }
0x444: {  	v23 =	vadd.f32 v20, v28;
	v14 =	vmul.f32 $1.442695020e+00, v26;
	v20 =	vperm.xlane v34, v1  }
0x445: {  	s26 =	sadd.s32 $0xA0, s26;
	v26 =	vnsel vm0, $0x0, v19;
	v13 =	vadd.f32 v13, v25;
	v25 =	vmul.f32 $1.442695020e+00, v31  }
0x446: {  	v28 =	vmul.f32 $1.442695020e+00, v22;
	v14 =	vbroadcast v14, $0xF;
	[tilespmem:s26+$0x38] =	vst v34;
	v20 =	vsel vm1, v20, v26  }
.Ltmp4:
0x447: {  	v30 =	vunpack.i.u.bf16.f32 v27;
	(xrf2) =	vadd.scan.msk.f32 $0xffff, v13;
	v13 =	vbroadcast v25, $0xF;
	[tilespmem:s26+$0x40] =	vst v20;
	(pc) =	sbr.rel @p0 .LBB2_11-.Ltmp4, $4  }
0x448: {  	v31 =	vunpack.i.u.bf16.f32 v33;
	v22 =	vunpack.i.u.bf16.f32 v24;
	v26 =	vbroadcast v28, $0xF  }
0x449: {  	v20 =	vunpack.i.l.bf16.f32 v27;
	v27 =	vmul.f32 v16, v5;
	v5 =	vmovc v10;
	v10 =	vmovc v30;
	(erf) = vpow2.f32 v14  }
0x44a: {  	v25 =	vmul.f32 v15, v7;
	v14 =	vunpack.i.l.bf16.f32 v33;
	(xrf2) =	vadd.scan.msk.f32 $0xffff, v29;
	v28, _, _ =	vpop (xrf2);
	(erf) = vpow2.f32 v13  }
0x44b: {  	s0 =	sadd.s32 $0x40, s0;
	v7 =	vmovc v11;
	v11 =	vmovc v31;
	v13 =	vunpack.i.l.bf16.f32 v24;
	v24 =	vmul.f32 v17, v21;
	v28 =	vmul.f32 $1.442695020e+00, v28;
	[tilespmem:s29+$0xFFFFFFC0] =	vst v27  }
0x44c: {  	(erf) = vpow2.f32 v26;
	(xrf2) =	vadd.scan.msk.f32 $0xffff, v23;
	_ =	sdelay $0x1  }
0x44d: {  	v3 =	vmul.f32 v16, v3;
	[tilespmem:s29+$0xFFFFFFE8] =	vst v25  }
0x44e: {  	v18 =	vunpack.i.l.bf16.f32 v18;
	v2 =	vmul.f32 v15, v2;
	v21 =	vbroadcast v28, $0xF;
	[tilespmem:s29+$0x10] =	vst v24  }
0x44f: {  	v37 =	vperm.xlane v27, v1;
	v39 =	vnsel vm0, $0x0, v16;
	v8 =	vmul.f32 v17, v8;
	[tilespmem:s29+$0xFFFFFFB0] =	vst v3  }
0x450: {  	v40 =	vperm.xlane v25, v1;
	v41 =	vnsel vm0, $0x0, v15;
	[tilespmem:s29+$0xFFFFFFD8] =	vst v2;
	(erf) = vpow2.f32 v21;
	v35, _, _ =	vpop (xrf2)  }
0x451: {  	v42 =	vperm.xlane v24, v1;
	v16 =	vsel vm1, v37, v39;
	[tilespmem:s29+$0x0] =	vst v8;
	v38 =	vpop (erf);
	v21 =	vmul.f32 $1.442695020e+00, v35  }
0x452: {  	v18 =	vmul.f32 v19, v18;
	v15 =	vsel vm1, v40, v41;
	[tilespmem:s29+$0xFFFFFFC8] =	vst v16;
	v3 =	vpop (erf);
	v5 =	vmul.f32 v38, v5  }
0x453: {  	[tilespmem:s29+$0xFFFFFFF0] =	vst v15;
	v6 =	vmul.f32 v38, v6;
	v43, _, _ =	vpop (xrf2);
	v21 =	vbroadcast v21, $0xF  }
0x454: {  	v36 =	vld [tilespmem:s31+$0x30];
	v44 =	vnsel vm0, $0x0, v17;
	v45 =	vpop (erf);
	v2 =	vmul.f32 $1.442695020e+00, v43;
	[tilespmem:s26+$0xFFFFFFC0] =	vst v5;
	v5 =	vperm.xlane v5, v1  }
0x455: {  	v46 =	vsel vm1, v42, v44;
	[tilespmem:s26+$0x28] =	vst v18;
	v49, _, _ =	vpop (xrf2);
	(erf) = vpow2.f32 v21;
	v4 =	vmul.f32 v45, v4  }
0x456: {  	[tilespmem:s29+$0x18] =	vst v46;
	v17 =	vmul.f32 $1.442695020e+00, v49;
	v2 =	vbroadcast v2, $0xF  }
0x457: {  	v52 =	vnsel vm0, $0x0, v38;
	[tilespmem:s26+$0xFFFFFFB0] =	vst v6;
	v55 =	vmul.f32 v45, v12  }
0x458: {  	v5 =	vsel vm1, v5, v52;
	[tilespmem:s26+$0x10] =	vst v4;
	v17 =	vbroadcast v17, $0xF;
	(erf) = vpow2.f32 v2  }
0x459: {  	v47 =	vunpack.i.u.bf16.f32 v36;
	v48 =	vpop (erf);
	v4 =	vperm.xlane v4, v1;
	[tilespmem:s26+$0xFFFFFFC8] =	vst v5;
	v2 =	vmul.f32 v3, v7  }
0x45a: {  	[tilespmem:s26+$0x0] =	vst v55;
	v15 =	vmul.f32 v48, v47;
	(erf) = vpow2.f32 v17  }
0x45b: {  	s0 =	sadd.s32 $0xA0, s26;
	v54 =	vnsel vm0, $0x0, v45;
	[tilespmem:s26+$0xFFFFFFE8] =	vst v2;
	v2 =	vperm.xlane v2, v1  }
0x45c: {  	v53 =	vnsel vm0, $0x0, v3;
	v4 =	vsel vm1, v4, v54;
	[tilespmem:s0+$0x38] =	vst v15  }
0x45d: {  	v3 =	vmul.f32 v3, v9;
	v50 =	vperm.xlane v15, v1;
	[tilespmem:s26+$0x18] =	vst v4;
	v2 =	vsel vm1, v2, v53  }
0x45e: {  	v51 =	vnsel vm0, $0x0, v48;
	[tilespmem:s26+$0xFFFFFFF0] =	vst v2;
	v2 =	vunpack.i.l.bf16.f32 v36  }
0x45f: {  	[tilespmem:s26+$0xFFFFFFD8] =	vst v3;
	v8 =	vsel vm1, v50, v51;
	v2 =	vmul.f32 v48, v2;
	v56 =	vpop (erf)  }
0x460: {  	[tilespmem:s0+$0x40] =	vst v8;
	v57 =	vmul.f32 v56, v10  }
0x461: {  	v60 =	vmul.f32 v56, v20;
	[tilespmem:s0+$0x28] =	vst v2;
	v3 =	vpop (erf)  }
0x462: {  	[tilespmem:s0+$0xFFFFFFC0] =	vst v57;
	v5 =	vperm.xlane v57, v1;
	v2 =	vmul.f32 v3, v11  }
0x463: {  	v4 =	vnsel vm0, $0x0, v56;
	[tilespmem:s0+$0xFFFFFFB0] =	vst v60;
	v61 =	vnsel vm0, $0x0, v3;
	v58 =	vpop (erf)  }
0x464: {  	v3 =	vmul.f32 v3, v14;
	v4 =	vsel vm1, v5, v4;
	v59 =	vmul.f32 v58, v22;
	[tilespmem:s0+$0xFFFFFFE8] =	vst v2  }
0x465: {  	v2 =	vperm.xlane v2, v1;
	[tilespmem:s0+$0xFFFFFFC8] =	vst v4  }
0x466: {  	[tilespmem:s0+$0xFFFFFFD8] =	vst v3;
	v7 =	vperm.xlane v59, v1  }
0x467: {  	s25 =	sadd.s32 $0x1, s25;
	v62 =	vnsel vm0, $0x0, v58;
	[tilespmem:s0+$0x10] =	vst v59;
	v2 =	vsel vm1, v2, v61  }
0x468: {  	p0 =	sne.s32 s25, $0x31;
	[tilespmem:s0+$0xFFFFFFF0] =	vst v2;
	v2 =	vmul.f32 v58, v13;
	v63 =	vsel vm1, v7, v62  }
.Ltmp5:
0x469: {  	[tilespmem:s0+$0x18] =	vst v63;
	(pc) =	sbr.rel @p0 .LBB2_8-.Ltmp5, $4  }
0x46a: {  	s13 =	simm.s32 $0x9200;
	s29 =	simm.s32 $0x880;
	[tilespmem:s0+$0x0] =	vst v2  }
0x46b: {  	[spmem:s4] =	stream.indirect.scatter.add.f32 [tilespmem:s13], [sflag:$0x8], $0x28, s29, s20, $0xb8;
	[tilespmem:$0x1AF00] =	vst v63  }
0x46c: {  	s30 =	simm.s32 $0x980;
	s31 =	simm.s32 $0xA600  }
0x46d: {  	[spmem:s4] =	stream.indirect.scatter.add.f32 [tilespmem:s31], [sflag:$0x8], $0x28, s30, s20, $0xb8;
	[tilespmem:$0x1AF00] =	vst v63  }
0x46e: {  	s0 =	simm.s32 $0x7  }
0x46f: {  	_ =	swait.ge [sflag:s0], $0x1400  }
0x470: {  	[sflag:s0] =	ssyncset.done $0x0  }
0x471: {  	[sflag:s0] =	ssyncadd.s32 $0xFFFFEC00  }
0x472: {  	_ =	swait.ge [sflag:s0], $0x1400  }
0x473: {  	[sflag:s0] =	ssyncset.done $0x0  }
0x474: {  	s29 =	simm.s32 $0x8;
	[sflag:s0] =	ssyncadd.s32 $0xFFFFEC00  }
0x475: {  	_ =	swait.ge [sflag:s29], $0x1400  }
0x476: {  	[sflag:s29] =	ssyncset.done $0x0  }
0x477: {  	[sflag:s29] =	ssyncadd.s32 $0xFFFFEC00  }
0x478: {  	_ =	swait.ge [sflag:s29], $0x1400  }
0x479: {  	[sflag:s29] =	ssyncset.done $0x0  }
0x47a: {  	[sflag:s29] =	ssyncadd.s32 $0xFFFFEC00  }
0x47b: {  	_ =	swait.ge [sflag:s3], $0x800  }
0x47c: {  	[sflag:s3] =	ssyncset.done $0x0  }
0x47d: {  	[sflag:s3] =	ssyncadd.s32 $0xFFFFF800  }
0x47e: {  	_ =	swait.ge [sflag:s3], $0x800  }
0x47f: {  	[sflag:s3] =	ssyncset.done $0x0  }
0x480: {  	[sflag:s3] =	ssyncadd.s32 $0xFFFFF800  }
0x481: {  	_ =	swait.ge [sflag:s21], $0x1000  }
0x482: {  	[sflag:s21] =	ssyncset.done $0x0  }
0x483: {  	[sflag:s21] =	ssyncadd.s32 $0xFFFFF000  }
0x484: {  	_ =	swait.ge [sflag:s21], $0x1000  }
0x485: {  	[sflag:s21] =	ssyncset.done $0x0  }
0x486: {  	[sflag:s21] =	ssyncadd.s32 $0xFFFFF000  }
0x487: {  	_ =	swait.ge [sflag:s19], $0x80  }
0x488: {  	[sflag:s19] =	ssyncset.done $0x0  }
0x489: {  	[sflag:s19] =	ssyncadd.s32 $0xFFFFFF80  }
0x48a: {  	_ =	swait.ge [sflag:s19], $0x80  }
0x48b: {  	[sflag:s19] =	ssyncset.done $0x0  }
0x48c: {  	[sflag:s19] =	ssyncadd.s32 $0xFFFFFF80  }
0x48d: {  	_ =	swait.ge [sflag:s19], $0x80  }
0x48e: {  	[sflag:s19] =	ssyncset.done $0x0  }
0x48f: {  	[sflag:s19] =	ssyncadd.s32 $0xFFFFFF80  }
0x490: {  	_ =	swait.ge [sflag:s19], $0x80  }
0x491: {  	[sflag:s19] =	ssyncset.done $0x0  }
0x492: {  	[sflag:s19] =	ssyncadd.s32 $0xFFFFFF80  }
0x493: {  	[bflag:$0x0] =	sbarrier.arrive $0xFFFF  }
0x494: {  	s25 =	rddreg [dreg:$0x7]  }
0x495: {  	s30 =	rddreg [dreg:$0x19]  }
0x496: {  	s13 =	rddreg [dreg:$0x1c]  }
0x497: {  	[hbm:s30], [sflag:s25] =	dma.local [spmem:s13], $0x1EA0  }
0x498: {  	s13 =	simm.s32 $0x9  }
0x499: {  	_ =	swait.ge [sflag:s13], $0x1EA0  }
0x49a: {  	s26 =	rddreg [dreg:$0x1b]  }
0x49b: {  	s31 =	rddreg [dreg:$0x1a];
	s26 =	sadd.s32 $0x1, s26  }
0x49c: {  	p0 =	sne.s32 s26, s31  }
.Ltmp6:
0x49d: {  	_ = 	snop;
	(pc) =	sbr.rel @p0 .LBB2_1-.Ltmp6, $3  }
0x49e: {  	_ =	sdelay $0x1  }
0x49f: {  	[sflag:s13] =	ssyncset.done $0x0  }
0x4a0: {  	[sflag:s13] =	ssyncadd.s32 $0xFFFFE160  }
0x4a1: {  	_ =	sfence.sel $0x180000  }
0x4a2: {  	[bflag:$0x0] =	sbarrier.arrive $0xFFFF  }
0x4a3: {  	_ =	strace $0x90000047  }
0x4a4: {  	s0 =	stileid.u32;
	[bflag:$0x2] =	sbarrier.arrive $0xFFFF  }
0x4a5: {  	p0 =	sne.s32 s0, $0x0;
	s0 =	rddreg [dreg:$0x4]  }
0x4a6: {  	s0 =	sadd.s32 @!p0 $0x100000, s0  }
0x4a7: {  	[sflag:s0] =	ssyncadd.tile.s32 @!p0 $0x1;
	_ =	shalt  }
.Lfunc_end2:
_tile_overlayer_lowered:
.L_overlay_start_2:
0x4a8: {  	(tag) =	ssettag $0x2  }
0x4a9: {  	s0 =	rddreg [dreg:$0x0];
	s2 =	stileid.u32  }
0x4aa: {  	s1 =	rddreg [dreg:$0x1];
	p0 =	sne.s32 s2, $0x0  }
0x4ab: {  	s3 =	rddreg [dreg:$0x2];
	[bflag:$0x3] =	sbarrier.arrive $0xFFFF;
	s2 =	simm.s32 @!p0 $0x1C09  }
0x4ac: {  	[timem:s3], [sflag:s2] =	dma.local @!p0 [hbm:s0], s1  }
0x4ad: {  	s0 =	simm.s32 @!p0 $0x9  }
0x4ae: {  	_ =	swait.ge @!p0 [sflag:s0], s1  }
0x4af: {  	s1 =	ssub.s32 @!p0 $0x0, s1;
	[sflag:s0] =	ssyncset.done @!p0 $0x0  }
0x4b0: {  	[sflag:s0] =	ssyncadd.s32 @!p0 s1  }
0x4b1: {  	[bflag:$0x3] =	sbarrier.arrive $0xFFFF  }
0x4b2: {  	_ =	shalt  }

</sc_bundles>
